<compile_context>
chip_gen: v7x
topology: tpu7x:2x2x1
jax: 0.10.2.dev20260603
libtpu: 0.0.44.dev20260713+nightly
codegen_flags: <defaults>
</compile_context>

<pallas_src>
import functools

import jax
import jax.numpy as jnp
from jax import lax
from jax.experimental import pallas as pl
from jax.experimental.pallas import tpu as pltpu
from jax.experimental.pallas import tpu_sc as plsc

NUM_FIELDS = 26
VOCAB = 100000
EMB = 32
BATCH = 16384
TOTAL_DIM = NUM_FIELDS * EMB
HID = 128

NC = 2
NS = 16
NW = NC * NS
B_PER_W = BATCH // NW
CHUNK = 128
NCHUNK = B_PER_W // CHUNK

@functools.cache
def _make_gather_sc():
    mesh = plsc.VectorSubcoreMesh(core_axis_name="c", subcore_axis_name="s")

    @functools.partial(
        pl.kernel,
        mesh=mesh,
        out_type=jax.ShapeDtypeStruct((BATCH, TOTAL_DIM), jnp.float32),
        scratch_types=[
            pltpu.VMEM((NUM_FIELDS, NCHUNK, CHUNK), jnp.int32),
            pltpu.VMEM((B_PER_W, EMB), jnp.float32),
            pltpu.VMEM((B_PER_W, EMB), jnp.float32),
            pltpu.SemaphoreType.DMA,
            pltpu.SemaphoreType.DMA,
        ],
        compiler_params=pltpu.CompilerParams(use_tc_tiling_on_sc=False),
    )
    def _gather_sc(idx_hbm, *rest):
        tables = rest[:NUM_FIELDS]
        out_hbm = rest[NUM_FIELDS]
        idx_v, rows_a, rows_b, sem_a, sem_b = rest[NUM_FIELDS + 1:]

        wid = lax.axis_index("s") * NC + lax.axis_index("c")
        base = wid * B_PER_W

        pltpu.sync_copy(idx_hbm.at[:, pl.ds(wid * NCHUNK, NCHUNK), :], idx_v)

        bufs = (rows_a, rows_b)
        sems = (sem_a, sem_b)

        def fire(i):
            rows, sem = bufs[i % 2], sems[i % 2]
            return [
                pltpu.async_copy(
                    tables[i].at[idx_v.at[i, c]],
                    rows.at[pl.ds(c * CHUNK, CHUNK)],
                    sem,
                )
                for c in range(NCHUNK)
            ]

        pending = fire(0)
        for i in range(NUM_FIELDS):
            descs = pending
            if i + 1 < NUM_FIELDS:
                pending = fire(i + 1)
            for d in descs:
                d.wait()
            pltpu.sync_copy(
                bufs[i % 2],
                out_hbm.at[pl.ds(base, B_PER_W), pl.ds(i * EMB, EMB)],
            )

    return _gather_sc


BLK = 2048


def _mlp_body(x_ref, w1_ref, b1_ref, w2m_ref, w2l_ref, b2m_ref, b2l_ref,
              eps_ref, z_ref, mu_ref, lv_ref):
    x = x_ref[...]
    h = jnp.maximum(
        jax.lax.dot_general(x, w1_ref[...], (((1,), (0,)), ((), ())),
                            preferred_element_type=jnp.float32) + b1_ref[...],
        0.0,
    )
    mu = jax.lax.dot_general(h, w2m_ref[...], (((1,), (0,)), ((), ())),
                             preferred_element_type=jnp.float32) + b2m_ref[...]
    lv = jax.lax.dot_general(h, w2l_ref[...], (((1,), (0,)), ((), ())),
                             preferred_element_type=jnp.float32) + b2l_ref[...]
    std = jnp.exp(0.5 * lv)
    z_ref[...] = mu + eps_ref[...] * std
    mu_ref[...] = mu
    lv_ref[...] = lv


def _mlp_tc(cond, w1, b1, w2m, w2l, b2m, b2l, eps):
    nblk = BATCH // BLK
    out_sd = jax.ShapeDtypeStruct((BATCH, EMB), jnp.float32)
    return pl.pallas_call(
        _mlp_body,
        grid=(nblk,),
        in_specs=[
            pl.BlockSpec((BLK, TOTAL_DIM), lambda i: (i, 0)),
            pl.BlockSpec((TOTAL_DIM, HID), lambda i: (0, 0)),
            pl.BlockSpec((1, HID), lambda i: (0, 0)),
            pl.BlockSpec((HID, EMB), lambda i: (0, 0)),
            pl.BlockSpec((HID, EMB), lambda i: (0, 0)),
            pl.BlockSpec((1, EMB), lambda i: (0, 0)),
            pl.BlockSpec((1, EMB), lambda i: (0, 0)),
            pl.BlockSpec((BLK, EMB), lambda i: (i, 0)),
        ],
        out_specs=[
            pl.BlockSpec((BLK, EMB), lambda i: (i, 0)),
            pl.BlockSpec((BLK, EMB), lambda i: (i, 0)),
            pl.BlockSpec((BLK, EMB), lambda i: (i, 0)),
        ],
        out_shape=[out_sd, out_sd, out_sd],
        compiler_params=pltpu.CompilerParams(
            dimension_semantics=("parallel",),
        ),
    )(cond, w1, b1, w2m, w2l, b2m, b2l, eps)


def kernel(f0, f1, f2, f3, f4, f5, f6, f7, f8, f9, f10, f11, f12, f13, f14,
           f15, f16, f17, f18, f19, f20, f21, f22, f23, f24, f25,
           t0, t1, t2, t3, t4, t5, t6, t7, t8, t9, t10, t11, t12, t13, t14,
           t15, t16, t17, t18, t19, t20, t21, t22, t23, t24, t25,
           W1, b1, W2, b2):
    fs = (f0, f1, f2, f3, f4, f5, f6, f7, f8, f9, f10, f11, f12, f13, f14,
          f15, f16, f17, f18, f19, f20, f21, f22, f23, f24, f25)
    ts = (t0, t1, t2, t3, t4, t5, t6, t7, t8, t9, t10, t11, t12, t13, t14,
          t15, t16, t17, t18, t19, t20, t21, t22, t23, t24, t25)

    idx = jnp.stack(fs).reshape(NUM_FIELDS, BATCH // CHUNK, CHUNK)
    cond = _make_gather_sc()(idx, *ts)

    eps = jax.random.normal(jax.random.key(42), (BATCH, EMB), jnp.float32)
    z, mu, lv = _mlp_tc(
        cond, W1, b1.reshape(1, HID),
        W2[:, :EMB], W2[:, EMB:],
        b2[:EMB].reshape(1, EMB), b2[EMB:].reshape(1, EMB),
        eps,
    )
    return (z, mu, lv)

# --- scband reference (transcript-rebuilt; emitter-appended) ---
"""Pipeline reference for scband-conditioning-module-74698071212404 (READ-ONLY COPY).

The authoritative reference and input builder live on the scoring server;
editing this copy changes nothing except your own understanding.
"""

import jax, jax.numpy as jnp
import numpy as np

NUM_FIELDS = 26
VOCAB = 100000
EMB = 32
BATCH = 16384
TOTAL_DIM = NUM_FIELDS * EMB
HID = 128


def setup_inputs(seed: int = 0) -> dict:
    key = jax.random.key(seed)
    inp = {}
    for i in range(NUM_FIELDS):
        k = jax.random.fold_in(key, i)
        inp[f"f{i}"] = jax.random.randint(k, (BATCH,), 0, VOCAB, dtype=jnp.int32)
    for i in range(NUM_FIELDS):
        k = jax.random.fold_in(key, 1000 + i)
        inp[f"t{i}"] = jax.random.normal(k, (VOCAB, EMB), dtype=jnp.float32)
    inp["W1"] = jax.random.normal(jax.random.fold_in(key, 5000), (TOTAL_DIM, HID), dtype=jnp.float32) * (1.0 / np.sqrt(TOTAL_DIM))
    inp["b1"] = jnp.zeros((HID,), dtype=jnp.float32)
    inp["W2"] = jax.random.normal(jax.random.fold_in(key, 5001), (HID, 2 * EMB), dtype=jnp.float32) * (1.0 / np.sqrt(HID))
    inp["b2"] = jnp.zeros((2 * EMB,), dtype=jnp.float32)
    return inp


def reference(f0, f1, f2, f3, f4, f5, f6, f7, f8, f9, f10, f11, f12, f13,
              f14, f15, f16, f17, f18, f19, f20, f21, f22, f23, f24, f25,
              t0, t1, t2, t3, t4, t5, t6, t7, t8, t9, t10, t11, t12, t13,
              t14, t15, t16, t17, t18, t19, t20, t21, t22, t23, t24, t25,
              W1, b1, W2, b2):
    kw = dict(locals())
    # gather embeddings per categorical field (nn.Embedding lookup)
    embs = [jnp.take(kw[f"t{i}"], kw[f"f{i}"], axis=0) for i in range(NUM_FIELDS)]
    conditioning_matrix = jnp.concatenate(embs, axis=1)
    # MLP: Linear(total_dim, 128) -> ReLU -> Linear(128, 2*embedding_dim)
    h = jnp.maximum(conditioning_matrix @ kw["W1"] + kw["b1"], 0.0)
    stats = h @ kw["W2"] + kw["b2"]
    mu = stats[:, :EMB]
    logvar = stats[:, EMB:]
    # reparameterize (sample=True)
    std = jnp.exp(0.5 * logvar)
    eps = jax.random.normal(jax.random.key(42), std.shape, dtype=std.dtype)
    z = mu + eps * std
    return (z, mu, logvar)

if __name__ == "__main__":
    import jax
    _d = setup_inputs()
    print(jax.jit(kernel)(*tuple(_d.values())))

</pallas_src>

<mosaic_0001>
#map = affine_map<(d0, d1) -> (0, 0, 0)>
#map1 = affine_map<(d0, d1) -> (0, 0)>
module attributes {stable_mosaic.version = 14 : i64} {
  func.func @_gather_sc(%arg0: i32, %arg1: i32, %arg2: memref<26x128x128xi32, #tpu.memory_space<hbm>>, %arg3: memref<100000x32xf32, #tpu.memory_space<hbm>>, %arg4: memref<100000x32xf32, #tpu.memory_space<hbm>>, %arg5: memref<100000x32xf32, #tpu.memory_space<hbm>>, %arg6: memref<100000x32xf32, #tpu.memory_space<hbm>>, %arg7: memref<100000x32xf32, #tpu.memory_space<hbm>>, %arg8: memref<100000x32xf32, #tpu.memory_space<hbm>>, %arg9: memref<100000x32xf32, #tpu.memory_space<hbm>>, %arg10: memref<100000x32xf32, #tpu.memory_space<hbm>>, %arg11: memref<100000x32xf32, #tpu.memory_space<hbm>>, %arg12: memref<100000x32xf32, #tpu.memory_space<hbm>>, %arg13: memref<100000x32xf32, #tpu.memory_space<hbm>>, %arg14: memref<100000x32xf32, #tpu.memory_space<hbm>>, %arg15: memref<100000x32xf32, #tpu.memory_space<hbm>>, %arg16: memref<100000x32xf32, #tpu.memory_space<hbm>>, %arg17: memref<100000x32xf32, #tpu.memory_space<hbm>>, %arg18: memref<100000x32xf32, #tpu.memory_space<hbm>>, %arg19: memref<100000x32xf32, #tpu.memory_space<hbm>>, %arg20: memref<100000x32xf32, #tpu.memory_space<hbm>>, %arg21: memref<100000x32xf32, #tpu.memory_space<hbm>>, %arg22: memref<100000x32xf32, #tpu.memory_space<hbm>>, %arg23: memref<100000x32xf32, #tpu.memory_space<hbm>>, %arg24: memref<100000x32xf32, #tpu.memory_space<hbm>>, %arg25: memref<100000x32xf32, #tpu.memory_space<hbm>>, %arg26: memref<100000x32xf32, #tpu.memory_space<hbm>>, %arg27: memref<100000x32xf32, #tpu.memory_space<hbm>>, %arg28: memref<100000x32xf32, #tpu.memory_space<hbm>>, %arg29: memref<16384x832xf32, #tpu.memory_space<hbm>>, %arg30: memref<26x4x128xi32, #tpu.memory_space<vmem>>, %arg31: memref<512x32xf32, #tpu.memory_space<vmem>>, %arg32: memref<512x32xf32, #tpu.memory_space<vmem>>, %arg33: memref<!tpu.dma_semaphore, #tpu.memory_space<semaphore_mem>>, %arg34: memref<!tpu.dma_semaphore, #tpu.memory_space<semaphore_mem>>) attributes {dimension_semantics = [#tpu.dimension_semantics<core_parallel>, #tpu.dimension_semantics<subcore_parallel>], iteration_bounds = array<i64: 2, 16>, scalar_prefetch = 0 : i64, scratch_operands = 5 : i64, tpu.core_type = #tpu.core_type<sc_vector_subcore>, window_params = [{transform_indices = #map}, {transform_indices = #map1}, {transform_indices = #map1}, {transform_indices = #map1}, {transform_indices = #map1}, {transform_indices = #map1}, {transform_indices = #map1}, {transform_indices = #map1}, {transform_indices = #map1}, {transform_indices = #map1}, {transform_indices = #map1}, {transform_indices = #map1}, {transform_indices = #map1}, {transform_indices = #map1}, {transform_indices = #map1}, {transform_indices = #map1}, {transform_indices = #map1}, {transform_indices = #map1}, {transform_indices = #map1}, {transform_indices = #map1}, {transform_indices = #map1}, {transform_indices = #map1}, {transform_indices = #map1}, {transform_indices = #map1}, {transform_indices = #map1}, {transform_indices = #map1}, {transform_indices = #map1}, {transform_indices = #map1}]} {
    %mul3A = arith.constant 2 : i32
    %mul3A_0 = arith.muli %arg1, %mul3A : i32
    %add3A = arith.addi %mul3A_0, %arg0 : i32
    %mul3A_1 = arith.constant 512 : i32
    %mul3A_2 = arith.muli %add3A, %mul3A_1 : i32
    %mul3A_3 = arith.constant 4 : i32
    %mul3A_4 = arith.muli %add3A, %mul3A_3 : i32
    "tpu.region"() ({
      %run_scoped3A = tpu.sem_alloc : memref<!tpu.dma_semaphore, #tpu.memory_space<semaphore_mem>>
      %dma_start3A_2291 = arith.constant 0 : i32
      %dma_start3A_2292 = arith.constant 0 : i32
      %dma_start3A_2293 = tpu.memref_slice %arg2[%dma_start3A_2291, %mul3A_4, %dma_start3A_2292] : memref<26x128x128xi32, #tpu.memory_space<hbm>> -> memref<26x4x128xi32, #tpu.memory_space<hbm>>
      %dma_start3A_2294 = arith.constant 0 : i32
      %dma_start3A_2295 = arith.constant 0 : i32
      %dma_start3A_2296 = tpu.memref_slice %arg2[%dma_start3A_2294, %mul3A_4, %dma_start3A_2295] : memref<26x128x128xi32, #tpu.memory_space<hbm>> -> memref<26x4x128xi32, #tpu.memory_space<hbm>>
      tpu.enqueue_dma source(%dma_start3A_2296 : memref<26x4x128xi32, #tpu.memory_space<hbm>>) target(%arg30 : memref<26x4x128xi32, #tpu.memory_space<vmem>>) target_semaphore(%run_scoped3A : memref<!tpu.dma_semaphore, #tpu.memory_space<semaphore_mem>>)
      %dma_wait3A_2297 = arith.constant 0 : i32
      %dma_wait3A_2298 = arith.constant 0 : i32
      %dma_wait3A_2299 = tpu.memref_slice %arg2[%dma_wait3A_2297, %mul3A_4, %dma_wait3A_2298] : memref<26x128x128xi32, #tpu.memory_space<hbm>> -> memref<26x4x128xi32, #tpu.memory_space<hbm>>
      %dma_wait3A_2300 = arith.constant 0 : i32
      %dma_wait3A_2301 = arith.constant 0 : i32
      %dma_wait3A_2302 = tpu.memref_slice %arg2[%dma_wait3A_2300, %mul3A_4, %dma_wait3A_2301] : memref<26x128x128xi32, #tpu.memory_space<hbm>> -> memref<26x4x128xi32, #tpu.memory_space<hbm>>
      tpu.wait_dma2 semaphore(%run_scoped3A : memref<!tpu.dma_semaphore, #tpu.memory_space<semaphore_mem>>) src(%dma_wait3A_2302 : memref<26x4x128xi32, #tpu.memory_space<hbm>>) dst(%arg30 : memref<26x4x128xi32, #tpu.memory_space<vmem>>)
      tpu.yield
    }) : () -> ()
    %dma_start3A = arith.constant 0 : i32
    %dma_start3A_5 = arith.constant 0 : i32
    %dma_start3A_6 = arith.constant 0 : i32
    %dma_start3A_7 = arith.constant 0 : i32
    %dma_start3A_8 = tpu.memref_slice %arg31[%dma_start3A_6, %dma_start3A_7] : memref<512x32xf32, #tpu.memory_space<vmem>> -> memref<128x32xf32, #tpu.memory_space<vmem>>
    %dma_start3A_9 = arith.constant 0 : i32
    %dma_start3A_10 = tpu.memref_slice %arg30[%dma_start3A, %dma_start3A_5, %dma_start3A_9] : memref<26x4x128xi32, #tpu.memory_space<vmem>> -> memref<1x1x128xi32, #tpu.memory_space<vmem>>
    %dma_start3A_11 = tpu.memref_squeeze %dma_start3A_10 : memref<1x1x128xi32, #tpu.memory_space<vmem>> -> memref<128xi32, #tpu.memory_space<vmem>>
    %dma_start3A_12 = arith.constant 0 : i32
    %dma_start3A_13 = arith.constant 0 : i32
    %dma_start3A_14 = tpu.memref_slice %arg3[%dma_start3A_12, %dma_start3A_13] : memref<100000x32xf32, #tpu.memory_space<hbm>> -> memref<100000x32xf32, #tpu.memory_space<hbm>>
    tpu.enqueue_indirect_dma source(%dma_start3A_14 : memref<100000x32xf32, #tpu.memory_space<hbm>>) target(%dma_start3A_8 : memref<128x32xf32, #tpu.memory_space<vmem>>) offsets(%dma_start3A_11 : memref<128xi32, #tpu.memory_space<vmem>>) semaphore(%arg33 : memref<!tpu.dma_semaphore, #tpu.memory_space<semaphore_mem>>)
    %dma_start3A_15 = arith.constant 0 : i32
    %dma_start3A_16 = arith.constant 1 : i32
    %dma_start3A_17 = arith.constant 128 : i32
    %dma_start3A_18 = arith.constant 0 : i32
    %dma_start3A_19 = tpu.memref_slice %arg31[%dma_start3A_17, %dma_start3A_18] : memref<512x32xf32, #tpu.memory_space<vmem>> -> memref<128x32xf32, #tpu.memory_space<vmem>>
    %dma_start3A_20 = arith.constant 0 : i32
    %dma_start3A_21 = tpu.memref_slice %arg30[%dma_start3A_15, %dma_start3A_16, %dma_start3A_20] : memref<26x4x128xi32, #tpu.memory_space<vmem>> -> memref<1x1x128xi32, #tpu.memory_space<vmem>>
    %dma_start3A_22 = tpu.memref_squeeze %dma_start3A_21 : memref<1x1x128xi32, #tpu.memory_space<vmem>> -> memref<128xi32, #tpu.memory_space<vmem>>
    %dma_start3A_23 = arith.constant 0 : i32
    %dma_start3A_24 = arith.constant 0 : i32
    %dma_start3A_25 = tpu.memref_slice %arg3[%dma_start3A_23, %dma_start3A_24] : memref<100000x32xf32, #tpu.memory_space<hbm>> -> memref<100000x32xf32, #tpu.memory_space<hbm>>
    tpu.enqueue_indirect_dma source(%dma_start3A_25 : memref<100000x32xf32, #tpu.memory_space<hbm>>) target(%dma_start3A_19 : memref<128x32xf32, #tpu.memory_space<vmem>>) offsets(%dma_start3A_22 : memref<128xi32, #tpu.memory_space<vmem>>) semaphore(%arg33 : memref<!tpu.dma_semaphore, #tpu.memory_space<semaphore_mem>>)
    %dma_start3A_26 = arith.constant 0 : i32
    %dma_start3A_27 = arith.constant 2 : i32
    %dma_start3A_28 = arith.constant 256 : i32
    %dma_start3A_29 = arith.constant 0 : i32
    %dma_start3A_30 = tpu.memref_slice %arg31[%dma_start3A_28, %dma_start3A_29] : memref<512x32xf32, #tpu.memory_space<vmem>> -> memref<128x32xf32, #tpu.memory_space<vmem>>
    %dma_start3A_31 = arith.constant 0 : i32
    %dma_start3A_32 = tpu.memref_slice %arg30[%dma_start3A_26, %dma_start3A_27, %dma_start3A_31] : memref<26x4x128xi32, #tpu.memory_space<vmem>> -> memref<1x1x128xi32, #tpu.memory_space<vmem>>
    %dma_start3A_33 = tpu.memref_squeeze %dma_start3A_32 : memref<1x1x128xi32, #tpu.memory_space<vmem>> -> memref<128xi32, #tpu.memory_space<vmem>>
    %dma_start3A_34 = arith.constant 0 : i32
    %dma_start3A_35 = arith.constant 0 : i32
    %dma_start3A_36 = tpu.memref_slice %arg3[%dma_start3A_34, %dma_start3A_35] : memref<100000x32xf32, #tpu.memory_space<hbm>> -> memref<100000x32xf32, #tpu.memory_space<hbm>>
    tpu.enqueue_indirect_dma source(%dma_start3A_36 : memref<100000x32xf32, #tpu.memory_space<hbm>>) target(%dma_start3A_30 : memref<128x32xf32, #tpu.memory_space<vmem>>) offsets(%dma_start3A_33 : memref<128xi32, #tpu.memory_space<vmem>>) semaphore(%arg33 : memref<!tpu.dma_semaphore, #tpu.memory_space<semaphore_mem>>)
    %dma_start3A_37 = arith.constant 0 : i32
    %dma_start3A_38 = arith.constant 3 : i32
    %dma_start3A_39 = arith.constant 384 : i32
    %dma_start3A_40 = arith.constant 0 : i32
    %dma_start3A_41 = tpu.memref_slice %arg31[%dma_start3A_39, %dma_start3A_40] : memref<512x32xf32, #tpu.memory_space<vmem>> -> memref<128x32xf32, #tpu.memory_space<vmem>>
    %dma_start3A_42 = arith.constant 0 : i32
    %dma_start3A_43 = tpu.memref_slice %arg30[%dma_start3A_37, %dma_start3A_38, %dma_start3A_42] : memref<26x4x128xi32, #tpu.memory_space<vmem>> -> memref<1x1x128xi32, #tpu.memory_space<vmem>>
    %dma_start3A_44 = tpu.memref_squeeze %dma_start3A_43 : memref<1x1x128xi32, #tpu.memory_space<vmem>> -> memref<128xi32, #tpu.memory_space<vmem>>
    %dma_start3A_45 = arith.constant 0 : i32
    %dma_start3A_46 = arith.constant 0 : i32
    %dma_start3A_47 = tpu.memref_slice %arg3[%dma_start3A_45, %dma_start3A_46] : memref<100000x32xf32, #tpu.memory_space<hbm>> -> memref<100000x32xf32, #tpu.memory_space<hbm>>
    tpu.enqueue_indirect_dma source(%dma_start3A_47 : memref<100000x32xf32, #tpu.memory_space<hbm>>) target(%dma_start3A_41 : memref<128x32xf32, #tpu.memory_space<vmem>>) offsets(%dma_start3A_44 : memref<128xi32, #tpu.memory_space<vmem>>) semaphore(%arg33 : memref<!tpu.dma_semaphore, #tpu.memory_space<semaphore_mem>>)
    %dma_start3A_48 = arith.constant 1 : i32
    %dma_start3A_49 = arith.constant 0 : i32
    %dma_start3A_50 = arith.constant 0 : i32
    %dma_start3A_51 = arith.constant 0 : i32
    %dma_start3A_52 = tpu.memref_slice %arg32[%dma_start3A_50, %dma_start3A_51] : memref<512x32xf32, #tpu.memory_space<vmem>> -> memref<128x32xf32, #tpu.memory_space<vmem>>
    %dma_start3A_53 = arith.constant 0 : i32
    %dma_start3A_54 = tpu.memref_slice %arg30[%dma_start3A_48, %dma_start3A_49, %dma_start3A_53] : memref<26x4x128xi32, #tpu.memory_space<vmem>> -> memref<1x1x128xi32, #tpu.memory_space<vmem>>
    %dma_start3A_55 = tpu.memref_squeeze %dma_start3A_54 : memref<1x1x128xi32, #tpu.memory_space<vmem>> -> memref<128xi32, #tpu.memory_space<vmem>>
    %dma_start3A_56 = arith.constant 0 : i32
    %dma_start3A_57 = arith.constant 0 : i32
    %dma_start3A_58 = tpu.memref_slice %arg4[%dma_start3A_56, %dma_start3A_57] : memref<100000x32xf32, #tpu.memory_space<hbm>> -> memref<100000x32xf32, #tpu.memory_space<hbm>>
    tpu.enqueue_indirect_dma source(%dma_start3A_58 : memref<100000x32xf32, #tpu.memory_space<hbm>>) target(%dma_start3A_52 : memref<128x32xf32, #tpu.memory_space<vmem>>) offsets(%dma_start3A_55 : memref<128xi32, #tpu.memory_space<vmem>>) semaphore(%arg34 : memref<!tpu.dma_semaphore, #tpu.memory_space<semaphore_mem>>)
    %dma_start3A_59 = arith.constant 1 : i32
    %dma_start3A_60 = arith.constant 1 : i32
    %dma_start3A_61 = arith.constant 128 : i32
    %dma_start3A_62 = arith.constant 0 : i32
    %dma_start3A_63 = tpu.memref_slice %arg32[%dma_start3A_61, %dma_start3A_62] : memref<512x32xf32, #tpu.memory_space<vmem>> -> memref<128x32xf32, #tpu.memory_space<vmem>>
    %dma_start3A_64 = arith.constant 0 : i32
    %dma_start3A_65 = tpu.memref_slice %arg30[%dma_start3A_59, %dma_start3A_60, %dma_start3A_64] : memref<26x4x128xi32, #tpu.memory_space<vmem>> -> memref<1x1x128xi32, #tpu.memory_space<vmem>>
    %dma_start3A_66 = tpu.memref_squeeze %dma_start3A_65 : memref<1x1x128xi32, #tpu.memory_space<vmem>> -> memref<128xi32, #tpu.memory_space<vmem>>
    %dma_start3A_67 = arith.constant 0 : i32
    %dma_start3A_68 = arith.constant 0 : i32
    %dma_start3A_69 = tpu.memref_slice %arg4[%dma_start3A_67, %dma_start3A_68] : memref<100000x32xf32, #tpu.memory_space<hbm>> -> memref<100000x32xf32, #tpu.memory_space<hbm>>
    tpu.enqueue_indirect_dma source(%dma_start3A_69 : memref<100000x32xf32, #tpu.memory_space<hbm>>) target(%dma_start3A_63 : memref<128x32xf32, #tpu.memory_space<vmem>>) offsets(%dma_start3A_66 : memref<128xi32, #tpu.memory_space<vmem>>) semaphore(%arg34 : memref<!tpu.dma_semaphore, #tpu.memory_space<semaphore_mem>>)
    %dma_start3A_70 = arith.constant 1 : i32
    %dma_start3A_71 = arith.constant 2 : i32
    %dma_start3A_72 = arith.constant 256 : i32
    %dma_start3A_73 = arith.constant 0 : i32
    %dma_start3A_74 = tpu.memref_slice %arg32[%dma_start3A_72, %dma_start3A_73] : memref<512x32xf32, #tpu.memory_space<vmem>> -> memref<128x32xf32, #tpu.memory_space<vmem>>
    %dma_start3A_75 = arith.constant 0 : i32
    %dma_start3A_76 = tpu.memref_slice %arg30[%dma_start3A_70, %dma_start3A_71, %dma_start3A_75] : memref<26x4x128xi32, #tpu.memory_space<vmem>> -> memref<1x1x128xi32, #tpu.memory_space<vmem>>
    %dma_start3A_77 = tpu.memref_squeeze %dma_start3A_76 : memref<1x1x128xi32, #tpu.memory_space<vmem>> -> memref<128xi32, #tpu.memory_space<vmem>>
    %dma_start3A_78 = arith.constant 0 : i32
    %dma_start3A_79 = arith.constant 0 : i32
    %dma_start3A_80 = tpu.memref_slice %arg4[%dma_start3A_78, %dma_start3A_79] : memref<100000x32xf32, #tpu.memory_space<hbm>> -> memref<100000x32xf32, #tpu.memory_space<hbm>>
    tpu.enqueue_indirect_dma source(%dma_start3A_80 : memref<100000x32xf32, #tpu.memory_space<hbm>>) target(%dma_start3A_74 : memref<128x32xf32, #tpu.memory_space<vmem>>) offsets(%dma_start3A_77 : memref<128xi32, #tpu.memory_space<vmem>>) semaphore(%arg34 : memref<!tpu.dma_semaphore, #tpu.memory_space<semaphore_mem>>)
    %dma_start3A_81 = arith.constant 1 : i32
    %dma_start3A_82 = arith.constant 3 : i32
    %dma_start3A_83 = arith.constant 384 : i32
    %dma_start3A_84 = arith.constant 0 : i32
    %dma_start3A_85 = tpu.memref_slice %arg32[%dma_start3A_83, %dma_start3A_84] : memref<512x32xf32, #tpu.memory_space<vmem>> -> memref<128x32xf32, #tpu.memory_space<vmem>>
    %dma_start3A_86 = arith.constant 0 : i32
    %dma_start3A_87 = tpu.memref_slice %arg30[%dma_start3A_81, %dma_start3A_82, %dma_start3A_86] : memref<26x4x128xi32, #tpu.memory_space<vmem>> -> memref<1x1x128xi32, #tpu.memory_space<vmem>>
    %dma_start3A_88 = tpu.memref_squeeze %dma_start3A_87 : memref<1x1x128xi32, #tpu.memory_space<vmem>> -> memref<128xi32, #tpu.memory_space<vmem>>
    %dma_start3A_89 = arith.constant 0 : i32
    %dma_start3A_90 = arith.constant 0 : i32
    %dma_start3A_91 = tpu.memref_slice %arg4[%dma_start3A_89, %dma_start3A_90] : memref<100000x32xf32, #tpu.memory_space<hbm>> -> memref<100000x32xf32, #tpu.memory_space<hbm>>
    tpu.enqueue_indirect_dma source(%dma_start3A_91 : memref<100000x32xf32, #tpu.memory_space<hbm>>) target(%dma_start3A_85 : memref<128x32xf32, #tpu.memory_space<vmem>>) offsets(%dma_start3A_88 : memref<128xi32, #tpu.memory_space<vmem>>) semaphore(%arg34 : memref<!tpu.dma_semaphore, #tpu.memory_space<semaphore_mem>>)
    %dma_wait3A = arith.constant 0 : i32
    %dma_wait3A_92 = arith.constant 0 : i32
    %dma_wait3A_93 = arith.constant 0 : i32
    %dma_wait3A_94 = arith.constant 0 : i32
    %dma_wait3A_95 = tpu.memref_slice %arg31[%dma_wait3A_93, %dma_wait3A_94] : memref<512x32xf32, #tpu.memory_space<vmem>> -> memref<128x32xf32, #tpu.memory_space<vmem>>
    %dma_wait3A_96 = arith.constant 0 : i32
    %dma_wait3A_97 = tpu.memref_slice %arg30[%dma_wait3A, %dma_wait3A_92, %dma_wait3A_96] : memref<26x4x128xi32, #tpu.memory_space<vmem>> -> memref<1x1x128xi32, #tpu.memory_space<vmem>>
    %dma_wait3A_98 = tpu.memref_squeeze %dma_wait3A_97 : memref<1x1x128xi32, #tpu.memory_space<vmem>> -> memref<128xi32, #tpu.memory_space<vmem>>
    %dma_wait3A_99 = arith.constant 0 : i32
    %dma_wait3A_100 = arith.constant 0 : i32
    %dma_wait3A_101 = tpu.memref_slice %arg3[%dma_wait3A_99, %dma_wait3A_100] : memref<100000x32xf32, #tpu.memory_space<hbm>> -> memref<100000x32xf32, #tpu.memory_space<hbm>>
    tpu.wait_indirect_dma semaphore(%arg33 : memref<!tpu.dma_semaphore, #tpu.memory_space<semaphore_mem>>) src(%dma_wait3A_101 : memref<100000x32xf32, #tpu.memory_space<hbm>>) dst(%dma_wait3A_95 : memref<128x32xf32, #tpu.memory_space<vmem>>)
    %dma_wait3A_102 = arith.constant 0 : i32
    %dma_wait3A_103 = arith.constant 1 : i32
    %dma_wait3A_104 = arith.constant 128 : i32
    %dma_wait3A_105 = arith.constant 0 : i32
    %dma_wait3A_106 = tpu.memref_slice %arg31[%dma_wait3A_104, %dma_wait3A_105] : memref<512x32xf32, #tpu.memory_space<vmem>> -> memref<128x32xf32, #tpu.memory_space<vmem>>
    %dma_wait3A_107 = arith.constant 0 : i32
    %dma_wait3A_108 = tpu.memref_slice %arg30[%dma_wait3A_102, %dma_wait3A_103, %dma_wait3A_107] : memref<26x4x128xi32, #tpu.memory_space<vmem>> -> memref<1x1x128xi32, #tpu.memory_space<vmem>>
    %dma_wait3A_109 = tpu.memref_squeeze %dma_wait3A_108 : memref<1x1x128xi32, #tpu.memory_space<vmem>> -> memref<128xi32, #tpu.memory_space<vmem>>
    %dma_wait3A_110 = arith.constant 0 : i32
    %dma_wait3A_111 = arith.constant 0 : i32
    %dma_wait3A_112 = tpu.memref_slice %arg3[%dma_wait3A_110, %dma_wait3A_111] : memref<100000x32xf32, #tpu.memory_space<hbm>> -> memref<100000x32xf32, #tpu.memory_space<hbm>>
    tpu.wait_indirect_dma semaphore(%arg33 : memref<!tpu.dma_semaphore, #tpu.memory_space<semaphore_mem>>) src(%dma_wait3A_112 : memref<100000x32xf32, #tpu.memory_space<hbm>>) dst(%dma_wait3A_106 : memref<128x32xf32, #tpu.memory_space<vmem>>)
    %dma_wait3A_113 = arith.constant 0 : i32
    %dma_wait3A_114 = arith.constant 2 : i32
    %dma_wait3A_115 = arith.constant 256 : i32
    %dma_wait3A_116 = arith.constant 0 : i32
    %dma_wait3A_117 = tpu.memref_slice %arg31[%dma_wait3A_115, %dma_wait3A_116] : memref<512x32xf32, #tpu.memory_space<vmem>> -> memref<128x32xf32, #tpu.memory_space<vmem>>
    %dma_wait3A_118 = arith.constant 0 : i32
    %dma_wait3A_119 = tpu.memref_slice %arg30[%dma_wait3A_113, %dma_wait3A_114, %dma_wait3A_118] : memref<26x4x128xi32, #tpu.memory_space<vmem>> -> memref<1x1x128xi32, #tpu.memory_space<vmem>>
    %dma_wait3A_120 = tpu.memref_squeeze %dma_wait3A_119 : memref<1x1x128xi32, #tpu.memory_space<vmem>> -> memref<128xi32, #tpu.memory_space<vmem>>
    %dma_wait3A_121 = arith.constant 0 : i32
    %dma_wait3A_122 = arith.constant 0 : i32
    %dma_wait3A_123 = tpu.memref_slice %arg3[%dma_wait3A_121, %dma_wait3A_122] : memref<100000x32xf32, #tpu.memory_space<hbm>> -> memref<100000x32xf32, #tpu.memory_space<hbm>>
    tpu.wait_indirect_dma semaphore(%arg33 : memref<!tpu.dma_semaphore, #tpu.memory_space<semaphore_mem>>) src(%dma_wait3A_123 : memref<100000x32xf32, #tpu.memory_space<hbm>>) dst(%dma_wait3A_117 : memref<128x32xf32, #tpu.memory_space<vmem>>)
    %dma_wait3A_124 = arith.constant 0 : i32
    %dma_wait3A_125 = arith.constant 3 : i32
    %dma_wait3A_126 = arith.constant 384 : i32
    %dma_wait3A_127 = arith.constant 0 : i32
    %dma_wait3A_128 = tpu.memref_slice %arg31[%dma_wait3A_126, %dma_wait3A_127] : memref<512x32xf32, #tpu.memory_space<vmem>> -> memref<128x32xf32, #tpu.memory_space<vmem>>
    %dma_wait3A_129 = arith.constant 0 : i32
    %dma_wait3A_130 = tpu.memref_slice %arg30[%dma_wait3A_124, %dma_wait3A_125, %dma_wait3A_129] : memref<26x4x128xi32, #tpu.memory_space<vmem>> -> memref<1x1x128xi32, #tpu.memory_space<vmem>>
    %dma_wait3A_131 = tpu.memref_squeeze %dma_wait3A_130 : memref<1x1x128xi32, #tpu.memory_space<vmem>> -> memref<128xi32, #tpu.memory_space<vmem>>
    %dma_wait3A_132 = arith.constant 0 : i32
    %dma_wait3A_133 = arith.constant 0 : i32
    %dma_wait3A_134 = tpu.memref_slice %arg3[%dma_wait3A_132, %dma_wait3A_133] : memref<100000x32xf32, #tpu.memory_space<hbm>> -> memref<100000x32xf32, #tpu.memory_space<hbm>>
    tpu.wait_indirect_dma semaphore(%arg33 : memref<!tpu.dma_semaphore, #tpu.memory_space<semaphore_mem>>) src(%dma_wait3A_134 : memref<100000x32xf32, #tpu.memory_space<hbm>>) dst(%dma_wait3A_128 : memref<128x32xf32, #tpu.memory_space<vmem>>)
    "tpu.region"() ({
      %run_scoped3A = tpu.sem_alloc : memref<!tpu.dma_semaphore, #tpu.memory_space<semaphore_mem>>
      %dma_start3A_2291 = arith.constant 0 : i32
      %dma_start3A_2292 = tpu.memref_slice %arg29[%mul3A_2, %dma_start3A_2291] : memref<16384x832xf32, #tpu.memory_space<hbm>> -> memref<512x32xf32, #tpu.memory_space<hbm>>
      %dma_start3A_2293 = arith.constant 0 : i32
      %dma_start3A_2294 = tpu.memref_slice %arg29[%mul3A_2, %dma_start3A_2293] : memref<16384x832xf32, #tpu.memory_space<hbm>> -> memref<512x32xf32, #tpu.memory_space<hbm>>
      tpu.enqueue_dma source(%arg31 : memref<512x32xf32, #tpu.memory_space<vmem>>) target(%dma_start3A_2294 : memref<512x32xf32, #tpu.memory_space<hbm>>) target_semaphore(%run_scoped3A : memref<!tpu.dma_semaphore, #tpu.memory_space<semaphore_mem>>)
      %dma_wait3A_2295 = arith.constant 0 : i32
      %dma_wait3A_2296 = tpu.memref_slice %arg29[%mul3A_2, %dma_wait3A_2295] : memref<16384x832xf32, #tpu.memory_space<hbm>> -> memref<512x32xf32, #tpu.memory_space<hbm>>
      %dma_wait3A_2297 = arith.constant 0 : i32
      %dma_wait3A_2298 = tpu.memref_slice %arg29[%mul3A_2, %dma_wait3A_2297] : memref<16384x832xf32, #tpu.memory_space<hbm>> -> memref<512x32xf32, #tpu.memory_space<hbm>>
      tpu.wait_dma2 semaphore(%run_scoped3A : memref<!tpu.dma_semaphore, #tpu.memory_space<semaphore_mem>>) src(%arg31 : memref<512x32xf32, #tpu.memory_space<vmem>>) dst(%dma_wait3A_2298 : memref<512x32xf32, #tpu.memory_space<hbm>>)
      tpu.yield
    }) : () -> ()
    %dma_start3A_135 = arith.constant 2 : i32
    %dma_start3A_136 = arith.constant 0 : i32
    %dma_start3A_137 = arith.constant 0 : i32
    %dma_start3A_138 = arith.constant 0 : i32
    %dma_start3A_139 = tpu.memref_slice %arg31[%dma_start3A_137, %dma_start3A_138] : memref<512x32xf32, #tpu.memory_space<vmem>> -> memref<128x32xf32, #tpu.memory_space<vmem>>
    %dma_start3A_140 = arith.constant 0 : i32
    %dma_start3A_141 = tpu.memref_slice %arg30[%dma_start3A_135, %dma_start3A_136, %dma_start3A_140] : memref<26x4x128xi32, #tpu.memory_space<vmem>> -> memref<1x1x128xi32, #tpu.memory_space<vmem>>
    %dma_start3A_142 = tpu.memref_squeeze %dma_start3A_141 : memref<1x1x128xi32, #tpu.memory_space<vmem>> -> memref<128xi32, #tpu.memory_space<vmem>>
    %dma_start3A_143 = arith.constant 0 : i32
    %dma_start3A_144 = arith.constant 0 : i32
    %dma_start3A_145 = tpu.memref_slice %arg5[%dma_start3A_143, %dma_start3A_144] : memref<100000x32xf32, #tpu.memory_space<hbm>> -> memref<100000x32xf32, #tpu.memory_space<hbm>>
    tpu.enqueue_indirect_dma source(%dma_start3A_145 : memref<100000x32xf32, #tpu.memory_space<hbm>>) target(%dma_start3A_139 : memref<128x32xf32, #tpu.memory_space<vmem>>) offsets(%dma_start3A_142 : memref<128xi32, #tpu.memory_space<vmem>>) semaphore(%arg33 : memref<!tpu.dma_semaphore, #tpu.memory_space<semaphore_mem>>)
    %dma_start3A_146 = arith.constant 2 : i32
    %dma_start3A_147 = arith.constant 1 : i32
    %dma_start3A_148 = arith.constant 128 : i32
    %dma_start3A_149 = arith.constant 0 : i32
    %dma_start3A_150 = tpu.memref_slice %arg31[%dma_start3A_148, %dma_start3A_149] : memref<512x32xf32, #tpu.memory_space<vmem>> -> memref<128x32xf32, #tpu.memory_space<vmem>>
    %dma_start3A_151 = arith.constant 0 : i32
    %dma_start3A_152 = tpu.memref_slice %arg30[%dma_start3A_146, %dma_start3A_147, %dma_start3A_151] : memref<26x4x128xi32, #tpu.memory_space<vmem>> -> memref<1x1x128xi32, #tpu.memory_space<vmem>>
    %dma_start3A_153 = tpu.memref_squeeze %dma_start3A_152 : memref<1x1x128xi32, #tpu.memory_space<vmem>> -> memref<128xi32, #tpu.memory_space<vmem>>
    %dma_start3A_154 = arith.constant 0 : i32
    %dma_start3A_155 = arith.constant 0 : i32
    %dma_start3A_156 = tpu.memref_slice %arg5[%dma_start3A_154, %dma_start3A_155] : memref<100000x32xf32, #tpu.memory_space<hbm>> -> memref<100000x32xf32, #tpu.memory_space<hbm>>
    tpu.enqueue_indirect_dma source(%dma_start3A_156 : memref<100000x32xf32, #tpu.memory_space<hbm>>) target(%dma_start3A_150 : memref<128x32xf32, #tpu.memory_space<vmem>>) offsets(%dma_start3A_153 : memref<128xi32, #tpu.memory_space<vmem>>) semaphore(%arg33 : memref<!tpu.dma_semaphore, #tpu.memory_space<semaphore_mem>>)
    %dma_start3A_157 = arith.constant 2 : i32
    %dma_start3A_158 = arith.constant 2 : i32
    %dma_start3A_159 = arith.constant 256 : i32
    %dma_start3A_160 = arith.constant 0 : i32
    %dma_start3A_161 = tpu.memref_slice %arg31[%dma_start3A_159, %dma_start3A_160] : memref<512x32xf32, #tpu.memory_space<vmem>> -> memref<128x32xf32, #tpu.memory_space<vmem>>
    %dma_start3A_162 = arith.constant 0 : i32
    %dma_start3A_163 = tpu.memref_slice %arg30[%dma_start3A_157, %dma_start3A_158, %dma_start3A_162] : memref<26x4x128xi32, #tpu.memory_space<vmem>> -> memref<1x1x128xi32, #tpu.memory_space<vmem>>
    %dma_start3A_164 = tpu.memref_squeeze %dma_start3A_163 : memref<1x1x128xi32, #tpu.memory_space<vmem>> -> memref<128xi32, #tpu.memory_space<vmem>>
    %dma_start3A_165 = arith.constant 0 : i32
    %dma_start3A_166 = arith.constant 0 : i32
    %dma_start3A_167 = tpu.memref_slice %arg5[%dma_start3A_165, %dma_start3A_166] : memref<100000x32xf32, #tpu.memory_space<hbm>> -> memref<100000x32xf32, #tpu.memory_space<hbm>>
    tpu.enqueue_indirect_dma source(%dma_start3A_167 : memref<100000x32xf32, #tpu.memory_space<hbm>>) target(%dma_start3A_161 : memref<128x32xf32, #tpu.memory_space<vmem>>) offsets(%dma_start3A_164 : memref<128xi32, #tpu.memory_space<vmem>>) semaphore(%arg33 : memref<!tpu.dma_semaphore, #tpu.memory_space<semaphore_mem>>)
    %dma_start3A_168 = arith.constant 2 : i32
    %dma_start3A_169 = arith.constant 3 : i32
    %dma_start3A_170 = arith.constant 384 : i32
    %dma_start3A_171 = arith.constant 0 : i32
    %dma_start3A_172 = tpu.memref_slice %arg31[%dma_start3A_170, %dma_start3A_171] : memref<512x32xf32, #tpu.memory_space<vmem>> -> memref<128x32xf32, #tpu.memory_space<vmem>>
    %dma_start3A_173 = arith.constant 0 : i32
    %dma_start3A_174 = tpu.memref_slice %arg30[%dma_start3A_168, %dma_start3A_169, %dma_start3A_173] : memref<26x4x128xi32, #tpu.memory_space<vmem>> -> memref<1x1x128xi32, #tpu.memory_space<vmem>>
    %dma_start3A_175 = tpu.memref_squeeze %dma_start3A_174 : memref<1x1x128xi32, #tpu.memory_space<vmem>> -> memref<128xi32, #tpu.memory_space<vmem>>
    %dma_start3A_176 = arith.constant 0 : i32
    %dma_start3A_177 = arith.constant 0 : i32
    %dma_start3A_178 = tpu.memref_slice %arg5[%dma_start3A_176, %dma_start3A_177] : memref<100000x32xf32, #tpu.memory_space<hbm>> -> memref<100000x32xf32, #tpu.memory_space<hbm>>
    tpu.enqueue_indirect_dma source(%dma_start3A_178 : memref<100000x32xf32, #tpu.memory_space<hbm>>) target(%dma_start3A_172 : memref<128x32xf32, #tpu.memory_space<vmem>>) offsets(%dma_start3A_175 : memref<128xi32, #tpu.memory_space<vmem>>) semaphore(%arg33 : memref<!tpu.dma_semaphore, #tpu.memory_space<semaphore_mem>>)
    %dma_wait3A_179 = arith.constant 1 : i32
    %dma_wait3A_180 = arith.constant 0 : i32
    %dma_wait3A_181 = arith.constant 0 : i32
    %dma_wait3A_182 = arith.constant 0 : i32
    %dma_wait3A_183 = tpu.memref_slice %arg32[%dma_wait3A_181, %dma_wait3A_182] : memref<512x32xf32, #tpu.memory_space<vmem>> -> memref<128x32xf32, #tpu.memory_space<vmem>>
    %dma_wait3A_184 = arith.constant 0 : i32
    %dma_wait3A_185 = tpu.memref_slice %arg30[%dma_wait3A_179, %dma_wait3A_180, %dma_wait3A_184] : memref<26x4x128xi32, #tpu.memory_space<vmem>> -> memref<1x1x128xi32, #tpu.memory_space<vmem>>
    %dma_wait3A_186 = tpu.memref_squeeze %dma_wait3A_185 : memref<1x1x128xi32, #tpu.memory_space<vmem>> -> memref<128xi32, #tpu.memory_space<vmem>>
    %dma_wait3A_187 = arith.constant 0 : i32
    %dma_wait3A_188 = arith.constant 0 : i32
    %dma_wait3A_189 = tpu.memref_slice %arg4[%dma_wait3A_187, %dma_wait3A_188] : memref<100000x32xf32, #tpu.memory_space<hbm>> -> memref<100000x32xf32, #tpu.memory_space<hbm>>
    tpu.wait_indirect_dma semaphore(%arg34 : memref<!tpu.dma_semaphore, #tpu.memory_space<semaphore_mem>>) src(%dma_wait3A_189 : memref<100000x32xf32, #tpu.memory_space<hbm>>) dst(%dma_wait3A_183 : memref<128x32xf32, #tpu.memory_space<vmem>>)
    %dma_wait3A_190 = arith.constant 1 : i32
    %dma_wait3A_191 = arith.constant 1 : i32
    %dma_wait3A_192 = arith.constant 128 : i32
    %dma_wait3A_193 = arith.constant 0 : i32
    %dma_wait3A_194 = tpu.memref_slice %arg32[%dma_wait3A_192, %dma_wait3A_193] : memref<512x32xf32, #tpu.memory_space<vmem>> -> memref<128x32xf32, #tpu.memory_space<vmem>>
    %dma_wait3A_195 = arith.constant 0 : i32
    %dma_wait3A_196 = tpu.memref_slice %arg30[%dma_wait3A_190, %dma_wait3A_191, %dma_wait3A_195] : memref<26x4x128xi32, #tpu.memory_space<vmem>> -> memref<1x1x128xi32, #tpu.memory_space<vmem>>
    %dma_wait3A_197 = tpu.memref_squeeze %dma_wait3A_196 : memref<1x1x128xi32, #tpu.memory_space<vmem>> -> memref<128xi32, #tpu.memory_space<vmem>>
    %dma_wait3A_198 = arith.constant 0 : i32
    %dma_wait3A_199 = arith.constant 0 : i32
    %dma_wait3A_200 = tpu.memref_slice %arg4[%dma_wait3A_198, %dma_wait3A_199] : memref<100000x32xf32, #tpu.memory_space<hbm>> -> memref<100000x32xf32, #tpu.memory_space<hbm>>
    tpu.wait_indirect_dma semaphore(%arg34 : memref<!tpu.dma_semaphore, #tpu.memory_space<semaphore_mem>>) src(%dma_wait3A_200 : memref<100000x32xf32, #tpu.memory_space<hbm>>) dst(%dma_wait3A_194 : memref<128x32xf32, #tpu.memory_space<vmem>>)
    %dma_wait3A_201 = arith.constant 1 : i32
    %dma_wait3A_202 = arith.constant 2 : i32
    %dma_wait3A_203 = arith.constant 256 : i32
    %dma_wait3A_204 = arith.constant 0 : i32
    %dma_wait3A_205 = tpu.memref_slice %arg32[%dma_wait3A_203, %dma_wait3A_204] : memref<512x32xf32, #tpu.memory_space<vmem>> -> memref<128x32xf32, #tpu.memory_space<vmem>>
    %dma_wait3A_206 = arith.constant 0 : i32
    %dma_wait3A_207 = tpu.memref_slice %arg30[%dma_wait3A_201, %dma_wait3A_202, %dma_wait3A_206] : memref<26x4x128xi32, #tpu.memory_space<vmem>> -> memref<1x1x128xi32, #tpu.memory_space<vmem>>
    %dma_wait3A_208 = tpu.memref_squeeze %dma_wait3A_207 : memref<1x1x128xi32, #tpu.memory_space<vmem>> -> memref<128xi32, #tpu.memory_space<vmem>>
    %dma_wait3A_209 = arith.constant 0 : i32
    %dma_wait3A_210 = arith.constant 0 : i32
    %dma_wait3A_211 = tpu.memref_slice %arg4[%dma_wait3A_209, %dma_wait3A_210] : memref<100000x32xf32, #tpu.memory_space<hbm>> -> memref<100000x32xf32, #tpu.memory_space<hbm>>
    tpu.wait_indirect_dma semaphore(%arg34 : memref<!tpu.dma_semaphore, #tpu.memory_space<semaphore_mem>>) src(%dma_wait3A_211 : memref<100000x32xf32, #tpu.memory_space<hbm>>) dst(%dma_wait3A_205 : memref<128x32xf32, #tpu.memory_space<vmem>>)
    %dma_wait3A_212 = arith.constant 1 : i32
    %dma_wait3A_213 = arith.constant 3 : i32
    %dma_wait3A_214 = arith.constant 384 : i32
    %dma_wait3A_215 = arith.constant 0 : i32
    %dma_wait3A_216 = tpu.memref_slice %arg32[%dma_wait3A_214, %dma_wait3A_215] : memref<512x32xf32, #tpu.memory_space<vmem>> -> memref<128x32xf32, #tpu.memory_space<vmem>>
    %dma_wait3A_217 = arith.constant 0 : i32
    %dma_wait3A_218 = tpu.memref_slice %arg30[%dma_wait3A_212, %dma_wait3A_213, %dma_wait3A_217] : memref<26x4x128xi32, #tpu.memory_space<vmem>> -> memref<1x1x128xi32, #tpu.memory_space<vmem>>
    %dma_wait3A_219 = tpu.memref_squeeze %dma_wait3A_218 : memref<1x1x128xi32, #tpu.memory_space<vmem>> -> memref<128xi32, #tpu.memory_space<vmem>>
    %dma_wait3A_220 = arith.constant 0 : i32
    %dma_wait3A_221 = arith.constant 0 : i32
    %dma_wait3A_222 = tpu.memref_slice %arg4[%dma_wait3A_220, %dma_wait3A_221] : memref<100000x32xf32, #tpu.memory_space<hbm>> -> memref<100000x32xf32, #tpu.memory_space<hbm>>
    tpu.wait_indirect_dma semaphore(%arg34 : memref<!tpu.dma_semaphore, #tpu.memory_space<semaphore_mem>>) src(%dma_wait3A_222 : memref<100000x32xf32, #tpu.memory_space<hbm>>) dst(%dma_wait3A_216 : memref<128x32xf32, #tpu.memory_space<vmem>>)
    "tpu.region"() ({
      %run_scoped3A = tpu.sem_alloc : memref<!tpu.dma_semaphore, #tpu.memory_space<semaphore_mem>>
      %dma_start3A_2291 = arith.constant 32 : i32
      %dma_start3A_2292 = tpu.memref_slice %arg29[%mul3A_2, %dma_start3A_2291] : memref<16384x832xf32, #tpu.memory_space<hbm>> -> memref<512x32xf32, #tpu.memory_space<hbm>>
      %dma_start3A_2293 = arith.constant 32 : i32
      %dma_start3A_2294 = tpu.memref_slice %arg29[%mul3A_2, %dma_start3A_2293] : memref<16384x832xf32, #tpu.memory_space<hbm>> -> memref<512x32xf32, #tpu.memory_space<hbm>>
      tpu.enqueue_dma source(%arg32 : memref<512x32xf32, #tpu.memory_space<vmem>>) target(%dma_start3A_2294 : memref<512x32xf32, #tpu.memory_space<hbm>>) target_semaphore(%run_scoped3A : memref<!tpu.dma_semaphore, #tpu.memory_space<semaphore_mem>>)
      %dma_wait3A_2295 = arith.constant 32 : i32
      %dma_wait3A_2296 = tpu.memref_slice %arg29[%mul3A_2, %dma_wait3A_2295] : memref<16384x832xf32, #tpu.memory_space<hbm>> -> memref<512x32xf32, #tpu.memory_space<hbm>>
      %dma_wait3A_2297 = arith.constant 32 : i32
      %dma_wait3A_2298 = tpu.memref_slice %arg29[%mul3A_2, %dma_wait3A_2297] : memref<16384x832xf32, #tpu.memory_space<hbm>> -> memref<512x32xf32, #tpu.memory_space<hbm>>
      tpu.wait_dma2 semaphore(%run_scoped3A : memref<!tpu.dma_semaphore, #tpu.memory_space<semaphore_mem>>) src(%arg32 : memref<512x32xf32, #tpu.memory_space<vmem>>) dst(%dma_wait3A_2298 : memref<512x32xf32, #tpu.memory_space<hbm>>)
      tpu.yield
    }) : () -> ()
    %dma_start3A_223 = arith.constant 3 : i32
    %dma_start3A_224 = arith.constant 0 : i32
    %dma_start3A_225 = arith.constant 0 : i32
    %dma_start3A_226 = arith.constant 0 : i32
    %dma_start3A_227 = tpu.memref_slice %arg32[%dma_start3A_225, %dma_start3A_226] : memref<512x32xf32, #tpu.memory_space<vmem>> -> memref<128x32xf32, #tpu.memory_space<vmem>>
    %dma_start3A_228 = arith.constant 0 : i32
    %dma_start3A_229 = tpu.memref_slice %arg30[%dma_start3A_223, %dma_start3A_224, %dma_start3A_228] : memref<26x4x128xi32, #tpu.memory_space<vmem>> -> memref<1x1x128xi32, #tpu.memory_space<vmem>>
    %dma_start3A_230 = tpu.memref_squeeze %dma_start3A_229 : memref<1x1x128xi32, #tpu.memory_space<vmem>> -> memref<128xi32, #tpu.memory_space<vmem>>
    %dma_start3A_231 = arith.constant 0 : i32
    %dma_start3A_232 = arith.constant 0 : i32
    %dma_start3A_233 = tpu.memref_slice %arg6[%dma_start3A_231, %dma_start3A_232] : memref<100000x32xf32, #tpu.memory_space<hbm>> -> memref<100000x32xf32, #tpu.memory_space<hbm>>
    tpu.enqueue_indirect_dma source(%dma_start3A_233 : memref<100000x32xf32, #tpu.memory_space<hbm>>) target(%dma_start3A_227 : memref<128x32xf32, #tpu.memory_space<vmem>>) offsets(%dma_start3A_230 : memref<128xi32, #tpu.memory_space<vmem>>) semaphore(%arg34 : memref<!tpu.dma_semaphore, #tpu.memory_space<semaphore_mem>>)
    %dma_start3A_234 = arith.constant 3 : i32
    %dma_start3A_235 = arith.constant 1 : i32
    %dma_start3A_236 = arith.constant 128 : i32
    %dma_start3A_237 = arith.constant 0 : i32
    %dma_start3A_238 = tpu.memref_slice %arg32[%dma_start3A_236, %dma_start3A_237] : memref<512x32xf32, #tpu.memory_space<vmem>> -> memref<128x32xf32, #tpu.memory_space<vmem>>
    %dma_start3A_239 = arith.constant 0 : i32
    %dma_start3A_240 = tpu.memref_slice %arg30[%dma_start3A_234, %dma_start3A_235, %dma_start3A_239] : memref<26x4x128xi32, #tpu.memory_space<vmem>> -> memref<1x1x128xi32, #tpu.memory_space<vmem>>
    %dma_start3A_241 = tpu.memref_squeeze %dma_start3A_240 : memref<1x1x128xi32, #tpu.memory_space<vmem>> -> memref<128xi32, #tpu.memory_space<vmem>>
    %dma_start3A_242 = arith.constant 0 : i32
    %dma_start3A_243 = arith.constant 0 : i32
    %dma_start3A_244 = tpu.memref_slice %arg6[%dma_start3A_242, %dma_start3A_243] : memref<100000x32xf32, #tpu.memory_space<hbm>> -> memref<100000x32xf32, #tpu.memory_space<hbm>>
    tpu.enqueue_indirect_dma source(%dma_start3A_244 : memref<100000x32xf32, #tpu.memory_space<hbm>>) target(%dma_start3A_238 : memref<128x32xf32, #tpu.memory_space<vmem>>) offsets(%dma_start3A_241 : memref<128xi32, #tpu.memory_space<vmem>>) semaphore(%arg34 : memref<!tpu.dma_semaphore, #tpu.memory_space<semaphore_mem>>)
    %dma_start3A_245 = arith.constant 3 : i32
    %dma_start3A_246 = arith.constant 2 : i32
    %dma_start3A_247 = arith.constant 256 : i32
    %dma_start3A_248 = arith.constant 0 : i32
    %dma_start3A_249 = tpu.memref_slice %arg32[%dma_start3A_247, %dma_start3A_248] : memref<512x32xf32, #tpu.memory_space<vmem>> -> memref<128x32xf32, #tpu.memory_space<vmem>>
    %dma_start3A_250 = arith.constant 0 : i32
    %dma_start3A_251 = tpu.memref_slice %arg30[%dma_start3A_245, %dma_start3A_246, %dma_start3A_250] : memref<26x4x128xi32, #tpu.memory_space<vmem>> -> memref<1x1x128xi32, #tpu.memory_space<vmem>>
    %dma_start3A_252 = tpu.memref_squeeze %dma_start3A_251 : memref<1x1x128xi32, #tpu.memory_space<vmem>> -> memref<128xi32, #tpu.memory_space<vmem>>
    %dma_start3A_253 = arith.constant 0 : i32
    %dma_start3A_254 = arith.constant 0 : i32
    %dma_start3A_255 = tpu.memref_slice %arg6[%dma_start3A_253, %dma_start3A_254] : memref<100000x32xf32, #tpu.memory_space<hbm>> -> memref<100000x32xf32, #tpu.memory_space<hbm>>
    tpu.enqueue_indirect_dma source(%dma_start3A_255 : memref<100000x32xf32, #tpu.memory_space<hbm>>) target(%dma_start3A_249 : memref<128x32xf32, #tpu.memory_space<vmem>>) offsets(%dma_start3A_252 : memref<128xi32, #tpu.memory_space<vmem>>) semaphore(%arg34 : memref<!tpu.dma_semaphore, #tpu.memory_space<semaphore_mem>>)
    %dma_start3A_256 = arith.constant 3 : i32
    %dma_start3A_257 = arith.constant 3 : i32
    %dma_start3A_258 = arith.constant 384 : i32
    %dma_start3A_259 = arith.constant 0 : i32
    %dma_start3A_260 = tpu.memref_slice %arg32[%dma_start3A_258, %dma_start3A_259] : memref<512x32xf32, #tpu.memory_space<vmem>> -> memref<128x32xf32, #tpu.memory_space<vmem>>
    %dma_start3A_261 = arith.constant 0 : i32
    %dma_start3A_262 = tpu.memref_slice %arg30[%dma_start3A_256, %dma_start3A_257, %dma_start3A_261] : memref<26x4x128xi32, #tpu.memory_space<vmem>> -> memref<1x1x128xi32, #tpu.memory_space<vmem>>
    %dma_start3A_263 = tpu.memref_squeeze %dma_start3A_262 : memref<1x1x128xi32, #tpu.memory_space<vmem>> -> memref<128xi32, #tpu.memory_space<vmem>>
    %dma_start3A_264 = arith.constant 0 : i32
    %dma_start3A_265 = arith.constant 0 : i32
    %dma_start3A_266 = tpu.memref_slice %arg6[%dma_start3A_264, %dma_start3A_265] : memref<100000x32xf32, #tpu.memory_space<hbm>> -> memref<100000x32xf32, #tpu.memory_space<hbm>>
    tpu.enqueue_indirect_dma source(%dma_start3A_266 : memref<100000x32xf32, #tpu.memory_space<hbm>>) target(%dma_start3A_260 : memref<128x32xf32, #tpu.memory_space<vmem>>) offsets(%dma_start3A_263 : memref<128xi32, #tpu.memory_space<vmem>>) semaphore(%arg34 : memref<!tpu.dma_semaphore, #tpu.memory_space<semaphore_mem>>)
    %dma_wait3A_267 = arith.constant 2 : i32
    %dma_wait3A_268 = arith.constant 0 : i32
    %dma_wait3A_269 = arith.constant 0 : i32
    %dma_wait3A_270 = arith.constant 0 : i32
    %dma_wait3A_271 = tpu.memref_slice %arg31[%dma_wait3A_269, %dma_wait3A_270] : memref<512x32xf32, #tpu.memory_space<vmem>> -> memref<128x32xf32, #tpu.memory_space<vmem>>
    %dma_wait3A_272 = arith.constant 0 : i32
    %dma_wait3A_273 = tpu.memref_slice %arg30[%dma_wait3A_267, %dma_wait3A_268, %dma_wait3A_272] : memref<26x4x128xi32, #tpu.memory_space<vmem>> -> memref<1x1x128xi32, #tpu.memory_space<vmem>>
    %dma_wait3A_274 = tpu.memref_squeeze %dma_wait3A_273 : memref<1x1x128xi32, #tpu.memory_space<vmem>> -> memref<128xi32, #tpu.memory_space<vmem>>
    %dma_wait3A_275 = arith.constant 0 : i32
    %dma_wait3A_276 = arith.constant 0 : i32
    %dma_wait3A_277 = tpu.memref_slice %arg5[%dma_wait3A_275, %dma_wait3A_276] : memref<100000x32xf32, #tpu.memory_space<hbm>> -> memref<100000x32xf32, #tpu.memory_space<hbm>>
    tpu.wait_indirect_dma semaphore(%arg33 : memref<!tpu.dma_semaphore, #tpu.memory_space<semaphore_mem>>) src(%dma_wait3A_277 : memref<100000x32xf32, #tpu.memory_space<hbm>>) dst(%dma_wait3A_271 : memref<128x32xf32, #tpu.memory_space<vmem>>)
    %dma_wait3A_278 = arith.constant 2 : i32
    %dma_wait3A_279 = arith.constant 1 : i32
    %dma_wait3A_280 = arith.constant 128 : i32
    %dma_wait3A_281 = arith.constant 0 : i32
    %dma_wait3A_282 = tpu.memref_slice %arg31[%dma_wait3A_280, %dma_wait3A_281] : memref<512x32xf32, #tpu.memory_space<vmem>> -> memref<128x32xf32, #tpu.memory_space<vmem>>
    %dma_wait3A_283 = arith.constant 0 : i32
    %dma_wait3A_284 = tpu.memref_slice %arg30[%dma_wait3A_278, %dma_wait3A_279, %dma_wait3A_283] : memref<26x4x128xi32, #tpu.memory_space<vmem>> -> memref<1x1x128xi32, #tpu.memory_space<vmem>>
    %dma_wait3A_285 = tpu.memref_squeeze %dma_wait3A_284 : memref<1x1x128xi32, #tpu.memory_space<vmem>> -> memref<128xi32, #tpu.memory_space<vmem>>
    %dma_wait3A_286 = arith.constant 0 : i32
    %dma_wait3A_287 = arith.constant 0 : i32
    %dma_wait3A_288 = tpu.memref_slice %arg5[%dma_wait3A_286, %dma_wait3A_287] : memref<100000x32xf32, #tpu.memory_space<hbm>> -> memref<100000x32xf32, #tpu.memory_space<hbm>>
    tpu.wait_indirect_dma semaphore(%arg33 : memref<!tpu.dma_semaphore, #tpu.memory_space<semaphore_mem>>) src(%dma_wait3A_288 : memref<100000x32xf32, #tpu.memory_space<hbm>>) dst(%dma_wait3A_282 : memref<128x32xf32, #tpu.memory_space<vmem>>)
    %dma_wait3A_289 = arith.constant 2 : i32
    %dma_wait3A_290 = arith.constant 2 : i32
    %dma_wait3A_291 = arith.constant 256 : i32
    %dma_wait3A_292 = arith.constant 0 : i32
    %dma_wait3A_293 = tpu.memref_slice %arg31[%dma_wait3A_291, %dma_wait3A_292] : memref<512x32xf32, #tpu.memory_space<vmem>> -> memref<128x32xf32, #tpu.memory_space<vmem>>
    %dma_wait3A_294 = arith.constant 0 : i32
    %dma_wait3A_295 = tpu.memref_slice %arg30[%dma_wait3A_289, %dma_wait3A_290, %dma_wait3A_294] : memref<26x4x128xi32, #tpu.memory_space<vmem>> -> memref<1x1x128xi32, #tpu.memory_space<vmem>>
    %dma_wait3A_296 = tpu.memref_squeeze %dma_wait3A_295 : memref<1x1x128xi32, #tpu.memory_space<vmem>> -> memref<128xi32, #tpu.memory_space<vmem>>
    %dma_wait3A_297 = arith.constant 0 : i32
    %dma_wait3A_298 = arith.constant 0 : i32
    %dma_wait3A_299 = tpu.memref_slice %arg5[%dma_wait3A_297, %dma_wait3A_298] : memref<100000x32xf32, #tpu.memory_space<hbm>> -> memref<100000x32xf32, #tpu.memory_space<hbm>>
    tpu.wait_indirect_dma semaphore(%arg33 : memref<!tpu.dma_semaphore, #tpu.memory_space<semaphore_mem>>) src(%dma_wait3A_299 : memref<100000x32xf32, #tpu.memory_space<hbm>>) dst(%dma_wait3A_293 : memref<128x32xf32, #tpu.memory_space<vmem>>)
    %dma_wait3A_300 = arith.constant 2 : i32
    %dma_wait3A_301 = arith.constant 3 : i32
    %dma_wait3A_302 = arith.constant 384 : i32
    %dma_wait3A_303 = arith.constant 0 : i32
    %dma_wait3A_304 = tpu.memref_slice %arg31[%dma_wait3A_302, %dma_wait3A_303] : memref<512x32xf32, #tpu.memory_space<vmem>> -> memref<128x32xf32, #tpu.memory_space<vmem>>
    %dma_wait3A_305 = arith.constant 0 : i32
    %dma_wait3A_306 = tpu.memref_slice %arg30[%dma_wait3A_300, %dma_wait3A_301, %dma_wait3A_305] : memref<26x4x128xi32, #tpu.memory_space<vmem>> -> memref<1x1x128xi32, #tpu.memory_space<vmem>>
    %dma_wait3A_307 = tpu.memref_squeeze %dma_wait3A_306 : memref<1x1x128xi32, #tpu.memory_space<vmem>> -> memref<128xi32, #tpu.memory_space<vmem>>
    %dma_wait3A_308 = arith.constant 0 : i32
    %dma_wait3A_309 = arith.constant 0 : i32
    %dma_wait3A_310 = tpu.memref_slice %arg5[%dma_wait3A_308, %dma_wait3A_309] : memref<100000x32xf32, #tpu.memory_space<hbm>> -> memref<100000x32xf32, #tpu.memory_space<hbm>>
    tpu.wait_indirect_dma semaphore(%arg33 : memref<!tpu.dma_semaphore, #tpu.memory_space<semaphore_mem>>) src(%dma_wait3A_310 : memref<100000x32xf32, #tpu.memory_space<hbm>>) dst(%dma_wait3A_304 : memref<128x32xf32, #tpu.memory_space<vmem>>)
    "tpu.region"() ({
      %run_scoped3A = tpu.sem_alloc : memref<!tpu.dma_semaphore, #tpu.memory_space<semaphore_mem>>
      %dma_start3A_2291 = arith.constant 64 : i32
      %dma_start3A_2292 = tpu.memref_slice %arg29[%mul3A_2, %dma_start3A_2291] : memref<16384x832xf32, #tpu.memory_space<hbm>> -> memref<512x32xf32, #tpu.memory_space<hbm>>
      %dma_start3A_2293 = arith.constant 64 : i32
      %dma_start3A_2294 = tpu.memref_slice %arg29[%mul3A_2, %dma_start3A_2293] : memref<16384x832xf32, #tpu.memory_space<hbm>> -> memref<512x32xf32, #tpu.memory_space<hbm>>
      tpu.enqueue_dma source(%arg31 : memref<512x32xf32, #tpu.memory_space<vmem>>) target(%dma_start3A_2294 : memref<512x32xf32, #tpu.memory_space<hbm>>) target_semaphore(%run_scoped3A : memref<!tpu.dma_semaphore, #tpu.memory_space<semaphore_mem>>)
      %dma_wait3A_2295 = arith.constant 64 : i32
      %dma_wait3A_2296 = tpu.memref_slice %arg29[%mul3A_2, %dma_wait3A_2295] : memref<16384x832xf32, #tpu.memory_space<hbm>> -> memref<512x32xf32, #tpu.memory_space<hbm>>
      %dma_wait3A_2297 = arith.constant 64 : i32
      %dma_wait3A_2298 = tpu.memref_slice %arg29[%mul3A_2, %dma_wait3A_2297] : memref<16384x832xf32, #tpu.memory_space<hbm>> -> memref<512x32xf32, #tpu.memory_space<hbm>>
      tpu.wait_dma2 semaphore(%run_scoped3A : memref<!tpu.dma_semaphore, #tpu.memory_space<semaphore_mem>>) src(%arg31 : memref<512x32xf32, #tpu.memory_space<vmem>>) dst(%dma_wait3A_2298 : memref<512x32xf32, #tpu.memory_space<hbm>>)
      tpu.yield
    }) : () -> ()
    %dma_start3A_311 = arith.constant 4 : i32
    %dma_start3A_312 = arith.constant 0 : i32
    %dma_start3A_313 = arith.constant 0 : i32
    %dma_start3A_314 = arith.constant 0 : i32
    %dma_start3A_315 = tpu.memref_slice %arg31[%dma_start3A_313, %dma_start3A_314] : memref<512x32xf32, #tpu.memory_space<vmem>> -> memref<128x32xf32, #tpu.memory_space<vmem>>
    %dma_start3A_316 = arith.constant 0 : i32
    %dma_start3A_317 = tpu.memref_slice %arg30[%dma_start3A_311, %dma_start3A_312, %dma_start3A_316] : memref<26x4x128xi32, #tpu.memory_space<vmem>> -> memref<1x1x128xi32, #tpu.memory_space<vmem>>
    %dma_start3A_318 = tpu.memref_squeeze %dma_start3A_317 : memref<1x1x128xi32, #tpu.memory_space<vmem>> -> memref<128xi32, #tpu.memory_space<vmem>>
    %dma_start3A_319 = arith.constant 0 : i32
    %dma_start3A_320 = arith.constant 0 : i32
    %dma_start3A_321 = tpu.memref_slice %arg7[%dma_start3A_319, %dma_start3A_320] : memref<100000x32xf32, #tpu.memory_space<hbm>> -> memref<100000x32xf32, #tpu.memory_space<hbm>>
    tpu.enqueue_indirect_dma source(%dma_start3A_321 : memref<100000x32xf32, #tpu.memory_space<hbm>>) target(%dma_start3A_315 : memref<128x32xf32, #tpu.memory_space<vmem>>) offsets(%dma_start3A_318 : memref<128xi32, #tpu.memory_space<vmem>>) semaphore(%arg33 : memref<!tpu.dma_semaphore, #tpu.memory_space<semaphore_mem>>)
    %dma_start3A_322 = arith.constant 4 : i32
    %dma_start3A_323 = arith.constant 1 : i32
    %dma_start3A_324 = arith.constant 128 : i32
    %dma_start3A_325 = arith.constant 0 : i32
    %dma_start3A_326 = tpu.memref_slice %arg31[%dma_start3A_324, %dma_start3A_325] : memref<512x32xf32, #tpu.memory_space<vmem>> -> memref<128x32xf32, #tpu.memory_space<vmem>>
    %dma_start3A_327 = arith.constant 0 : i32
    %dma_start3A_328 = tpu.memref_slice %arg30[%dma_start3A_322, %dma_start3A_323, %dma_start3A_327] : memref<26x4x128xi32, #tpu.memory_space<vmem>> -> memref<1x1x128xi32, #tpu.memory_space<vmem>>
    %dma_start3A_329 = tpu.memref_squeeze %dma_start3A_328 : memref<1x1x128xi32, #tpu.memory_space<vmem>> -> memref<128xi32, #tpu.memory_space<vmem>>
    %dma_start3A_330 = arith.constant 0 : i32
    %dma_start3A_331 = arith.constant 0 : i32
    %dma_start3A_332 = tpu.memref_slice %arg7[%dma_start3A_330, %dma_start3A_331] : memref<100000x32xf32, #tpu.memory_space<hbm>> -> memref<100000x32xf32, #tpu.memory_space<hbm>>
    tpu.enqueue_indirect_dma source(%dma_start3A_332 : memref<100000x32xf32, #tpu.memory_space<hbm>>) target(%dma_start3A_326 : memref<128x32xf32, #tpu.memory_space<vmem>>) offsets(%dma_start3A_329 : memref<128xi32, #tpu.memory_space<vmem>>) semaphore(%arg33 : memref<!tpu.dma_semaphore, #tpu.memory_space<semaphore_mem>>)
    %dma_start3A_333 = arith.constant 4 : i32
    %dma_start3A_334 = arith.constant 2 : i32
    %dma_start3A_335 = arith.constant 256 : i32
    %dma_start3A_336 = arith.constant 0 : i32
    %dma_start3A_337 = tpu.memref_slice %arg31[%dma_start3A_335, %dma_start3A_336] : memref<512x32xf32, #tpu.memory_space<vmem>> -> memref<128x32xf32, #tpu.memory_space<vmem>>
    %dma_start3A_338 = arith.constant 0 : i32
    %dma_start3A_339 = tpu.memref_slice %arg30[%dma_start3A_333, %dma_start3A_334, %dma_start3A_338] : memref<26x4x128xi32, #tpu.memory_space<vmem>> -> memref<1x1x128xi32, #tpu.memory_space<vmem>>
    %dma_start3A_340 = tpu.memref_squeeze %dma_start3A_339 : memref<1x1x128xi32, #tpu.memory_space<vmem>> -> memref<128xi32, #tpu.memory_space<vmem>>
    %dma_start3A_341 = arith.constant 0 : i32
    %dma_start3A_342 = arith.constant 0 : i32
    %dma_start3A_343 = tpu.memref_slice %arg7[%dma_start3A_341, %dma_start3A_342] : memref<100000x32xf32, #tpu.memory_space<hbm>> -> memref<100000x32xf32, #tpu.memory_space<hbm>>
    tpu.enqueue_indirect_dma source(%dma_start3A_343 : memref<100000x32xf32, #tpu.memory_space<hbm>>) target(%dma_start3A_337 : memref<128x32xf32, #tpu.memory_space<vmem>>) offsets(%dma_start3A_340 : memref<128xi32, #tpu.memory_space<vmem>>) semaphore(%arg33 : memref<!tpu.dma_semaphore, #tpu.memory_space<semaphore_mem>>)
    %dma_start3A_344 = arith.constant 4 : i32
    %dma_start3A_345 = arith.constant 3 : i32
    %dma_start3A_346 = arith.constant 384 : i32
    %dma_start3A_347 = arith.constant 0 : i32
    %dma_start3A_348 = tpu.memref_slice %arg31[%dma_start3A_346, %dma_start3A_347] : memref<512x32xf32, #tpu.memory_space<vmem>> -> memref<128x32xf32, #tpu.memory_space<vmem>>
    %dma_start3A_349 = arith.constant 0 : i32
    %dma_start3A_350 = tpu.memref_slice %arg30[%dma_start3A_344, %dma_start3A_345, %dma_start3A_349] : memref<26x4x128xi32, #tpu.memory_space<vmem>> -> memref<1x1x128xi32, #tpu.memory_space<vmem>>
    %dma_start3A_351 = tpu.memref_squeeze %dma_start3A_350 : memref<1x1x128xi32, #tpu.memory_space<vmem>> -> memref<128xi32, #tpu.memory_space<vmem>>
    %dma_start3A_352 = arith.constant 0 : i32
    %dma_start3A_353 = arith.constant 0 : i32
    %dma_start3A_354 = tpu.memref_slice %arg7[%dma_start3A_352, %dma_start3A_353] : memref<100000x32xf32, #tpu.memory_space<hbm>> -> memref<100000x32xf32, #tpu.memory_space<hbm>>
    tpu.enqueue_indirect_dma source(%dma_start3A_354 : memref<100000x32xf32, #tpu.memory_space<hbm>>) target(%dma_start3A_348 : memref<128x32xf32, #tpu.memory_space<vmem>>) offsets(%dma_start3A_351 : memref<128xi32, #tpu.memory_space<vmem>>) semaphore(%arg33 : memref<!tpu.dma_semaphore, #tpu.memory_space<semaphore_mem>>)
    %dma_wait3A_355 = arith.constant 3 : i32
    %dma_wait3A_356 = arith.constant 0 : i32
    %dma_wait3A_357 = arith.constant 0 : i32
    %dma_wait3A_358 = arith.constant 0 : i32
    %dma_wait3A_359 = tpu.memref_slice %arg32[%dma_wait3A_357, %dma_wait3A_358] : memref<512x32xf32, #tpu.memory_space<vmem>> -> memref<128x32xf32, #tpu.memory_space<vmem>>
    %dma_wait3A_360 = arith.constant 0 : i32
    %dma_wait3A_361 = tpu.memref_slice %arg30[%dma_wait3A_355, %dma_wait3A_356, %dma_wait3A_360] : memref<26x4x128xi32, #tpu.memory_space<vmem>> -> memref<1x1x128xi32, #tpu.memory_space<vmem>>
    %dma_wait3A_362 = tpu.memref_squeeze %dma_wait3A_361 : memref<1x1x128xi32, #tpu.memory_space<vmem>> -> memref<128xi32, #tpu.memory_space<vmem>>
    %dma_wait3A_363 = arith.constant 0 : i32
    %dma_wait3A_364 = arith.constant 0 : i32
    %dma_wait3A_365 = tpu.memref_slice %arg6[%dma_wait3A_363, %dma_wait3A_364] : memref<100000x32xf32, #tpu.memory_space<hbm>> -> memref<100000x32xf32, #tpu.memory_space<hbm>>
    tpu.wait_indirect_dma semaphore(%arg34 : memref<!tpu.dma_semaphore, #tpu.memory_space<semaphore_mem>>) src(%dma_wait3A_365 : memref<100000x32xf32, #tpu.memory_space<hbm>>) dst(%dma_wait3A_359 : memref<128x32xf32, #tpu.memory_space<vmem>>)
    %dma_wait3A_366 = arith.constant 3 : i32
    %dma_wait3A_367 = arith.constant 1 : i32
    %dma_wait3A_368 = arith.constant 128 : i32
    %dma_wait3A_369 = arith.constant 0 : i32
    %dma_wait3A_370 = tpu.memref_slice %arg32[%dma_wait3A_368, %dma_wait3A_369] : memref<512x32xf32, #tpu.memory_space<vmem>> -> memref<128x32xf32, #tpu.memory_space<vmem>>
    %dma_wait3A_371 = arith.constant 0 : i32
    %dma_wait3A_372 = tpu.memref_slice %arg30[%dma_wait3A_366, %dma_wait3A_367, %dma_wait3A_371] : memref<26x4x128xi32, #tpu.memory_space<vmem>> -> memref<1x1x128xi32, #tpu.memory_space<vmem>>
    %dma_wait3A_373 = tpu.memref_squeeze %dma_wait3A_372 : memref<1x1x128xi32, #tpu.memory_space<vmem>> -> memref<128xi32, #tpu.memory_space<vmem>>
    %dma_wait3A_374 = arith.constant 0 : i32
    %dma_wait3A_375 = arith.constant 0 : i32
    %dma_wait3A_376 = tpu.memref_slice %arg6[%dma_wait3A_374, %dma_wait3A_375] : memref<100000x32xf32, #tpu.memory_space<hbm>> -> memref<100000x32xf32, #tpu.memory_space<hbm>>
    tpu.wait_indirect_dma semaphore(%arg34 : memref<!tpu.dma_semaphore, #tpu.memory_space<semaphore_mem>>) src(%dma_wait3A_376 : memref<100000x32xf32, #tpu.memory_space<hbm>>) dst(%dma_wait3A_370 : memref<128x32xf32, #tpu.memory_space<vmem>>)
    %dma_wait3A_377 = arith.constant 3 : i32
    %dma_wait3A_378 = arith.constant 2 : i32
    %dma_wait3A_379 = arith.constant 256 : i32
    %dma_wait3A_380 = arith.constant 0 : i32
    %dma_wait3A_381 = tpu.memref_slice %arg32[%dma_wait3A_379, %dma_wait3A_380] : memref<512x32xf32, #tpu.memory_space<vmem>> -> memref<128x32xf32, #tpu.memory_space<vmem>>
    %dma_wait3A_382 = arith.constant 0 : i32
    %dma_wait3A_383 = tpu.memref_slice %arg30[%dma_wait3A_377, %dma_wait3A_378, %dma_wait3A_382] : memref<26x4x128xi32, #tpu.memory_space<vmem>> -> memref<1x1x128xi32, #tpu.memory_space<vmem>>
    %dma_wait3A_384 = tpu.memref_squeeze %dma_wait3A_383 : memref<1x1x128xi32, #tpu.memory_space<vmem>> -> memref<128xi32, #tpu.memory_space<vmem>>
    %dma_wait3A_385 = arith.constant 0 : i32
    %dma_wait3A_386 = arith.constant 0 : i32
    %dma_wait3A_387 = tpu.memref_slice %arg6[%dma_wait3A_385, %dma_wait3A_386] : memref<100000x32xf32, #tpu.memory_space<hbm>> -> memref<100000x32xf32, #tpu.memory_space<hbm>>
    tpu.wait_indirect_dma semaphore(%arg34 : memref<!tpu.dma_semaphore, #tpu.memory_space<semaphore_mem>>) src(%dma_wait3A_387 : memref<100000x32xf32, #tpu.memory_space<hbm>>) dst(%dma_wait3A_381 : memref<128x32xf32, #tpu.memory_space<vmem>>)
    %dma_wait3A_388 = arith.constant 3 : i32
    %dma_wait3A_389 = arith.constant 3 : i32
    %dma_wait3A_390 = arith.constant 384 : i32
    %dma_wait3A_391 = arith.constant 0 : i32
    %dma_wait3A_392 = tpu.memref_slice %arg32[%dma_wait3A_390, %dma_wait3A_391] : memref<512x32xf32, #tpu.memory_space<vmem>> -> memref<128x32xf32, #tpu.memory_space<vmem>>
    %dma_wait3A_393 = arith.constant 0 : i32
    %dma_wait3A_394 = tpu.memref_slice %arg30[%dma_wait3A_388, %dma_wait3A_389, %dma_wait3A_393] : memref<26x4x128xi32, #tpu.memory_space<vmem>> -> memref<1x1x128xi32, #tpu.memory_space<vmem>>
    %dma_wait3A_395 = tpu.memref_squeeze %dma_wait3A_394 : memref<1x1x128xi32, #tpu.memory_space<vmem>> -> memref<128xi32, #tpu.memory_space<vmem>>
    %dma_wait3A_396 = arith.constant 0 : i32
    %dma_wait3A_397 = arith.constant 0 : i32
    %dma_wait3A_398 = tpu.memref_slice %arg6[%dma_wait3A_396, %dma_wait3A_397] : memref<100000x32xf32, #tpu.memory_space<hbm>> -> memref<100000x32xf32, #tpu.memory_space<hbm>>
    tpu.wait_indirect_dma semaphore(%arg34 : memref<!tpu.dma_semaphore, #tpu.memory_space<semaphore_mem>>) src(%dma_wait3A_398 : memref<100000x32xf32, #tpu.memory_space<hbm>>) dst(%dma_wait3A_392 : memref<128x32xf32, #tpu.memory_space<vmem>>)
    "tpu.region"() ({
      %run_scoped3A = tpu.sem_alloc : memref<!tpu.dma_semaphore, #tpu.memory_space<semaphore_mem>>
      %dma_start3A_2291 = arith.constant 96 : i32
      %dma_start3A_2292 = tpu.memref_slice %arg29[%mul3A_2, %dma_start3A_2291] : memref<16384x832xf32, #tpu.memory_space<hbm>> -> memref<512x32xf32, #tpu.memory_space<hbm>>
      %dma_start3A_2293 = arith.constant 96 : i32
      %dma_start3A_2294 = tpu.memref_slice %arg29[%mul3A_2, %dma_start3A_2293] : memref<16384x832xf32, #tpu.memory_space<hbm>> -> memref<512x32xf32, #tpu.memory_space<hbm>>
      tpu.enqueue_dma source(%arg32 : memref<512x32xf32, #tpu.memory_space<vmem>>) target(%dma_start3A_2294 : memref<512x32xf32, #tpu.memory_space<hbm>>) target_semaphore(%run_scoped3A : memref<!tpu.dma_semaphore, #tpu.memory_space<semaphore_mem>>)
      %dma_wait3A_2295 = arith.constant 96 : i32
      %dma_wait3A_2296 = tpu.memref_slice %arg29[%mul3A_2, %dma_wait3A_2295] : memref<16384x832xf32, #tpu.memory_space<hbm>> -> memref<512x32xf32, #tpu.memory_space<hbm>>
      %dma_wait3A_2297 = arith.constant 96 : i32
      %dma_wait3A_2298 = tpu.memref_slice %arg29[%mul3A_2, %dma_wait3A_2297] : memref<16384x832xf32, #tpu.memory_space<hbm>> -> memref<512x32xf32, #tpu.memory_space<hbm>>
      tpu.wait_dma2 semaphore(%run_scoped3A : memref<!tpu.dma_semaphore, #tpu.memory_space<semaphore_mem>>) src(%arg32 : memref<512x32xf32, #tpu.memory_space<vmem>>) dst(%dma_wait3A_2298 : memref<512x32xf32, #tpu.memory_space<hbm>>)
      tpu.yield
    }) : () -> ()
    %dma_start3A_399 = arith.constant 5 : i32
    %dma_start3A_400 = arith.constant 0 : i32
    %dma_start3A_401 = arith.constant 0 : i32
    %dma_start3A_402 = arith.constant 0 : i32
    %dma_start3A_403 = tpu.memref_slice %arg32[%dma_start3A_401, %dma_start3A_402] : memref<512x32xf32, #tpu.memory_space<vmem>> -> memref<128x32xf32, #tpu.memory_space<vmem>>
    %dma_start3A_404 = arith.constant 0 : i32
    %dma_start3A_405 = tpu.memref_slice %arg30[%dma_start3A_399, %dma_start3A_400, %dma_start3A_404] : memref<26x4x128xi32, #tpu.memory_space<vmem>> -> memref<1x1x128xi32, #tpu.memory_space<vmem>>
    %dma_start3A_406 = tpu.memref_squeeze %dma_start3A_405 : memref<1x1x128xi32, #tpu.memory_space<vmem>> -> memref<128xi32, #tpu.memory_space<vmem>>
    %dma_start3A_407 = arith.constant 0 : i32
    %dma_start3A_408 = arith.constant 0 : i32
    %dma_start3A_409 = tpu.memref_slice %arg8[%dma_start3A_407, %dma_start3A_408] : memref<100000x32xf32, #tpu.memory_space<hbm>> -> memref<100000x32xf32, #tpu.memory_space<hbm>>
    tpu.enqueue_indirect_dma source(%dma_start3A_409 : memref<100000x32xf32, #tpu.memory_space<hbm>>) target(%dma_start3A_403 : memref<128x32xf32, #tpu.memory_space<vmem>>) offsets(%dma_start3A_406 : memref<128xi32, #tpu.memory_space<vmem>>) semaphore(%arg34 : memref<!tpu.dma_semaphore, #tpu.memory_space<semaphore_mem>>)
    %dma_start3A_410 = arith.constant 5 : i32
    %dma_start3A_411 = arith.constant 1 : i32
    %dma_start3A_412 = arith.constant 128 : i32
    %dma_start3A_413 = arith.constant 0 : i32
    %dma_start3A_414 = tpu.memref_slice %arg32[%dma_start3A_412, %dma_start3A_413] : memref<512x32xf32, #tpu.memory_space<vmem>> -> memref<128x32xf32, #tpu.memory_space<vmem>>
    %dma_start3A_415 = arith.constant 0 : i32
    %dma_start3A_416 = tpu.memref_slice %arg30[%dma_start3A_410, %dma_start3A_411, %dma_start3A_415] : memref<26x4x128xi32, #tpu.memory_space<vmem>> -> memref<1x1x128xi32, #tpu.memory_space<vmem>>
    %dma_start3A_417 = tpu.memref_squeeze %dma_start3A_416 : memref<1x1x128xi32, #tpu.memory_space<vmem>> -> memref<128xi32, #tpu.memory_space<vmem>>
    %dma_start3A_418 = arith.constant 0 : i32
    %dma_start3A_419 = arith.constant 0 : i32
    %dma_start3A_420 = tpu.memref_slice %arg8[%dma_start3A_418, %dma_start3A_419] : memref<100000x32xf32, #tpu.memory_space<hbm>> -> memref<100000x32xf32, #tpu.memory_space<hbm>>
    tpu.enqueue_indirect_dma source(%dma_start3A_420 : memref<100000x32xf32, #tpu.memory_space<hbm>>) target(%dma_start3A_414 : memref<128x32xf32, #tpu.memory_space<vmem>>) offsets(%dma_start3A_417 : memref<128xi32, #tpu.memory_space<vmem>>) semaphore(%arg34 : memref<!tpu.dma_semaphore, #tpu.memory_space<semaphore_mem>>)
    %dma_start3A_421 = arith.constant 5 : i32
    %dma_start3A_422 = arith.constant 2 : i32
    %dma_start3A_423 = arith.constant 256 : i32
    %dma_start3A_424 = arith.constant 0 : i32
    %dma_start3A_425 = tpu.memref_slice %arg32[%dma_start3A_423, %dma_start3A_424] : memref<512x32xf32, #tpu.memory_space<vmem>> -> memref<128x32xf32, #tpu.memory_space<vmem>>
    %dma_start3A_426 = arith.constant 0 : i32
    %dma_start3A_427 = tpu.memref_slice %arg30[%dma_start3A_421, %dma_start3A_422, %dma_start3A_426] : memref<26x4x128xi32, #tpu.memory_space<vmem>> -> memref<1x1x128xi32, #tpu.memory_space<vmem>>
    %dma_start3A_428 = tpu.memref_squeeze %dma_start3A_427 : memref<1x1x128xi32, #tpu.memory_space<vmem>> -> memref<128xi32, #tpu.memory_space<vmem>>
    %dma_start3A_429 = arith.constant 0 : i32
    %dma_start3A_430 = arith.constant 0 : i32
    %dma_start3A_431 = tpu.memref_slice %arg8[%dma_start3A_429, %dma_start3A_430] : memref<100000x32xf32, #tpu.memory_space<hbm>> -> memref<100000x32xf32, #tpu.memory_space<hbm>>
    tpu.enqueue_indirect_dma source(%dma_start3A_431 : memref<100000x32xf32, #tpu.memory_space<hbm>>) target(%dma_start3A_425 : memref<128x32xf32, #tpu.memory_space<vmem>>) offsets(%dma_start3A_428 : memref<128xi32, #tpu.memory_space<vmem>>) semaphore(%arg34 : memref<!tpu.dma_semaphore, #tpu.memory_space<semaphore_mem>>)
    %dma_start3A_432 = arith.constant 5 : i32
    %dma_start3A_433 = arith.constant 3 : i32
    %dma_start3A_434 = arith.constant 384 : i32
    %dma_start3A_435 = arith.constant 0 : i32
    %dma_start3A_436 = tpu.memref_slice %arg32[%dma_start3A_434, %dma_start3A_435] : memref<512x32xf32, #tpu.memory_space<vmem>> -> memref<128x32xf32, #tpu.memory_space<vmem>>
    %dma_start3A_437 = arith.constant 0 : i32
    %dma_start3A_438 = tpu.memref_slice %arg30[%dma_start3A_432, %dma_start3A_433, %dma_start3A_437] : memref<26x4x128xi32, #tpu.memory_space<vmem>> -> memref<1x1x128xi32, #tpu.memory_space<vmem>>
    %dma_start3A_439 = tpu.memref_squeeze %dma_start3A_438 : memref<1x1x128xi32, #tpu.memory_space<vmem>> -> memref<128xi32, #tpu.memory_space<vmem>>
    %dma_start3A_440 = arith.constant 0 : i32
    %dma_start3A_441 = arith.constant 0 : i32
    %dma_start3A_442 = tpu.memref_slice %arg8[%dma_start3A_440, %dma_start3A_441] : memref<100000x32xf32, #tpu.memory_space<hbm>> -> memref<100000x32xf32, #tpu.memory_space<hbm>>
    tpu.enqueue_indirect_dma source(%dma_start3A_442 : memref<100000x32xf32, #tpu.memory_space<hbm>>) target(%dma_start3A_436 : memref<128x32xf32, #tpu.memory_space<vmem>>) offsets(%dma_start3A_439 : memref<128xi32, #tpu.memory_space<vmem>>) semaphore(%arg34 : memref<!tpu.dma_semaphore, #tpu.memory_space<semaphore_mem>>)
    %dma_wait3A_443 = arith.constant 4 : i32
    %dma_wait3A_444 = arith.constant 0 : i32
    %dma_wait3A_445 = arith.constant 0 : i32
    %dma_wait3A_446 = arith.constant 0 : i32
    %dma_wait3A_447 = tpu.memref_slice %arg31[%dma_wait3A_445, %dma_wait3A_446] : memref<512x32xf32, #tpu.memory_space<vmem>> -> memref<128x32xf32, #tpu.memory_space<vmem>>
    %dma_wait3A_448 = arith.constant 0 : i32
    %dma_wait3A_449 = tpu.memref_slice %arg30[%dma_wait3A_443, %dma_wait3A_444, %dma_wait3A_448] : memref<26x4x128xi32, #tpu.memory_space<vmem>> -> memref<1x1x128xi32, #tpu.memory_space<vmem>>
    %dma_wait3A_450 = tpu.memref_squeeze %dma_wait3A_449 : memref<1x1x128xi32, #tpu.memory_space<vmem>> -> memref<128xi32, #tpu.memory_space<vmem>>
    %dma_wait3A_451 = arith.constant 0 : i32
    %dma_wait3A_452 = arith.constant 0 : i32
    %dma_wait3A_453 = tpu.memref_slice %arg7[%dma_wait3A_451, %dma_wait3A_452] : memref<100000x32xf32, #tpu.memory_space<hbm>> -> memref<100000x32xf32, #tpu.memory_space<hbm>>
    tpu.wait_indirect_dma semaphore(%arg33 : memref<!tpu.dma_semaphore, #tpu.memory_space<semaphore_mem>>) src(%dma_wait3A_453 : memref<100000x32xf32, #tpu.memory_space<hbm>>) dst(%dma_wait3A_447 : memref<128x32xf32, #tpu.memory_space<vmem>>)
    %dma_wait3A_454 = arith.constant 4 : i32
    %dma_wait3A_455 = arith.constant 1 : i32
    %dma_wait3A_456 = arith.constant 128 : i32
    %dma_wait3A_457 = arith.constant 0 : i32
    %dma_wait3A_458 = tpu.memref_slice %arg31[%dma_wait3A_456, %dma_wait3A_457] : memref<512x32xf32, #tpu.memory_space<vmem>> -> memref<128x32xf32, #tpu.memory_space<vmem>>
    %dma_wait3A_459 = arith.constant 0 : i32
    %dma_wait3A_460 = tpu.memref_slice %arg30[%dma_wait3A_454, %dma_wait3A_455, %dma_wait3A_459] : memref<26x4x128xi32, #tpu.memory_space<vmem>> -> memref<1x1x128xi32, #tpu.memory_space<vmem>>
    %dma_wait3A_461 = tpu.memref_squeeze %dma_wait3A_460 : memref<1x1x128xi32, #tpu.memory_space<vmem>> -> memref<128xi32, #tpu.memory_space<vmem>>
    %dma_wait3A_462 = arith.constant 0 : i32
    %dma_wait3A_463 = arith.constant 0 : i32
    %dma_wait3A_464 = tpu.memref_slice %arg7[%dma_wait3A_462, %dma_wait3A_463] : memref<100000x32xf32, #tpu.memory_space<hbm>> -> memref<100000x32xf32, #tpu.memory_space<hbm>>
    tpu.wait_indirect_dma semaphore(%arg33 : memref<!tpu.dma_semaphore, #tpu.memory_space<semaphore_mem>>) src(%dma_wait3A_464 : memref<100000x32xf32, #tpu.memory_space<hbm>>) dst(%dma_wait3A_458 : memref<128x32xf32, #tpu.memory_space<vmem>>)
    %dma_wait3A_465 = arith.constant 4 : i32
    %dma_wait3A_466 = arith.constant 2 : i32
    %dma_wait3A_467 = arith.constant 256 : i32
    %dma_wait3A_468 = arith.constant 0 : i32
    %dma_wait3A_469 = tpu.memref_slice %arg31[%dma_wait3A_467, %dma_wait3A_468] : memref<512x32xf32, #tpu.memory_space<vmem>> -> memref<128x32xf32, #tpu.memory_space<vmem>>
    %dma_wait3A_470 = arith.constant 0 : i32
    %dma_wait3A_471 = tpu.memref_slice %arg30[%dma_wait3A_465, %dma_wait3A_466, %dma_wait3A_470] : memref<26x4x128xi32, #tpu.memory_space<vmem>> -> memref<1x1x128xi32, #tpu.memory_space<vmem>>
    %dma_wait3A_472 = tpu.memref_squeeze %dma_wait3A_471 : memref<1x1x128xi32, #tpu.memory_space<vmem>> -> memref<128xi32, #tpu.memory_space<vmem>>
    %dma_wait3A_473 = arith.constant 0 : i32
    %dma_wait3A_474 = arith.constant 0 : i32
    %dma_wait3A_475 = tpu.memref_slice %arg7[%dma_wait3A_473, %dma_wait3A_474] : memref<100000x32xf32, #tpu.memory_space<hbm>> -> memref<100000x32xf32, #tpu.memory_space<hbm>>
    tpu.wait_indirect_dma semaphore(%arg33 : memref<!tpu.dma_semaphore, #tpu.memory_space<semaphore_mem>>) src(%dma_wait3A_475 : memref<100000x32xf32, #tpu.memory_space<hbm>>) dst(%dma_wait3A_469 : memref<128x32xf32, #tpu.memory_space<vmem>>)
    %dma_wait3A_476 = arith.constant 4 : i32
    %dma_wait3A_477 = arith.constant 3 : i32
    %dma_wait3A_478 = arith.constant 384 : i32
    %dma_wait3A_479 = arith.constant 0 : i32
    %dma_wait3A_480 = tpu.memref_slice %arg31[%dma_wait3A_478, %dma_wait3A_479] : memref<512x32xf32, #tpu.memory_space<vmem>> -> memref<128x32xf32, #tpu.memory_space<vmem>>
    %dma_wait3A_481 = arith.constant 0 : i32
    %dma_wait3A_482 = tpu.memref_slice %arg30[%dma_wait3A_476, %dma_wait3A_477, %dma_wait3A_481] : memref<26x4x128xi32, #tpu.memory_space<vmem>> -> memref<1x1x128xi32, #tpu.memory_space<vmem>>
    %dma_wait3A_483 = tpu.memref_squeeze %dma_wait3A_482 : memref<1x1x128xi32, #tpu.memory_space<vmem>> -> memref<128xi32, #tpu.memory_space<vmem>>
    %dma_wait3A_484 = arith.constant 0 : i32
    %dma_wait3A_485 = arith.constant 0 : i32
    %dma_wait3A_486 = tpu.memref_slice %arg7[%dma_wait3A_484, %dma_wait3A_485] : memref<100000x32xf32, #tpu.memory_space<hbm>> -> memref<100000x32xf32, #tpu.memory_space<hbm>>
    tpu.wait_indirect_dma semaphore(%arg33 : memref<!tpu.dma_semaphore, #tpu.memory_space<semaphore_mem>>) src(%dma_wait3A_486 : memref<100000x32xf32, #tpu.memory_space<hbm>>) dst(%dma_wait3A_480 : memref<128x32xf32, #tpu.memory_space<vmem>>)
    "tpu.region"() ({
      %run_scoped3A = tpu.sem_alloc : memref<!tpu.dma_semaphore, #tpu.memory_space<semaphore_mem>>
      %dma_start3A_2291 = arith.constant 128 : i32
      %dma_start3A_2292 = tpu.memref_slice %arg29[%mul3A_2, %dma_start3A_2291] : memref<16384x832xf32, #tpu.memory_space<hbm>> -> memref<512x32xf32, #tpu.memory_space<hbm>>
      %dma_start3A_2293 = arith.constant 128 : i32
      %dma_start3A_2294 = tpu.memref_slice %arg29[%mul3A_2, %dma_start3A_2293] : memref<16384x832xf32, #tpu.memory_space<hbm>> -> memref<512x32xf32, #tpu.memory_space<hbm>>
      tpu.enqueue_dma source(%arg31 : memref<512x32xf32, #tpu.memory_space<vmem>>) target(%dma_start3A_2294 : memref<512x32xf32, #tpu.memory_space<hbm>>) target_semaphore(%run_scoped3A : memref<!tpu.dma_semaphore, #tpu.memory_space<semaphore_mem>>)
      %dma_wait3A_2295 = arith.constant 128 : i32
      %dma_wait3A_2296 = tpu.memref_slice %arg29[%mul3A_2, %dma_wait3A_2295] : memref<16384x832xf32, #tpu.memory_space<hbm>> -> memref<512x32xf32, #tpu.memory_space<hbm>>
      %dma_wait3A_2297 = arith.constant 128 : i32
      %dma_wait3A_2298 = tpu.memref_slice %arg29[%mul3A_2, %dma_wait3A_2297] : memref<16384x832xf32, #tpu.memory_space<hbm>> -> memref<512x32xf32, #tpu.memory_space<hbm>>
      tpu.wait_dma2 semaphore(%run_scoped3A : memref<!tpu.dma_semaphore, #tpu.memory_space<semaphore_mem>>) src(%arg31 : memref<512x32xf32, #tpu.memory_space<vmem>>) dst(%dma_wait3A_2298 : memref<512x32xf32, #tpu.memory_space<hbm>>)
      tpu.yield
    }) : () -> ()
    %dma_start3A_487 = arith.constant 6 : i32
    %dma_start3A_488 = arith.constant 0 : i32
    %dma_start3A_489 = arith.constant 0 : i32
    %dma_start3A_490 = arith.constant 0 : i32
    %dma_start3A_491 = tpu.memref_slice %arg31[%dma_start3A_489, %dma_start3A_490] : memref<512x32xf32, #tpu.memory_space<vmem>> -> memref<128x32xf32, #tpu.memory_space<vmem>>
    %dma_start3A_492 = arith.constant 0 : i32
    %dma_start3A_493 = tpu.memref_slice %arg30[%dma_start3A_487, %dma_start3A_488, %dma_start3A_492] : memref<26x4x128xi32, #tpu.memory_space<vmem>> -> memref<1x1x128xi32, #tpu.memory_space<vmem>>
    %dma_start3A_494 = tpu.memref_squeeze %dma_start3A_493 : memref<1x1x128xi32, #tpu.memory_space<vmem>> -> memref<128xi32, #tpu.memory_space<vmem>>
    %dma_start3A_495 = arith.constant 0 : i32
    %dma_start3A_496 = arith.constant 0 : i32
    %dma_start3A_497 = tpu.memref_slice %arg9[%dma_start3A_495, %dma_start3A_496] : memref<100000x32xf32, #tpu.memory_space<hbm>> -> memref<100000x32xf32, #tpu.memory_space<hbm>>
    tpu.enqueue_indirect_dma source(%dma_start3A_497 : memref<100000x32xf32, #tpu.memory_space<hbm>>) target(%dma_start3A_491 : memref<128x32xf32, #tpu.memory_space<vmem>>) offsets(%dma_start3A_494 : memref<128xi32, #tpu.memory_space<vmem>>) semaphore(%arg33 : memref<!tpu.dma_semaphore, #tpu.memory_space<semaphore_mem>>)
    %dma_start3A_498 = arith.constant 6 : i32
    %dma_start3A_499 = arith.constant 1 : i32
    %dma_start3A_500 = arith.constant 128 : i32
    %dma_start3A_501 = arith.constant 0 : i32
    %dma_start3A_502 = tpu.memref_slice %arg31[%dma_start3A_500, %dma_start3A_501] : memref<512x32xf32, #tpu.memory_space<vmem>> -> memref<128x32xf32, #tpu.memory_space<vmem>>
    %dma_start3A_503 = arith.constant 0 : i32
    %dma_start3A_504 = tpu.memref_slice %arg30[%dma_start3A_498, %dma_start3A_499, %dma_start3A_503] : memref<26x4x128xi32, #tpu.memory_space<vmem>> -> memref<1x1x128xi32, #tpu.memory_space<vmem>>
    %dma_start3A_505 = tpu.memref_squeeze %dma_start3A_504 : memref<1x1x128xi32, #tpu.memory_space<vmem>> -> memref<128xi32, #tpu.memory_space<vmem>>
    %dma_start3A_506 = arith.constant 0 : i32
    %dma_start3A_507 = arith.constant 0 : i32
    %dma_start3A_508 = tpu.memref_slice %arg9[%dma_start3A_506, %dma_start3A_507] : memref<100000x32xf32, #tpu.memory_space<hbm>> -> memref<100000x32xf32, #tpu.memory_space<hbm>>
    tpu.enqueue_indirect_dma source(%dma_start3A_508 : memref<100000x32xf32, #tpu.memory_space<hbm>>) target(%dma_start3A_502 : memref<128x32xf32, #tpu.memory_space<vmem>>) offsets(%dma_start3A_505 : memref<128xi32, #tpu.memory_space<vmem>>) semaphore(%arg33 : memref<!tpu.dma_semaphore, #tpu.memory_space<semaphore_mem>>)
    %dma_start3A_509 = arith.constant 6 : i32
    %dma_start3A_510 = arith.constant 2 : i32
    %dma_start3A_511 = arith.constant 256 : i32
    %dma_start3A_512 = arith.constant 0 : i32
    %dma_start3A_513 = tpu.memref_slice %arg31[%dma_start3A_511, %dma_start3A_512] : memref<512x32xf32, #tpu.memory_space<vmem>> -> memref<128x32xf32, #tpu.memory_space<vmem>>
    %dma_start3A_514 = arith.constant 0 : i32
    %dma_start3A_515 = tpu.memref_slice %arg30[%dma_start3A_509, %dma_start3A_510, %dma_start3A_514] : memref<26x4x128xi32, #tpu.memory_space<vmem>> -> memref<1x1x128xi32, #tpu.memory_space<vmem>>
    %dma_start3A_516 = tpu.memref_squeeze %dma_start3A_515 : memref<1x1x128xi32, #tpu.memory_space<vmem>> -> memref<128xi32, #tpu.memory_space<vmem>>
    %dma_start3A_517 = arith.constant 0 : i32
    %dma_start3A_518 = arith.constant 0 : i32
    %dma_start3A_519 = tpu.memref_slice %arg9[%dma_start3A_517, %dma_start3A_518] : memref<100000x32xf32, #tpu.memory_space<hbm>> -> memref<100000x32xf32, #tpu.memory_space<hbm>>
    tpu.enqueue_indirect_dma source(%dma_start3A_519 : memref<100000x32xf32, #tpu.memory_space<hbm>>) target(%dma_start3A_513 : memref<128x32xf32, #tpu.memory_space<vmem>>) offsets(%dma_start3A_516 : memref<128xi32, #tpu.memory_space<vmem>>) semaphore(%arg33 : memref<!tpu.dma_semaphore, #tpu.memory_space<semaphore_mem>>)
    %dma_start3A_520 = arith.constant 6 : i32
    %dma_start3A_521 = arith.constant 3 : i32
    %dma_start3A_522 = arith.constant 384 : i32
    %dma_start3A_523 = arith.constant 0 : i32
    %dma_start3A_524 = tpu.memref_slice %arg31[%dma_start3A_522, %dma_start3A_523] : memref<512x32xf32, #tpu.memory_space<vmem>> -> memref<128x32xf32, #tpu.memory_space<vmem>>
    %dma_start3A_525 = arith.constant 0 : i32
    %dma_start3A_526 = tpu.memref_slice %arg30[%dma_start3A_520, %dma_start3A_521, %dma_start3A_525] : memref<26x4x128xi32, #tpu.memory_space<vmem>> -> memref<1x1x128xi32, #tpu.memory_space<vmem>>
    %dma_start3A_527 = tpu.memref_squeeze %dma_start3A_526 : memref<1x1x128xi32, #tpu.memory_space<vmem>> -> memref<128xi32, #tpu.memory_space<vmem>>
    %dma_start3A_528 = arith.constant 0 : i32
    %dma_start3A_529 = arith.constant 0 : i32
    %dma_start3A_530 = tpu.memref_slice %arg9[%dma_start3A_528, %dma_start3A_529] : memref<100000x32xf32, #tpu.memory_space<hbm>> -> memref<100000x32xf32, #tpu.memory_space<hbm>>
    tpu.enqueue_indirect_dma source(%dma_start3A_530 : memref<100000x32xf32, #tpu.memory_space<hbm>>) target(%dma_start3A_524 : memref<128x32xf32, #tpu.memory_space<vmem>>) offsets(%dma_start3A_527 : memref<128xi32, #tpu.memory_space<vmem>>) semaphore(%arg33 : memref<!tpu.dma_semaphore, #tpu.memory_space<semaphore_mem>>)
    %dma_wait3A_531 = arith.constant 5 : i32
    %dma_wait3A_532 = arith.constant 0 : i32
    %dma_wait3A_533 = arith.constant 0 : i32
    %dma_wait3A_534 = arith.constant 0 : i32
    %dma_wait3A_535 = tpu.memref_slice %arg32[%dma_wait3A_533, %dma_wait3A_534] : memref<512x32xf32, #tpu.memory_space<vmem>> -> memref<128x32xf32, #tpu.memory_space<vmem>>
    %dma_wait3A_536 = arith.constant 0 : i32
    %dma_wait3A_537 = tpu.memref_slice %arg30[%dma_wait3A_531, %dma_wait3A_532, %dma_wait3A_536] : memref<26x4x128xi32, #tpu.memory_space<vmem>> -> memref<1x1x128xi32, #tpu.memory_space<vmem>>
    %dma_wait3A_538 = tpu.memref_squeeze %dma_wait3A_537 : memref<1x1x128xi32, #tpu.memory_space<vmem>> -> memref<128xi32, #tpu.memory_space<vmem>>
    %dma_wait3A_539 = arith.constant 0 : i32
    %dma_wait3A_540 = arith.constant 0 : i32
    %dma_wait3A_541 = tpu.memref_slice %arg8[%dma_wait3A_539, %dma_wait3A_540] : memref<100000x32xf32, #tpu.memory_space<hbm>> -> memref<100000x32xf32, #tpu.memory_space<hbm>>
    tpu.wait_indirect_dma semaphore(%arg34 : memref<!tpu.dma_semaphore, #tpu.memory_space<semaphore_mem>>) src(%dma_wait3A_541 : memref<100000x32xf32, #tpu.memory_space<hbm>>) dst(%dma_wait3A_535 : memref<128x32xf32, #tpu.memory_space<vmem>>)
    %dma_wait3A_542 = arith.constant 5 : i32
    %dma_wait3A_543 = arith.constant 1 : i32
    %dma_wait3A_544 = arith.constant 128 : i32
    %dma_wait3A_545 = arith.constant 0 : i32
    %dma_wait3A_546 = tpu.memref_slice %arg32[%dma_wait3A_544, %dma_wait3A_545] : memref<512x32xf32, #tpu.memory_space<vmem>> -> memref<128x32xf32, #tpu.memory_space<vmem>>
    %dma_wait3A_547 = arith.constant 0 : i32
    %dma_wait3A_548 = tpu.memref_slice %arg30[%dma_wait3A_542, %dma_wait3A_543, %dma_wait3A_547] : memref<26x4x128xi32, #tpu.memory_space<vmem>> -> memref<1x1x128xi32, #tpu.memory_space<vmem>>
    %dma_wait3A_549 = tpu.memref_squeeze %dma_wait3A_548 : memref<1x1x128xi32, #tpu.memory_space<vmem>> -> memref<128xi32, #tpu.memory_space<vmem>>
    %dma_wait3A_550 = arith.constant 0 : i32
    %dma_wait3A_551 = arith.constant 0 : i32
    %dma_wait3A_552 = tpu.memref_slice %arg8[%dma_wait3A_550, %dma_wait3A_551] : memref<100000x32xf32, #tpu.memory_space<hbm>> -> memref<100000x32xf32, #tpu.memory_space<hbm>>
    tpu.wait_indirect_dma semaphore(%arg34 : memref<!tpu.dma_semaphore, #tpu.memory_space<semaphore_mem>>) src(%dma_wait3A_552 : memref<100000x32xf32, #tpu.memory_space<hbm>>) dst(%dma_wait3A_546 : memref<128x32xf32, #tpu.memory_space<vmem>>)
    %dma_wait3A_553 = arith.constant 5 : i32
    %dma_wait3A_554 = arith.constant 2 : i32
    %dma_wait3A_555 = arith.constant 256 : i32
    %dma_wait3A_556 = arith.constant 0 : i32
    %dma_wait3A_557 = tpu.memref_slice %arg32[%dma_wait3A_555, %dma_wait3A_556] : memref<512x32xf32, #tpu.memory_space<vmem>> -> memref<128x32xf32, #tpu.memory_space<vmem>>
    %dma_wait3A_558 = arith.constant 0 : i32
    %dma_wait3A_559 = tpu.memref_slice %arg30[%dma_wait3A_553, %dma_wait3A_554, %dma_wait3A_558] : memref<26x4x128xi32, #tpu.memory_space<vmem>> -> memref<1x1x128xi32, #tpu.memory_space<vmem>>
    %dma_wait3A_560 = tpu.memref_squeeze %dma_wait3A_559 : memref<1x1x128xi32, #tpu.memory_space<vmem>> -> memref<128xi32, #tpu.memory_space<vmem>>
    %dma_wait3A_561 = arith.constant 0 : i32
    %dma_wait3A_562 = arith.constant 0 : i32
    %dma_wait3A_563 = tpu.memref_slice %arg8[%dma_wait3A_561, %dma_wait3A_562] : memref<100000x32xf32, #tpu.memory_space<hbm>> -> memref<100000x32xf32, #tpu.memory_space<hbm>>
    tpu.wait_indirect_dma semaphore(%arg34 : memref<!tpu.dma_semaphore, #tpu.memory_space<semaphore_mem>>) src(%dma_wait3A_563 : memref<100000x32xf32, #tpu.memory_space<hbm>>) dst(%dma_wait3A_557 : memref<128x32xf32, #tpu.memory_space<vmem>>)
    %dma_wait3A_564 = arith.constant 5 : i32
    %dma_wait3A_565 = arith.constant 3 : i32
    %dma_wait3A_566 = arith.constant 384 : i32
    %dma_wait3A_567 = arith.constant 0 : i32
    %dma_wait3A_568 = tpu.memref_slice %arg32[%dma_wait3A_566, %dma_wait3A_567] : memref<512x32xf32, #tpu.memory_space<vmem>> -> memref<128x32xf32, #tpu.memory_space<vmem>>
    %dma_wait3A_569 = arith.constant 0 : i32
    %dma_wait3A_570 = tpu.memref_slice %arg30[%dma_wait3A_564, %dma_wait3A_565, %dma_wait3A_569] : memref<26x4x128xi32, #tpu.memory_space<vmem>> -> memref<1x1x128xi32, #tpu.memory_space<vmem>>
    %dma_wait3A_571 = tpu.memref_squeeze %dma_wait3A_570 : memref<1x1x128xi32, #tpu.memory_space<vmem>> -> memref<128xi32, #tpu.memory_space<vmem>>
    %dma_wait3A_572 = arith.constant 0 : i32
    %dma_wait3A_573 = arith.constant 0 : i32
    %dma_wait3A_574 = tpu.memref_slice %arg8[%dma_wait3A_572, %dma_wait3A_573] : memref<100000x32xf32, #tpu.memory_space<hbm>> -> memref<100000x32xf32, #tpu.memory_space<hbm>>
    tpu.wait_indirect_dma semaphore(%arg34 : memref<!tpu.dma_semaphore, #tpu.memory_space<semaphore_mem>>) src(%dma_wait3A_574 : memref<100000x32xf32, #tpu.memory_space<hbm>>) dst(%dma_wait3A_568 : memref<128x32xf32, #tpu.memory_space<vmem>>)
    "tpu.region"() ({
      %run_scoped3A = tpu.sem_alloc : memref<!tpu.dma_semaphore, #tpu.memory_space<semaphore_mem>>
      %dma_start3A_2291 = arith.constant 160 : i32
      %dma_start3A_2292 = tpu.memref_slice %arg29[%mul3A_2, %dma_start3A_2291] : memref<16384x832xf32, #tpu.memory_space<hbm>> -> memref<512x32xf32, #tpu.memory_space<hbm>>
      %dma_start3A_2293 = arith.constant 160 : i32
      %dma_start3A_2294 = tpu.memref_slice %arg29[%mul3A_2, %dma_start3A_2293] : memref<16384x832xf32, #tpu.memory_space<hbm>> -> memref<512x32xf32, #tpu.memory_space<hbm>>
      tpu.enqueue_dma source(%arg32 : memref<512x32xf32, #tpu.memory_space<vmem>>) target(%dma_start3A_2294 : memref<512x32xf32, #tpu.memory_space<hbm>>) target_semaphore(%run_scoped3A : memref<!tpu.dma_semaphore, #tpu.memory_space<semaphore_mem>>)
      %dma_wait3A_2295 = arith.constant 160 : i32
      %dma_wait3A_2296 = tpu.memref_slice %arg29[%mul3A_2, %dma_wait3A_2295] : memref<16384x832xf32, #tpu.memory_space<hbm>> -> memref<512x32xf32, #tpu.memory_space<hbm>>
      %dma_wait3A_2297 = arith.constant 160 : i32
      %dma_wait3A_2298 = tpu.memref_slice %arg29[%mul3A_2, %dma_wait3A_2297] : memref<16384x832xf32, #tpu.memory_space<hbm>> -> memref<512x32xf32, #tpu.memory_space<hbm>>
      tpu.wait_dma2 semaphore(%run_scoped3A : memref<!tpu.dma_semaphore, #tpu.memory_space<semaphore_mem>>) src(%arg32 : memref<512x32xf32, #tpu.memory_space<vmem>>) dst(%dma_wait3A_2298 : memref<512x32xf32, #tpu.memory_space<hbm>>)
      tpu.yield
    }) : () -> ()
    %dma_start3A_575 = arith.constant 7 : i32
    %dma_start3A_576 = arith.constant 0 : i32
    %dma_start3A_577 = arith.constant 0 : i32
    %dma_start3A_578 = arith.constant 0 : i32
    %dma_start3A_579 = tpu.memref_slice %arg32[%dma_start3A_577, %dma_start3A_578] : memref<512x32xf32, #tpu.memory_space<vmem>> -> memref<128x32xf32, #tpu.memory_space<vmem>>
    %dma_start3A_580 = arith.constant 0 : i32
    %dma_start3A_581 = tpu.memref_slice %arg30[%dma_start3A_575, %dma_start3A_576, %dma_start3A_580] : memref<26x4x128xi32, #tpu.memory_space<vmem>> -> memref<1x1x128xi32, #tpu.memory_space<vmem>>
    %dma_start3A_582 = tpu.memref_squeeze %dma_start3A_581 : memref<1x1x128xi32, #tpu.memory_space<vmem>> -> memref<128xi32, #tpu.memory_space<vmem>>
    %dma_start3A_583 = arith.constant 0 : i32
    %dma_start3A_584 = arith.constant 0 : i32
    %dma_start3A_585 = tpu.memref_slice %arg10[%dma_start3A_583, %dma_start3A_584] : memref<100000x32xf32, #tpu.memory_space<hbm>> -> memref<100000x32xf32, #tpu.memory_space<hbm>>
    tpu.enqueue_indirect_dma source(%dma_start3A_585 : memref<100000x32xf32, #tpu.memory_space<hbm>>) target(%dma_start3A_579 : memref<128x32xf32, #tpu.memory_space<vmem>>) offsets(%dma_start3A_582 : memref<128xi32, #tpu.memory_space<vmem>>) semaphore(%arg34 : memref<!tpu.dma_semaphore, #tpu.memory_space<semaphore_mem>>)
    %dma_start3A_586 = arith.constant 7 : i32
    %dma_start3A_587 = arith.constant 1 : i32
    %dma_start3A_588 = arith.constant 128 : i32
    %dma_start3A_589 = arith.constant 0 : i32
    %dma_start3A_590 = tpu.memref_slice %arg32[%dma_start3A_588, %dma_start3A_589] : memref<512x32xf32, #tpu.memory_space<vmem>> -> memref<128x32xf32, #tpu.memory_space<vmem>>
    %dma_start3A_591 = arith.constant 0 : i32
    %dma_start3A_592 = tpu.memref_slice %arg30[%dma_start3A_586, %dma_start3A_587, %dma_start3A_591] : memref<26x4x128xi32, #tpu.memory_space<vmem>> -> memref<1x1x128xi32, #tpu.memory_space<vmem>>
    %dma_start3A_593 = tpu.memref_squeeze %dma_start3A_592 : memref<1x1x128xi32, #tpu.memory_space<vmem>> -> memref<128xi32, #tpu.memory_space<vmem>>
    %dma_start3A_594 = arith.constant 0 : i32
    %dma_start3A_595 = arith.constant 0 : i32
    %dma_start3A_596 = tpu.memref_slice %arg10[%dma_start3A_594, %dma_start3A_595] : memref<100000x32xf32, #tpu.memory_space<hbm>> -> memref<100000x32xf32, #tpu.memory_space<hbm>>
    tpu.enqueue_indirect_dma source(%dma_start3A_596 : memref<100000x32xf32, #tpu.memory_space<hbm>>) target(%dma_start3A_590 : memref<128x32xf32, #tpu.memory_space<vmem>>) offsets(%dma_start3A_593 : memref<128xi32, #tpu.memory_space<vmem>>) semaphore(%arg34 : memref<!tpu.dma_semaphore, #tpu.memory_space<semaphore_mem>>)
    %dma_start3A_597 = arith.constant 7 : i32
    %dma_start3A_598 = arith.constant 2 : i32
    %dma_start3A_599 = arith.constant 256 : i32
    %dma_start3A_600 = arith.constant 0 : i32
    %dma_start3A_601 = tpu.memref_slice %arg32[%dma_start3A_599, %dma_start3A_600] : memref<512x32xf32, #tpu.memory_space<vmem>> -> memref<128x32xf32, #tpu.memory_space<vmem>>
    %dma_start3A_602 = arith.constant 0 : i32
    %dma_start3A_603 = tpu.memref_slice %arg30[%dma_start3A_597, %dma_start3A_598, %dma_start3A_602] : memref<26x4x128xi32, #tpu.memory_space<vmem>> -> memref<1x1x128xi32, #tpu.memory_space<vmem>>
    %dma_start3A_604 = tpu.memref_squeeze %dma_start3A_603 : memref<1x1x128xi32, #tpu.memory_space<vmem>> -> memref<128xi32, #tpu.memory_space<vmem>>
    %dma_start3A_605 = arith.constant 0 : i32
    %dma_start3A_606 = arith.constant 0 : i32
    %dma_start3A_607 = tpu.memref_slice %arg10[%dma_start3A_605, %dma_start3A_606] : memref<100000x32xf32, #tpu.memory_space<hbm>> -> memref<100000x32xf32, #tpu.memory_space<hbm>>
    tpu.enqueue_indirect_dma source(%dma_start3A_607 : memref<100000x32xf32, #tpu.memory_space<hbm>>) target(%dma_start3A_601 : memref<128x32xf32, #tpu.memory_space<vmem>>) offsets(%dma_start3A_604 : memref<128xi32, #tpu.memory_space<vmem>>) semaphore(%arg34 : memref<!tpu.dma_semaphore, #tpu.memory_space<semaphore_mem>>)
    %dma_start3A_608 = arith.constant 7 : i32
    %dma_start3A_609 = arith.constant 3 : i32
    %dma_start3A_610 = arith.constant 384 : i32
    %dma_start3A_611 = arith.constant 0 : i32
    %dma_start3A_612 = tpu.memref_slice %arg32[%dma_start3A_610, %dma_start3A_611] : memref<512x32xf32, #tpu.memory_space<vmem>> -> memref<128x32xf32, #tpu.memory_space<vmem>>
    %dma_start3A_613 = arith.constant 0 : i32
    %dma_start3A_614 = tpu.memref_slice %arg30[%dma_start3A_608, %dma_start3A_609, %dma_start3A_613] : memref<26x4x128xi32, #tpu.memory_space<vmem>> -> memref<1x1x128xi32, #tpu.memory_space<vmem>>
    %dma_start3A_615 = tpu.memref_squeeze %dma_start3A_614 : memref<1x1x128xi32, #tpu.memory_space<vmem>> -> memref<128xi32, #tpu.memory_space<vmem>>
    %dma_start3A_616 = arith.constant 0 : i32
    %dma_start3A_617 = arith.constant 0 : i32
    %dma_start3A_618 = tpu.memref_slice %arg10[%dma_start3A_616, %dma_start3A_617] : memref<100000x32xf32, #tpu.memory_space<hbm>> -> memref<100000x32xf32, #tpu.memory_space<hbm>>
    tpu.enqueue_indirect_dma source(%dma_start3A_618 : memref<100000x32xf32, #tpu.memory_space<hbm>>) target(%dma_start3A_612 : memref<128x32xf32, #tpu.memory_space<vmem>>) offsets(%dma_start3A_615 : memref<128xi32, #tpu.memory_space<vmem>>) semaphore(%arg34 : memref<!tpu.dma_semaphore, #tpu.memory_space<semaphore_mem>>)
    %dma_wait3A_619 = arith.constant 6 : i32
    %dma_wait3A_620 = arith.constant 0 : i32
    %dma_wait3A_621 = arith.constant 0 : i32
    %dma_wait3A_622 = arith.constant 0 : i32
    %dma_wait3A_623 = tpu.memref_slice %arg31[%dma_wait3A_621, %dma_wait3A_622] : memref<512x32xf32, #tpu.memory_space<vmem>> -> memref<128x32xf32, #tpu.memory_space<vmem>>
    %dma_wait3A_624 = arith.constant 0 : i32
    %dma_wait3A_625 = tpu.memref_slice %arg30[%dma_wait3A_619, %dma_wait3A_620, %dma_wait3A_624] : memref<26x4x128xi32, #tpu.memory_space<vmem>> -> memref<1x1x128xi32, #tpu.memory_space<vmem>>
    %dma_wait3A_626 = tpu.memref_squeeze %dma_wait3A_625 : memref<1x1x128xi32, #tpu.memory_space<vmem>> -> memref<128xi32, #tpu.memory_space<vmem>>
    %dma_wait3A_627 = arith.constant 0 : i32
    %dma_wait3A_628 = arith.constant 0 : i32
    %dma_wait3A_629 = tpu.memref_slice %arg9[%dma_wait3A_627, %dma_wait3A_628] : memref<100000x32xf32, #tpu.memory_space<hbm>> -> memref<100000x32xf32, #tpu.memory_space<hbm>>
    tpu.wait_indirect_dma semaphore(%arg33 : memref<!tpu.dma_semaphore, #tpu.memory_space<semaphore_mem>>) src(%dma_wait3A_629 : memref<100000x32xf32, #tpu.memory_space<hbm>>) dst(%dma_wait3A_623 : memref<128x32xf32, #tpu.memory_space<vmem>>)
    %dma_wait3A_630 = arith.constant 6 : i32
    %dma_wait3A_631 = arith.constant 1 : i32
    %dma_wait3A_632 = arith.constant 128 : i32
    %dma_wait3A_633 = arith.constant 0 : i32
    %dma_wait3A_634 = tpu.memref_slice %arg31[%dma_wait3A_632, %dma_wait3A_633] : memref<512x32xf32, #tpu.memory_space<vmem>> -> memref<128x32xf32, #tpu.memory_space<vmem>>
    %dma_wait3A_635 = arith.constant 0 : i32
    %dma_wait3A_636 = tpu.memref_slice %arg30[%dma_wait3A_630, %dma_wait3A_631, %dma_wait3A_635] : memref<26x4x128xi32, #tpu.memory_space<vmem>> -> memref<1x1x128xi32, #tpu.memory_space<vmem>>
    %dma_wait3A_637 = tpu.memref_squeeze %dma_wait3A_636 : memref<1x1x128xi32, #tpu.memory_space<vmem>> -> memref<128xi32, #tpu.memory_space<vmem>>
    %dma_wait3A_638 = arith.constant 0 : i32
    %dma_wait3A_639 = arith.constant 0 : i32
    %dma_wait3A_640 = tpu.memref_slice %arg9[%dma_wait3A_638, %dma_wait3A_639] : memref<100000x32xf32, #tpu.memory_space<hbm>> -> memref<100000x32xf32, #tpu.memory_space<hbm>>
    tpu.wait_indirect_dma semaphore(%arg33 : memref<!tpu.dma_semaphore, #tpu.memory_space<semaphore_mem>>) src(%dma_wait3A_640 : memref<100000x32xf32, #tpu.memory_space<hbm>>) dst(%dma_wait3A_634 : memref<128x32xf32, #tpu.memory_space<vmem>>)
    %dma_wait3A_641 = arith.constant 6 : i32
    %dma_wait3A_642 = arith.constant 2 : i32
    %dma_wait3A_643 = arith.constant 256 : i32
    %dma_wait3A_644 = arith.constant 0 : i32
    %dma_wait3A_645 = tpu.memref_slice %arg31[%dma_wait3A_643, %dma_wait3A_644] : memref<512x32xf32, #tpu.memory_space<vmem>> -> memref<128x32xf32, #tpu.memory_space<vmem>>
    %dma_wait3A_646 = arith.constant 0 : i32
    %dma_wait3A_647 = tpu.memref_slice %arg30[%dma_wait3A_641, %dma_wait3A_642, %dma_wait3A_646] : memref<26x4x128xi32, #tpu.memory_space<vmem>> -> memref<1x1x128xi32, #tpu.memory_space<vmem>>
    %dma_wait3A_648 = tpu.memref_squeeze %dma_wait3A_647 : memref<1x1x128xi32, #tpu.memory_space<vmem>> -> memref<128xi32, #tpu.memory_space<vmem>>
    %dma_wait3A_649 = arith.constant 0 : i32
    %dma_wait3A_650 = arith.constant 0 : i32
    %dma_wait3A_651 = tpu.memref_slice %arg9[%dma_wait3A_649, %dma_wait3A_650] : memref<100000x32xf32, #tpu.memory_space<hbm>> -> memref<100000x32xf32, #tpu.memory_space<hbm>>
    tpu.wait_indirect_dma semaphore(%arg33 : memref<!tpu.dma_semaphore, #tpu.memory_space<semaphore_mem>>) src(%dma_wait3A_651 : memref<100000x32xf32, #tpu.memory_space<hbm>>) dst(%dma_wait3A_645 : memref<128x32xf32, #tpu.memory_space<vmem>>)
    %dma_wait3A_652 = arith.constant 6 : i32
    %dma_wait3A_653 = arith.constant 3 : i32
    %dma_wait3A_654 = arith.constant 384 : i32
    %dma_wait3A_655 = arith.constant 0 : i32
    %dma_wait3A_656 = tpu.memref_slice %arg31[%dma_wait3A_654, %dma_wait3A_655] : memref<512x32xf32, #tpu.memory_space<vmem>> -> memref<128x32xf32, #tpu.memory_space<vmem>>
    %dma_wait3A_657 = arith.constant 0 : i32
    %dma_wait3A_658 = tpu.memref_slice %arg30[%dma_wait3A_652, %dma_wait3A_653, %dma_wait3A_657] : memref<26x4x128xi32, #tpu.memory_space<vmem>> -> memref<1x1x128xi32, #tpu.memory_space<vmem>>
    %dma_wait3A_659 = tpu.memref_squeeze %dma_wait3A_658 : memref<1x1x128xi32, #tpu.memory_space<vmem>> -> memref<128xi32, #tpu.memory_space<vmem>>
    %dma_wait3A_660 = arith.constant 0 : i32
    %dma_wait3A_661 = arith.constant 0 : i32
    %dma_wait3A_662 = tpu.memref_slice %arg9[%dma_wait3A_660, %dma_wait3A_661] : memref<100000x32xf32, #tpu.memory_space<hbm>> -> memref<100000x32xf32, #tpu.memory_space<hbm>>
    tpu.wait_indirect_dma semaphore(%arg33 : memref<!tpu.dma_semaphore, #tpu.memory_space<semaphore_mem>>) src(%dma_wait3A_662 : memref<100000x32xf32, #tpu.memory_space<hbm>>) dst(%dma_wait3A_656 : memref<128x32xf32, #tpu.memory_space<vmem>>)
    "tpu.region"() ({
      %run_scoped3A = tpu.sem_alloc : memref<!tpu.dma_semaphore, #tpu.memory_space<semaphore_mem>>
      %dma_start3A_2291 = arith.constant 192 : i32
      %dma_start3A_2292 = tpu.memref_slice %arg29[%mul3A_2, %dma_start3A_2291] : memref<16384x832xf32, #tpu.memory_space<hbm>> -> memref<512x32xf32, #tpu.memory_space<hbm>>
      %dma_start3A_2293 = arith.constant 192 : i32
      %dma_start3A_2294 = tpu.memref_slice %arg29[%mul3A_2, %dma_start3A_2293] : memref<16384x832xf32, #tpu.memory_space<hbm>> -> memref<512x32xf32, #tpu.memory_space<hbm>>
      tpu.enqueue_dma source(%arg31 : memref<512x32xf32, #tpu.memory_space<vmem>>) target(%dma_start3A_2294 : memref<512x32xf32, #tpu.memory_space<hbm>>) target_semaphore(%run_scoped3A : memref<!tpu.dma_semaphore, #tpu.memory_space<semaphore_mem>>)
      %dma_wait3A_2295 = arith.constant 192 : i32
      %dma_wait3A_2296 = tpu.memref_slice %arg29[%mul3A_2, %dma_wait3A_2295] : memref<16384x832xf32, #tpu.memory_space<hbm>> -> memref<512x32xf32, #tpu.memory_space<hbm>>
      %dma_wait3A_2297 = arith.constant 192 : i32
      %dma_wait3A_2298 = tpu.memref_slice %arg29[%mul3A_2, %dma_wait3A_2297] : memref<16384x832xf32, #tpu.memory_space<hbm>> -> memref<512x32xf32, #tpu.memory_space<hbm>>
      tpu.wait_dma2 semaphore(%run_scoped3A : memref<!tpu.dma_semaphore, #tpu.memory_space<semaphore_mem>>) src(%arg31 : memref<512x32xf32, #tpu.memory_space<vmem>>) dst(%dma_wait3A_2298 : memref<512x32xf32, #tpu.memory_space<hbm>>)
      tpu.yield
    }) : () -> ()
    %dma_start3A_663 = arith.constant 8 : i32
    %dma_start3A_664 = arith.constant 0 : i32
    %dma_start3A_665 = arith.constant 0 : i32
    %dma_start3A_666 = arith.constant 0 : i32
    %dma_start3A_667 = tpu.memref_slice %arg31[%dma_start3A_665, %dma_start3A_666] : memref<512x32xf32, #tpu.memory_space<vmem>> -> memref<128x32xf32, #tpu.memory_space<vmem>>
    %dma_start3A_668 = arith.constant 0 : i32
    %dma_start3A_669 = tpu.memref_slice %arg30[%dma_start3A_663, %dma_start3A_664, %dma_start3A_668] : memref<26x4x128xi32, #tpu.memory_space<vmem>> -> memref<1x1x128xi32, #tpu.memory_space<vmem>>
    %dma_start3A_670 = tpu.memref_squeeze %dma_start3A_669 : memref<1x1x128xi32, #tpu.memory_space<vmem>> -> memref<128xi32, #tpu.memory_space<vmem>>
    %dma_start3A_671 = arith.constant 0 : i32
    %dma_start3A_672 = arith.constant 0 : i32
    %dma_start3A_673 = tpu.memref_slice %arg11[%dma_start3A_671, %dma_start3A_672] : memref<100000x32xf32, #tpu.memory_space<hbm>> -> memref<100000x32xf32, #tpu.memory_space<hbm>>
    tpu.enqueue_indirect_dma source(%dma_start3A_673 : memref<100000x32xf32, #tpu.memory_space<hbm>>) target(%dma_start3A_667 : memref<128x32xf32, #tpu.memory_space<vmem>>) offsets(%dma_start3A_670 : memref<128xi32, #tpu.memory_space<vmem>>) semaphore(%arg33 : memref<!tpu.dma_semaphore, #tpu.memory_space<semaphore_mem>>)
    %dma_start3A_674 = arith.constant 8 : i32
    %dma_start3A_675 = arith.constant 1 : i32
    %dma_start3A_676 = arith.constant 128 : i32
    %dma_start3A_677 = arith.constant 0 : i32
    %dma_start3A_678 = tpu.memref_slice %arg31[%dma_start3A_676, %dma_start3A_677] : memref<512x32xf32, #tpu.memory_space<vmem>> -> memref<128x32xf32, #tpu.memory_space<vmem>>
    %dma_start3A_679 = arith.constant 0 : i32
    %dma_start3A_680 = tpu.memref_slice %arg30[%dma_start3A_674, %dma_start3A_675, %dma_start3A_679] : memref<26x4x128xi32, #tpu.memory_space<vmem>> -> memref<1x1x128xi32, #tpu.memory_space<vmem>>
    %dma_start3A_681 = tpu.memref_squeeze %dma_start3A_680 : memref<1x1x128xi32, #tpu.memory_space<vmem>> -> memref<128xi32, #tpu.memory_space<vmem>>
    %dma_start3A_682 = arith.constant 0 : i32
    %dma_start3A_683 = arith.constant 0 : i32
    %dma_start3A_684 = tpu.memref_slice %arg11[%dma_start3A_682, %dma_start3A_683] : memref<100000x32xf32, #tpu.memory_space<hbm>> -> memref<100000x32xf32, #tpu.memory_space<hbm>>
    tpu.enqueue_indirect_dma source(%dma_start3A_684 : memref<100000x32xf32, #tpu.memory_space<hbm>>) target(%dma_start3A_678 : memref<128x32xf32, #tpu.memory_space<vmem>>) offsets(%dma_start3A_681 : memref<128xi32, #tpu.memory_space<vmem>>) semaphore(%arg33 : memref<!tpu.dma_semaphore, #tpu.memory_space<semaphore_mem>>)
    %dma_start3A_685 = arith.constant 8 : i32
    %dma_start3A_686 = arith.constant 2 : i32
    %dma_start3A_687 = arith.constant 256 : i32
    %dma_start3A_688 = arith.constant 0 : i32
    %dma_start3A_689 = tpu.memref_slice %arg31[%dma_start3A_687, %dma_start3A_688] : memref<512x32xf32, #tpu.memory_space<vmem>> -> memref<128x32xf32, #tpu.memory_space<vmem>>
    %dma_start3A_690 = arith.constant 0 : i32
    %dma_start3A_691 = tpu.memref_slice %arg30[%dma_start3A_685, %dma_start3A_686, %dma_start3A_690] : memref<26x4x128xi32, #tpu.memory_space<vmem>> -> memref<1x1x128xi32, #tpu.memory_space<vmem>>
    %dma_start3A_692 = tpu.memref_squeeze %dma_start3A_691 : memref<1x1x128xi32, #tpu.memory_space<vmem>> -> memref<128xi32, #tpu.memory_space<vmem>>
    %dma_start3A_693 = arith.constant 0 : i32
    %dma_start3A_694 = arith.constant 0 : i32
    %dma_start3A_695 = tpu.memref_slice %arg11[%dma_start3A_693, %dma_start3A_694] : memref<100000x32xf32, #tpu.memory_space<hbm>> -> memref<100000x32xf32, #tpu.memory_space<hbm>>
    tpu.enqueue_indirect_dma source(%dma_start3A_695 : memref<100000x32xf32, #tpu.memory_space<hbm>>) target(%dma_start3A_689 : memref<128x32xf32, #tpu.memory_space<vmem>>) offsets(%dma_start3A_692 : memref<128xi32, #tpu.memory_space<vmem>>) semaphore(%arg33 : memref<!tpu.dma_semaphore, #tpu.memory_space<semaphore_mem>>)
    %dma_start3A_696 = arith.constant 8 : i32
    %dma_start3A_697 = arith.constant 3 : i32
    %dma_start3A_698 = arith.constant 384 : i32
    %dma_start3A_699 = arith.constant 0 : i32
    %dma_start3A_700 = tpu.memref_slice %arg31[%dma_start3A_698, %dma_start3A_699] : memref<512x32xf32, #tpu.memory_space<vmem>> -> memref<128x32xf32, #tpu.memory_space<vmem>>
    %dma_start3A_701 = arith.constant 0 : i32
    %dma_start3A_702 = tpu.memref_slice %arg30[%dma_start3A_696, %dma_start3A_697, %dma_start3A_701] : memref<26x4x128xi32, #tpu.memory_space<vmem>> -> memref<1x1x128xi32, #tpu.memory_space<vmem>>
    %dma_start3A_703 = tpu.memref_squeeze %dma_start3A_702 : memref<1x1x128xi32, #tpu.memory_space<vmem>> -> memref<128xi32, #tpu.memory_space<vmem>>
    %dma_start3A_704 = arith.constant 0 : i32
    %dma_start3A_705 = arith.constant 0 : i32
    %dma_start3A_706 = tpu.memref_slice %arg11[%dma_start3A_704, %dma_start3A_705] : memref<100000x32xf32, #tpu.memory_space<hbm>> -> memref<100000x32xf32, #tpu.memory_space<hbm>>
    tpu.enqueue_indirect_dma source(%dma_start3A_706 : memref<100000x32xf32, #tpu.memory_space<hbm>>) target(%dma_start3A_700 : memref<128x32xf32, #tpu.memory_space<vmem>>) offsets(%dma_start3A_703 : memref<128xi32, #tpu.memory_space<vmem>>) semaphore(%arg33 : memref<!tpu.dma_semaphore, #tpu.memory_space<semaphore_mem>>)
    %dma_wait3A_707 = arith.constant 7 : i32
    %dma_wait3A_708 = arith.constant 0 : i32
    %dma_wait3A_709 = arith.constant 0 : i32
    %dma_wait3A_710 = arith.constant 0 : i32
    %dma_wait3A_711 = tpu.memref_slice %arg32[%dma_wait3A_709, %dma_wait3A_710] : memref<512x32xf32, #tpu.memory_space<vmem>> -> memref<128x32xf32, #tpu.memory_space<vmem>>
    %dma_wait3A_712 = arith.constant 0 : i32
    %dma_wait3A_713 = tpu.memref_slice %arg30[%dma_wait3A_707, %dma_wait3A_708, %dma_wait3A_712] : memref<26x4x128xi32, #tpu.memory_space<vmem>> -> memref<1x1x128xi32, #tpu.memory_space<vmem>>
    %dma_wait3A_714 = tpu.memref_squeeze %dma_wait3A_713 : memref<1x1x128xi32, #tpu.memory_space<vmem>> -> memref<128xi32, #tpu.memory_space<vmem>>
    %dma_wait3A_715 = arith.constant 0 : i32
    %dma_wait3A_716 = arith.constant 0 : i32
    %dma_wait3A_717 = tpu.memref_slice %arg10[%dma_wait3A_715, %dma_wait3A_716] : memref<100000x32xf32, #tpu.memory_space<hbm>> -> memref<100000x32xf32, #tpu.memory_space<hbm>>
    tpu.wait_indirect_dma semaphore(%arg34 : memref<!tpu.dma_semaphore, #tpu.memory_space<semaphore_mem>>) src(%dma_wait3A_717 : memref<100000x32xf32, #tpu.memory_space<hbm>>) dst(%dma_wait3A_711 : memref<128x32xf32, #tpu.memory_space<vmem>>)
    %dma_wait3A_718 = arith.constant 7 : i32
    %dma_wait3A_719 = arith.constant 1 : i32
    %dma_wait3A_720 = arith.constant 128 : i32
    %dma_wait3A_721 = arith.constant 0 : i32
    %dma_wait3A_722 = tpu.memref_slice %arg32[%dma_wait3A_720, %dma_wait3A_721] : memref<512x32xf32, #tpu.memory_space<vmem>> -> memref<128x32xf32, #tpu.memory_space<vmem>>
    %dma_wait3A_723 = arith.constant 0 : i32
    %dma_wait3A_724 = tpu.memref_slice %arg30[%dma_wait3A_718, %dma_wait3A_719, %dma_wait3A_723] : memref<26x4x128xi32, #tpu.memory_space<vmem>> -> memref<1x1x128xi32, #tpu.memory_space<vmem>>
    %dma_wait3A_725 = tpu.memref_squeeze %dma_wait3A_724 : memref<1x1x128xi32, #tpu.memory_space<vmem>> -> memref<128xi32, #tpu.memory_space<vmem>>
    %dma_wait3A_726 = arith.constant 0 : i32
    %dma_wait3A_727 = arith.constant 0 : i32
    %dma_wait3A_728 = tpu.memref_slice %arg10[%dma_wait3A_726, %dma_wait3A_727] : memref<100000x32xf32, #tpu.memory_space<hbm>> -> memref<100000x32xf32, #tpu.memory_space<hbm>>
    tpu.wait_indirect_dma semaphore(%arg34 : memref<!tpu.dma_semaphore, #tpu.memory_space<semaphore_mem>>) src(%dma_wait3A_728 : memref<100000x32xf32, #tpu.memory_space<hbm>>) dst(%dma_wait3A_722 : memref<128x32xf32, #tpu.memory_space<vmem>>)
    %dma_wait3A_729 = arith.constant 7 : i32
    %dma_wait3A_730 = arith.constant 2 : i32
    %dma_wait3A_731 = arith.constant 256 : i32
    %dma_wait3A_732 = arith.constant 0 : i32
    %dma_wait3A_733 = tpu.memref_slice %arg32[%dma_wait3A_731, %dma_wait3A_732] : memref<512x32xf32, #tpu.memory_space<vmem>> -> memref<128x32xf32, #tpu.memory_space<vmem>>
    %dma_wait3A_734 = arith.constant 0 : i32
    %dma_wait3A_735 = tpu.memref_slice %arg30[%dma_wait3A_729, %dma_wait3A_730, %dma_wait3A_734] : memref<26x4x128xi32, #tpu.memory_space<vmem>> -> memref<1x1x128xi32, #tpu.memory_space<vmem>>
    %dma_wait3A_736 = tpu.memref_squeeze %dma_wait3A_735 : memref<1x1x128xi32, #tpu.memory_space<vmem>> -> memref<128xi32, #tpu.memory_space<vmem>>
    %dma_wait3A_737 = arith.constant 0 : i32
    %dma_wait3A_738 = arith.constant 0 : i32
    %dma_wait3A_739 = tpu.memref_slice %arg10[%dma_wait3A_737, %dma_wait3A_738] : memref<100000x32xf32, #tpu.memory_space<hbm>> -> memref<100000x32xf32, #tpu.memory_space<hbm>>
    tpu.wait_indirect_dma semaphore(%arg34 : memref<!tpu.dma_semaphore, #tpu.memory_space<semaphore_mem>>) src(%dma_wait3A_739 : memref<100000x32xf32, #tpu.memory_space<hbm>>) dst(%dma_wait3A_733 : memref<128x32xf32, #tpu.memory_space<vmem>>)
    %dma_wait3A_740 = arith.constant 7 : i32
    %dma_wait3A_741 = arith.constant 3 : i32
    %dma_wait3A_742 = arith.constant 384 : i32
    %dma_wait3A_743 = arith.constant 0 : i32
    %dma_wait3A_744 = tpu.memref_slice %arg32[%dma_wait3A_742, %dma_wait3A_743] : memref<512x32xf32, #tpu.memory_space<vmem>> -> memref<128x32xf32, #tpu.memory_space<vmem>>
    %dma_wait3A_745 = arith.constant 0 : i32
    %dma_wait3A_746 = tpu.memref_slice %arg30[%dma_wait3A_740, %dma_wait3A_741, %dma_wait3A_745] : memref<26x4x128xi32, #tpu.memory_space<vmem>> -> memref<1x1x128xi32, #tpu.memory_space<vmem>>
    %dma_wait3A_747 = tpu.memref_squeeze %dma_wait3A_746 : memref<1x1x128xi32, #tpu.memory_space<vmem>> -> memref<128xi32, #tpu.memory_space<vmem>>
    %dma_wait3A_748 = arith.constant 0 : i32
    %dma_wait3A_749 = arith.constant 0 : i32
    %dma_wait3A_750 = tpu.memref_slice %arg10[%dma_wait3A_748, %dma_wait3A_749] : memref<100000x32xf32, #tpu.memory_space<hbm>> -> memref<100000x32xf32, #tpu.memory_space<hbm>>
    tpu.wait_indirect_dma semaphore(%arg34 : memref<!tpu.dma_semaphore, #tpu.memory_space<semaphore_mem>>) src(%dma_wait3A_750 : memref<100000x32xf32, #tpu.memory_space<hbm>>) dst(%dma_wait3A_744 : memref<128x32xf32, #tpu.memory_space<vmem>>)
    "tpu.region"() ({
      %run_scoped3A = tpu.sem_alloc : memref<!tpu.dma_semaphore, #tpu.memory_space<semaphore_mem>>
      %dma_start3A_2291 = arith.constant 224 : i32
      %dma_start3A_2292 = tpu.memref_slice %arg29[%mul3A_2, %dma_start3A_2291] : memref<16384x832xf32, #tpu.memory_space<hbm>> -> memref<512x32xf32, #tpu.memory_space<hbm>>
      %dma_start3A_2293 = arith.constant 224 : i32
      %dma_start3A_2294 = tpu.memref_slice %arg29[%mul3A_2, %dma_start3A_2293] : memref<16384x832xf32, #tpu.memory_space<hbm>> -> memref<512x32xf32, #tpu.memory_space<hbm>>
      tpu.enqueue_dma source(%arg32 : memref<512x32xf32, #tpu.memory_space<vmem>>) target(%dma_start3A_2294 : memref<512x32xf32, #tpu.memory_space<hbm>>) target_semaphore(%run_scoped3A : memref<!tpu.dma_semaphore, #tpu.memory_space<semaphore_mem>>)
      %dma_wait3A_2295 = arith.constant 224 : i32
      %dma_wait3A_2296 = tpu.memref_slice %arg29[%mul3A_2, %dma_wait3A_2295] : memref<16384x832xf32, #tpu.memory_space<hbm>> -> memref<512x32xf32, #tpu.memory_space<hbm>>
      %dma_wait3A_2297 = arith.constant 224 : i32
      %dma_wait3A_2298 = tpu.memref_slice %arg29[%mul3A_2, %dma_wait3A_2297] : memref<16384x832xf32, #tpu.memory_space<hbm>> -> memref<512x32xf32, #tpu.memory_space<hbm>>
      tpu.wait_dma2 semaphore(%run_scoped3A : memref<!tpu.dma_semaphore, #tpu.memory_space<semaphore_mem>>) src(%arg32 : memref<512x32xf32, #tpu.memory_space<vmem>>) dst(%dma_wait3A_2298 : memref<512x32xf32, #tpu.memory_space<hbm>>)
      tpu.yield
    }) : () -> ()
    %dma_start3A_751 = arith.constant 9 : i32
    %dma_start3A_752 = arith.constant 0 : i32
    %dma_start3A_753 = arith.constant 0 : i32
    %dma_start3A_754 = arith.constant 0 : i32
    %dma_start3A_755 = tpu.memref_slice %arg32[%dma_start3A_753, %dma_start3A_754] : memref<512x32xf32, #tpu.memory_space<vmem>> -> memref<128x32xf32, #tpu.memory_space<vmem>>
    %dma_start3A_756 = arith.constant 0 : i32
    %dma_start3A_757 = tpu.memref_slice %arg30[%dma_start3A_751, %dma_start3A_752, %dma_start3A_756] : memref<26x4x128xi32, #tpu.memory_space<vmem>> -> memref<1x1x128xi32, #tpu.memory_space<vmem>>
    %dma_start3A_758 = tpu.memref_squeeze %dma_start3A_757 : memref<1x1x128xi32, #tpu.memory_space<vmem>> -> memref<128xi32, #tpu.memory_space<vmem>>
    %dma_start3A_759 = arith.constant 0 : i32
    %dma_start3A_760 = arith.constant 0 : i32
    %dma_start3A_761 = tpu.memref_slice %arg12[%dma_start3A_759, %dma_start3A_760] : memref<100000x32xf32, #tpu.memory_space<hbm>> -> memref<100000x32xf32, #tpu.memory_space<hbm>>
    tpu.enqueue_indirect_dma source(%dma_start3A_761 : memref<100000x32xf32, #tpu.memory_space<hbm>>) target(%dma_start3A_755 : memref<128x32xf32, #tpu.memory_space<vmem>>) offsets(%dma_start3A_758 : memref<128xi32, #tpu.memory_space<vmem>>) semaphore(%arg34 : memref<!tpu.dma_semaphore, #tpu.memory_space<semaphore_mem>>)
    %dma_start3A_762 = arith.constant 9 : i32
    %dma_start3A_763 = arith.constant 1 : i32
    %dma_start3A_764 = arith.constant 128 : i32
    %dma_start3A_765 = arith.constant 0 : i32
    %dma_start3A_766 = tpu.memref_slice %arg32[%dma_start3A_764, %dma_start3A_765] : memref<512x32xf32, #tpu.memory_space<vmem>> -> memref<128x32xf32, #tpu.memory_space<vmem>>
    %dma_start3A_767 = arith.constant 0 : i32
    %dma_start3A_768 = tpu.memref_slice %arg30[%dma_start3A_762, %dma_start3A_763, %dma_start3A_767] : memref<26x4x128xi32, #tpu.memory_space<vmem>> -> memref<1x1x128xi32, #tpu.memory_space<vmem>>
    %dma_start3A_769 = tpu.memref_squeeze %dma_start3A_768 : memref<1x1x128xi32, #tpu.memory_space<vmem>> -> memref<128xi32, #tpu.memory_space<vmem>>
    %dma_start3A_770 = arith.constant 0 : i32
    %dma_start3A_771 = arith.constant 0 : i32
    %dma_start3A_772 = tpu.memref_slice %arg12[%dma_start3A_770, %dma_start3A_771] : memref<100000x32xf32, #tpu.memory_space<hbm>> -> memref<100000x32xf32, #tpu.memory_space<hbm>>
    tpu.enqueue_indirect_dma source(%dma_start3A_772 : memref<100000x32xf32, #tpu.memory_space<hbm>>) target(%dma_start3A_766 : memref<128x32xf32, #tpu.memory_space<vmem>>) offsets(%dma_start3A_769 : memref<128xi32, #tpu.memory_space<vmem>>) semaphore(%arg34 : memref<!tpu.dma_semaphore, #tpu.memory_space<semaphore_mem>>)
    %dma_start3A_773 = arith.constant 9 : i32
    %dma_start3A_774 = arith.constant 2 : i32
    %dma_start3A_775 = arith.constant 256 : i32
    %dma_start3A_776 = arith.constant 0 : i32
    %dma_start3A_777 = tpu.memref_slice %arg32[%dma_start3A_775, %dma_start3A_776] : memref<512x32xf32, #tpu.memory_space<vmem>> -> memref<128x32xf32, #tpu.memory_space<vmem>>
    %dma_start3A_778 = arith.constant 0 : i32
    %dma_start3A_779 = tpu.memref_slice %arg30[%dma_start3A_773, %dma_start3A_774, %dma_start3A_778] : memref<26x4x128xi32, #tpu.memory_space<vmem>> -> memref<1x1x128xi32, #tpu.memory_space<vmem>>
    %dma_start3A_780 = tpu.memref_squeeze %dma_start3A_779 : memref<1x1x128xi32, #tpu.memory_space<vmem>> -> memref<128xi32, #tpu.memory_space<vmem>>
    %dma_start3A_781 = arith.constant 0 : i32
    %dma_start3A_782 = arith.constant 0 : i32
    %dma_start3A_783 = tpu.memref_slice %arg12[%dma_start3A_781, %dma_start3A_782] : memref<100000x32xf32, #tpu.memory_space<hbm>> -> memref<100000x32xf32, #tpu.memory_space<hbm>>
    tpu.enqueue_indirect_dma source(%dma_start3A_783 : memref<100000x32xf32, #tpu.memory_space<hbm>>) target(%dma_start3A_777 : memref<128x32xf32, #tpu.memory_space<vmem>>) offsets(%dma_start3A_780 : memref<128xi32, #tpu.memory_space<vmem>>) semaphore(%arg34 : memref<!tpu.dma_semaphore, #tpu.memory_space<semaphore_mem>>)
    %dma_start3A_784 = arith.constant 9 : i32
    %dma_start3A_785 = arith.constant 3 : i32
    %dma_start3A_786 = arith.constant 384 : i32
    %dma_start3A_787 = arith.constant 0 : i32
    %dma_start3A_788 = tpu.memref_slice %arg32[%dma_start3A_786, %dma_start3A_787] : memref<512x32xf32, #tpu.memory_space<vmem>> -> memref<128x32xf32, #tpu.memory_space<vmem>>
    %dma_start3A_789 = arith.constant 0 : i32
    %dma_start3A_790 = tpu.memref_slice %arg30[%dma_start3A_784, %dma_start3A_785, %dma_start3A_789] : memref<26x4x128xi32, #tpu.memory_space<vmem>> -> memref<1x1x128xi32, #tpu.memory_space<vmem>>
    %dma_start3A_791 = tpu.memref_squeeze %dma_start3A_790 : memref<1x1x128xi32, #tpu.memory_space<vmem>> -> memref<128xi32, #tpu.memory_space<vmem>>
    %dma_start3A_792 = arith.constant 0 : i32
    %dma_start3A_793 = arith.constant 0 : i32
    %dma_start3A_794 = tpu.memref_slice %arg12[%dma_start3A_792, %dma_start3A_793] : memref<100000x32xf32, #tpu.memory_space<hbm>> -> memref<100000x32xf32, #tpu.memory_space<hbm>>
    tpu.enqueue_indirect_dma source(%dma_start3A_794 : memref<100000x32xf32, #tpu.memory_space<hbm>>) target(%dma_start3A_788 : memref<128x32xf32, #tpu.memory_space<vmem>>) offsets(%dma_start3A_791 : memref<128xi32, #tpu.memory_space<vmem>>) semaphore(%arg34 : memref<!tpu.dma_semaphore, #tpu.memory_space<semaphore_mem>>)
    %dma_wait3A_795 = arith.constant 8 : i32
    %dma_wait3A_796 = arith.constant 0 : i32
    %dma_wait3A_797 = arith.constant 0 : i32
    %dma_wait3A_798 = arith.constant 0 : i32
    %dma_wait3A_799 = tpu.memref_slice %arg31[%dma_wait3A_797, %dma_wait3A_798] : memref<512x32xf32, #tpu.memory_space<vmem>> -> memref<128x32xf32, #tpu.memory_space<vmem>>
    %dma_wait3A_800 = arith.constant 0 : i32
    %dma_wait3A_801 = tpu.memref_slice %arg30[%dma_wait3A_795, %dma_wait3A_796, %dma_wait3A_800] : memref<26x4x128xi32, #tpu.memory_space<vmem>> -> memref<1x1x128xi32, #tpu.memory_space<vmem>>
    %dma_wait3A_802 = tpu.memref_squeeze %dma_wait3A_801 : memref<1x1x128xi32, #tpu.memory_space<vmem>> -> memref<128xi32, #tpu.memory_space<vmem>>
    %dma_wait3A_803 = arith.constant 0 : i32
    %dma_wait3A_804 = arith.constant 0 : i32
    %dma_wait3A_805 = tpu.memref_slice %arg11[%dma_wait3A_803, %dma_wait3A_804] : memref<100000x32xf32, #tpu.memory_space<hbm>> -> memref<100000x32xf32, #tpu.memory_space<hbm>>
    tpu.wait_indirect_dma semaphore(%arg33 : memref<!tpu.dma_semaphore, #tpu.memory_space<semaphore_mem>>) src(%dma_wait3A_805 : memref<100000x32xf32, #tpu.memory_space<hbm>>) dst(%dma_wait3A_799 : memref<128x32xf32, #tpu.memory_space<vmem>>)
    %dma_wait3A_806 = arith.constant 8 : i32
    %dma_wait3A_807 = arith.constant 1 : i32
    %dma_wait3A_808 = arith.constant 128 : i32
    %dma_wait3A_809 = arith.constant 0 : i32
    %dma_wait3A_810 = tpu.memref_slice %arg31[%dma_wait3A_808, %dma_wait3A_809] : memref<512x32xf32, #tpu.memory_space<vmem>> -> memref<128x32xf32, #tpu.memory_space<vmem>>
    %dma_wait3A_811 = arith.constant 0 : i32
    %dma_wait3A_812 = tpu.memref_slice %arg30[%dma_wait3A_806, %dma_wait3A_807, %dma_wait3A_811] : memref<26x4x128xi32, #tpu.memory_space<vmem>> -> memref<1x1x128xi32, #tpu.memory_space<vmem>>
    %dma_wait3A_813 = tpu.memref_squeeze %dma_wait3A_812 : memref<1x1x128xi32, #tpu.memory_space<vmem>> -> memref<128xi32, #tpu.memory_space<vmem>>
    %dma_wait3A_814 = arith.constant 0 : i32
    %dma_wait3A_815 = arith.constant 0 : i32
    %dma_wait3A_816 = tpu.memref_slice %arg11[%dma_wait3A_814, %dma_wait3A_815] : memref<100000x32xf32, #tpu.memory_space<hbm>> -> memref<100000x32xf32, #tpu.memory_space<hbm>>
    tpu.wait_indirect_dma semaphore(%arg33 : memref<!tpu.dma_semaphore, #tpu.memory_space<semaphore_mem>>) src(%dma_wait3A_816 : memref<100000x32xf32, #tpu.memory_space<hbm>>) dst(%dma_wait3A_810 : memref<128x32xf32, #tpu.memory_space<vmem>>)
    %dma_wait3A_817 = arith.constant 8 : i32
    %dma_wait3A_818 = arith.constant 2 : i32
    %dma_wait3A_819 = arith.constant 256 : i32
    %dma_wait3A_820 = arith.constant 0 : i32
    %dma_wait3A_821 = tpu.memref_slice %arg31[%dma_wait3A_819, %dma_wait3A_820] : memref<512x32xf32, #tpu.memory_space<vmem>> -> memref<128x32xf32, #tpu.memory_space<vmem>>
    %dma_wait3A_822 = arith.constant 0 : i32
    %dma_wait3A_823 = tpu.memref_slice %arg30[%dma_wait3A_817, %dma_wait3A_818, %dma_wait3A_822] : memref<26x4x128xi32, #tpu.memory_space<vmem>> -> memref<1x1x128xi32, #tpu.memory_space<vmem>>
    %dma_wait3A_824 = tpu.memref_squeeze %dma_wait3A_823 : memref<1x1x128xi32, #tpu.memory_space<vmem>> -> memref<128xi32, #tpu.memory_space<vmem>>
    %dma_wait3A_825 = arith.constant 0 : i32
    %dma_wait3A_826 = arith.constant 0 : i32
    %dma_wait3A_827 = tpu.memref_slice %arg11[%dma_wait3A_825, %dma_wait3A_826] : memref<100000x32xf32, #tpu.memory_space<hbm>> -> memref<100000x32xf32, #tpu.memory_space<hbm>>
    tpu.wait_indirect_dma semaphore(%arg33 : memref<!tpu.dma_semaphore, #tpu.memory_space<semaphore_mem>>) src(%dma_wait3A_827 : memref<100000x32xf32, #tpu.memory_space<hbm>>) dst(%dma_wait3A_821 : memref<128x32xf32, #tpu.memory_space<vmem>>)
    %dma_wait3A_828 = arith.constant 8 : i32
    %dma_wait3A_829 = arith.constant 3 : i32
    %dma_wait3A_830 = arith.constant 384 : i32
    %dma_wait3A_831 = arith.constant 0 : i32
    %dma_wait3A_832 = tpu.memref_slice %arg31[%dma_wait3A_830, %dma_wait3A_831] : memref<512x32xf32, #tpu.memory_space<vmem>> -> memref<128x32xf32, #tpu.memory_space<vmem>>
    %dma_wait3A_833 = arith.constant 0 : i32
    %dma_wait3A_834 = tpu.memref_slice %arg30[%dma_wait3A_828, %dma_wait3A_829, %dma_wait3A_833] : memref<26x4x128xi32, #tpu.memory_space<vmem>> -> memref<1x1x128xi32, #tpu.memory_space<vmem>>
    %dma_wait3A_835 = tpu.memref_squeeze %dma_wait3A_834 : memref<1x1x128xi32, #tpu.memory_space<vmem>> -> memref<128xi32, #tpu.memory_space<vmem>>
    %dma_wait3A_836 = arith.constant 0 : i32
    %dma_wait3A_837 = arith.constant 0 : i32
    %dma_wait3A_838 = tpu.memref_slice %arg11[%dma_wait3A_836, %dma_wait3A_837] : memref<100000x32xf32, #tpu.memory_space<hbm>> -> memref<100000x32xf32, #tpu.memory_space<hbm>>
    tpu.wait_indirect_dma semaphore(%arg33 : memref<!tpu.dma_semaphore, #tpu.memory_space<semaphore_mem>>) src(%dma_wait3A_838 : memref<100000x32xf32, #tpu.memory_space<hbm>>) dst(%dma_wait3A_832 : memref<128x32xf32, #tpu.memory_space<vmem>>)
    "tpu.region"() ({
      %run_scoped3A = tpu.sem_alloc : memref<!tpu.dma_semaphore, #tpu.memory_space<semaphore_mem>>
      %dma_start3A_2291 = arith.constant 256 : i32
      %dma_start3A_2292 = tpu.memref_slice %arg29[%mul3A_2, %dma_start3A_2291] : memref<16384x832xf32, #tpu.memory_space<hbm>> -> memref<512x32xf32, #tpu.memory_space<hbm>>
      %dma_start3A_2293 = arith.constant 256 : i32
      %dma_start3A_2294 = tpu.memref_slice %arg29[%mul3A_2, %dma_start3A_2293] : memref<16384x832xf32, #tpu.memory_space<hbm>> -> memref<512x32xf32, #tpu.memory_space<hbm>>
      tpu.enqueue_dma source(%arg31 : memref<512x32xf32, #tpu.memory_space<vmem>>) target(%dma_start3A_2294 : memref<512x32xf32, #tpu.memory_space<hbm>>) target_semaphore(%run_scoped3A : memref<!tpu.dma_semaphore, #tpu.memory_space<semaphore_mem>>)
      %dma_wait3A_2295 = arith.constant 256 : i32
      %dma_wait3A_2296 = tpu.memref_slice %arg29[%mul3A_2, %dma_wait3A_2295] : memref<16384x832xf32, #tpu.memory_space<hbm>> -> memref<512x32xf32, #tpu.memory_space<hbm>>
      %dma_wait3A_2297 = arith.constant 256 : i32
      %dma_wait3A_2298 = tpu.memref_slice %arg29[%mul3A_2, %dma_wait3A_2297] : memref<16384x832xf32, #tpu.memory_space<hbm>> -> memref<512x32xf32, #tpu.memory_space<hbm>>
      tpu.wait_dma2 semaphore(%run_scoped3A : memref<!tpu.dma_semaphore, #tpu.memory_space<semaphore_mem>>) src(%arg31 : memref<512x32xf32, #tpu.memory_space<vmem>>) dst(%dma_wait3A_2298 : memref<512x32xf32, #tpu.memory_space<hbm>>)
      tpu.yield
    }) : () -> ()
    %dma_start3A_839 = arith.constant 10 : i32
    %dma_start3A_840 = arith.constant 0 : i32
    %dma_start3A_841 = arith.constant 0 : i32
    %dma_start3A_842 = arith.constant 0 : i32
    %dma_start3A_843 = tpu.memref_slice %arg31[%dma_start3A_841, %dma_start3A_842] : memref<512x32xf32, #tpu.memory_space<vmem>> -> memref<128x32xf32, #tpu.memory_space<vmem>>
    %dma_start3A_844 = arith.constant 0 : i32
    %dma_start3A_845 = tpu.memref_slice %arg30[%dma_start3A_839, %dma_start3A_840, %dma_start3A_844] : memref<26x4x128xi32, #tpu.memory_space<vmem>> -> memref<1x1x128xi32, #tpu.memory_space<vmem>>
    %dma_start3A_846 = tpu.memref_squeeze %dma_start3A_845 : memref<1x1x128xi32, #tpu.memory_space<vmem>> -> memref<128xi32, #tpu.memory_space<vmem>>
    %dma_start3A_847 = arith.constant 0 : i32
    %dma_start3A_848 = arith.constant 0 : i32
    %dma_start3A_849 = tpu.memref_slice %arg13[%dma_start3A_847, %dma_start3A_848] : memref<100000x32xf32, #tpu.memory_space<hbm>> -> memref<100000x32xf32, #tpu.memory_space<hbm>>
    tpu.enqueue_indirect_dma source(%dma_start3A_849 : memref<100000x32xf32, #tpu.memory_space<hbm>>) target(%dma_start3A_843 : memref<128x32xf32, #tpu.memory_space<vmem>>) offsets(%dma_start3A_846 : memref<128xi32, #tpu.memory_space<vmem>>) semaphore(%arg33 : memref<!tpu.dma_semaphore, #tpu.memory_space<semaphore_mem>>)
    %dma_start3A_850 = arith.constant 10 : i32
    %dma_start3A_851 = arith.constant 1 : i32
    %dma_start3A_852 = arith.constant 128 : i32
    %dma_start3A_853 = arith.constant 0 : i32
    %dma_start3A_854 = tpu.memref_slice %arg31[%dma_start3A_852, %dma_start3A_853] : memref<512x32xf32, #tpu.memory_space<vmem>> -> memref<128x32xf32, #tpu.memory_space<vmem>>
    %dma_start3A_855 = arith.constant 0 : i32
    %dma_start3A_856 = tpu.memref_slice %arg30[%dma_start3A_850, %dma_start3A_851, %dma_start3A_855] : memref<26x4x128xi32, #tpu.memory_space<vmem>> -> memref<1x1x128xi32, #tpu.memory_space<vmem>>
    %dma_start3A_857 = tpu.memref_squeeze %dma_start3A_856 : memref<1x1x128xi32, #tpu.memory_space<vmem>> -> memref<128xi32, #tpu.memory_space<vmem>>
    %dma_start3A_858 = arith.constant 0 : i32
    %dma_start3A_859 = arith.constant 0 : i32
    %dma_start3A_860 = tpu.memref_slice %arg13[%dma_start3A_858, %dma_start3A_859] : memref<100000x32xf32, #tpu.memory_space<hbm>> -> memref<100000x32xf32, #tpu.memory_space<hbm>>
    tpu.enqueue_indirect_dma source(%dma_start3A_860 : memref<100000x32xf32, #tpu.memory_space<hbm>>) target(%dma_start3A_854 : memref<128x32xf32, #tpu.memory_space<vmem>>) offsets(%dma_start3A_857 : memref<128xi32, #tpu.memory_space<vmem>>) semaphore(%arg33 : memref<!tpu.dma_semaphore, #tpu.memory_space<semaphore_mem>>)
    %dma_start3A_861 = arith.constant 10 : i32
    %dma_start3A_862 = arith.constant 2 : i32
    %dma_start3A_863 = arith.constant 256 : i32
    %dma_start3A_864 = arith.constant 0 : i32
    %dma_start3A_865 = tpu.memref_slice %arg31[%dma_start3A_863, %dma_start3A_864] : memref<512x32xf32, #tpu.memory_space<vmem>> -> memref<128x32xf32, #tpu.memory_space<vmem>>
    %dma_start3A_866 = arith.constant 0 : i32
    %dma_start3A_867 = tpu.memref_slice %arg30[%dma_start3A_861, %dma_start3A_862, %dma_start3A_866] : memref<26x4x128xi32, #tpu.memory_space<vmem>> -> memref<1x1x128xi32, #tpu.memory_space<vmem>>
    %dma_start3A_868 = tpu.memref_squeeze %dma_start3A_867 : memref<1x1x128xi32, #tpu.memory_space<vmem>> -> memref<128xi32, #tpu.memory_space<vmem>>
    %dma_start3A_869 = arith.constant 0 : i32
    %dma_start3A_870 = arith.constant 0 : i32
    %dma_start3A_871 = tpu.memref_slice %arg13[%dma_start3A_869, %dma_start3A_870] : memref<100000x32xf32, #tpu.memory_space<hbm>> -> memref<100000x32xf32, #tpu.memory_space<hbm>>
    tpu.enqueue_indirect_dma source(%dma_start3A_871 : memref<100000x32xf32, #tpu.memory_space<hbm>>) target(%dma_start3A_865 : memref<128x32xf32, #tpu.memory_space<vmem>>) offsets(%dma_start3A_868 : memref<128xi32, #tpu.memory_space<vmem>>) semaphore(%arg33 : memref<!tpu.dma_semaphore, #tpu.memory_space<semaphore_mem>>)
    %dma_start3A_872 = arith.constant 10 : i32
    %dma_start3A_873 = arith.constant 3 : i32
    %dma_start3A_874 = arith.constant 384 : i32
    %dma_start3A_875 = arith.constant 0 : i32
    %dma_start3A_876 = tpu.memref_slice %arg31[%dma_start3A_874, %dma_start3A_875] : memref<512x32xf32, #tpu.memory_space<vmem>> -> memref<128x32xf32, #tpu.memory_space<vmem>>
    %dma_start3A_877 = arith.constant 0 : i32
    %dma_start3A_878 = tpu.memref_slice %arg30[%dma_start3A_872, %dma_start3A_873, %dma_start3A_877] : memref<26x4x128xi32, #tpu.memory_space<vmem>> -> memref<1x1x128xi32, #tpu.memory_space<vmem>>
    %dma_start3A_879 = tpu.memref_squeeze %dma_start3A_878 : memref<1x1x128xi32, #tpu.memory_space<vmem>> -> memref<128xi32, #tpu.memory_space<vmem>>
    %dma_start3A_880 = arith.constant 0 : i32
    %dma_start3A_881 = arith.constant 0 : i32
    %dma_start3A_882 = tpu.memref_slice %arg13[%dma_start3A_880, %dma_start3A_881] : memref<100000x32xf32, #tpu.memory_space<hbm>> -> memref<100000x32xf32, #tpu.memory_space<hbm>>
    tpu.enqueue_indirect_dma source(%dma_start3A_882 : memref<100000x32xf32, #tpu.memory_space<hbm>>) target(%dma_start3A_876 : memref<128x32xf32, #tpu.memory_space<vmem>>) offsets(%dma_start3A_879 : memref<128xi32, #tpu.memory_space<vmem>>) semaphore(%arg33 : memref<!tpu.dma_semaphore, #tpu.memory_space<semaphore_mem>>)
    %dma_wait3A_883 = arith.constant 9 : i32
    %dma_wait3A_884 = arith.constant 0 : i32
    %dma_wait3A_885 = arith.constant 0 : i32
    %dma_wait3A_886 = arith.constant 0 : i32
    %dma_wait3A_887 = tpu.memref_slice %arg32[%dma_wait3A_885, %dma_wait3A_886] : memref<512x32xf32, #tpu.memory_space<vmem>> -> memref<128x32xf32, #tpu.memory_space<vmem>>
    %dma_wait3A_888 = arith.constant 0 : i32
    %dma_wait3A_889 = tpu.memref_slice %arg30[%dma_wait3A_883, %dma_wait3A_884, %dma_wait3A_888] : memref<26x4x128xi32, #tpu.memory_space<vmem>> -> memref<1x1x128xi32, #tpu.memory_space<vmem>>
    %dma_wait3A_890 = tpu.memref_squeeze %dma_wait3A_889 : memref<1x1x128xi32, #tpu.memory_space<vmem>> -> memref<128xi32, #tpu.memory_space<vmem>>
    %dma_wait3A_891 = arith.constant 0 : i32
    %dma_wait3A_892 = arith.constant 0 : i32
    %dma_wait3A_893 = tpu.memref_slice %arg12[%dma_wait3A_891, %dma_wait3A_892] : memref<100000x32xf32, #tpu.memory_space<hbm>> -> memref<100000x32xf32, #tpu.memory_space<hbm>>
    tpu.wait_indirect_dma semaphore(%arg34 : memref<!tpu.dma_semaphore, #tpu.memory_space<semaphore_mem>>) src(%dma_wait3A_893 : memref<100000x32xf32, #tpu.memory_space<hbm>>) dst(%dma_wait3A_887 : memref<128x32xf32, #tpu.memory_space<vmem>>)
    %dma_wait3A_894 = arith.constant 9 : i32
    %dma_wait3A_895 = arith.constant 1 : i32
    %dma_wait3A_896 = arith.constant 128 : i32
    %dma_wait3A_897 = arith.constant 0 : i32
    %dma_wait3A_898 = tpu.memref_slice %arg32[%dma_wait3A_896, %dma_wait3A_897] : memref<512x32xf32, #tpu.memory_space<vmem>> -> memref<128x32xf32, #tpu.memory_space<vmem>>
    %dma_wait3A_899 = arith.constant 0 : i32
    %dma_wait3A_900 = tpu.memref_slice %arg30[%dma_wait3A_894, %dma_wait3A_895, %dma_wait3A_899] : memref<26x4x128xi32, #tpu.memory_space<vmem>> -> memref<1x1x128xi32, #tpu.memory_space<vmem>>
    %dma_wait3A_901 = tpu.memref_squeeze %dma_wait3A_900 : memref<1x1x128xi32, #tpu.memory_space<vmem>> -> memref<128xi32, #tpu.memory_space<vmem>>
    %dma_wait3A_902 = arith.constant 0 : i32
    %dma_wait3A_903 = arith.constant 0 : i32
    %dma_wait3A_904 = tpu.memref_slice %arg12[%dma_wait3A_902, %dma_wait3A_903] : memref<100000x32xf32, #tpu.memory_space<hbm>> -> memref<100000x32xf32, #tpu.memory_space<hbm>>
    tpu.wait_indirect_dma semaphore(%arg34 : memref<!tpu.dma_semaphore, #tpu.memory_space<semaphore_mem>>) src(%dma_wait3A_904 : memref<100000x32xf32, #tpu.memory_space<hbm>>) dst(%dma_wait3A_898 : memref<128x32xf32, #tpu.memory_space<vmem>>)
    %dma_wait3A_905 = arith.constant 9 : i32
    %dma_wait3A_906 = arith.constant 2 : i32
    %dma_wait3A_907 = arith.constant 256 : i32
    %dma_wait3A_908 = arith.constant 0 : i32
    %dma_wait3A_909 = tpu.memref_slice %arg32[%dma_wait3A_907, %dma_wait3A_908] : memref<512x32xf32, #tpu.memory_space<vmem>> -> memref<128x32xf32, #tpu.memory_space<vmem>>
    %dma_wait3A_910 = arith.constant 0 : i32
    %dma_wait3A_911 = tpu.memref_slice %arg30[%dma_wait3A_905, %dma_wait3A_906, %dma_wait3A_910] : memref<26x4x128xi32, #tpu.memory_space<vmem>> -> memref<1x1x128xi32, #tpu.memory_space<vmem>>
    %dma_wait3A_912 = tpu.memref_squeeze %dma_wait3A_911 : memref<1x1x128xi32, #tpu.memory_space<vmem>> -> memref<128xi32, #tpu.memory_space<vmem>>
    %dma_wait3A_913 = arith.constant 0 : i32
    %dma_wait3A_914 = arith.constant 0 : i32
    %dma_wait3A_915 = tpu.memref_slice %arg12[%dma_wait3A_913, %dma_wait3A_914] : memref<100000x32xf32, #tpu.memory_space<hbm>> -> memref<100000x32xf32, #tpu.memory_space<hbm>>
    tpu.wait_indirect_dma semaphore(%arg34 : memref<!tpu.dma_semaphore, #tpu.memory_space<semaphore_mem>>) src(%dma_wait3A_915 : memref<100000x32xf32, #tpu.memory_space<hbm>>) dst(%dma_wait3A_909 : memref<128x32xf32, #tpu.memory_space<vmem>>)
    %dma_wait3A_916 = arith.constant 9 : i32
    %dma_wait3A_917 = arith.constant 3 : i32
    %dma_wait3A_918 = arith.constant 384 : i32
    %dma_wait3A_919 = arith.constant 0 : i32
    %dma_wait3A_920 = tpu.memref_slice %arg32[%dma_wait3A_918, %dma_wait3A_919] : memref<512x32xf32, #tpu.memory_space<vmem>> -> memref<128x32xf32, #tpu.memory_space<vmem>>
    %dma_wait3A_921 = arith.constant 0 : i32
    %dma_wait3A_922 = tpu.memref_slice %arg30[%dma_wait3A_916, %dma_wait3A_917, %dma_wait3A_921] : memref<26x4x128xi32, #tpu.memory_space<vmem>> -> memref<1x1x128xi32, #tpu.memory_space<vmem>>
    %dma_wait3A_923 = tpu.memref_squeeze %dma_wait3A_922 : memref<1x1x128xi32, #tpu.memory_space<vmem>> -> memref<128xi32, #tpu.memory_space<vmem>>
    %dma_wait3A_924 = arith.constant 0 : i32
    %dma_wait3A_925 = arith.constant 0 : i32
    %dma_wait3A_926 = tpu.memref_slice %arg12[%dma_wait3A_924, %dma_wait3A_925] : memref<100000x32xf32, #tpu.memory_space<hbm>> -> memref<100000x32xf32, #tpu.memory_space<hbm>>
    tpu.wait_indirect_dma semaphore(%arg34 : memref<!tpu.dma_semaphore, #tpu.memory_space<semaphore_mem>>) src(%dma_wait3A_926 : memref<100000x32xf32, #tpu.memory_space<hbm>>) dst(%dma_wait3A_920 : memref<128x32xf32, #tpu.memory_space<vmem>>)
    "tpu.region"() ({
      %run_scoped3A = tpu.sem_alloc : memref<!tpu.dma_semaphore, #tpu.memory_space<semaphore_mem>>
      %dma_start3A_2291 = arith.constant 288 : i32
      %dma_start3A_2292 = tpu.memref_slice %arg29[%mul3A_2, %dma_start3A_2291] : memref<16384x832xf32, #tpu.memory_space<hbm>> -> memref<512x32xf32, #tpu.memory_space<hbm>>
      %dma_start3A_2293 = arith.constant 288 : i32
      %dma_start3A_2294 = tpu.memref_slice %arg29[%mul3A_2, %dma_start3A_2293] : memref<16384x832xf32, #tpu.memory_space<hbm>> -> memref<512x32xf32, #tpu.memory_space<hbm>>
      tpu.enqueue_dma source(%arg32 : memref<512x32xf32, #tpu.memory_space<vmem>>) target(%dma_start3A_2294 : memref<512x32xf32, #tpu.memory_space<hbm>>) target_semaphore(%run_scoped3A : memref<!tpu.dma_semaphore, #tpu.memory_space<semaphore_mem>>)
      %dma_wait3A_2295 = arith.constant 288 : i32
      %dma_wait3A_2296 = tpu.memref_slice %arg29[%mul3A_2, %dma_wait3A_2295] : memref<16384x832xf32, #tpu.memory_space<hbm>> -> memref<512x32xf32, #tpu.memory_space<hbm>>
      %dma_wait3A_2297 = arith.constant 288 : i32
      %dma_wait3A_2298 = tpu.memref_slice %arg29[%mul3A_2, %dma_wait3A_2297] : memref<16384x832xf32, #tpu.memory_space<hbm>> -> memref<512x32xf32, #tpu.memory_space<hbm>>
      tpu.wait_dma2 semaphore(%run_scoped3A : memref<!tpu.dma_semaphore, #tpu.memory_space<semaphore_mem>>) src(%arg32 : memref<512x32xf32, #tpu.memory_space<vmem>>) dst(%dma_wait3A_2298 : memref<512x32xf32, #tpu.memory_space<hbm>>)
      tpu.yield
    }) : () -> ()
    %dma_start3A_927 = arith.constant 11 : i32
    %dma_start3A_928 = arith.constant 0 : i32
    %dma_start3A_929 = arith.constant 0 : i32
    %dma_start3A_930 = arith.constant 0 : i32
    %dma_start3A_931 = tpu.memref_slice %arg32[%dma_start3A_929, %dma_start3A_930] : memref<512x32xf32, #tpu.memory_space<vmem>> -> memref<128x32xf32, #tpu.memory_space<vmem>>
    %dma_start3A_932 = arith.constant 0 : i32
    %dma_start3A_933 = tpu.memref_slice %arg30[%dma_start3A_927, %dma_start3A_928, %dma_start3A_932] : memref<26x4x128xi32, #tpu.memory_space<vmem>> -> memref<1x1x128xi32, #tpu.memory_space<vmem>>
    %dma_start3A_934 = tpu.memref_squeeze %dma_start3A_933 : memref<1x1x128xi32, #tpu.memory_space<vmem>> -> memref<128xi32, #tpu.memory_space<vmem>>
    %dma_start3A_935 = arith.constant 0 : i32
    %dma_start3A_936 = arith.constant 0 : i32
    %dma_start3A_937 = tpu.memref_slice %arg14[%dma_start3A_935, %dma_start3A_936] : memref<100000x32xf32, #tpu.memory_space<hbm>> -> memref<100000x32xf32, #tpu.memory_space<hbm>>
    tpu.enqueue_indirect_dma source(%dma_start3A_937 : memref<100000x32xf32, #tpu.memory_space<hbm>>) target(%dma_start3A_931 : memref<128x32xf32, #tpu.memory_space<vmem>>) offsets(%dma_start3A_934 : memref<128xi32, #tpu.memory_space<vmem>>) semaphore(%arg34 : memref<!tpu.dma_semaphore, #tpu.memory_space<semaphore_mem>>)
    %dma_start3A_938 = arith.constant 11 : i32
    %dma_start3A_939 = arith.constant 1 : i32
    %dma_start3A_940 = arith.constant 128 : i32
    %dma_start3A_941 = arith.constant 0 : i32
    %dma_start3A_942 = tpu.memref_slice %arg32[%dma_start3A_940, %dma_start3A_941] : memref<512x32xf32, #tpu.memory_space<vmem>> -> memref<128x32xf32, #tpu.memory_space<vmem>>
    %dma_start3A_943 = arith.constant 0 : i32
    %dma_start3A_944 = tpu.memref_slice %arg30[%dma_start3A_938, %dma_start3A_939, %dma_start3A_943] : memref<26x4x128xi32, #tpu.memory_space<vmem>> -> memref<1x1x128xi32, #tpu.memory_space<vmem>>
    %dma_start3A_945 = tpu.memref_squeeze %dma_start3A_944 : memref<1x1x128xi32, #tpu.memory_space<vmem>> -> memref<128xi32, #tpu.memory_space<vmem>>
    %dma_start3A_946 = arith.constant 0 : i32
    %dma_start3A_947 = arith.constant 0 : i32
    %dma_start3A_948 = tpu.memref_slice %arg14[%dma_start3A_946, %dma_start3A_947] : memref<100000x32xf32, #tpu.memory_space<hbm>> -> memref<100000x32xf32, #tpu.memory_space<hbm>>
    tpu.enqueue_indirect_dma source(%dma_start3A_948 : memref<100000x32xf32, #tpu.memory_space<hbm>>) target(%dma_start3A_942 : memref<128x32xf32, #tpu.memory_space<vmem>>) offsets(%dma_start3A_945 : memref<128xi32, #tpu.memory_space<vmem>>) semaphore(%arg34 : memref<!tpu.dma_semaphore, #tpu.memory_space<semaphore_mem>>)
    %dma_start3A_949 = arith.constant 11 : i32
    %dma_start3A_950 = arith.constant 2 : i32
    %dma_start3A_951 = arith.constant 256 : i32
    %dma_start3A_952 = arith.constant 0 : i32
    %dma_start3A_953 = tpu.memref_slice %arg32[%dma_start3A_951, %dma_start3A_952] : memref<512x32xf32, #tpu.memory_space<vmem>> -> memref<128x32xf32, #tpu.memory_space<vmem>>
    %dma_start3A_954 = arith.constant 0 : i32
    %dma_start3A_955 = tpu.memref_slice %arg30[%dma_start3A_949, %dma_start3A_950, %dma_start3A_954] : memref<26x4x128xi32, #tpu.memory_space<vmem>> -> memref<1x1x128xi32, #tpu.memory_space<vmem>>
    %dma_start3A_956 = tpu.memref_squeeze %dma_start3A_955 : memref<1x1x128xi32, #tpu.memory_space<vmem>> -> memref<128xi32, #tpu.memory_space<vmem>>
    %dma_start3A_957 = arith.constant 0 : i32
    %dma_start3A_958 = arith.constant 0 : i32
    %dma_start3A_959 = tpu.memref_slice %arg14[%dma_start3A_957, %dma_start3A_958] : memref<100000x32xf32, #tpu.memory_space<hbm>> -> memref<100000x32xf32, #tpu.memory_space<hbm>>
    tpu.enqueue_indirect_dma source(%dma_start3A_959 : memref<100000x32xf32, #tpu.memory_space<hbm>>) target(%dma_start3A_953 : memref<128x32xf32, #tpu.memory_space<vmem>>) offsets(%dma_start3A_956 : memref<128xi32, #tpu.memory_space<vmem>>) semaphore(%arg34 : memref<!tpu.dma_semaphore, #tpu.memory_space<semaphore_mem>>)
    %dma_start3A_960 = arith.constant 11 : i32
    %dma_start3A_961 = arith.constant 3 : i32
    %dma_start3A_962 = arith.constant 384 : i32
    %dma_start3A_963 = arith.constant 0 : i32
    %dma_start3A_964 = tpu.memref_slice %arg32[%dma_start3A_962, %dma_start3A_963] : memref<512x32xf32, #tpu.memory_space<vmem>> -> memref<128x32xf32, #tpu.memory_space<vmem>>
    %dma_start3A_965 = arith.constant 0 : i32
    %dma_start3A_966 = tpu.memref_slice %arg30[%dma_start3A_960, %dma_start3A_961, %dma_start3A_965] : memref<26x4x128xi32, #tpu.memory_space<vmem>> -> memref<1x1x128xi32, #tpu.memory_space<vmem>>
    %dma_start3A_967 = tpu.memref_squeeze %dma_start3A_966 : memref<1x1x128xi32, #tpu.memory_space<vmem>> -> memref<128xi32, #tpu.memory_space<vmem>>
    %dma_start3A_968 = arith.constant 0 : i32
    %dma_start3A_969 = arith.constant 0 : i32
    %dma_start3A_970 = tpu.memref_slice %arg14[%dma_start3A_968, %dma_start3A_969] : memref<100000x32xf32, #tpu.memory_space<hbm>> -> memref<100000x32xf32, #tpu.memory_space<hbm>>
    tpu.enqueue_indirect_dma source(%dma_start3A_970 : memref<100000x32xf32, #tpu.memory_space<hbm>>) target(%dma_start3A_964 : memref<128x32xf32, #tpu.memory_space<vmem>>) offsets(%dma_start3A_967 : memref<128xi32, #tpu.memory_space<vmem>>) semaphore(%arg34 : memref<!tpu.dma_semaphore, #tpu.memory_space<semaphore_mem>>)
    %dma_wait3A_971 = arith.constant 10 : i32
    %dma_wait3A_972 = arith.constant 0 : i32
    %dma_wait3A_973 = arith.constant 0 : i32
    %dma_wait3A_974 = arith.constant 0 : i32
    %dma_wait3A_975 = tpu.memref_slice %arg31[%dma_wait3A_973, %dma_wait3A_974] : memref<512x32xf32, #tpu.memory_space<vmem>> -> memref<128x32xf32, #tpu.memory_space<vmem>>
    %dma_wait3A_976 = arith.constant 0 : i32
    %dma_wait3A_977 = tpu.memref_slice %arg30[%dma_wait3A_971, %dma_wait3A_972, %dma_wait3A_976] : memref<26x4x128xi32, #tpu.memory_space<vmem>> -> memref<1x1x128xi32, #tpu.memory_space<vmem>>
    %dma_wait3A_978 = tpu.memref_squeeze %dma_wait3A_977 : memref<1x1x128xi32, #tpu.memory_space<vmem>> -> memref<128xi32, #tpu.memory_space<vmem>>
    %dma_wait3A_979 = arith.constant 0 : i32
    %dma_wait3A_980 = arith.constant 0 : i32
    %dma_wait3A_981 = tpu.memref_slice %arg13[%dma_wait3A_979, %dma_wait3A_980] : memref<100000x32xf32, #tpu.memory_space<hbm>> -> memref<100000x32xf32, #tpu.memory_space<hbm>>
    tpu.wait_indirect_dma semaphore(%arg33 : memref<!tpu.dma_semaphore, #tpu.memory_space<semaphore_mem>>) src(%dma_wait3A_981 : memref<100000x32xf32, #tpu.memory_space<hbm>>) dst(%dma_wait3A_975 : memref<128x32xf32, #tpu.memory_space<vmem>>)
    %dma_wait3A_982 = arith.constant 10 : i32
    %dma_wait3A_983 = arith.constant 1 : i32
    %dma_wait3A_984 = arith.constant 128 : i32
    %dma_wait3A_985 = arith.constant 0 : i32
    %dma_wait3A_986 = tpu.memref_slice %arg31[%dma_wait3A_984, %dma_wait3A_985] : memref<512x32xf32, #tpu.memory_space<vmem>> -> memref<128x32xf32, #tpu.memory_space<vmem>>
    %dma_wait3A_987 = arith.constant 0 : i32
    %dma_wait3A_988 = tpu.memref_slice %arg30[%dma_wait3A_982, %dma_wait3A_983, %dma_wait3A_987] : memref<26x4x128xi32, #tpu.memory_space<vmem>> -> memref<1x1x128xi32, #tpu.memory_space<vmem>>
    %dma_wait3A_989 = tpu.memref_squeeze %dma_wait3A_988 : memref<1x1x128xi32, #tpu.memory_space<vmem>> -> memref<128xi32, #tpu.memory_space<vmem>>
    %dma_wait3A_990 = arith.constant 0 : i32
    %dma_wait3A_991 = arith.constant 0 : i32
    %dma_wait3A_992 = tpu.memref_slice %arg13[%dma_wait3A_990, %dma_wait3A_991] : memref<100000x32xf32, #tpu.memory_space<hbm>> -> memref<100000x32xf32, #tpu.memory_space<hbm>>
    tpu.wait_indirect_dma semaphore(%arg33 : memref<!tpu.dma_semaphore, #tpu.memory_space<semaphore_mem>>) src(%dma_wait3A_992 : memref<100000x32xf32, #tpu.memory_space<hbm>>) dst(%dma_wait3A_986 : memref<128x32xf32, #tpu.memory_space<vmem>>)
    %dma_wait3A_993 = arith.constant 10 : i32
    %dma_wait3A_994 = arith.constant 2 : i32
    %dma_wait3A_995 = arith.constant 256 : i32
    %dma_wait3A_996 = arith.constant 0 : i32
    %dma_wait3A_997 = tpu.memref_slice %arg31[%dma_wait3A_995, %dma_wait3A_996] : memref<512x32xf32, #tpu.memory_space<vmem>> -> memref<128x32xf32, #tpu.memory_space<vmem>>
    %dma_wait3A_998 = arith.constant 0 : i32
    %dma_wait3A_999 = tpu.memref_slice %arg30[%dma_wait3A_993, %dma_wait3A_994, %dma_wait3A_998] : memref<26x4x128xi32, #tpu.memory_space<vmem>> -> memref<1x1x128xi32, #tpu.memory_space<vmem>>
    %dma_wait3A_1000 = tpu.memref_squeeze %dma_wait3A_999 : memref<1x1x128xi32, #tpu.memory_space<vmem>> -> memref<128xi32, #tpu.memory_space<vmem>>
    %dma_wait3A_1001 = arith.constant 0 : i32
    %dma_wait3A_1002 = arith.constant 0 : i32
    %dma_wait3A_1003 = tpu.memref_slice %arg13[%dma_wait3A_1001, %dma_wait3A_1002] : memref<100000x32xf32, #tpu.memory_space<hbm>> -> memref<100000x32xf32, #tpu.memory_space<hbm>>
    tpu.wait_indirect_dma semaphore(%arg33 : memref<!tpu.dma_semaphore, #tpu.memory_space<semaphore_mem>>) src(%dma_wait3A_1003 : memref<100000x32xf32, #tpu.memory_space<hbm>>) dst(%dma_wait3A_997 : memref<128x32xf32, #tpu.memory_space<vmem>>)
    %dma_wait3A_1004 = arith.constant 10 : i32
    %dma_wait3A_1005 = arith.constant 3 : i32
    %dma_wait3A_1006 = arith.constant 384 : i32
    %dma_wait3A_1007 = arith.constant 0 : i32
    %dma_wait3A_1008 = tpu.memref_slice %arg31[%dma_wait3A_1006, %dma_wait3A_1007] : memref<512x32xf32, #tpu.memory_space<vmem>> -> memref<128x32xf32, #tpu.memory_space<vmem>>
    %dma_wait3A_1009 = arith.constant 0 : i32
    %dma_wait3A_1010 = tpu.memref_slice %arg30[%dma_wait3A_1004, %dma_wait3A_1005, %dma_wait3A_1009] : memref<26x4x128xi32, #tpu.memory_space<vmem>> -> memref<1x1x128xi32, #tpu.memory_space<vmem>>
    %dma_wait3A_1011 = tpu.memref_squeeze %dma_wait3A_1010 : memref<1x1x128xi32, #tpu.memory_space<vmem>> -> memref<128xi32, #tpu.memory_space<vmem>>
    %dma_wait3A_1012 = arith.constant 0 : i32
    %dma_wait3A_1013 = arith.constant 0 : i32
    %dma_wait3A_1014 = tpu.memref_slice %arg13[%dma_wait3A_1012, %dma_wait3A_1013] : memref<100000x32xf32, #tpu.memory_space<hbm>> -> memref<100000x32xf32, #tpu.memory_space<hbm>>
    tpu.wait_indirect_dma semaphore(%arg33 : memref<!tpu.dma_semaphore, #tpu.memory_space<semaphore_mem>>) src(%dma_wait3A_1014 : memref<100000x32xf32, #tpu.memory_space<hbm>>) dst(%dma_wait3A_1008 : memref<128x32xf32, #tpu.memory_space<vmem>>)
    "tpu.region"() ({
      %run_scoped3A = tpu.sem_alloc : memref<!tpu.dma_semaphore, #tpu.memory_space<semaphore_mem>>
      %dma_start3A_2291 = arith.constant 320 : i32
      %dma_start3A_2292 = tpu.memref_slice %arg29[%mul3A_2, %dma_start3A_2291] : memref<16384x832xf32, #tpu.memory_space<hbm>> -> memref<512x32xf32, #tpu.memory_space<hbm>>
      %dma_start3A_2293 = arith.constant 320 : i32
      %dma_start3A_2294 = tpu.memref_slice %arg29[%mul3A_2, %dma_start3A_2293] : memref<16384x832xf32, #tpu.memory_space<hbm>> -> memref<512x32xf32, #tpu.memory_space<hbm>>
      tpu.enqueue_dma source(%arg31 : memref<512x32xf32, #tpu.memory_space<vmem>>) target(%dma_start3A_2294 : memref<512x32xf32, #tpu.memory_space<hbm>>) target_semaphore(%run_scoped3A : memref<!tpu.dma_semaphore, #tpu.memory_space<semaphore_mem>>)
      %dma_wait3A_2295 = arith.constant 320 : i32
      %dma_wait3A_2296 = tpu.memref_slice %arg29[%mul3A_2, %dma_wait3A_2295] : memref<16384x832xf32, #tpu.memory_space<hbm>> -> memref<512x32xf32, #tpu.memory_space<hbm>>
      %dma_wait3A_2297 = arith.constant 320 : i32
      %dma_wait3A_2298 = tpu.memref_slice %arg29[%mul3A_2, %dma_wait3A_2297] : memref<16384x832xf32, #tpu.memory_space<hbm>> -> memref<512x32xf32, #tpu.memory_space<hbm>>
      tpu.wait_dma2 semaphore(%run_scoped3A : memref<!tpu.dma_semaphore, #tpu.memory_space<semaphore_mem>>) src(%arg31 : memref<512x32xf32, #tpu.memory_space<vmem>>) dst(%dma_wait3A_2298 : memref<512x32xf32, #tpu.memory_space<hbm>>)
      tpu.yield
    }) : () -> ()
    %dma_start3A_1015 = arith.constant 12 : i32
    %dma_start3A_1016 = arith.constant 0 : i32
    %dma_start3A_1017 = arith.constant 0 : i32
    %dma_start3A_1018 = arith.constant 0 : i32
    %dma_start3A_1019 = tpu.memref_slice %arg31[%dma_start3A_1017, %dma_start3A_1018] : memref<512x32xf32, #tpu.memory_space<vmem>> -> memref<128x32xf32, #tpu.memory_space<vmem>>
    %dma_start3A_1020 = arith.constant 0 : i32
    %dma_start3A_1021 = tpu.memref_slice %arg30[%dma_start3A_1015, %dma_start3A_1016, %dma_start3A_1020] : memref<26x4x128xi32, #tpu.memory_space<vmem>> -> memref<1x1x128xi32, #tpu.memory_space<vmem>>
    %dma_start3A_1022 = tpu.memref_squeeze %dma_start3A_1021 : memref<1x1x128xi32, #tpu.memory_space<vmem>> -> memref<128xi32, #tpu.memory_space<vmem>>
    %dma_start3A_1023 = arith.constant 0 : i32
    %dma_start3A_1024 = arith.constant 0 : i32
    %dma_start3A_1025 = tpu.memref_slice %arg15[%dma_start3A_1023, %dma_start3A_1024] : memref<100000x32xf32, #tpu.memory_space<hbm>> -> memref<100000x32xf32, #tpu.memory_space<hbm>>
    tpu.enqueue_indirect_dma source(%dma_start3A_1025 : memref<100000x32xf32, #tpu.memory_space<hbm>>) target(%dma_start3A_1019 : memref<128x32xf32, #tpu.memory_space<vmem>>) offsets(%dma_start3A_1022 : memref<128xi32, #tpu.memory_space<vmem>>) semaphore(%arg33 : memref<!tpu.dma_semaphore, #tpu.memory_space<semaphore_mem>>)
    %dma_start3A_1026 = arith.constant 12 : i32
    %dma_start3A_1027 = arith.constant 1 : i32
    %dma_start3A_1028 = arith.constant 128 : i32
    %dma_start3A_1029 = arith.constant 0 : i32
    %dma_start3A_1030 = tpu.memref_slice %arg31[%dma_start3A_1028, %dma_start3A_1029] : memref<512x32xf32, #tpu.memory_space<vmem>> -> memref<128x32xf32, #tpu.memory_space<vmem>>
    %dma_start3A_1031 = arith.constant 0 : i32
    %dma_start3A_1032 = tpu.memref_slice %arg30[%dma_start3A_1026, %dma_start3A_1027, %dma_start3A_1031] : memref<26x4x128xi32, #tpu.memory_space<vmem>> -> memref<1x1x128xi32, #tpu.memory_space<vmem>>
    %dma_start3A_1033 = tpu.memref_squeeze %dma_start3A_1032 : memref<1x1x128xi32, #tpu.memory_space<vmem>> -> memref<128xi32, #tpu.memory_space<vmem>>
    %dma_start3A_1034 = arith.constant 0 : i32
    %dma_start3A_1035 = arith.constant 0 : i32
    %dma_start3A_1036 = tpu.memref_slice %arg15[%dma_start3A_1034, %dma_start3A_1035] : memref<100000x32xf32, #tpu.memory_space<hbm>> -> memref<100000x32xf32, #tpu.memory_space<hbm>>
    tpu.enqueue_indirect_dma source(%dma_start3A_1036 : memref<100000x32xf32, #tpu.memory_space<hbm>>) target(%dma_start3A_1030 : memref<128x32xf32, #tpu.memory_space<vmem>>) offsets(%dma_start3A_1033 : memref<128xi32, #tpu.memory_space<vmem>>) semaphore(%arg33 : memref<!tpu.dma_semaphore, #tpu.memory_space<semaphore_mem>>)
    %dma_start3A_1037 = arith.constant 12 : i32
    %dma_start3A_1038 = arith.constant 2 : i32
    %dma_start3A_1039 = arith.constant 256 : i32
    %dma_start3A_1040 = arith.constant 0 : i32
    %dma_start3A_1041 = tpu.memref_slice %arg31[%dma_start3A_1039, %dma_start3A_1040] : memref<512x32xf32, #tpu.memory_space<vmem>> -> memref<128x32xf32, #tpu.memory_space<vmem>>
    %dma_start3A_1042 = arith.constant 0 : i32
    %dma_start3A_1043 = tpu.memref_slice %arg30[%dma_start3A_1037, %dma_start3A_1038, %dma_start3A_1042] : memref<26x4x128xi32, #tpu.memory_space<vmem>> -> memref<1x1x128xi32, #tpu.memory_space<vmem>>
    %dma_start3A_1044 = tpu.memref_squeeze %dma_start3A_1043 : memref<1x1x128xi32, #tpu.memory_space<vmem>> -> memref<128xi32, #tpu.memory_space<vmem>>
    %dma_start3A_1045 = arith.constant 0 : i32
    %dma_start3A_1046 = arith.constant 0 : i32
    %dma_start3A_1047 = tpu.memref_slice %arg15[%dma_start3A_1045, %dma_start3A_1046] : memref<100000x32xf32, #tpu.memory_space<hbm>> -> memref<100000x32xf32, #tpu.memory_space<hbm>>
    tpu.enqueue_indirect_dma source(%dma_start3A_1047 : memref<100000x32xf32, #tpu.memory_space<hbm>>) target(%dma_start3A_1041 : memref<128x32xf32, #tpu.memory_space<vmem>>) offsets(%dma_start3A_1044 : memref<128xi32, #tpu.memory_space<vmem>>) semaphore(%arg33 : memref<!tpu.dma_semaphore, #tpu.memory_space<semaphore_mem>>)
    %dma_start3A_1048 = arith.constant 12 : i32
    %dma_start3A_1049 = arith.constant 3 : i32
    %dma_start3A_1050 = arith.constant 384 : i32
    %dma_start3A_1051 = arith.constant 0 : i32
    %dma_start3A_1052 = tpu.memref_slice %arg31[%dma_start3A_1050, %dma_start3A_1051] : memref<512x32xf32, #tpu.memory_space<vmem>> -> memref<128x32xf32, #tpu.memory_space<vmem>>
    %dma_start3A_1053 = arith.constant 0 : i32
    %dma_start3A_1054 = tpu.memref_slice %arg30[%dma_start3A_1048, %dma_start3A_1049, %dma_start3A_1053] : memref<26x4x128xi32, #tpu.memory_space<vmem>> -> memref<1x1x128xi32, #tpu.memory_space<vmem>>
    %dma_start3A_1055 = tpu.memref_squeeze %dma_start3A_1054 : memref<1x1x128xi32, #tpu.memory_space<vmem>> -> memref<128xi32, #tpu.memory_space<vmem>>
    %dma_start3A_1056 = arith.constant 0 : i32
    %dma_start3A_1057 = arith.constant 0 : i32
    %dma_start3A_1058 = tpu.memref_slice %arg15[%dma_start3A_1056, %dma_start3A_1057] : memref<100000x32xf32, #tpu.memory_space<hbm>> -> memref<100000x32xf32, #tpu.memory_space<hbm>>
    tpu.enqueue_indirect_dma source(%dma_start3A_1058 : memref<100000x32xf32, #tpu.memory_space<hbm>>) target(%dma_start3A_1052 : memref<128x32xf32, #tpu.memory_space<vmem>>) offsets(%dma_start3A_1055 : memref<128xi32, #tpu.memory_space<vmem>>) semaphore(%arg33 : memref<!tpu.dma_semaphore, #tpu.memory_space<semaphore_mem>>)
    %dma_wait3A_1059 = arith.constant 11 : i32
    %dma_wait3A_1060 = arith.constant 0 : i32
    %dma_wait3A_1061 = arith.constant 0 : i32
    %dma_wait3A_1062 = arith.constant 0 : i32
    %dma_wait3A_1063 = tpu.memref_slice %arg32[%dma_wait3A_1061, %dma_wait3A_1062] : memref<512x32xf32, #tpu.memory_space<vmem>> -> memref<128x32xf32, #tpu.memory_space<vmem>>
    %dma_wait3A_1064 = arith.constant 0 : i32
    %dma_wait3A_1065 = tpu.memref_slice %arg30[%dma_wait3A_1059, %dma_wait3A_1060, %dma_wait3A_1064] : memref<26x4x128xi32, #tpu.memory_space<vmem>> -> memref<1x1x128xi32, #tpu.memory_space<vmem>>
    %dma_wait3A_1066 = tpu.memref_squeeze %dma_wait3A_1065 : memref<1x1x128xi32, #tpu.memory_space<vmem>> -> memref<128xi32, #tpu.memory_space<vmem>>
    %dma_wait3A_1067 = arith.constant 0 : i32
    %dma_wait3A_1068 = arith.constant 0 : i32
    %dma_wait3A_1069 = tpu.memref_slice %arg14[%dma_wait3A_1067, %dma_wait3A_1068] : memref<100000x32xf32, #tpu.memory_space<hbm>> -> memref<100000x32xf32, #tpu.memory_space<hbm>>
    tpu.wait_indirect_dma semaphore(%arg34 : memref<!tpu.dma_semaphore, #tpu.memory_space<semaphore_mem>>) src(%dma_wait3A_1069 : memref<100000x32xf32, #tpu.memory_space<hbm>>) dst(%dma_wait3A_1063 : memref<128x32xf32, #tpu.memory_space<vmem>>)
    %dma_wait3A_1070 = arith.constant 11 : i32
    %dma_wait3A_1071 = arith.constant 1 : i32
    %dma_wait3A_1072 = arith.constant 128 : i32
    %dma_wait3A_1073 = arith.constant 0 : i32
    %dma_wait3A_1074 = tpu.memref_slice %arg32[%dma_wait3A_1072, %dma_wait3A_1073] : memref<512x32xf32, #tpu.memory_space<vmem>> -> memref<128x32xf32, #tpu.memory_space<vmem>>
    %dma_wait3A_1075 = arith.constant 0 : i32
    %dma_wait3A_1076 = tpu.memref_slice %arg30[%dma_wait3A_1070, %dma_wait3A_1071, %dma_wait3A_1075] : memref<26x4x128xi32, #tpu.memory_space<vmem>> -> memref<1x1x128xi32, #tpu.memory_space<vmem>>
    %dma_wait3A_1077 = tpu.memref_squeeze %dma_wait3A_1076 : memref<1x1x128xi32, #tpu.memory_space<vmem>> -> memref<128xi32, #tpu.memory_space<vmem>>
    %dma_wait3A_1078 = arith.constant 0 : i32
    %dma_wait3A_1079 = arith.constant 0 : i32
    %dma_wait3A_1080 = tpu.memref_slice %arg14[%dma_wait3A_1078, %dma_wait3A_1079] : memref<100000x32xf32, #tpu.memory_space<hbm>> -> memref<100000x32xf32, #tpu.memory_space<hbm>>
    tpu.wait_indirect_dma semaphore(%arg34 : memref<!tpu.dma_semaphore, #tpu.memory_space<semaphore_mem>>) src(%dma_wait3A_1080 : memref<100000x32xf32, #tpu.memory_space<hbm>>) dst(%dma_wait3A_1074 : memref<128x32xf32, #tpu.memory_space<vmem>>)
    %dma_wait3A_1081 = arith.constant 11 : i32
    %dma_wait3A_1082 = arith.constant 2 : i32
    %dma_wait3A_1083 = arith.constant 256 : i32
    %dma_wait3A_1084 = arith.constant 0 : i32
    %dma_wait3A_1085 = tpu.memref_slice %arg32[%dma_wait3A_1083, %dma_wait3A_1084] : memref<512x32xf32, #tpu.memory_space<vmem>> -> memref<128x32xf32, #tpu.memory_space<vmem>>
    %dma_wait3A_1086 = arith.constant 0 : i32
    %dma_wait3A_1087 = tpu.memref_slice %arg30[%dma_wait3A_1081, %dma_wait3A_1082, %dma_wait3A_1086] : memref<26x4x128xi32, #tpu.memory_space<vmem>> -> memref<1x1x128xi32, #tpu.memory_space<vmem>>
    %dma_wait3A_1088 = tpu.memref_squeeze %dma_wait3A_1087 : memref<1x1x128xi32, #tpu.memory_space<vmem>> -> memref<128xi32, #tpu.memory_space<vmem>>
    %dma_wait3A_1089 = arith.constant 0 : i32
    %dma_wait3A_1090 = arith.constant 0 : i32
    %dma_wait3A_1091 = tpu.memref_slice %arg14[%dma_wait3A_1089, %dma_wait3A_1090] : memref<100000x32xf32, #tpu.memory_space<hbm>> -> memref<100000x32xf32, #tpu.memory_space<hbm>>
    tpu.wait_indirect_dma semaphore(%arg34 : memref<!tpu.dma_semaphore, #tpu.memory_space<semaphore_mem>>) src(%dma_wait3A_1091 : memref<100000x32xf32, #tpu.memory_space<hbm>>) dst(%dma_wait3A_1085 : memref<128x32xf32, #tpu.memory_space<vmem>>)
    %dma_wait3A_1092 = arith.constant 11 : i32
    %dma_wait3A_1093 = arith.constant 3 : i32
    %dma_wait3A_1094 = arith.constant 384 : i32
    %dma_wait3A_1095 = arith.constant 0 : i32
    %dma_wait3A_1096 = tpu.memref_slice %arg32[%dma_wait3A_1094, %dma_wait3A_1095] : memref<512x32xf32, #tpu.memory_space<vmem>> -> memref<128x32xf32, #tpu.memory_space<vmem>>
    %dma_wait3A_1097 = arith.constant 0 : i32
    %dma_wait3A_1098 = tpu.memref_slice %arg30[%dma_wait3A_1092, %dma_wait3A_1093, %dma_wait3A_1097] : memref<26x4x128xi32, #tpu.memory_space<vmem>> -> memref<1x1x128xi32, #tpu.memory_space<vmem>>
    %dma_wait3A_1099 = tpu.memref_squeeze %dma_wait3A_1098 : memref<1x1x128xi32, #tpu.memory_space<vmem>> -> memref<128xi32, #tpu.memory_space<vmem>>
    %dma_wait3A_1100 = arith.constant 0 : i32
    %dma_wait3A_1101 = arith.constant 0 : i32
    %dma_wait3A_1102 = tpu.memref_slice %arg14[%dma_wait3A_1100, %dma_wait3A_1101] : memref<100000x32xf32, #tpu.memory_space<hbm>> -> memref<100000x32xf32, #tpu.memory_space<hbm>>
    tpu.wait_indirect_dma semaphore(%arg34 : memref<!tpu.dma_semaphore, #tpu.memory_space<semaphore_mem>>) src(%dma_wait3A_1102 : memref<100000x32xf32, #tpu.memory_space<hbm>>) dst(%dma_wait3A_1096 : memref<128x32xf32, #tpu.memory_space<vmem>>)
    "tpu.region"() ({
      %run_scoped3A = tpu.sem_alloc : memref<!tpu.dma_semaphore, #tpu.memory_space<semaphore_mem>>
      %dma_start3A_2291 = arith.constant 352 : i32
      %dma_start3A_2292 = tpu.memref_slice %arg29[%mul3A_2, %dma_start3A_2291] : memref<16384x832xf32, #tpu.memory_space<hbm>> -> memref<512x32xf32, #tpu.memory_space<hbm>>
      %dma_start3A_2293 = arith.constant 352 : i32
      %dma_start3A_2294 = tpu.memref_slice %arg29[%mul3A_2, %dma_start3A_2293] : memref<16384x832xf32, #tpu.memory_space<hbm>> -> memref<512x32xf32, #tpu.memory_space<hbm>>
      tpu.enqueue_dma source(%arg32 : memref<512x32xf32, #tpu.memory_space<vmem>>) target(%dma_start3A_2294 : memref<512x32xf32, #tpu.memory_space<hbm>>) target_semaphore(%run_scoped3A : memref<!tpu.dma_semaphore, #tpu.memory_space<semaphore_mem>>)
      %dma_wait3A_2295 = arith.constant 352 : i32
      %dma_wait3A_2296 = tpu.memref_slice %arg29[%mul3A_2, %dma_wait3A_2295] : memref<16384x832xf32, #tpu.memory_space<hbm>> -> memref<512x32xf32, #tpu.memory_space<hbm>>
      %dma_wait3A_2297 = arith.constant 352 : i32
      %dma_wait3A_2298 = tpu.memref_slice %arg29[%mul3A_2, %dma_wait3A_2297] : memref<16384x832xf32, #tpu.memory_space<hbm>> -> memref<512x32xf32, #tpu.memory_space<hbm>>
      tpu.wait_dma2 semaphore(%run_scoped3A : memref<!tpu.dma_semaphore, #tpu.memory_space<semaphore_mem>>) src(%arg32 : memref<512x32xf32, #tpu.memory_space<vmem>>) dst(%dma_wait3A_2298 : memref<512x32xf32, #tpu.memory_space<hbm>>)
      tpu.yield
    }) : () -> ()
    %dma_start3A_1103 = arith.constant 13 : i32
    %dma_start3A_1104 = arith.constant 0 : i32
    %dma_start3A_1105 = arith.constant 0 : i32
    %dma_start3A_1106 = arith.constant 0 : i32
    %dma_start3A_1107 = tpu.memref_slice %arg32[%dma_start3A_1105, %dma_start3A_1106] : memref<512x32xf32, #tpu.memory_space<vmem>> -> memref<128x32xf32, #tpu.memory_space<vmem>>
    %dma_start3A_1108 = arith.constant 0 : i32
    %dma_start3A_1109 = tpu.memref_slice %arg30[%dma_start3A_1103, %dma_start3A_1104, %dma_start3A_1108] : memref<26x4x128xi32, #tpu.memory_space<vmem>> -> memref<1x1x128xi32, #tpu.memory_space<vmem>>
    %dma_start3A_1110 = tpu.memref_squeeze %dma_start3A_1109 : memref<1x1x128xi32, #tpu.memory_space<vmem>> -> memref<128xi32, #tpu.memory_space<vmem>>
    %dma_start3A_1111 = arith.constant 0 : i32
    %dma_start3A_1112 = arith.constant 0 : i32
    %dma_start3A_1113 = tpu.memref_slice %arg16[%dma_start3A_1111, %dma_start3A_1112] : memref<100000x32xf32, #tpu.memory_space<hbm>> -> memref<100000x32xf32, #tpu.memory_space<hbm>>
    tpu.enqueue_indirect_dma source(%dma_start3A_1113 : memref<100000x32xf32, #tpu.memory_space<hbm>>) target(%dma_start3A_1107 : memref<128x32xf32, #tpu.memory_space<vmem>>) offsets(%dma_start3A_1110 : memref<128xi32, #tpu.memory_space<vmem>>) semaphore(%arg34 : memref<!tpu.dma_semaphore, #tpu.memory_space<semaphore_mem>>)
    %dma_start3A_1114 = arith.constant 13 : i32
    %dma_start3A_1115 = arith.constant 1 : i32
    %dma_start3A_1116 = arith.constant 128 : i32
    %dma_start3A_1117 = arith.constant 0 : i32
    %dma_start3A_1118 = tpu.memref_slice %arg32[%dma_start3A_1116, %dma_start3A_1117] : memref<512x32xf32, #tpu.memory_space<vmem>> -> memref<128x32xf32, #tpu.memory_space<vmem>>
    %dma_start3A_1119 = arith.constant 0 : i32
    %dma_start3A_1120 = tpu.memref_slice %arg30[%dma_start3A_1114, %dma_start3A_1115, %dma_start3A_1119] : memref<26x4x128xi32, #tpu.memory_space<vmem>> -> memref<1x1x128xi32, #tpu.memory_space<vmem>>
    %dma_start3A_1121 = tpu.memref_squeeze %dma_start3A_1120 : memref<1x1x128xi32, #tpu.memory_space<vmem>> -> memref<128xi32, #tpu.memory_space<vmem>>
    %dma_start3A_1122 = arith.constant 0 : i32
    %dma_start3A_1123 = arith.constant 0 : i32
    %dma_start3A_1124 = tpu.memref_slice %arg16[%dma_start3A_1122, %dma_start3A_1123] : memref<100000x32xf32, #tpu.memory_space<hbm>> -> memref<100000x32xf32, #tpu.memory_space<hbm>>
    tpu.enqueue_indirect_dma source(%dma_start3A_1124 : memref<100000x32xf32, #tpu.memory_space<hbm>>) target(%dma_start3A_1118 : memref<128x32xf32, #tpu.memory_space<vmem>>) offsets(%dma_start3A_1121 : memref<128xi32, #tpu.memory_space<vmem>>) semaphore(%arg34 : memref<!tpu.dma_semaphore, #tpu.memory_space<semaphore_mem>>)
    %dma_start3A_1125 = arith.constant 13 : i32
    %dma_start3A_1126 = arith.constant 2 : i32
    %dma_start3A_1127 = arith.constant 256 : i32
    %dma_start3A_1128 = arith.constant 0 : i32
    %dma_start3A_1129 = tpu.memref_slice %arg32[%dma_start3A_1127, %dma_start3A_1128] : memref<512x32xf32, #tpu.memory_space<vmem>> -> memref<128x32xf32, #tpu.memory_space<vmem>>
    %dma_start3A_1130 = arith.constant 0 : i32
    %dma_start3A_1131 = tpu.memref_slice %arg30[%dma_start3A_1125, %dma_start3A_1126, %dma_start3A_1130] : memref<26x4x128xi32, #tpu.memory_space<vmem>> -> memref<1x1x128xi32, #tpu.memory_space<vmem>>
    %dma_start3A_1132 = tpu.memref_squeeze %dma_start3A_1131 : memref<1x1x128xi32, #tpu.memory_space<vmem>> -> memref<128xi32, #tpu.memory_space<vmem>>
    %dma_start3A_1133 = arith.constant 0 : i32
    %dma_start3A_1134 = arith.constant 0 : i32
    %dma_start3A_1135 = tpu.memref_slice %arg16[%dma_start3A_1133, %dma_start3A_1134] : memref<100000x32xf32, #tpu.memory_space<hbm>> -> memref<100000x32xf32, #tpu.memory_space<hbm>>
    tpu.enqueue_indirect_dma source(%dma_start3A_1135 : memref<100000x32xf32, #tpu.memory_space<hbm>>) target(%dma_start3A_1129 : memref<128x32xf32, #tpu.memory_space<vmem>>) offsets(%dma_start3A_1132 : memref<128xi32, #tpu.memory_space<vmem>>) semaphore(%arg34 : memref<!tpu.dma_semaphore, #tpu.memory_space<semaphore_mem>>)
    %dma_start3A_1136 = arith.constant 13 : i32
    %dma_start3A_1137 = arith.constant 3 : i32
    %dma_start3A_1138 = arith.constant 384 : i32
    %dma_start3A_1139 = arith.constant 0 : i32
    %dma_start3A_1140 = tpu.memref_slice %arg32[%dma_start3A_1138, %dma_start3A_1139] : memref<512x32xf32, #tpu.memory_space<vmem>> -> memref<128x32xf32, #tpu.memory_space<vmem>>
    %dma_start3A_1141 = arith.constant 0 : i32
    %dma_start3A_1142 = tpu.memref_slice %arg30[%dma_start3A_1136, %dma_start3A_1137, %dma_start3A_1141] : memref<26x4x128xi32, #tpu.memory_space<vmem>> -> memref<1x1x128xi32, #tpu.memory_space<vmem>>
    %dma_start3A_1143 = tpu.memref_squeeze %dma_start3A_1142 : memref<1x1x128xi32, #tpu.memory_space<vmem>> -> memref<128xi32, #tpu.memory_space<vmem>>
    %dma_start3A_1144 = arith.constant 0 : i32
    %dma_start3A_1145 = arith.constant 0 : i32
    %dma_start3A_1146 = tpu.memref_slice %arg16[%dma_start3A_1144, %dma_start3A_1145] : memref<100000x32xf32, #tpu.memory_space<hbm>> -> memref<100000x32xf32, #tpu.memory_space<hbm>>
    tpu.enqueue_indirect_dma source(%dma_start3A_1146 : memref<100000x32xf32, #tpu.memory_space<hbm>>) target(%dma_start3A_1140 : memref<128x32xf32, #tpu.memory_space<vmem>>) offsets(%dma_start3A_1143 : memref<128xi32, #tpu.memory_space<vmem>>) semaphore(%arg34 : memref<!tpu.dma_semaphore, #tpu.memory_space<semaphore_mem>>)
    %dma_wait3A_1147 = arith.constant 12 : i32
    %dma_wait3A_1148 = arith.constant 0 : i32
    %dma_wait3A_1149 = arith.constant 0 : i32
    %dma_wait3A_1150 = arith.constant 0 : i32
    %dma_wait3A_1151 = tpu.memref_slice %arg31[%dma_wait3A_1149, %dma_wait3A_1150] : memref<512x32xf32, #tpu.memory_space<vmem>> -> memref<128x32xf32, #tpu.memory_space<vmem>>
    %dma_wait3A_1152 = arith.constant 0 : i32
    %dma_wait3A_1153 = tpu.memref_slice %arg30[%dma_wait3A_1147, %dma_wait3A_1148, %dma_wait3A_1152] : memref<26x4x128xi32, #tpu.memory_space<vmem>> -> memref<1x1x128xi32, #tpu.memory_space<vmem>>
    %dma_wait3A_1154 = tpu.memref_squeeze %dma_wait3A_1153 : memref<1x1x128xi32, #tpu.memory_space<vmem>> -> memref<128xi32, #tpu.memory_space<vmem>>
    %dma_wait3A_1155 = arith.constant 0 : i32
    %dma_wait3A_1156 = arith.constant 0 : i32
    %dma_wait3A_1157 = tpu.memref_slice %arg15[%dma_wait3A_1155, %dma_wait3A_1156] : memref<100000x32xf32, #tpu.memory_space<hbm>> -> memref<100000x32xf32, #tpu.memory_space<hbm>>
    tpu.wait_indirect_dma semaphore(%arg33 : memref<!tpu.dma_semaphore, #tpu.memory_space<semaphore_mem>>) src(%dma_wait3A_1157 : memref<100000x32xf32, #tpu.memory_space<hbm>>) dst(%dma_wait3A_1151 : memref<128x32xf32, #tpu.memory_space<vmem>>)
    %dma_wait3A_1158 = arith.constant 12 : i32
    %dma_wait3A_1159 = arith.constant 1 : i32
    %dma_wait3A_1160 = arith.constant 128 : i32
    %dma_wait3A_1161 = arith.constant 0 : i32
    %dma_wait3A_1162 = tpu.memref_slice %arg31[%dma_wait3A_1160, %dma_wait3A_1161] : memref<512x32xf32, #tpu.memory_space<vmem>> -> memref<128x32xf32, #tpu.memory_space<vmem>>
    %dma_wait3A_1163 = arith.constant 0 : i32
    %dma_wait3A_1164 = tpu.memref_slice %arg30[%dma_wait3A_1158, %dma_wait3A_1159, %dma_wait3A_1163] : memref<26x4x128xi32, #tpu.memory_space<vmem>> -> memref<1x1x128xi32, #tpu.memory_space<vmem>>
    %dma_wait3A_1165 = tpu.memref_squeeze %dma_wait3A_1164 : memref<1x1x128xi32, #tpu.memory_space<vmem>> -> memref<128xi32, #tpu.memory_space<vmem>>
    %dma_wait3A_1166 = arith.constant 0 : i32
    %dma_wait3A_1167 = arith.constant 0 : i32
    %dma_wait3A_1168 = tpu.memref_slice %arg15[%dma_wait3A_1166, %dma_wait3A_1167] : memref<100000x32xf32, #tpu.memory_space<hbm>> -> memref<100000x32xf32, #tpu.memory_space<hbm>>
    tpu.wait_indirect_dma semaphore(%arg33 : memref<!tpu.dma_semaphore, #tpu.memory_space<semaphore_mem>>) src(%dma_wait3A_1168 : memref<100000x32xf32, #tpu.memory_space<hbm>>) dst(%dma_wait3A_1162 : memref<128x32xf32, #tpu.memory_space<vmem>>)
    %dma_wait3A_1169 = arith.constant 12 : i32
    %dma_wait3A_1170 = arith.constant 2 : i32
    %dma_wait3A_1171 = arith.constant 256 : i32
    %dma_wait3A_1172 = arith.constant 0 : i32
    %dma_wait3A_1173 = tpu.memref_slice %arg31[%dma_wait3A_1171, %dma_wait3A_1172] : memref<512x32xf32, #tpu.memory_space<vmem>> -> memref<128x32xf32, #tpu.memory_space<vmem>>
    %dma_wait3A_1174 = arith.constant 0 : i32
    %dma_wait3A_1175 = tpu.memref_slice %arg30[%dma_wait3A_1169, %dma_wait3A_1170, %dma_wait3A_1174] : memref<26x4x128xi32, #tpu.memory_space<vmem>> -> memref<1x1x128xi32, #tpu.memory_space<vmem>>
    %dma_wait3A_1176 = tpu.memref_squeeze %dma_wait3A_1175 : memref<1x1x128xi32, #tpu.memory_space<vmem>> -> memref<128xi32, #tpu.memory_space<vmem>>
    %dma_wait3A_1177 = arith.constant 0 : i32
    %dma_wait3A_1178 = arith.constant 0 : i32
    %dma_wait3A_1179 = tpu.memref_slice %arg15[%dma_wait3A_1177, %dma_wait3A_1178] : memref<100000x32xf32, #tpu.memory_space<hbm>> -> memref<100000x32xf32, #tpu.memory_space<hbm>>
    tpu.wait_indirect_dma semaphore(%arg33 : memref<!tpu.dma_semaphore, #tpu.memory_space<semaphore_mem>>) src(%dma_wait3A_1179 : memref<100000x32xf32, #tpu.memory_space<hbm>>) dst(%dma_wait3A_1173 : memref<128x32xf32, #tpu.memory_space<vmem>>)
    %dma_wait3A_1180 = arith.constant 12 : i32
    %dma_wait3A_1181 = arith.constant 3 : i32
    %dma_wait3A_1182 = arith.constant 384 : i32
    %dma_wait3A_1183 = arith.constant 0 : i32
    %dma_wait3A_1184 = tpu.memref_slice %arg31[%dma_wait3A_1182, %dma_wait3A_1183] : memref<512x32xf32, #tpu.memory_space<vmem>> -> memref<128x32xf32, #tpu.memory_space<vmem>>
    %dma_wait3A_1185 = arith.constant 0 : i32
    %dma_wait3A_1186 = tpu.memref_slice %arg30[%dma_wait3A_1180, %dma_wait3A_1181, %dma_wait3A_1185] : memref<26x4x128xi32, #tpu.memory_space<vmem>> -> memref<1x1x128xi32, #tpu.memory_space<vmem>>
    %dma_wait3A_1187 = tpu.memref_squeeze %dma_wait3A_1186 : memref<1x1x128xi32, #tpu.memory_space<vmem>> -> memref<128xi32, #tpu.memory_space<vmem>>
    %dma_wait3A_1188 = arith.constant 0 : i32
    %dma_wait3A_1189 = arith.constant 0 : i32
    %dma_wait3A_1190 = tpu.memref_slice %arg15[%dma_wait3A_1188, %dma_wait3A_1189] : memref<100000x32xf32, #tpu.memory_space<hbm>> -> memref<100000x32xf32, #tpu.memory_space<hbm>>
    tpu.wait_indirect_dma semaphore(%arg33 : memref<!tpu.dma_semaphore, #tpu.memory_space<semaphore_mem>>) src(%dma_wait3A_1190 : memref<100000x32xf32, #tpu.memory_space<hbm>>) dst(%dma_wait3A_1184 : memref<128x32xf32, #tpu.memory_space<vmem>>)
    "tpu.region"() ({
      %run_scoped3A = tpu.sem_alloc : memref<!tpu.dma_semaphore, #tpu.memory_space<semaphore_mem>>
      %dma_start3A_2291 = arith.constant 384 : i32
      %dma_start3A_2292 = tpu.memref_slice %arg29[%mul3A_2, %dma_start3A_2291] : memref<16384x832xf32, #tpu.memory_space<hbm>> -> memref<512x32xf32, #tpu.memory_space<hbm>>
      %dma_start3A_2293 = arith.constant 384 : i32
      %dma_start3A_2294 = tpu.memref_slice %arg29[%mul3A_2, %dma_start3A_2293] : memref<16384x832xf32, #tpu.memory_space<hbm>> -> memref<512x32xf32, #tpu.memory_space<hbm>>
      tpu.enqueue_dma source(%arg31 : memref<512x32xf32, #tpu.memory_space<vmem>>) target(%dma_start3A_2294 : memref<512x32xf32, #tpu.memory_space<hbm>>) target_semaphore(%run_scoped3A : memref<!tpu.dma_semaphore, #tpu.memory_space<semaphore_mem>>)
      %dma_wait3A_2295 = arith.constant 384 : i32
      %dma_wait3A_2296 = tpu.memref_slice %arg29[%mul3A_2, %dma_wait3A_2295] : memref<16384x832xf32, #tpu.memory_space<hbm>> -> memref<512x32xf32, #tpu.memory_space<hbm>>
      %dma_wait3A_2297 = arith.constant 384 : i32
      %dma_wait3A_2298 = tpu.memref_slice %arg29[%mul3A_2, %dma_wait3A_2297] : memref<16384x832xf32, #tpu.memory_space<hbm>> -> memref<512x32xf32, #tpu.memory_space<hbm>>
      tpu.wait_dma2 semaphore(%run_scoped3A : memref<!tpu.dma_semaphore, #tpu.memory_space<semaphore_mem>>) src(%arg31 : memref<512x32xf32, #tpu.memory_space<vmem>>) dst(%dma_wait3A_2298 : memref<512x32xf32, #tpu.memory_space<hbm>>)
      tpu.yield
    }) : () -> ()
    %dma_start3A_1191 = arith.constant 14 : i32
    %dma_start3A_1192 = arith.constant 0 : i32
    %dma_start3A_1193 = arith.constant 0 : i32
    %dma_start3A_1194 = arith.constant 0 : i32
    %dma_start3A_1195 = tpu.memref_slice %arg31[%dma_start3A_1193, %dma_start3A_1194] : memref<512x32xf32, #tpu.memory_space<vmem>> -> memref<128x32xf32, #tpu.memory_space<vmem>>
    %dma_start3A_1196 = arith.constant 0 : i32
    %dma_start3A_1197 = tpu.memref_slice %arg30[%dma_start3A_1191, %dma_start3A_1192, %dma_start3A_1196] : memref<26x4x128xi32, #tpu.memory_space<vmem>> -> memref<1x1x128xi32, #tpu.memory_space<vmem>>
    %dma_start3A_1198 = tpu.memref_squeeze %dma_start3A_1197 : memref<1x1x128xi32, #tpu.memory_space<vmem>> -> memref<128xi32, #tpu.memory_space<vmem>>
    %dma_start3A_1199 = arith.constant 0 : i32
    %dma_start3A_1200 = arith.constant 0 : i32
    %dma_start3A_1201 = tpu.memref_slice %arg17[%dma_start3A_1199, %dma_start3A_1200] : memref<100000x32xf32, #tpu.memory_space<hbm>> -> memref<100000x32xf32, #tpu.memory_space<hbm>>
    tpu.enqueue_indirect_dma source(%dma_start3A_1201 : memref<100000x32xf32, #tpu.memory_space<hbm>>) target(%dma_start3A_1195 : memref<128x32xf32, #tpu.memory_space<vmem>>) offsets(%dma_start3A_1198 : memref<128xi32, #tpu.memory_space<vmem>>) semaphore(%arg33 : memref<!tpu.dma_semaphore, #tpu.memory_space<semaphore_mem>>)
    %dma_start3A_1202 = arith.constant 14 : i32
    %dma_start3A_1203 = arith.constant 1 : i32
    %dma_start3A_1204 = arith.constant 128 : i32
    %dma_start3A_1205 = arith.constant 0 : i32
    %dma_start3A_1206 = tpu.memref_slice %arg31[%dma_start3A_1204, %dma_start3A_1205] : memref<512x32xf32, #tpu.memory_space<vmem>> -> memref<128x32xf32, #tpu.memory_space<vmem>>
    %dma_start3A_1207 = arith.constant 0 : i32
    %dma_start3A_1208 = tpu.memref_slice %arg30[%dma_start3A_1202, %dma_start3A_1203, %dma_start3A_1207] : memref<26x4x128xi32, #tpu.memory_space<vmem>> -> memref<1x1x128xi32, #tpu.memory_space<vmem>>
    %dma_start3A_1209 = tpu.memref_squeeze %dma_start3A_1208 : memref<1x1x128xi32, #tpu.memory_space<vmem>> -> memref<128xi32, #tpu.memory_space<vmem>>
    %dma_start3A_1210 = arith.constant 0 : i32
    %dma_start3A_1211 = arith.constant 0 : i32
    %dma_start3A_1212 = tpu.memref_slice %arg17[%dma_start3A_1210, %dma_start3A_1211] : memref<100000x32xf32, #tpu.memory_space<hbm>> -> memref<100000x32xf32, #tpu.memory_space<hbm>>
    tpu.enqueue_indirect_dma source(%dma_start3A_1212 : memref<100000x32xf32, #tpu.memory_space<hbm>>) target(%dma_start3A_1206 : memref<128x32xf32, #tpu.memory_space<vmem>>) offsets(%dma_start3A_1209 : memref<128xi32, #tpu.memory_space<vmem>>) semaphore(%arg33 : memref<!tpu.dma_semaphore, #tpu.memory_space<semaphore_mem>>)
    %dma_start3A_1213 = arith.constant 14 : i32
    %dma_start3A_1214 = arith.constant 2 : i32
    %dma_start3A_1215 = arith.constant 256 : i32
    %dma_start3A_1216 = arith.constant 0 : i32
    %dma_start3A_1217 = tpu.memref_slice %arg31[%dma_start3A_1215, %dma_start3A_1216] : memref<512x32xf32, #tpu.memory_space<vmem>> -> memref<128x32xf32, #tpu.memory_space<vmem>>
    %dma_start3A_1218 = arith.constant 0 : i32
    %dma_start3A_1219 = tpu.memref_slice %arg30[%dma_start3A_1213, %dma_start3A_1214, %dma_start3A_1218] : memref<26x4x128xi32, #tpu.memory_space<vmem>> -> memref<1x1x128xi32, #tpu.memory_space<vmem>>
    %dma_start3A_1220 = tpu.memref_squeeze %dma_start3A_1219 : memref<1x1x128xi32, #tpu.memory_space<vmem>> -> memref<128xi32, #tpu.memory_space<vmem>>
    %dma_start3A_1221 = arith.constant 0 : i32
    %dma_start3A_1222 = arith.constant 0 : i32
    %dma_start3A_1223 = tpu.memref_slice %arg17[%dma_start3A_1221, %dma_start3A_1222] : memref<100000x32xf32, #tpu.memory_space<hbm>> -> memref<100000x32xf32, #tpu.memory_space<hbm>>
    tpu.enqueue_indirect_dma source(%dma_start3A_1223 : memref<100000x32xf32, #tpu.memory_space<hbm>>) target(%dma_start3A_1217 : memref<128x32xf32, #tpu.memory_space<vmem>>) offsets(%dma_start3A_1220 : memref<128xi32, #tpu.memory_space<vmem>>) semaphore(%arg33 : memref<!tpu.dma_semaphore, #tpu.memory_space<semaphore_mem>>)
    %dma_start3A_1224 = arith.constant 14 : i32
    %dma_start3A_1225 = arith.constant 3 : i32
    %dma_start3A_1226 = arith.constant 384 : i32
    %dma_start3A_1227 = arith.constant 0 : i32
    %dma_start3A_1228 = tpu.memref_slice %arg31[%dma_start3A_1226, %dma_start3A_1227] : memref<512x32xf32, #tpu.memory_space<vmem>> -> memref<128x32xf32, #tpu.memory_space<vmem>>
    %dma_start3A_1229 = arith.constant 0 : i32
    %dma_start3A_1230 = tpu.memref_slice %arg30[%dma_start3A_1224, %dma_start3A_1225, %dma_start3A_1229] : memref<26x4x128xi32, #tpu.memory_space<vmem>> -> memref<1x1x128xi32, #tpu.memory_space<vmem>>
    %dma_start3A_1231 = tpu.memref_squeeze %dma_start3A_1230 : memref<1x1x128xi32, #tpu.memory_space<vmem>> -> memref<128xi32, #tpu.memory_space<vmem>>
    %dma_start3A_1232 = arith.constant 0 : i32
    %dma_start3A_1233 = arith.constant 0 : i32
    %dma_start3A_1234 = tpu.memref_slice %arg17[%dma_start3A_1232, %dma_start3A_1233] : memref<100000x32xf32, #tpu.memory_space<hbm>> -> memref<100000x32xf32, #tpu.memory_space<hbm>>
    tpu.enqueue_indirect_dma source(%dma_start3A_1234 : memref<100000x32xf32, #tpu.memory_space<hbm>>) target(%dma_start3A_1228 : memref<128x32xf32, #tpu.memory_space<vmem>>) offsets(%dma_start3A_1231 : memref<128xi32, #tpu.memory_space<vmem>>) semaphore(%arg33 : memref<!tpu.dma_semaphore, #tpu.memory_space<semaphore_mem>>)
    %dma_wait3A_1235 = arith.constant 13 : i32
    %dma_wait3A_1236 = arith.constant 0 : i32
    %dma_wait3A_1237 = arith.constant 0 : i32
    %dma_wait3A_1238 = arith.constant 0 : i32
    %dma_wait3A_1239 = tpu.memref_slice %arg32[%dma_wait3A_1237, %dma_wait3A_1238] : memref<512x32xf32, #tpu.memory_space<vmem>> -> memref<128x32xf32, #tpu.memory_space<vmem>>
    %dma_wait3A_1240 = arith.constant 0 : i32
    %dma_wait3A_1241 = tpu.memref_slice %arg30[%dma_wait3A_1235, %dma_wait3A_1236, %dma_wait3A_1240] : memref<26x4x128xi32, #tpu.memory_space<vmem>> -> memref<1x1x128xi32, #tpu.memory_space<vmem>>
    %dma_wait3A_1242 = tpu.memref_squeeze %dma_wait3A_1241 : memref<1x1x128xi32, #tpu.memory_space<vmem>> -> memref<128xi32, #tpu.memory_space<vmem>>
    %dma_wait3A_1243 = arith.constant 0 : i32
    %dma_wait3A_1244 = arith.constant 0 : i32
    %dma_wait3A_1245 = tpu.memref_slice %arg16[%dma_wait3A_1243, %dma_wait3A_1244] : memref<100000x32xf32, #tpu.memory_space<hbm>> -> memref<100000x32xf32, #tpu.memory_space<hbm>>
    tpu.wait_indirect_dma semaphore(%arg34 : memref<!tpu.dma_semaphore, #tpu.memory_space<semaphore_mem>>) src(%dma_wait3A_1245 : memref<100000x32xf32, #tpu.memory_space<hbm>>) dst(%dma_wait3A_1239 : memref<128x32xf32, #tpu.memory_space<vmem>>)
    %dma_wait3A_1246 = arith.constant 13 : i32
    %dma_wait3A_1247 = arith.constant 1 : i32
    %dma_wait3A_1248 = arith.constant 128 : i32
    %dma_wait3A_1249 = arith.constant 0 : i32
    %dma_wait3A_1250 = tpu.memref_slice %arg32[%dma_wait3A_1248, %dma_wait3A_1249] : memref<512x32xf32, #tpu.memory_space<vmem>> -> memref<128x32xf32, #tpu.memory_space<vmem>>
    %dma_wait3A_1251 = arith.constant 0 : i32
    %dma_wait3A_1252 = tpu.memref_slice %arg30[%dma_wait3A_1246, %dma_wait3A_1247, %dma_wait3A_1251] : memref<26x4x128xi32, #tpu.memory_space<vmem>> -> memref<1x1x128xi32, #tpu.memory_space<vmem>>
    %dma_wait3A_1253 = tpu.memref_squeeze %dma_wait3A_1252 : memref<1x1x128xi32, #tpu.memory_space<vmem>> -> memref<128xi32, #tpu.memory_space<vmem>>
    %dma_wait3A_1254 = arith.constant 0 : i32
    %dma_wait3A_1255 = arith.constant 0 : i32
    %dma_wait3A_1256 = tpu.memref_slice %arg16[%dma_wait3A_1254, %dma_wait3A_1255] : memref<100000x32xf32, #tpu.memory_space<hbm>> -> memref<100000x32xf32, #tpu.memory_space<hbm>>
    tpu.wait_indirect_dma semaphore(%arg34 : memref<!tpu.dma_semaphore, #tpu.memory_space<semaphore_mem>>) src(%dma_wait3A_1256 : memref<100000x32xf32, #tpu.memory_space<hbm>>) dst(%dma_wait3A_1250 : memref<128x32xf32, #tpu.memory_space<vmem>>)
    %dma_wait3A_1257 = arith.constant 13 : i32
    %dma_wait3A_1258 = arith.constant 2 : i32
    %dma_wait3A_1259 = arith.constant 256 : i32
    %dma_wait3A_1260 = arith.constant 0 : i32
    %dma_wait3A_1261 = tpu.memref_slice %arg32[%dma_wait3A_1259, %dma_wait3A_1260] : memref<512x32xf32, #tpu.memory_space<vmem>> -> memref<128x32xf32, #tpu.memory_space<vmem>>
    %dma_wait3A_1262 = arith.constant 0 : i32
    %dma_wait3A_1263 = tpu.memref_slice %arg30[%dma_wait3A_1257, %dma_wait3A_1258, %dma_wait3A_1262] : memref<26x4x128xi32, #tpu.memory_space<vmem>> -> memref<1x1x128xi32, #tpu.memory_space<vmem>>
    %dma_wait3A_1264 = tpu.memref_squeeze %dma_wait3A_1263 : memref<1x1x128xi32, #tpu.memory_space<vmem>> -> memref<128xi32, #tpu.memory_space<vmem>>
    %dma_wait3A_1265 = arith.constant 0 : i32
    %dma_wait3A_1266 = arith.constant 0 : i32
    %dma_wait3A_1267 = tpu.memref_slice %arg16[%dma_wait3A_1265, %dma_wait3A_1266] : memref<100000x32xf32, #tpu.memory_space<hbm>> -> memref<100000x32xf32, #tpu.memory_space<hbm>>
    tpu.wait_indirect_dma semaphore(%arg34 : memref<!tpu.dma_semaphore, #tpu.memory_space<semaphore_mem>>) src(%dma_wait3A_1267 : memref<100000x32xf32, #tpu.memory_space<hbm>>) dst(%dma_wait3A_1261 : memref<128x32xf32, #tpu.memory_space<vmem>>)
    %dma_wait3A_1268 = arith.constant 13 : i32
    %dma_wait3A_1269 = arith.constant 3 : i32
    %dma_wait3A_1270 = arith.constant 384 : i32
    %dma_wait3A_1271 = arith.constant 0 : i32
    %dma_wait3A_1272 = tpu.memref_slice %arg32[%dma_wait3A_1270, %dma_wait3A_1271] : memref<512x32xf32, #tpu.memory_space<vmem>> -> memref<128x32xf32, #tpu.memory_space<vmem>>
    %dma_wait3A_1273 = arith.constant 0 : i32
    %dma_wait3A_1274 = tpu.memref_slice %arg30[%dma_wait3A_1268, %dma_wait3A_1269, %dma_wait3A_1273] : memref<26x4x128xi32, #tpu.memory_space<vmem>> -> memref<1x1x128xi32, #tpu.memory_space<vmem>>
    %dma_wait3A_1275 = tpu.memref_squeeze %dma_wait3A_1274 : memref<1x1x128xi32, #tpu.memory_space<vmem>> -> memref<128xi32, #tpu.memory_space<vmem>>
    %dma_wait3A_1276 = arith.constant 0 : i32
    %dma_wait3A_1277 = arith.constant 0 : i32
    %dma_wait3A_1278 = tpu.memref_slice %arg16[%dma_wait3A_1276, %dma_wait3A_1277] : memref<100000x32xf32, #tpu.memory_space<hbm>> -> memref<100000x32xf32, #tpu.memory_space<hbm>>
    tpu.wait_indirect_dma semaphore(%arg34 : memref<!tpu.dma_semaphore, #tpu.memory_space<semaphore_mem>>) src(%dma_wait3A_1278 : memref<100000x32xf32, #tpu.memory_space<hbm>>) dst(%dma_wait3A_1272 : memref<128x32xf32, #tpu.memory_space<vmem>>)
    "tpu.region"() ({
      %run_scoped3A = tpu.sem_alloc : memref<!tpu.dma_semaphore, #tpu.memory_space<semaphore_mem>>
      %dma_start3A_2291 = arith.constant 416 : i32
      %dma_start3A_2292 = tpu.memref_slice %arg29[%mul3A_2, %dma_start3A_2291] : memref<16384x832xf32, #tpu.memory_space<hbm>> -> memref<512x32xf32, #tpu.memory_space<hbm>>
      %dma_start3A_2293 = arith.constant 416 : i32
      %dma_start3A_2294 = tpu.memref_slice %arg29[%mul3A_2, %dma_start3A_2293] : memref<16384x832xf32, #tpu.memory_space<hbm>> -> memref<512x32xf32, #tpu.memory_space<hbm>>
      tpu.enqueue_dma source(%arg32 : memref<512x32xf32, #tpu.memory_space<vmem>>) target(%dma_start3A_2294 : memref<512x32xf32, #tpu.memory_space<hbm>>) target_semaphore(%run_scoped3A : memref<!tpu.dma_semaphore, #tpu.memory_space<semaphore_mem>>)
      %dma_wait3A_2295 = arith.constant 416 : i32
      %dma_wait3A_2296 = tpu.memref_slice %arg29[%mul3A_2, %dma_wait3A_2295] : memref<16384x832xf32, #tpu.memory_space<hbm>> -> memref<512x32xf32, #tpu.memory_space<hbm>>
      %dma_wait3A_2297 = arith.constant 416 : i32
      %dma_wait3A_2298 = tpu.memref_slice %arg29[%mul3A_2, %dma_wait3A_2297] : memref<16384x832xf32, #tpu.memory_space<hbm>> -> memref<512x32xf32, #tpu.memory_space<hbm>>
      tpu.wait_dma2 semaphore(%run_scoped3A : memref<!tpu.dma_semaphore, #tpu.memory_space<semaphore_mem>>) src(%arg32 : memref<512x32xf32, #tpu.memory_space<vmem>>) dst(%dma_wait3A_2298 : memref<512x32xf32, #tpu.memory_space<hbm>>)
      tpu.yield
    }) : () -> ()
    %dma_start3A_1279 = arith.constant 15 : i32
    %dma_start3A_1280 = arith.constant 0 : i32
    %dma_start3A_1281 = arith.constant 0 : i32
    %dma_start3A_1282 = arith.constant 0 : i32
    %dma_start3A_1283 = tpu.memref_slice %arg32[%dma_start3A_1281, %dma_start3A_1282] : memref<512x32xf32, #tpu.memory_space<vmem>> -> memref<128x32xf32, #tpu.memory_space<vmem>>
    %dma_start3A_1284 = arith.constant 0 : i32
    %dma_start3A_1285 = tpu.memref_slice %arg30[%dma_start3A_1279, %dma_start3A_1280, %dma_start3A_1284] : memref<26x4x128xi32, #tpu.memory_space<vmem>> -> memref<1x1x128xi32, #tpu.memory_space<vmem>>
    %dma_start3A_1286 = tpu.memref_squeeze %dma_start3A_1285 : memref<1x1x128xi32, #tpu.memory_space<vmem>> -> memref<128xi32, #tpu.memory_space<vmem>>
    %dma_start3A_1287 = arith.constant 0 : i32
    %dma_start3A_1288 = arith.constant 0 : i32
    %dma_start3A_1289 = tpu.memref_slice %arg18[%dma_start3A_1287, %dma_start3A_1288] : memref<100000x32xf32, #tpu.memory_space<hbm>> -> memref<100000x32xf32, #tpu.memory_space<hbm>>
    tpu.enqueue_indirect_dma source(%dma_start3A_1289 : memref<100000x32xf32, #tpu.memory_space<hbm>>) target(%dma_start3A_1283 : memref<128x32xf32, #tpu.memory_space<vmem>>) offsets(%dma_start3A_1286 : memref<128xi32, #tpu.memory_space<vmem>>) semaphore(%arg34 : memref<!tpu.dma_semaphore, #tpu.memory_space<semaphore_mem>>)
    %dma_start3A_1290 = arith.constant 15 : i32
    %dma_start3A_1291 = arith.constant 1 : i32
    %dma_start3A_1292 = arith.constant 128 : i32
    %dma_start3A_1293 = arith.constant 0 : i32
    %dma_start3A_1294 = tpu.memref_slice %arg32[%dma_start3A_1292, %dma_start3A_1293] : memref<512x32xf32, #tpu.memory_space<vmem>> -> memref<128x32xf32, #tpu.memory_space<vmem>>
    %dma_start3A_1295 = arith.constant 0 : i32
    %dma_start3A_1296 = tpu.memref_slice %arg30[%dma_start3A_1290, %dma_start3A_1291, %dma_start3A_1295] : memref<26x4x128xi32, #tpu.memory_space<vmem>> -> memref<1x1x128xi32, #tpu.memory_space<vmem>>
    %dma_start3A_1297 = tpu.memref_squeeze %dma_start3A_1296 : memref<1x1x128xi32, #tpu.memory_space<vmem>> -> memref<128xi32, #tpu.memory_space<vmem>>
    %dma_start3A_1298 = arith.constant 0 : i32
    %dma_start3A_1299 = arith.constant 0 : i32
    %dma_start3A_1300 = tpu.memref_slice %arg18[%dma_start3A_1298, %dma_start3A_1299] : memref<100000x32xf32, #tpu.memory_space<hbm>> -> memref<100000x32xf32, #tpu.memory_space<hbm>>
    tpu.enqueue_indirect_dma source(%dma_start3A_1300 : memref<100000x32xf32, #tpu.memory_space<hbm>>) target(%dma_start3A_1294 : memref<128x32xf32, #tpu.memory_space<vmem>>) offsets(%dma_start3A_1297 : memref<128xi32, #tpu.memory_space<vmem>>) semaphore(%arg34 : memref<!tpu.dma_semaphore, #tpu.memory_space<semaphore_mem>>)
    %dma_start3A_1301 = arith.constant 15 : i32
    %dma_start3A_1302 = arith.constant 2 : i32
    %dma_start3A_1303 = arith.constant 256 : i32
    %dma_start3A_1304 = arith.constant 0 : i32
    %dma_start3A_1305 = tpu.memref_slice %arg32[%dma_start3A_1303, %dma_start3A_1304] : memref<512x32xf32, #tpu.memory_space<vmem>> -> memref<128x32xf32, #tpu.memory_space<vmem>>
    %dma_start3A_1306 = arith.constant 0 : i32
    %dma_start3A_1307 = tpu.memref_slice %arg30[%dma_start3A_1301, %dma_start3A_1302, %dma_start3A_1306] : memref<26x4x128xi32, #tpu.memory_space<vmem>> -> memref<1x1x128xi32, #tpu.memory_space<vmem>>
    %dma_start3A_1308 = tpu.memref_squeeze %dma_start3A_1307 : memref<1x1x128xi32, #tpu.memory_space<vmem>> -> memref<128xi32, #tpu.memory_space<vmem>>
    %dma_start3A_1309 = arith.constant 0 : i32
    %dma_start3A_1310 = arith.constant 0 : i32
    %dma_start3A_1311 = tpu.memref_slice %arg18[%dma_start3A_1309, %dma_start3A_1310] : memref<100000x32xf32, #tpu.memory_space<hbm>> -> memref<100000x32xf32, #tpu.memory_space<hbm>>
    tpu.enqueue_indirect_dma source(%dma_start3A_1311 : memref<100000x32xf32, #tpu.memory_space<hbm>>) target(%dma_start3A_1305 : memref<128x32xf32, #tpu.memory_space<vmem>>) offsets(%dma_start3A_1308 : memref<128xi32, #tpu.memory_space<vmem>>) semaphore(%arg34 : memref<!tpu.dma_semaphore, #tpu.memory_space<semaphore_mem>>)
    %dma_start3A_1312 = arith.constant 15 : i32
    %dma_start3A_1313 = arith.constant 3 : i32
    %dma_start3A_1314 = arith.constant 384 : i32
    %dma_start3A_1315 = arith.constant 0 : i32
    %dma_start3A_1316 = tpu.memref_slice %arg32[%dma_start3A_1314, %dma_start3A_1315] : memref<512x32xf32, #tpu.memory_space<vmem>> -> memref<128x32xf32, #tpu.memory_space<vmem>>
    %dma_start3A_1317 = arith.constant 0 : i32
    %dma_start3A_1318 = tpu.memref_slice %arg30[%dma_start3A_1312, %dma_start3A_1313, %dma_start3A_1317] : memref<26x4x128xi32, #tpu.memory_space<vmem>> -> memref<1x1x128xi32, #tpu.memory_space<vmem>>
    %dma_start3A_1319 = tpu.memref_squeeze %dma_start3A_1318 : memref<1x1x128xi32, #tpu.memory_space<vmem>> -> memref<128xi32, #tpu.memory_space<vmem>>
    %dma_start3A_1320 = arith.constant 0 : i32
    %dma_start3A_1321 = arith.constant 0 : i32
    %dma_start3A_1322 = tpu.memref_slice %arg18[%dma_start3A_1320, %dma_start3A_1321] : memref<100000x32xf32, #tpu.memory_space<hbm>> -> memref<100000x32xf32, #tpu.memory_space<hbm>>
    tpu.enqueue_indirect_dma source(%dma_start3A_1322 : memref<100000x32xf32, #tpu.memory_space<hbm>>) target(%dma_start3A_1316 : memref<128x32xf32, #tpu.memory_space<vmem>>) offsets(%dma_start3A_1319 : memref<128xi32, #tpu.memory_space<vmem>>) semaphore(%arg34 : memref<!tpu.dma_semaphore, #tpu.memory_space<semaphore_mem>>)
    %dma_wait3A_1323 = arith.constant 14 : i32
    %dma_wait3A_1324 = arith.constant 0 : i32
    %dma_wait3A_1325 = arith.constant 0 : i32
    %dma_wait3A_1326 = arith.constant 0 : i32
    %dma_wait3A_1327 = tpu.memref_slice %arg31[%dma_wait3A_1325, %dma_wait3A_1326] : memref<512x32xf32, #tpu.memory_space<vmem>> -> memref<128x32xf32, #tpu.memory_space<vmem>>
    %dma_wait3A_1328 = arith.constant 0 : i32
    %dma_wait3A_1329 = tpu.memref_slice %arg30[%dma_wait3A_1323, %dma_wait3A_1324, %dma_wait3A_1328] : memref<26x4x128xi32, #tpu.memory_space<vmem>> -> memref<1x1x128xi32, #tpu.memory_space<vmem>>
    %dma_wait3A_1330 = tpu.memref_squeeze %dma_wait3A_1329 : memref<1x1x128xi32, #tpu.memory_space<vmem>> -> memref<128xi32, #tpu.memory_space<vmem>>
    %dma_wait3A_1331 = arith.constant 0 : i32
    %dma_wait3A_1332 = arith.constant 0 : i32
    %dma_wait3A_1333 = tpu.memref_slice %arg17[%dma_wait3A_1331, %dma_wait3A_1332] : memref<100000x32xf32, #tpu.memory_space<hbm>> -> memref<100000x32xf32, #tpu.memory_space<hbm>>
    tpu.wait_indirect_dma semaphore(%arg33 : memref<!tpu.dma_semaphore, #tpu.memory_space<semaphore_mem>>) src(%dma_wait3A_1333 : memref<100000x32xf32, #tpu.memory_space<hbm>>) dst(%dma_wait3A_1327 : memref<128x32xf32, #tpu.memory_space<vmem>>)
    %dma_wait3A_1334 = arith.constant 14 : i32
    %dma_wait3A_1335 = arith.constant 1 : i32
    %dma_wait3A_1336 = arith.constant 128 : i32
    %dma_wait3A_1337 = arith.constant 0 : i32
    %dma_wait3A_1338 = tpu.memref_slice %arg31[%dma_wait3A_1336, %dma_wait3A_1337] : memref<512x32xf32, #tpu.memory_space<vmem>> -> memref<128x32xf32, #tpu.memory_space<vmem>>
    %dma_wait3A_1339 = arith.constant 0 : i32
    %dma_wait3A_1340 = tpu.memref_slice %arg30[%dma_wait3A_1334, %dma_wait3A_1335, %dma_wait3A_1339] : memref<26x4x128xi32, #tpu.memory_space<vmem>> -> memref<1x1x128xi32, #tpu.memory_space<vmem>>
    %dma_wait3A_1341 = tpu.memref_squeeze %dma_wait3A_1340 : memref<1x1x128xi32, #tpu.memory_space<vmem>> -> memref<128xi32, #tpu.memory_space<vmem>>
    %dma_wait3A_1342 = arith.constant 0 : i32
    %dma_wait3A_1343 = arith.constant 0 : i32
    %dma_wait3A_1344 = tpu.memref_slice %arg17[%dma_wait3A_1342, %dma_wait3A_1343] : memref<100000x32xf32, #tpu.memory_space<hbm>> -> memref<100000x32xf32, #tpu.memory_space<hbm>>
    tpu.wait_indirect_dma semaphore(%arg33 : memref<!tpu.dma_semaphore, #tpu.memory_space<semaphore_mem>>) src(%dma_wait3A_1344 : memref<100000x32xf32, #tpu.memory_space<hbm>>) dst(%dma_wait3A_1338 : memref<128x32xf32, #tpu.memory_space<vmem>>)
    %dma_wait3A_1345 = arith.constant 14 : i32
    %dma_wait3A_1346 = arith.constant 2 : i32
    %dma_wait3A_1347 = arith.constant 256 : i32
    %dma_wait3A_1348 = arith.constant 0 : i32
    %dma_wait3A_1349 = tpu.memref_slice %arg31[%dma_wait3A_1347, %dma_wait3A_1348] : memref<512x32xf32, #tpu.memory_space<vmem>> -> memref<128x32xf32, #tpu.memory_space<vmem>>
    %dma_wait3A_1350 = arith.constant 0 : i32
    %dma_wait3A_1351 = tpu.memref_slice %arg30[%dma_wait3A_1345, %dma_wait3A_1346, %dma_wait3A_1350] : memref<26x4x128xi32, #tpu.memory_space<vmem>> -> memref<1x1x128xi32, #tpu.memory_space<vmem>>
    %dma_wait3A_1352 = tpu.memref_squeeze %dma_wait3A_1351 : memref<1x1x128xi32, #tpu.memory_space<vmem>> -> memref<128xi32, #tpu.memory_space<vmem>>
    %dma_wait3A_1353 = arith.constant 0 : i32
    %dma_wait3A_1354 = arith.constant 0 : i32
    %dma_wait3A_1355 = tpu.memref_slice %arg17[%dma_wait3A_1353, %dma_wait3A_1354] : memref<100000x32xf32, #tpu.memory_space<hbm>> -> memref<100000x32xf32, #tpu.memory_space<hbm>>
    tpu.wait_indirect_dma semaphore(%arg33 : memref<!tpu.dma_semaphore, #tpu.memory_space<semaphore_mem>>) src(%dma_wait3A_1355 : memref<100000x32xf32, #tpu.memory_space<hbm>>) dst(%dma_wait3A_1349 : memref<128x32xf32, #tpu.memory_space<vmem>>)
    %dma_wait3A_1356 = arith.constant 14 : i32
    %dma_wait3A_1357 = arith.constant 3 : i32
    %dma_wait3A_1358 = arith.constant 384 : i32
    %dma_wait3A_1359 = arith.constant 0 : i32
    %dma_wait3A_1360 = tpu.memref_slice %arg31[%dma_wait3A_1358, %dma_wait3A_1359] : memref<512x32xf32, #tpu.memory_space<vmem>> -> memref<128x32xf32, #tpu.memory_space<vmem>>
    %dma_wait3A_1361 = arith.constant 0 : i32
    %dma_wait3A_1362 = tpu.memref_slice %arg30[%dma_wait3A_1356, %dma_wait3A_1357, %dma_wait3A_1361] : memref<26x4x128xi32, #tpu.memory_space<vmem>> -> memref<1x1x128xi32, #tpu.memory_space<vmem>>
    %dma_wait3A_1363 = tpu.memref_squeeze %dma_wait3A_1362 : memref<1x1x128xi32, #tpu.memory_space<vmem>> -> memref<128xi32, #tpu.memory_space<vmem>>
    %dma_wait3A_1364 = arith.constant 0 : i32
    %dma_wait3A_1365 = arith.constant 0 : i32
    %dma_wait3A_1366 = tpu.memref_slice %arg17[%dma_wait3A_1364, %dma_wait3A_1365] : memref<100000x32xf32, #tpu.memory_space<hbm>> -> memref<100000x32xf32, #tpu.memory_space<hbm>>
    tpu.wait_indirect_dma semaphore(%arg33 : memref<!tpu.dma_semaphore, #tpu.memory_space<semaphore_mem>>) src(%dma_wait3A_1366 : memref<100000x32xf32, #tpu.memory_space<hbm>>) dst(%dma_wait3A_1360 : memref<128x32xf32, #tpu.memory_space<vmem>>)
    "tpu.region"() ({
      %run_scoped3A = tpu.sem_alloc : memref<!tpu.dma_semaphore, #tpu.memory_space<semaphore_mem>>
      %dma_start3A_2291 = arith.constant 448 : i32
      %dma_start3A_2292 = tpu.memref_slice %arg29[%mul3A_2, %dma_start3A_2291] : memref<16384x832xf32, #tpu.memory_space<hbm>> -> memref<512x32xf32, #tpu.memory_space<hbm>>
      %dma_start3A_2293 = arith.constant 448 : i32
      %dma_start3A_2294 = tpu.memref_slice %arg29[%mul3A_2, %dma_start3A_2293] : memref<16384x832xf32, #tpu.memory_space<hbm>> -> memref<512x32xf32, #tpu.memory_space<hbm>>
      tpu.enqueue_dma source(%arg31 : memref<512x32xf32, #tpu.memory_space<vmem>>) target(%dma_start3A_2294 : memref<512x32xf32, #tpu.memory_space<hbm>>) target_semaphore(%run_scoped3A : memref<!tpu.dma_semaphore, #tpu.memory_space<semaphore_mem>>)
      %dma_wait3A_2295 = arith.constant 448 : i32
      %dma_wait3A_2296 = tpu.memref_slice %arg29[%mul3A_2, %dma_wait3A_2295] : memref<16384x832xf32, #tpu.memory_space<hbm>> -> memref<512x32xf32, #tpu.memory_space<hbm>>
      %dma_wait3A_2297 = arith.constant 448 : i32
      %dma_wait3A_2298 = tpu.memref_slice %arg29[%mul3A_2, %dma_wait3A_2297] : memref<16384x832xf32, #tpu.memory_space<hbm>> -> memref<512x32xf32, #tpu.memory_space<hbm>>
      tpu.wait_dma2 semaphore(%run_scoped3A : memref<!tpu.dma_semaphore, #tpu.memory_space<semaphore_mem>>) src(%arg31 : memref<512x32xf32, #tpu.memory_space<vmem>>) dst(%dma_wait3A_2298 : memref<512x32xf32, #tpu.memory_space<hbm>>)
      tpu.yield
    }) : () -> ()
    %dma_start3A_1367 = arith.constant 16 : i32
    %dma_start3A_1368 = arith.constant 0 : i32
    %dma_start3A_1369 = arith.constant 0 : i32
    %dma_start3A_1370 = arith.constant 0 : i32
    %dma_start3A_1371 = tpu.memref_slice %arg31[%dma_start3A_1369, %dma_start3A_1370] : memref<512x32xf32, #tpu.memory_space<vmem>> -> memref<128x32xf32, #tpu.memory_space<vmem>>
    %dma_start3A_1372 = arith.constant 0 : i32
    %dma_start3A_1373 = tpu.memref_slice %arg30[%dma_start3A_1367, %dma_start3A_1368, %dma_start3A_1372] : memref<26x4x128xi32, #tpu.memory_space<vmem>> -> memref<1x1x128xi32, #tpu.memory_space<vmem>>
    %dma_start3A_1374 = tpu.memref_squeeze %dma_start3A_1373 : memref<1x1x128xi32, #tpu.memory_space<vmem>> -> memref<128xi32, #tpu.memory_space<vmem>>
    %dma_start3A_1375 = arith.constant 0 : i32
    %dma_start3A_1376 = arith.constant 0 : i32
    %dma_start3A_1377 = tpu.memref_slice %arg19[%dma_start3A_1375, %dma_start3A_1376] : memref<100000x32xf32, #tpu.memory_space<hbm>> -> memref<100000x32xf32, #tpu.memory_space<hbm>>
    tpu.enqueue_indirect_dma source(%dma_start3A_1377 : memref<100000x32xf32, #tpu.memory_space<hbm>>) target(%dma_start3A_1371 : memref<128x32xf32, #tpu.memory_space<vmem>>) offsets(%dma_start3A_1374 : memref<128xi32, #tpu.memory_space<vmem>>) semaphore(%arg33 : memref<!tpu.dma_semaphore, #tpu.memory_space<semaphore_mem>>)
    %dma_start3A_1378 = arith.constant 16 : i32
    %dma_start3A_1379 = arith.constant 1 : i32
    %dma_start3A_1380 = arith.constant 128 : i32
    %dma_start3A_1381 = arith.constant 0 : i32
    %dma_start3A_1382 = tpu.memref_slice %arg31[%dma_start3A_1380, %dma_start3A_1381] : memref<512x32xf32, #tpu.memory_space<vmem>> -> memref<128x32xf32, #tpu.memory_space<vmem>>
    %dma_start3A_1383 = arith.constant 0 : i32
    %dma_start3A_1384 = tpu.memref_slice %arg30[%dma_start3A_1378, %dma_start3A_1379, %dma_start3A_1383] : memref<26x4x128xi32, #tpu.memory_space<vmem>> -> memref<1x1x128xi32, #tpu.memory_space<vmem>>
    %dma_start3A_1385 = tpu.memref_squeeze %dma_start3A_1384 : memref<1x1x128xi32, #tpu.memory_space<vmem>> -> memref<128xi32, #tpu.memory_space<vmem>>
    %dma_start3A_1386 = arith.constant 0 : i32
    %dma_start3A_1387 = arith.constant 0 : i32
    %dma_start3A_1388 = tpu.memref_slice %arg19[%dma_start3A_1386, %dma_start3A_1387] : memref<100000x32xf32, #tpu.memory_space<hbm>> -> memref<100000x32xf32, #tpu.memory_space<hbm>>
    tpu.enqueue_indirect_dma source(%dma_start3A_1388 : memref<100000x32xf32, #tpu.memory_space<hbm>>) target(%dma_start3A_1382 : memref<128x32xf32, #tpu.memory_space<vmem>>) offsets(%dma_start3A_1385 : memref<128xi32, #tpu.memory_space<vmem>>) semaphore(%arg33 : memref<!tpu.dma_semaphore, #tpu.memory_space<semaphore_mem>>)
    %dma_start3A_1389 = arith.constant 16 : i32
    %dma_start3A_1390 = arith.constant 2 : i32
    %dma_start3A_1391 = arith.constant 256 : i32
    %dma_start3A_1392 = arith.constant 0 : i32
    %dma_start3A_1393 = tpu.memref_slice %arg31[%dma_start3A_1391, %dma_start3A_1392] : memref<512x32xf32, #tpu.memory_space<vmem>> -> memref<128x32xf32, #tpu.memory_space<vmem>>
    %dma_start3A_1394 = arith.constant 0 : i32
    %dma_start3A_1395 = tpu.memref_slice %arg30[%dma_start3A_1389, %dma_start3A_1390, %dma_start3A_1394] : memref<26x4x128xi32, #tpu.memory_space<vmem>> -> memref<1x1x128xi32, #tpu.memory_space<vmem>>
    %dma_start3A_1396 = tpu.memref_squeeze %dma_start3A_1395 : memref<1x1x128xi32, #tpu.memory_space<vmem>> -> memref<128xi32, #tpu.memory_space<vmem>>
    %dma_start3A_1397 = arith.constant 0 : i32
    %dma_start3A_1398 = arith.constant 0 : i32
    %dma_start3A_1399 = tpu.memref_slice %arg19[%dma_start3A_1397, %dma_start3A_1398] : memref<100000x32xf32, #tpu.memory_space<hbm>> -> memref<100000x32xf32, #tpu.memory_space<hbm>>
    tpu.enqueue_indirect_dma source(%dma_start3A_1399 : memref<100000x32xf32, #tpu.memory_space<hbm>>) target(%dma_start3A_1393 : memref<128x32xf32, #tpu.memory_space<vmem>>) offsets(%dma_start3A_1396 : memref<128xi32, #tpu.memory_space<vmem>>) semaphore(%arg33 : memref<!tpu.dma_semaphore, #tpu.memory_space<semaphore_mem>>)
    %dma_start3A_1400 = arith.constant 16 : i32
    %dma_start3A_1401 = arith.constant 3 : i32
    %dma_start3A_1402 = arith.constant 384 : i32
    %dma_start3A_1403 = arith.constant 0 : i32
    %dma_start3A_1404 = tpu.memref_slice %arg31[%dma_start3A_1402, %dma_start3A_1403] : memref<512x32xf32, #tpu.memory_space<vmem>> -> memref<128x32xf32, #tpu.memory_space<vmem>>
    %dma_start3A_1405 = arith.constant 0 : i32
    %dma_start3A_1406 = tpu.memref_slice %arg30[%dma_start3A_1400, %dma_start3A_1401, %dma_start3A_1405] : memref<26x4x128xi32, #tpu.memory_space<vmem>> -> memref<1x1x128xi32, #tpu.memory_space<vmem>>
    %dma_start3A_1407 = tpu.memref_squeeze %dma_start3A_1406 : memref<1x1x128xi32, #tpu.memory_space<vmem>> -> memref<128xi32, #tpu.memory_space<vmem>>
    %dma_start3A_1408 = arith.constant 0 : i32
    %dma_start3A_1409 = arith.constant 0 : i32
    %dma_start3A_1410 = tpu.memref_slice %arg19[%dma_start3A_1408, %dma_start3A_1409] : memref<100000x32xf32, #tpu.memory_space<hbm>> -> memref<100000x32xf32, #tpu.memory_space<hbm>>
    tpu.enqueue_indirect_dma source(%dma_start3A_1410 : memref<100000x32xf32, #tpu.memory_space<hbm>>) target(%dma_start3A_1404 : memref<128x32xf32, #tpu.memory_space<vmem>>) offsets(%dma_start3A_1407 : memref<128xi32, #tpu.memory_space<vmem>>) semaphore(%arg33 : memref<!tpu.dma_semaphore, #tpu.memory_space<semaphore_mem>>)
    %dma_wait3A_1411 = arith.constant 15 : i32
    %dma_wait3A_1412 = arith.constant 0 : i32
    %dma_wait3A_1413 = arith.constant 0 : i32
    %dma_wait3A_1414 = arith.constant 0 : i32
    %dma_wait3A_1415 = tpu.memref_slice %arg32[%dma_wait3A_1413, %dma_wait3A_1414] : memref<512x32xf32, #tpu.memory_space<vmem>> -> memref<128x32xf32, #tpu.memory_space<vmem>>
    %dma_wait3A_1416 = arith.constant 0 : i32
    %dma_wait3A_1417 = tpu.memref_slice %arg30[%dma_wait3A_1411, %dma_wait3A_1412, %dma_wait3A_1416] : memref<26x4x128xi32, #tpu.memory_space<vmem>> -> memref<1x1x128xi32, #tpu.memory_space<vmem>>
    %dma_wait3A_1418 = tpu.memref_squeeze %dma_wait3A_1417 : memref<1x1x128xi32, #tpu.memory_space<vmem>> -> memref<128xi32, #tpu.memory_space<vmem>>
    %dma_wait3A_1419 = arith.constant 0 : i32
    %dma_wait3A_1420 = arith.constant 0 : i32
    %dma_wait3A_1421 = tpu.memref_slice %arg18[%dma_wait3A_1419, %dma_wait3A_1420] : memref<100000x32xf32, #tpu.memory_space<hbm>> -> memref<100000x32xf32, #tpu.memory_space<hbm>>
    tpu.wait_indirect_dma semaphore(%arg34 : memref<!tpu.dma_semaphore, #tpu.memory_space<semaphore_mem>>) src(%dma_wait3A_1421 : memref<100000x32xf32, #tpu.memory_space<hbm>>) dst(%dma_wait3A_1415 : memref<128x32xf32, #tpu.memory_space<vmem>>)
    %dma_wait3A_1422 = arith.constant 15 : i32
    %dma_wait3A_1423 = arith.constant 1 : i32
    %dma_wait3A_1424 = arith.constant 128 : i32
    %dma_wait3A_1425 = arith.constant 0 : i32
    %dma_wait3A_1426 = tpu.memref_slice %arg32[%dma_wait3A_1424, %dma_wait3A_1425] : memref<512x32xf32, #tpu.memory_space<vmem>> -> memref<128x32xf32, #tpu.memory_space<vmem>>
    %dma_wait3A_1427 = arith.constant 0 : i32
    %dma_wait3A_1428 = tpu.memref_slice %arg30[%dma_wait3A_1422, %dma_wait3A_1423, %dma_wait3A_1427] : memref<26x4x128xi32, #tpu.memory_space<vmem>> -> memref<1x1x128xi32, #tpu.memory_space<vmem>>
    %dma_wait3A_1429 = tpu.memref_squeeze %dma_wait3A_1428 : memref<1x1x128xi32, #tpu.memory_space<vmem>> -> memref<128xi32, #tpu.memory_space<vmem>>
    %dma_wait3A_1430 = arith.constant 0 : i32
    %dma_wait3A_1431 = arith.constant 0 : i32
    %dma_wait3A_1432 = tpu.memref_slice %arg18[%dma_wait3A_1430, %dma_wait3A_1431] : memref<100000x32xf32, #tpu.memory_space<hbm>> -> memref<100000x32xf32, #tpu.memory_space<hbm>>
    tpu.wait_indirect_dma semaphore(%arg34 : memref<!tpu.dma_semaphore, #tpu.memory_space<semaphore_mem>>) src(%dma_wait3A_1432 : memref<100000x32xf32, #tpu.memory_space<hbm>>) dst(%dma_wait3A_1426 : memref<128x32xf32, #tpu.memory_space<vmem>>)
    %dma_wait3A_1433 = arith.constant 15 : i32
    %dma_wait3A_1434 = arith.constant 2 : i32
    %dma_wait3A_1435 = arith.constant 256 : i32
    %dma_wait3A_1436 = arith.constant 0 : i32
    %dma_wait3A_1437 = tpu.memref_slice %arg32[%dma_wait3A_1435, %dma_wait3A_1436] : memref<512x32xf32, #tpu.memory_space<vmem>> -> memref<128x32xf32, #tpu.memory_space<vmem>>
    %dma_wait3A_1438 = arith.constant 0 : i32
    %dma_wait3A_1439 = tpu.memref_slice %arg30[%dma_wait3A_1433, %dma_wait3A_1434, %dma_wait3A_1438] : memref<26x4x128xi32, #tpu.memory_space<vmem>> -> memref<1x1x128xi32, #tpu.memory_space<vmem>>
    %dma_wait3A_1440 = tpu.memref_squeeze %dma_wait3A_1439 : memref<1x1x128xi32, #tpu.memory_space<vmem>> -> memref<128xi32, #tpu.memory_space<vmem>>
    %dma_wait3A_1441 = arith.constant 0 : i32
    %dma_wait3A_1442 = arith.constant 0 : i32
    %dma_wait3A_1443 = tpu.memref_slice %arg18[%dma_wait3A_1441, %dma_wait3A_1442] : memref<100000x32xf32, #tpu.memory_space<hbm>> -> memref<100000x32xf32, #tpu.memory_space<hbm>>
    tpu.wait_indirect_dma semaphore(%arg34 : memref<!tpu.dma_semaphore, #tpu.memory_space<semaphore_mem>>) src(%dma_wait3A_1443 : memref<100000x32xf32, #tpu.memory_space<hbm>>) dst(%dma_wait3A_1437 : memref<128x32xf32, #tpu.memory_space<vmem>>)
    %dma_wait3A_1444 = arith.constant 15 : i32
    %dma_wait3A_1445 = arith.constant 3 : i32
    %dma_wait3A_1446 = arith.constant 384 : i32
    %dma_wait3A_1447 = arith.constant 0 : i32
    %dma_wait3A_1448 = tpu.memref_slice %arg32[%dma_wait3A_1446, %dma_wait3A_1447] : memref<512x32xf32, #tpu.memory_space<vmem>> -> memref<128x32xf32, #tpu.memory_space<vmem>>
    %dma_wait3A_1449 = arith.constant 0 : i32
    %dma_wait3A_1450 = tpu.memref_slice %arg30[%dma_wait3A_1444, %dma_wait3A_1445, %dma_wait3A_1449] : memref<26x4x128xi32, #tpu.memory_space<vmem>> -> memref<1x1x128xi32, #tpu.memory_space<vmem>>
    %dma_wait3A_1451 = tpu.memref_squeeze %dma_wait3A_1450 : memref<1x1x128xi32, #tpu.memory_space<vmem>> -> memref<128xi32, #tpu.memory_space<vmem>>
    %dma_wait3A_1452 = arith.constant 0 : i32
    %dma_wait3A_1453 = arith.constant 0 : i32
    %dma_wait3A_1454 = tpu.memref_slice %arg18[%dma_wait3A_1452, %dma_wait3A_1453] : memref<100000x32xf32, #tpu.memory_space<hbm>> -> memref<100000x32xf32, #tpu.memory_space<hbm>>
    tpu.wait_indirect_dma semaphore(%arg34 : memref<!tpu.dma_semaphore, #tpu.memory_space<semaphore_mem>>) src(%dma_wait3A_1454 : memref<100000x32xf32, #tpu.memory_space<hbm>>) dst(%dma_wait3A_1448 : memref<128x32xf32, #tpu.memory_space<vmem>>)
    "tpu.region"() ({
      %run_scoped3A = tpu.sem_alloc : memref<!tpu.dma_semaphore, #tpu.memory_space<semaphore_mem>>
      %dma_start3A_2291 = arith.constant 480 : i32
      %dma_start3A_2292 = tpu.memref_slice %arg29[%mul3A_2, %dma_start3A_2291] : memref<16384x832xf32, #tpu.memory_space<hbm>> -> memref<512x32xf32, #tpu.memory_space<hbm>>
      %dma_start3A_2293 = arith.constant 480 : i32
      %dma_start3A_2294 = tpu.memref_slice %arg29[%mul3A_2, %dma_start3A_2293] : memref<16384x832xf32, #tpu.memory_space<hbm>> -> memref<512x32xf32, #tpu.memory_space<hbm>>
      tpu.enqueue_dma source(%arg32 : memref<512x32xf32, #tpu.memory_space<vmem>>) target(%dma_start3A_2294 : memref<512x32xf32, #tpu.memory_space<hbm>>) target_semaphore(%run_scoped3A : memref<!tpu.dma_semaphore, #tpu.memory_space<semaphore_mem>>)
      %dma_wait3A_2295 = arith.constant 480 : i32
      %dma_wait3A_2296 = tpu.memref_slice %arg29[%mul3A_2, %dma_wait3A_2295] : memref<16384x832xf32, #tpu.memory_space<hbm>> -> memref<512x32xf32, #tpu.memory_space<hbm>>
      %dma_wait3A_2297 = arith.constant 480 : i32
      %dma_wait3A_2298 = tpu.memref_slice %arg29[%mul3A_2, %dma_wait3A_2297] : memref<16384x832xf32, #tpu.memory_space<hbm>> -> memref<512x32xf32, #tpu.memory_space<hbm>>
      tpu.wait_dma2 semaphore(%run_scoped3A : memref<!tpu.dma_semaphore, #tpu.memory_space<semaphore_mem>>) src(%arg32 : memref<512x32xf32, #tpu.memory_space<vmem>>) dst(%dma_wait3A_2298 : memref<512x32xf32, #tpu.memory_space<hbm>>)
      tpu.yield
    }) : () -> ()
    %dma_start3A_1455 = arith.constant 17 : i32
    %dma_start3A_1456 = arith.constant 0 : i32
    %dma_start3A_1457 = arith.constant 0 : i32
    %dma_start3A_1458 = arith.constant 0 : i32
    %dma_start3A_1459 = tpu.memref_slice %arg32[%dma_start3A_1457, %dma_start3A_1458] : memref<512x32xf32, #tpu.memory_space<vmem>> -> memref<128x32xf32, #tpu.memory_space<vmem>>
    %dma_start3A_1460 = arith.constant 0 : i32
    %dma_start3A_1461 = tpu.memref_slice %arg30[%dma_start3A_1455, %dma_start3A_1456, %dma_start3A_1460] : memref<26x4x128xi32, #tpu.memory_space<vmem>> -> memref<1x1x128xi32, #tpu.memory_space<vmem>>
    %dma_start3A_1462 = tpu.memref_squeeze %dma_start3A_1461 : memref<1x1x128xi32, #tpu.memory_space<vmem>> -> memref<128xi32, #tpu.memory_space<vmem>>
    %dma_start3A_1463 = arith.constant 0 : i32
    %dma_start3A_1464 = arith.constant 0 : i32
    %dma_start3A_1465 = tpu.memref_slice %arg20[%dma_start3A_1463, %dma_start3A_1464] : memref<100000x32xf32, #tpu.memory_space<hbm>> -> memref<100000x32xf32, #tpu.memory_space<hbm>>
    tpu.enqueue_indirect_dma source(%dma_start3A_1465 : memref<100000x32xf32, #tpu.memory_space<hbm>>) target(%dma_start3A_1459 : memref<128x32xf32, #tpu.memory_space<vmem>>) offsets(%dma_start3A_1462 : memref<128xi32, #tpu.memory_space<vmem>>) semaphore(%arg34 : memref<!tpu.dma_semaphore, #tpu.memory_space<semaphore_mem>>)
    %dma_start3A_1466 = arith.constant 17 : i32
    %dma_start3A_1467 = arith.constant 1 : i32
    %dma_start3A_1468 = arith.constant 128 : i32
    %dma_start3A_1469 = arith.constant 0 : i32
    %dma_start3A_1470 = tpu.memref_slice %arg32[%dma_start3A_1468, %dma_start3A_1469] : memref<512x32xf32, #tpu.memory_space<vmem>> -> memref<128x32xf32, #tpu.memory_space<vmem>>
    %dma_start3A_1471 = arith.constant 0 : i32
    %dma_start3A_1472 = tpu.memref_slice %arg30[%dma_start3A_1466, %dma_start3A_1467, %dma_start3A_1471] : memref<26x4x128xi32, #tpu.memory_space<vmem>> -> memref<1x1x128xi32, #tpu.memory_space<vmem>>
    %dma_start3A_1473 = tpu.memref_squeeze %dma_start3A_1472 : memref<1x1x128xi32, #tpu.memory_space<vmem>> -> memref<128xi32, #tpu.memory_space<vmem>>
    %dma_start3A_1474 = arith.constant 0 : i32
    %dma_start3A_1475 = arith.constant 0 : i32
    %dma_start3A_1476 = tpu.memref_slice %arg20[%dma_start3A_1474, %dma_start3A_1475] : memref<100000x32xf32, #tpu.memory_space<hbm>> -> memref<100000x32xf32, #tpu.memory_space<hbm>>
    tpu.enqueue_indirect_dma source(%dma_start3A_1476 : memref<100000x32xf32, #tpu.memory_space<hbm>>) target(%dma_start3A_1470 : memref<128x32xf32, #tpu.memory_space<vmem>>) offsets(%dma_start3A_1473 : memref<128xi32, #tpu.memory_space<vmem>>) semaphore(%arg34 : memref<!tpu.dma_semaphore, #tpu.memory_space<semaphore_mem>>)
    %dma_start3A_1477 = arith.constant 17 : i32
    %dma_start3A_1478 = arith.constant 2 : i32
    %dma_start3A_1479 = arith.constant 256 : i32
    %dma_start3A_1480 = arith.constant 0 : i32
    %dma_start3A_1481 = tpu.memref_slice %arg32[%dma_start3A_1479, %dma_start3A_1480] : memref<512x32xf32, #tpu.memory_space<vmem>> -> memref<128x32xf32, #tpu.memory_space<vmem>>
    %dma_start3A_1482 = arith.constant 0 : i32
    %dma_start3A_1483 = tpu.memref_slice %arg30[%dma_start3A_1477, %dma_start3A_1478, %dma_start3A_1482] : memref<26x4x128xi32, #tpu.memory_space<vmem>> -> memref<1x1x128xi32, #tpu.memory_space<vmem>>
    %dma_start3A_1484 = tpu.memref_squeeze %dma_start3A_1483 : memref<1x1x128xi32, #tpu.memory_space<vmem>> -> memref<128xi32, #tpu.memory_space<vmem>>
    %dma_start3A_1485 = arith.constant 0 : i32
    %dma_start3A_1486 = arith.constant 0 : i32
    %dma_start3A_1487 = tpu.memref_slice %arg20[%dma_start3A_1485, %dma_start3A_1486] : memref<100000x32xf32, #tpu.memory_space<hbm>> -> memref<100000x32xf32, #tpu.memory_space<hbm>>
    tpu.enqueue_indirect_dma source(%dma_start3A_1487 : memref<100000x32xf32, #tpu.memory_space<hbm>>) target(%dma_start3A_1481 : memref<128x32xf32, #tpu.memory_space<vmem>>) offsets(%dma_start3A_1484 : memref<128xi32, #tpu.memory_space<vmem>>) semaphore(%arg34 : memref<!tpu.dma_semaphore, #tpu.memory_space<semaphore_mem>>)
    %dma_start3A_1488 = arith.constant 17 : i32
    %dma_start3A_1489 = arith.constant 3 : i32
    %dma_start3A_1490 = arith.constant 384 : i32
    %dma_start3A_1491 = arith.constant 0 : i32
    %dma_start3A_1492 = tpu.memref_slice %arg32[%dma_start3A_1490, %dma_start3A_1491] : memref<512x32xf32, #tpu.memory_space<vmem>> -> memref<128x32xf32, #tpu.memory_space<vmem>>
    %dma_start3A_1493 = arith.constant 0 : i32
    %dma_start3A_1494 = tpu.memref_slice %arg30[%dma_start3A_1488, %dma_start3A_1489, %dma_start3A_1493] : memref<26x4x128xi32, #tpu.memory_space<vmem>> -> memref<1x1x128xi32, #tpu.memory_space<vmem>>
    %dma_start3A_1495 = tpu.memref_squeeze %dma_start3A_1494 : memref<1x1x128xi32, #tpu.memory_space<vmem>> -> memref<128xi32, #tpu.memory_space<vmem>>
    %dma_start3A_1496 = arith.constant 0 : i32
    %dma_start3A_1497 = arith.constant 0 : i32
    %dma_start3A_1498 = tpu.memref_slice %arg20[%dma_start3A_1496, %dma_start3A_1497] : memref<100000x32xf32, #tpu.memory_space<hbm>> -> memref<100000x32xf32, #tpu.memory_space<hbm>>
    tpu.enqueue_indirect_dma source(%dma_start3A_1498 : memref<100000x32xf32, #tpu.memory_space<hbm>>) target(%dma_start3A_1492 : memref<128x32xf32, #tpu.memory_space<vmem>>) offsets(%dma_start3A_1495 : memref<128xi32, #tpu.memory_space<vmem>>) semaphore(%arg34 : memref<!tpu.dma_semaphore, #tpu.memory_space<semaphore_mem>>)
    %dma_wait3A_1499 = arith.constant 16 : i32
    %dma_wait3A_1500 = arith.constant 0 : i32
    %dma_wait3A_1501 = arith.constant 0 : i32
    %dma_wait3A_1502 = arith.constant 0 : i32
    %dma_wait3A_1503 = tpu.memref_slice %arg31[%dma_wait3A_1501, %dma_wait3A_1502] : memref<512x32xf32, #tpu.memory_space<vmem>> -> memref<128x32xf32, #tpu.memory_space<vmem>>
    %dma_wait3A_1504 = arith.constant 0 : i32
    %dma_wait3A_1505 = tpu.memref_slice %arg30[%dma_wait3A_1499, %dma_wait3A_1500, %dma_wait3A_1504] : memref<26x4x128xi32, #tpu.memory_space<vmem>> -> memref<1x1x128xi32, #tpu.memory_space<vmem>>
    %dma_wait3A_1506 = tpu.memref_squeeze %dma_wait3A_1505 : memref<1x1x128xi32, #tpu.memory_space<vmem>> -> memref<128xi32, #tpu.memory_space<vmem>>
    %dma_wait3A_1507 = arith.constant 0 : i32
    %dma_wait3A_1508 = arith.constant 0 : i32
    %dma_wait3A_1509 = tpu.memref_slice %arg19[%dma_wait3A_1507, %dma_wait3A_1508] : memref<100000x32xf32, #tpu.memory_space<hbm>> -> memref<100000x32xf32, #tpu.memory_space<hbm>>
    tpu.wait_indirect_dma semaphore(%arg33 : memref<!tpu.dma_semaphore, #tpu.memory_space<semaphore_mem>>) src(%dma_wait3A_1509 : memref<100000x32xf32, #tpu.memory_space<hbm>>) dst(%dma_wait3A_1503 : memref<128x32xf32, #tpu.memory_space<vmem>>)
    %dma_wait3A_1510 = arith.constant 16 : i32
    %dma_wait3A_1511 = arith.constant 1 : i32
    %dma_wait3A_1512 = arith.constant 128 : i32
    %dma_wait3A_1513 = arith.constant 0 : i32
    %dma_wait3A_1514 = tpu.memref_slice %arg31[%dma_wait3A_1512, %dma_wait3A_1513] : memref<512x32xf32, #tpu.memory_space<vmem>> -> memref<128x32xf32, #tpu.memory_space<vmem>>
    %dma_wait3A_1515 = arith.constant 0 : i32
    %dma_wait3A_1516 = tpu.memref_slice %arg30[%dma_wait3A_1510, %dma_wait3A_1511, %dma_wait3A_1515] : memref<26x4x128xi32, #tpu.memory_space<vmem>> -> memref<1x1x128xi32, #tpu.memory_space<vmem>>
    %dma_wait3A_1517 = tpu.memref_squeeze %dma_wait3A_1516 : memref<1x1x128xi32, #tpu.memory_space<vmem>> -> memref<128xi32, #tpu.memory_space<vmem>>
    %dma_wait3A_1518 = arith.constant 0 : i32
    %dma_wait3A_1519 = arith.constant 0 : i32
    %dma_wait3A_1520 = tpu.memref_slice %arg19[%dma_wait3A_1518, %dma_wait3A_1519] : memref<100000x32xf32, #tpu.memory_space<hbm>> -> memref<100000x32xf32, #tpu.memory_space<hbm>>
    tpu.wait_indirect_dma semaphore(%arg33 : memref<!tpu.dma_semaphore, #tpu.memory_space<semaphore_mem>>) src(%dma_wait3A_1520 : memref<100000x32xf32, #tpu.memory_space<hbm>>) dst(%dma_wait3A_1514 : memref<128x32xf32, #tpu.memory_space<vmem>>)
    %dma_wait3A_1521 = arith.constant 16 : i32
    %dma_wait3A_1522 = arith.constant 2 : i32
    %dma_wait3A_1523 = arith.constant 256 : i32
    %dma_wait3A_1524 = arith.constant 0 : i32
    %dma_wait3A_1525 = tpu.memref_slice %arg31[%dma_wait3A_1523, %dma_wait3A_1524] : memref<512x32xf32, #tpu.memory_space<vmem>> -> memref<128x32xf32, #tpu.memory_space<vmem>>
    %dma_wait3A_1526 = arith.constant 0 : i32
    %dma_wait3A_1527 = tpu.memref_slice %arg30[%dma_wait3A_1521, %dma_wait3A_1522, %dma_wait3A_1526] : memref<26x4x128xi32, #tpu.memory_space<vmem>> -> memref<1x1x128xi32, #tpu.memory_space<vmem>>
    %dma_wait3A_1528 = tpu.memref_squeeze %dma_wait3A_1527 : memref<1x1x128xi32, #tpu.memory_space<vmem>> -> memref<128xi32, #tpu.memory_space<vmem>>
    %dma_wait3A_1529 = arith.constant 0 : i32
    %dma_wait3A_1530 = arith.constant 0 : i32
    %dma_wait3A_1531 = tpu.memref_slice %arg19[%dma_wait3A_1529, %dma_wait3A_1530] : memref<100000x32xf32, #tpu.memory_space<hbm>> -> memref<100000x32xf32, #tpu.memory_space<hbm>>
    tpu.wait_indirect_dma semaphore(%arg33 : memref<!tpu.dma_semaphore, #tpu.memory_space<semaphore_mem>>) src(%dma_wait3A_1531 : memref<100000x32xf32, #tpu.memory_space<hbm>>) dst(%dma_wait3A_1525 : memref<128x32xf32, #tpu.memory_space<vmem>>)
    %dma_wait3A_1532 = arith.constant 16 : i32
    %dma_wait3A_1533 = arith.constant 3 : i32
    %dma_wait3A_1534 = arith.constant 384 : i32
    %dma_wait3A_1535 = arith.constant 0 : i32
    %dma_wait3A_1536 = tpu.memref_slice %arg31[%dma_wait3A_1534, %dma_wait3A_1535] : memref<512x32xf32, #tpu.memory_space<vmem>> -> memref<128x32xf32, #tpu.memory_space<vmem>>
    %dma_wait3A_1537 = arith.constant 0 : i32
    %dma_wait3A_1538 = tpu.memref_slice %arg30[%dma_wait3A_1532, %dma_wait3A_1533, %dma_wait3A_1537] : memref<26x4x128xi32, #tpu.memory_space<vmem>> -> memref<1x1x128xi32, #tpu.memory_space<vmem>>
    %dma_wait3A_1539 = tpu.memref_squeeze %dma_wait3A_1538 : memref<1x1x128xi32, #tpu.memory_space<vmem>> -> memref<128xi32, #tpu.memory_space<vmem>>
    %dma_wait3A_1540 = arith.constant 0 : i32
    %dma_wait3A_1541 = arith.constant 0 : i32
    %dma_wait3A_1542 = tpu.memref_slice %arg19[%dma_wait3A_1540, %dma_wait3A_1541] : memref<100000x32xf32, #tpu.memory_space<hbm>> -> memref<100000x32xf32, #tpu.memory_space<hbm>>
    tpu.wait_indirect_dma semaphore(%arg33 : memref<!tpu.dma_semaphore, #tpu.memory_space<semaphore_mem>>) src(%dma_wait3A_1542 : memref<100000x32xf32, #tpu.memory_space<hbm>>) dst(%dma_wait3A_1536 : memref<128x32xf32, #tpu.memory_space<vmem>>)
    "tpu.region"() ({
      %run_scoped3A = tpu.sem_alloc : memref<!tpu.dma_semaphore, #tpu.memory_space<semaphore_mem>>
      %dma_start3A_2291 = arith.constant 512 : i32
      %dma_start3A_2292 = tpu.memref_slice %arg29[%mul3A_2, %dma_start3A_2291] : memref<16384x832xf32, #tpu.memory_space<hbm>> -> memref<512x32xf32, #tpu.memory_space<hbm>>
      %dma_start3A_2293 = arith.constant 512 : i32
      %dma_start3A_2294 = tpu.memref_slice %arg29[%mul3A_2, %dma_start3A_2293] : memref<16384x832xf32, #tpu.memory_space<hbm>> -> memref<512x32xf32, #tpu.memory_space<hbm>>
      tpu.enqueue_dma source(%arg31 : memref<512x32xf32, #tpu.memory_space<vmem>>) target(%dma_start3A_2294 : memref<512x32xf32, #tpu.memory_space<hbm>>) target_semaphore(%run_scoped3A : memref<!tpu.dma_semaphore, #tpu.memory_space<semaphore_mem>>)
      %dma_wait3A_2295 = arith.constant 512 : i32
      %dma_wait3A_2296 = tpu.memref_slice %arg29[%mul3A_2, %dma_wait3A_2295] : memref<16384x832xf32, #tpu.memory_space<hbm>> -> memref<512x32xf32, #tpu.memory_space<hbm>>
      %dma_wait3A_2297 = arith.constant 512 : i32
      %dma_wait3A_2298 = tpu.memref_slice %arg29[%mul3A_2, %dma_wait3A_2297] : memref<16384x832xf32, #tpu.memory_space<hbm>> -> memref<512x32xf32, #tpu.memory_space<hbm>>
      tpu.wait_dma2 semaphore(%run_scoped3A : memref<!tpu.dma_semaphore, #tpu.memory_space<semaphore_mem>>) src(%arg31 : memref<512x32xf32, #tpu.memory_space<vmem>>) dst(%dma_wait3A_2298 : memref<512x32xf32, #tpu.memory_space<hbm>>)
      tpu.yield
    }) : () -> ()
    %dma_start3A_1543 = arith.constant 18 : i32
    %dma_start3A_1544 = arith.constant 0 : i32
    %dma_start3A_1545 = arith.constant 0 : i32
    %dma_start3A_1546 = arith.constant 0 : i32
    %dma_start3A_1547 = tpu.memref_slice %arg31[%dma_start3A_1545, %dma_start3A_1546] : memref<512x32xf32, #tpu.memory_space<vmem>> -> memref<128x32xf32, #tpu.memory_space<vmem>>
    %dma_start3A_1548 = arith.constant 0 : i32
    %dma_start3A_1549 = tpu.memref_slice %arg30[%dma_start3A_1543, %dma_start3A_1544, %dma_start3A_1548] : memref<26x4x128xi32, #tpu.memory_space<vmem>> -> memref<1x1x128xi32, #tpu.memory_space<vmem>>
    %dma_start3A_1550 = tpu.memref_squeeze %dma_start3A_1549 : memref<1x1x128xi32, #tpu.memory_space<vmem>> -> memref<128xi32, #tpu.memory_space<vmem>>
    %dma_start3A_1551 = arith.constant 0 : i32
    %dma_start3A_1552 = arith.constant 0 : i32
    %dma_start3A_1553 = tpu.memref_slice %arg21[%dma_start3A_1551, %dma_start3A_1552] : memref<100000x32xf32, #tpu.memory_space<hbm>> -> memref<100000x32xf32, #tpu.memory_space<hbm>>
    tpu.enqueue_indirect_dma source(%dma_start3A_1553 : memref<100000x32xf32, #tpu.memory_space<hbm>>) target(%dma_start3A_1547 : memref<128x32xf32, #tpu.memory_space<vmem>>) offsets(%dma_start3A_1550 : memref<128xi32, #tpu.memory_space<vmem>>) semaphore(%arg33 : memref<!tpu.dma_semaphore, #tpu.memory_space<semaphore_mem>>)
    %dma_start3A_1554 = arith.constant 18 : i32
    %dma_start3A_1555 = arith.constant 1 : i32
    %dma_start3A_1556 = arith.constant 128 : i32
    %dma_start3A_1557 = arith.constant 0 : i32
    %dma_start3A_1558 = tpu.memref_slice %arg31[%dma_start3A_1556, %dma_start3A_1557] : memref<512x32xf32, #tpu.memory_space<vmem>> -> memref<128x32xf32, #tpu.memory_space<vmem>>
    %dma_start3A_1559 = arith.constant 0 : i32
    %dma_start3A_1560 = tpu.memref_slice %arg30[%dma_start3A_1554, %dma_start3A_1555, %dma_start3A_1559] : memref<26x4x128xi32, #tpu.memory_space<vmem>> -> memref<1x1x128xi32, #tpu.memory_space<vmem>>
    %dma_start3A_1561 = tpu.memref_squeeze %dma_start3A_1560 : memref<1x1x128xi32, #tpu.memory_space<vmem>> -> memref<128xi32, #tpu.memory_space<vmem>>
    %dma_start3A_1562 = arith.constant 0 : i32
    %dma_start3A_1563 = arith.constant 0 : i32
    %dma_start3A_1564 = tpu.memref_slice %arg21[%dma_start3A_1562, %dma_start3A_1563] : memref<100000x32xf32, #tpu.memory_space<hbm>> -> memref<100000x32xf32, #tpu.memory_space<hbm>>
    tpu.enqueue_indirect_dma source(%dma_start3A_1564 : memref<100000x32xf32, #tpu.memory_space<hbm>>) target(%dma_start3A_1558 : memref<128x32xf32, #tpu.memory_space<vmem>>) offsets(%dma_start3A_1561 : memref<128xi32, #tpu.memory_space<vmem>>) semaphore(%arg33 : memref<!tpu.dma_semaphore, #tpu.memory_space<semaphore_mem>>)
    %dma_start3A_1565 = arith.constant 18 : i32
    %dma_start3A_1566 = arith.constant 2 : i32
    %dma_start3A_1567 = arith.constant 256 : i32
    %dma_start3A_1568 = arith.constant 0 : i32
    %dma_start3A_1569 = tpu.memref_slice %arg31[%dma_start3A_1567, %dma_start3A_1568] : memref<512x32xf32, #tpu.memory_space<vmem>> -> memref<128x32xf32, #tpu.memory_space<vmem>>
    %dma_start3A_1570 = arith.constant 0 : i32
    %dma_start3A_1571 = tpu.memref_slice %arg30[%dma_start3A_1565, %dma_start3A_1566, %dma_start3A_1570] : memref<26x4x128xi32, #tpu.memory_space<vmem>> -> memref<1x1x128xi32, #tpu.memory_space<vmem>>
    %dma_start3A_1572 = tpu.memref_squeeze %dma_start3A_1571 : memref<1x1x128xi32, #tpu.memory_space<vmem>> -> memref<128xi32, #tpu.memory_space<vmem>>
    %dma_start3A_1573 = arith.constant 0 : i32
    %dma_start3A_1574 = arith.constant 0 : i32
    %dma_start3A_1575 = tpu.memref_slice %arg21[%dma_start3A_1573, %dma_start3A_1574] : memref<100000x32xf32, #tpu.memory_space<hbm>> -> memref<100000x32xf32, #tpu.memory_space<hbm>>
    tpu.enqueue_indirect_dma source(%dma_start3A_1575 : memref<100000x32xf32, #tpu.memory_space<hbm>>) target(%dma_start3A_1569 : memref<128x32xf32, #tpu.memory_space<vmem>>) offsets(%dma_start3A_1572 : memref<128xi32, #tpu.memory_space<vmem>>) semaphore(%arg33 : memref<!tpu.dma_semaphore, #tpu.memory_space<semaphore_mem>>)
    %dma_start3A_1576 = arith.constant 18 : i32
    %dma_start3A_1577 = arith.constant 3 : i32
    %dma_start3A_1578 = arith.constant 384 : i32
    %dma_start3A_1579 = arith.constant 0 : i32
    %dma_start3A_1580 = tpu.memref_slice %arg31[%dma_start3A_1578, %dma_start3A_1579] : memref<512x32xf32, #tpu.memory_space<vmem>> -> memref<128x32xf32, #tpu.memory_space<vmem>>
    %dma_start3A_1581 = arith.constant 0 : i32
    %dma_start3A_1582 = tpu.memref_slice %arg30[%dma_start3A_1576, %dma_start3A_1577, %dma_start3A_1581] : memref<26x4x128xi32, #tpu.memory_space<vmem>> -> memref<1x1x128xi32, #tpu.memory_space<vmem>>
    %dma_start3A_1583 = tpu.memref_squeeze %dma_start3A_1582 : memref<1x1x128xi32, #tpu.memory_space<vmem>> -> memref<128xi32, #tpu.memory_space<vmem>>
    %dma_start3A_1584 = arith.constant 0 : i32
    %dma_start3A_1585 = arith.constant 0 : i32
    %dma_start3A_1586 = tpu.memref_slice %arg21[%dma_start3A_1584, %dma_start3A_1585] : memref<100000x32xf32, #tpu.memory_space<hbm>> -> memref<100000x32xf32, #tpu.memory_space<hbm>>
    tpu.enqueue_indirect_dma source(%dma_start3A_1586 : memref<100000x32xf32, #tpu.memory_space<hbm>>) target(%dma_start3A_1580 : memref<128x32xf32, #tpu.memory_space<vmem>>) offsets(%dma_start3A_1583 : memref<128xi32, #tpu.memory_space<vmem>>) semaphore(%arg33 : memref<!tpu.dma_semaphore, #tpu.memory_space<semaphore_mem>>)
    %dma_wait3A_1587 = arith.constant 17 : i32
    %dma_wait3A_1588 = arith.constant 0 : i32
    %dma_wait3A_1589 = arith.constant 0 : i32
    %dma_wait3A_1590 = arith.constant 0 : i32
    %dma_wait3A_1591 = tpu.memref_slice %arg32[%dma_wait3A_1589, %dma_wait3A_1590] : memref<512x32xf32, #tpu.memory_space<vmem>> -> memref<128x32xf32, #tpu.memory_space<vmem>>
    %dma_wait3A_1592 = arith.constant 0 : i32
    %dma_wait3A_1593 = tpu.memref_slice %arg30[%dma_wait3A_1587, %dma_wait3A_1588, %dma_wait3A_1592] : memref<26x4x128xi32, #tpu.memory_space<vmem>> -> memref<1x1x128xi32, #tpu.memory_space<vmem>>
    %dma_wait3A_1594 = tpu.memref_squeeze %dma_wait3A_1593 : memref<1x1x128xi32, #tpu.memory_space<vmem>> -> memref<128xi32, #tpu.memory_space<vmem>>
    %dma_wait3A_1595 = arith.constant 0 : i32
    %dma_wait3A_1596 = arith.constant 0 : i32
    %dma_wait3A_1597 = tpu.memref_slice %arg20[%dma_wait3A_1595, %dma_wait3A_1596] : memref<100000x32xf32, #tpu.memory_space<hbm>> -> memref<100000x32xf32, #tpu.memory_space<hbm>>
    tpu.wait_indirect_dma semaphore(%arg34 : memref<!tpu.dma_semaphore, #tpu.memory_space<semaphore_mem>>) src(%dma_wait3A_1597 : memref<100000x32xf32, #tpu.memory_space<hbm>>) dst(%dma_wait3A_1591 : memref<128x32xf32, #tpu.memory_space<vmem>>)
    %dma_wait3A_1598 = arith.constant 17 : i32
    %dma_wait3A_1599 = arith.constant 1 : i32
    %dma_wait3A_1600 = arith.constant 128 : i32
    %dma_wait3A_1601 = arith.constant 0 : i32
    %dma_wait3A_1602 = tpu.memref_slice %arg32[%dma_wait3A_1600, %dma_wait3A_1601] : memref<512x32xf32, #tpu.memory_space<vmem>> -> memref<128x32xf32, #tpu.memory_space<vmem>>
    %dma_wait3A_1603 = arith.constant 0 : i32
    %dma_wait3A_1604 = tpu.memref_slice %arg30[%dma_wait3A_1598, %dma_wait3A_1599, %dma_wait3A_1603] : memref<26x4x128xi32, #tpu.memory_space<vmem>> -> memref<1x1x128xi32, #tpu.memory_space<vmem>>
    %dma_wait3A_1605 = tpu.memref_squeeze %dma_wait3A_1604 : memref<1x1x128xi32, #tpu.memory_space<vmem>> -> memref<128xi32, #tpu.memory_space<vmem>>
    %dma_wait3A_1606 = arith.constant 0 : i32
    %dma_wait3A_1607 = arith.constant 0 : i32
    %dma_wait3A_1608 = tpu.memref_slice %arg20[%dma_wait3A_1606, %dma_wait3A_1607] : memref<100000x32xf32, #tpu.memory_space<hbm>> -> memref<100000x32xf32, #tpu.memory_space<hbm>>
    tpu.wait_indirect_dma semaphore(%arg34 : memref<!tpu.dma_semaphore, #tpu.memory_space<semaphore_mem>>) src(%dma_wait3A_1608 : memref<100000x32xf32, #tpu.memory_space<hbm>>) dst(%dma_wait3A_1602 : memref<128x32xf32, #tpu.memory_space<vmem>>)
    %dma_wait3A_1609 = arith.constant 17 : i32
    %dma_wait3A_1610 = arith.constant 2 : i32
    %dma_wait3A_1611 = arith.constant 256 : i32
    %dma_wait3A_1612 = arith.constant 0 : i32
    %dma_wait3A_1613 = tpu.memref_slice %arg32[%dma_wait3A_1611, %dma_wait3A_1612] : memref<512x32xf32, #tpu.memory_space<vmem>> -> memref<128x32xf32, #tpu.memory_space<vmem>>
    %dma_wait3A_1614 = arith.constant 0 : i32
    %dma_wait3A_1615 = tpu.memref_slice %arg30[%dma_wait3A_1609, %dma_wait3A_1610, %dma_wait3A_1614] : memref<26x4x128xi32, #tpu.memory_space<vmem>> -> memref<1x1x128xi32, #tpu.memory_space<vmem>>
    %dma_wait3A_1616 = tpu.memref_squeeze %dma_wait3A_1615 : memref<1x1x128xi32, #tpu.memory_space<vmem>> -> memref<128xi32, #tpu.memory_space<vmem>>
    %dma_wait3A_1617 = arith.constant 0 : i32
    %dma_wait3A_1618 = arith.constant 0 : i32
    %dma_wait3A_1619 = tpu.memref_slice %arg20[%dma_wait3A_1617, %dma_wait3A_1618] : memref<100000x32xf32, #tpu.memory_space<hbm>> -> memref<100000x32xf32, #tpu.memory_space<hbm>>
    tpu.wait_indirect_dma semaphore(%arg34 : memref<!tpu.dma_semaphore, #tpu.memory_space<semaphore_mem>>) src(%dma_wait3A_1619 : memref<100000x32xf32, #tpu.memory_space<hbm>>) dst(%dma_wait3A_1613 : memref<128x32xf32, #tpu.memory_space<vmem>>)
    %dma_wait3A_1620 = arith.constant 17 : i32
    %dma_wait3A_1621 = arith.constant 3 : i32
    %dma_wait3A_1622 = arith.constant 384 : i32
    %dma_wait3A_1623 = arith.constant 0 : i32
    %dma_wait3A_1624 = tpu.memref_slice %arg32[%dma_wait3A_1622, %dma_wait3A_1623] : memref<512x32xf32, #tpu.memory_space<vmem>> -> memref<128x32xf32, #tpu.memory_space<vmem>>
    %dma_wait3A_1625 = arith.constant 0 : i32
    %dma_wait3A_1626 = tpu.memref_slice %arg30[%dma_wait3A_1620, %dma_wait3A_1621, %dma_wait3A_1625] : memref<26x4x128xi32, #tpu.memory_space<vmem>> -> memref<1x1x128xi32, #tpu.memory_space<vmem>>
    %dma_wait3A_1627 = tpu.memref_squeeze %dma_wait3A_1626 : memref<1x1x128xi32, #tpu.memory_space<vmem>> -> memref<128xi32, #tpu.memory_space<vmem>>
    %dma_wait3A_1628 = arith.constant 0 : i32
    %dma_wait3A_1629 = arith.constant 0 : i32
    %dma_wait3A_1630 = tpu.memref_slice %arg20[%dma_wait3A_1628, %dma_wait3A_1629] : memref<100000x32xf32, #tpu.memory_space<hbm>> -> memref<100000x32xf32, #tpu.memory_space<hbm>>
    tpu.wait_indirect_dma semaphore(%arg34 : memref<!tpu.dma_semaphore, #tpu.memory_space<semaphore_mem>>) src(%dma_wait3A_1630 : memref<100000x32xf32, #tpu.memory_space<hbm>>) dst(%dma_wait3A_1624 : memref<128x32xf32, #tpu.memory_space<vmem>>)
    "tpu.region"() ({
      %run_scoped3A = tpu.sem_alloc : memref<!tpu.dma_semaphore, #tpu.memory_space<semaphore_mem>>
      %dma_start3A_2291 = arith.constant 544 : i32
      %dma_start3A_2292 = tpu.memref_slice %arg29[%mul3A_2, %dma_start3A_2291] : memref<16384x832xf32, #tpu.memory_space<hbm>> -> memref<512x32xf32, #tpu.memory_space<hbm>>
      %dma_start3A_2293 = arith.constant 544 : i32
      %dma_start3A_2294 = tpu.memref_slice %arg29[%mul3A_2, %dma_start3A_2293] : memref<16384x832xf32, #tpu.memory_space<hbm>> -> memref<512x32xf32, #tpu.memory_space<hbm>>
      tpu.enqueue_dma source(%arg32 : memref<512x32xf32, #tpu.memory_space<vmem>>) target(%dma_start3A_2294 : memref<512x32xf32, #tpu.memory_space<hbm>>) target_semaphore(%run_scoped3A : memref<!tpu.dma_semaphore, #tpu.memory_space<semaphore_mem>>)
      %dma_wait3A_2295 = arith.constant 544 : i32
      %dma_wait3A_2296 = tpu.memref_slice %arg29[%mul3A_2, %dma_wait3A_2295] : memref<16384x832xf32, #tpu.memory_space<hbm>> -> memref<512x32xf32, #tpu.memory_space<hbm>>
      %dma_wait3A_2297 = arith.constant 544 : i32
      %dma_wait3A_2298 = tpu.memref_slice %arg29[%mul3A_2, %dma_wait3A_2297] : memref<16384x832xf32, #tpu.memory_space<hbm>> -> memref<512x32xf32, #tpu.memory_space<hbm>>
      tpu.wait_dma2 semaphore(%run_scoped3A : memref<!tpu.dma_semaphore, #tpu.memory_space<semaphore_mem>>) src(%arg32 : memref<512x32xf32, #tpu.memory_space<vmem>>) dst(%dma_wait3A_2298 : memref<512x32xf32, #tpu.memory_space<hbm>>)
      tpu.yield
    }) : () -> ()
    %dma_start3A_1631 = arith.constant 19 : i32
    %dma_start3A_1632 = arith.constant 0 : i32
    %dma_start3A_1633 = arith.constant 0 : i32
    %dma_start3A_1634 = arith.constant 0 : i32
    %dma_start3A_1635 = tpu.memref_slice %arg32[%dma_start3A_1633, %dma_start3A_1634] : memref<512x32xf32, #tpu.memory_space<vmem>> -> memref<128x32xf32, #tpu.memory_space<vmem>>
    %dma_start3A_1636 = arith.constant 0 : i32
    %dma_start3A_1637 = tpu.memref_slice %arg30[%dma_start3A_1631, %dma_start3A_1632, %dma_start3A_1636] : memref<26x4x128xi32, #tpu.memory_space<vmem>> -> memref<1x1x128xi32, #tpu.memory_space<vmem>>
    %dma_start3A_1638 = tpu.memref_squeeze %dma_start3A_1637 : memref<1x1x128xi32, #tpu.memory_space<vmem>> -> memref<128xi32, #tpu.memory_space<vmem>>
    %dma_start3A_1639 = arith.constant 0 : i32
    %dma_start3A_1640 = arith.constant 0 : i32
    %dma_start3A_1641 = tpu.memref_slice %arg22[%dma_start3A_1639, %dma_start3A_1640] : memref<100000x32xf32, #tpu.memory_space<hbm>> -> memref<100000x32xf32, #tpu.memory_space<hbm>>
    tpu.enqueue_indirect_dma source(%dma_start3A_1641 : memref<100000x32xf32, #tpu.memory_space<hbm>>) target(%dma_start3A_1635 : memref<128x32xf32, #tpu.memory_space<vmem>>) offsets(%dma_start3A_1638 : memref<128xi32, #tpu.memory_space<vmem>>) semaphore(%arg34 : memref<!tpu.dma_semaphore, #tpu.memory_space<semaphore_mem>>)
    %dma_start3A_1642 = arith.constant 19 : i32
    %dma_start3A_1643 = arith.constant 1 : i32
    %dma_start3A_1644 = arith.constant 128 : i32
    %dma_start3A_1645 = arith.constant 0 : i32
    %dma_start3A_1646 = tpu.memref_slice %arg32[%dma_start3A_1644, %dma_start3A_1645] : memref<512x32xf32, #tpu.memory_space<vmem>> -> memref<128x32xf32, #tpu.memory_space<vmem>>
    %dma_start3A_1647 = arith.constant 0 : i32
    %dma_start3A_1648 = tpu.memref_slice %arg30[%dma_start3A_1642, %dma_start3A_1643, %dma_start3A_1647] : memref<26x4x128xi32, #tpu.memory_space<vmem>> -> memref<1x1x128xi32, #tpu.memory_space<vmem>>
    %dma_start3A_1649 = tpu.memref_squeeze %dma_start3A_1648 : memref<1x1x128xi32, #tpu.memory_space<vmem>> -> memref<128xi32, #tpu.memory_space<vmem>>
    %dma_start3A_1650 = arith.constant 0 : i32
    %dma_start3A_1651 = arith.constant 0 : i32
    %dma_start3A_1652 = tpu.memref_slice %arg22[%dma_start3A_1650, %dma_start3A_1651] : memref<100000x32xf32, #tpu.memory_space<hbm>> -> memref<100000x32xf32, #tpu.memory_space<hbm>>
    tpu.enqueue_indirect_dma source(%dma_start3A_1652 : memref<100000x32xf32, #tpu.memory_space<hbm>>) target(%dma_start3A_1646 : memref<128x32xf32, #tpu.memory_space<vmem>>) offsets(%dma_start3A_1649 : memref<128xi32, #tpu.memory_space<vmem>>) semaphore(%arg34 : memref<!tpu.dma_semaphore, #tpu.memory_space<semaphore_mem>>)
    %dma_start3A_1653 = arith.constant 19 : i32
    %dma_start3A_1654 = arith.constant 2 : i32
    %dma_start3A_1655 = arith.constant 256 : i32
    %dma_start3A_1656 = arith.constant 0 : i32
    %dma_start3A_1657 = tpu.memref_slice %arg32[%dma_start3A_1655, %dma_start3A_1656] : memref<512x32xf32, #tpu.memory_space<vmem>> -> memref<128x32xf32, #tpu.memory_space<vmem>>
    %dma_start3A_1658 = arith.constant 0 : i32
    %dma_start3A_1659 = tpu.memref_slice %arg30[%dma_start3A_1653, %dma_start3A_1654, %dma_start3A_1658] : memref<26x4x128xi32, #tpu.memory_space<vmem>> -> memref<1x1x128xi32, #tpu.memory_space<vmem>>
    %dma_start3A_1660 = tpu.memref_squeeze %dma_start3A_1659 : memref<1x1x128xi32, #tpu.memory_space<vmem>> -> memref<128xi32, #tpu.memory_space<vmem>>
    %dma_start3A_1661 = arith.constant 0 : i32
    %dma_start3A_1662 = arith.constant 0 : i32
    %dma_start3A_1663 = tpu.memref_slice %arg22[%dma_start3A_1661, %dma_start3A_1662] : memref<100000x32xf32, #tpu.memory_space<hbm>> -> memref<100000x32xf32, #tpu.memory_space<hbm>>
    tpu.enqueue_indirect_dma source(%dma_start3A_1663 : memref<100000x32xf32, #tpu.memory_space<hbm>>) target(%dma_start3A_1657 : memref<128x32xf32, #tpu.memory_space<vmem>>) offsets(%dma_start3A_1660 : memref<128xi32, #tpu.memory_space<vmem>>) semaphore(%arg34 : memref<!tpu.dma_semaphore, #tpu.memory_space<semaphore_mem>>)
    %dma_start3A_1664 = arith.constant 19 : i32
    %dma_start3A_1665 = arith.constant 3 : i32
    %dma_start3A_1666 = arith.constant 384 : i32
    %dma_start3A_1667 = arith.constant 0 : i32
    %dma_start3A_1668 = tpu.memref_slice %arg32[%dma_start3A_1666, %dma_start3A_1667] : memref<512x32xf32, #tpu.memory_space<vmem>> -> memref<128x32xf32, #tpu.memory_space<vmem>>
    %dma_start3A_1669 = arith.constant 0 : i32
    %dma_start3A_1670 = tpu.memref_slice %arg30[%dma_start3A_1664, %dma_start3A_1665, %dma_start3A_1669] : memref<26x4x128xi32, #tpu.memory_space<vmem>> -> memref<1x1x128xi32, #tpu.memory_space<vmem>>
    %dma_start3A_1671 = tpu.memref_squeeze %dma_start3A_1670 : memref<1x1x128xi32, #tpu.memory_space<vmem>> -> memref<128xi32, #tpu.memory_space<vmem>>
    %dma_start3A_1672 = arith.constant 0 : i32
    %dma_start3A_1673 = arith.constant 0 : i32
    %dma_start3A_1674 = tpu.memref_slice %arg22[%dma_start3A_1672, %dma_start3A_1673] : memref<100000x32xf32, #tpu.memory_space<hbm>> -> memref<100000x32xf32, #tpu.memory_space<hbm>>
    tpu.enqueue_indirect_dma source(%dma_start3A_1674 : memref<100000x32xf32, #tpu.memory_space<hbm>>) target(%dma_start3A_1668 : memref<128x32xf32, #tpu.memory_space<vmem>>) offsets(%dma_start3A_1671 : memref<128xi32, #tpu.memory_space<vmem>>) semaphore(%arg34 : memref<!tpu.dma_semaphore, #tpu.memory_space<semaphore_mem>>)
    %dma_wait3A_1675 = arith.constant 18 : i32
    %dma_wait3A_1676 = arith.constant 0 : i32
    %dma_wait3A_1677 = arith.constant 0 : i32
    %dma_wait3A_1678 = arith.constant 0 : i32
    %dma_wait3A_1679 = tpu.memref_slice %arg31[%dma_wait3A_1677, %dma_wait3A_1678] : memref<512x32xf32, #tpu.memory_space<vmem>> -> memref<128x32xf32, #tpu.memory_space<vmem>>
    %dma_wait3A_1680 = arith.constant 0 : i32
    %dma_wait3A_1681 = tpu.memref_slice %arg30[%dma_wait3A_1675, %dma_wait3A_1676, %dma_wait3A_1680] : memref<26x4x128xi32, #tpu.memory_space<vmem>> -> memref<1x1x128xi32, #tpu.memory_space<vmem>>
    %dma_wait3A_1682 = tpu.memref_squeeze %dma_wait3A_1681 : memref<1x1x128xi32, #tpu.memory_space<vmem>> -> memref<128xi32, #tpu.memory_space<vmem>>
    %dma_wait3A_1683 = arith.constant 0 : i32
    %dma_wait3A_1684 = arith.constant 0 : i32
    %dma_wait3A_1685 = tpu.memref_slice %arg21[%dma_wait3A_1683, %dma_wait3A_1684] : memref<100000x32xf32, #tpu.memory_space<hbm>> -> memref<100000x32xf32, #tpu.memory_space<hbm>>
    tpu.wait_indirect_dma semaphore(%arg33 : memref<!tpu.dma_semaphore, #tpu.memory_space<semaphore_mem>>) src(%dma_wait3A_1685 : memref<100000x32xf32, #tpu.memory_space<hbm>>) dst(%dma_wait3A_1679 : memref<128x32xf32, #tpu.memory_space<vmem>>)
    %dma_wait3A_1686 = arith.constant 18 : i32
    %dma_wait3A_1687 = arith.constant 1 : i32
    %dma_wait3A_1688 = arith.constant 128 : i32
    %dma_wait3A_1689 = arith.constant 0 : i32
    %dma_wait3A_1690 = tpu.memref_slice %arg31[%dma_wait3A_1688, %dma_wait3A_1689] : memref<512x32xf32, #tpu.memory_space<vmem>> -> memref<128x32xf32, #tpu.memory_space<vmem>>
    %dma_wait3A_1691 = arith.constant 0 : i32
    %dma_wait3A_1692 = tpu.memref_slice %arg30[%dma_wait3A_1686, %dma_wait3A_1687, %dma_wait3A_1691] : memref<26x4x128xi32, #tpu.memory_space<vmem>> -> memref<1x1x128xi32, #tpu.memory_space<vmem>>
    %dma_wait3A_1693 = tpu.memref_squeeze %dma_wait3A_1692 : memref<1x1x128xi32, #tpu.memory_space<vmem>> -> memref<128xi32, #tpu.memory_space<vmem>>
    %dma_wait3A_1694 = arith.constant 0 : i32
    %dma_wait3A_1695 = arith.constant 0 : i32
    %dma_wait3A_1696 = tpu.memref_slice %arg21[%dma_wait3A_1694, %dma_wait3A_1695] : memref<100000x32xf32, #tpu.memory_space<hbm>> -> memref<100000x32xf32, #tpu.memory_space<hbm>>
    tpu.wait_indirect_dma semaphore(%arg33 : memref<!tpu.dma_semaphore, #tpu.memory_space<semaphore_mem>>) src(%dma_wait3A_1696 : memref<100000x32xf32, #tpu.memory_space<hbm>>) dst(%dma_wait3A_1690 : memref<128x32xf32, #tpu.memory_space<vmem>>)
    %dma_wait3A_1697 = arith.constant 18 : i32
    %dma_wait3A_1698 = arith.constant 2 : i32
    %dma_wait3A_1699 = arith.constant 256 : i32
    %dma_wait3A_1700 = arith.constant 0 : i32
    %dma_wait3A_1701 = tpu.memref_slice %arg31[%dma_wait3A_1699, %dma_wait3A_1700] : memref<512x32xf32, #tpu.memory_space<vmem>> -> memref<128x32xf32, #tpu.memory_space<vmem>>
    %dma_wait3A_1702 = arith.constant 0 : i32
    %dma_wait3A_1703 = tpu.memref_slice %arg30[%dma_wait3A_1697, %dma_wait3A_1698, %dma_wait3A_1702] : memref<26x4x128xi32, #tpu.memory_space<vmem>> -> memref<1x1x128xi32, #tpu.memory_space<vmem>>
    %dma_wait3A_1704 = tpu.memref_squeeze %dma_wait3A_1703 : memref<1x1x128xi32, #tpu.memory_space<vmem>> -> memref<128xi32, #tpu.memory_space<vmem>>
    %dma_wait3A_1705 = arith.constant 0 : i32
    %dma_wait3A_1706 = arith.constant 0 : i32
    %dma_wait3A_1707 = tpu.memref_slice %arg21[%dma_wait3A_1705, %dma_wait3A_1706] : memref<100000x32xf32, #tpu.memory_space<hbm>> -> memref<100000x32xf32, #tpu.memory_space<hbm>>
    tpu.wait_indirect_dma semaphore(%arg33 : memref<!tpu.dma_semaphore, #tpu.memory_space<semaphore_mem>>) src(%dma_wait3A_1707 : memref<100000x32xf32, #tpu.memory_space<hbm>>) dst(%dma_wait3A_1701 : memref<128x32xf32, #tpu.memory_space<vmem>>)
    %dma_wait3A_1708 = arith.constant 18 : i32
    %dma_wait3A_1709 = arith.constant 3 : i32
    %dma_wait3A_1710 = arith.constant 384 : i32
    %dma_wait3A_1711 = arith.constant 0 : i32
    %dma_wait3A_1712 = tpu.memref_slice %arg31[%dma_wait3A_1710, %dma_wait3A_1711] : memref<512x32xf32, #tpu.memory_space<vmem>> -> memref<128x32xf32, #tpu.memory_space<vmem>>
    %dma_wait3A_1713 = arith.constant 0 : i32
    %dma_wait3A_1714 = tpu.memref_slice %arg30[%dma_wait3A_1708, %dma_wait3A_1709, %dma_wait3A_1713] : memref<26x4x128xi32, #tpu.memory_space<vmem>> -> memref<1x1x128xi32, #tpu.memory_space<vmem>>
    %dma_wait3A_1715 = tpu.memref_squeeze %dma_wait3A_1714 : memref<1x1x128xi32, #tpu.memory_space<vmem>> -> memref<128xi32, #tpu.memory_space<vmem>>
    %dma_wait3A_1716 = arith.constant 0 : i32
    %dma_wait3A_1717 = arith.constant 0 : i32
    %dma_wait3A_1718 = tpu.memref_slice %arg21[%dma_wait3A_1716, %dma_wait3A_1717] : memref<100000x32xf32, #tpu.memory_space<hbm>> -> memref<100000x32xf32, #tpu.memory_space<hbm>>
    tpu.wait_indirect_dma semaphore(%arg33 : memref<!tpu.dma_semaphore, #tpu.memory_space<semaphore_mem>>) src(%dma_wait3A_1718 : memref<100000x32xf32, #tpu.memory_space<hbm>>) dst(%dma_wait3A_1712 : memref<128x32xf32, #tpu.memory_space<vmem>>)
    "tpu.region"() ({
      %run_scoped3A = tpu.sem_alloc : memref<!tpu.dma_semaphore, #tpu.memory_space<semaphore_mem>>
      %dma_start3A_2291 = arith.constant 576 : i32
      %dma_start3A_2292 = tpu.memref_slice %arg29[%mul3A_2, %dma_start3A_2291] : memref<16384x832xf32, #tpu.memory_space<hbm>> -> memref<512x32xf32, #tpu.memory_space<hbm>>
      %dma_start3A_2293 = arith.constant 576 : i32
      %dma_start3A_2294 = tpu.memref_slice %arg29[%mul3A_2, %dma_start3A_2293] : memref<16384x832xf32, #tpu.memory_space<hbm>> -> memref<512x32xf32, #tpu.memory_space<hbm>>
      tpu.enqueue_dma source(%arg31 : memref<512x32xf32, #tpu.memory_space<vmem>>) target(%dma_start3A_2294 : memref<512x32xf32, #tpu.memory_space<hbm>>) target_semaphore(%run_scoped3A : memref<!tpu.dma_semaphore, #tpu.memory_space<semaphore_mem>>)
      %dma_wait3A_2295 = arith.constant 576 : i32
      %dma_wait3A_2296 = tpu.memref_slice %arg29[%mul3A_2, %dma_wait3A_2295] : memref<16384x832xf32, #tpu.memory_space<hbm>> -> memref<512x32xf32, #tpu.memory_space<hbm>>
      %dma_wait3A_2297 = arith.constant 576 : i32
      %dma_wait3A_2298 = tpu.memref_slice %arg29[%mul3A_2, %dma_wait3A_2297] : memref<16384x832xf32, #tpu.memory_space<hbm>> -> memref<512x32xf32, #tpu.memory_space<hbm>>
      tpu.wait_dma2 semaphore(%run_scoped3A : memref<!tpu.dma_semaphore, #tpu.memory_space<semaphore_mem>>) src(%arg31 : memref<512x32xf32, #tpu.memory_space<vmem>>) dst(%dma_wait3A_2298 : memref<512x32xf32, #tpu.memory_space<hbm>>)
      tpu.yield
    }) : () -> ()
    %dma_start3A_1719 = arith.constant 20 : i32
    %dma_start3A_1720 = arith.constant 0 : i32
    %dma_start3A_1721 = arith.constant 0 : i32
    %dma_start3A_1722 = arith.constant 0 : i32
    %dma_start3A_1723 = tpu.memref_slice %arg31[%dma_start3A_1721, %dma_start3A_1722] : memref<512x32xf32, #tpu.memory_space<vmem>> -> memref<128x32xf32, #tpu.memory_space<vmem>>
    %dma_start3A_1724 = arith.constant 0 : i32
    %dma_start3A_1725 = tpu.memref_slice %arg30[%dma_start3A_1719, %dma_start3A_1720, %dma_start3A_1724] : memref<26x4x128xi32, #tpu.memory_space<vmem>> -> memref<1x1x128xi32, #tpu.memory_space<vmem>>
    %dma_start3A_1726 = tpu.memref_squeeze %dma_start3A_1725 : memref<1x1x128xi32, #tpu.memory_space<vmem>> -> memref<128xi32, #tpu.memory_space<vmem>>
    %dma_start3A_1727 = arith.constant 0 : i32
    %dma_start3A_1728 = arith.constant 0 : i32
    %dma_start3A_1729 = tpu.memref_slice %arg23[%dma_start3A_1727, %dma_start3A_1728] : memref<100000x32xf32, #tpu.memory_space<hbm>> -> memref<100000x32xf32, #tpu.memory_space<hbm>>
    tpu.enqueue_indirect_dma source(%dma_start3A_1729 : memref<100000x32xf32, #tpu.memory_space<hbm>>) target(%dma_start3A_1723 : memref<128x32xf32, #tpu.memory_space<vmem>>) offsets(%dma_start3A_1726 : memref<128xi32, #tpu.memory_space<vmem>>) semaphore(%arg33 : memref<!tpu.dma_semaphore, #tpu.memory_space<semaphore_mem>>)
    %dma_start3A_1730 = arith.constant 20 : i32
    %dma_start3A_1731 = arith.constant 1 : i32
    %dma_start3A_1732 = arith.constant 128 : i32
    %dma_start3A_1733 = arith.constant 0 : i32
    %dma_start3A_1734 = tpu.memref_slice %arg31[%dma_start3A_1732, %dma_start3A_1733] : memref<512x32xf32, #tpu.memory_space<vmem>> -> memref<128x32xf32, #tpu.memory_space<vmem>>
    %dma_start3A_1735 = arith.constant 0 : i32
    %dma_start3A_1736 = tpu.memref_slice %arg30[%dma_start3A_1730, %dma_start3A_1731, %dma_start3A_1735] : memref<26x4x128xi32, #tpu.memory_space<vmem>> -> memref<1x1x128xi32, #tpu.memory_space<vmem>>
    %dma_start3A_1737 = tpu.memref_squeeze %dma_start3A_1736 : memref<1x1x128xi32, #tpu.memory_space<vmem>> -> memref<128xi32, #tpu.memory_space<vmem>>
    %dma_start3A_1738 = arith.constant 0 : i32
    %dma_start3A_1739 = arith.constant 0 : i32
    %dma_start3A_1740 = tpu.memref_slice %arg23[%dma_start3A_1738, %dma_start3A_1739] : memref<100000x32xf32, #tpu.memory_space<hbm>> -> memref<100000x32xf32, #tpu.memory_space<hbm>>
    tpu.enqueue_indirect_dma source(%dma_start3A_1740 : memref<100000x32xf32, #tpu.memory_space<hbm>>) target(%dma_start3A_1734 : memref<128x32xf32, #tpu.memory_space<vmem>>) offsets(%dma_start3A_1737 : memref<128xi32, #tpu.memory_space<vmem>>) semaphore(%arg33 : memref<!tpu.dma_semaphore, #tpu.memory_space<semaphore_mem>>)
    %dma_start3A_1741 = arith.constant 20 : i32
    %dma_start3A_1742 = arith.constant 2 : i32
    %dma_start3A_1743 = arith.constant 256 : i32
    %dma_start3A_1744 = arith.constant 0 : i32
    %dma_start3A_1745 = tpu.memref_slice %arg31[%dma_start3A_1743, %dma_start3A_1744] : memref<512x32xf32, #tpu.memory_space<vmem>> -> memref<128x32xf32, #tpu.memory_space<vmem>>
    %dma_start3A_1746 = arith.constant 0 : i32
    %dma_start3A_1747 = tpu.memref_slice %arg30[%dma_start3A_1741, %dma_start3A_1742, %dma_start3A_1746] : memref<26x4x128xi32, #tpu.memory_space<vmem>> -> memref<1x1x128xi32, #tpu.memory_space<vmem>>
    %dma_start3A_1748 = tpu.memref_squeeze %dma_start3A_1747 : memref<1x1x128xi32, #tpu.memory_space<vmem>> -> memref<128xi32, #tpu.memory_space<vmem>>
    %dma_start3A_1749 = arith.constant 0 : i32
    %dma_start3A_1750 = arith.constant 0 : i32
    %dma_start3A_1751 = tpu.memref_slice %arg23[%dma_start3A_1749, %dma_start3A_1750] : memref<100000x32xf32, #tpu.memory_space<hbm>> -> memref<100000x32xf32, #tpu.memory_space<hbm>>
    tpu.enqueue_indirect_dma source(%dma_start3A_1751 : memref<100000x32xf32, #tpu.memory_space<hbm>>) target(%dma_start3A_1745 : memref<128x32xf32, #tpu.memory_space<vmem>>) offsets(%dma_start3A_1748 : memref<128xi32, #tpu.memory_space<vmem>>) semaphore(%arg33 : memref<!tpu.dma_semaphore, #tpu.memory_space<semaphore_mem>>)
    %dma_start3A_1752 = arith.constant 20 : i32
    %dma_start3A_1753 = arith.constant 3 : i32
    %dma_start3A_1754 = arith.constant 384 : i32
    %dma_start3A_1755 = arith.constant 0 : i32
    %dma_start3A_1756 = tpu.memref_slice %arg31[%dma_start3A_1754, %dma_start3A_1755] : memref<512x32xf32, #tpu.memory_space<vmem>> -> memref<128x32xf32, #tpu.memory_space<vmem>>
    %dma_start3A_1757 = arith.constant 0 : i32
    %dma_start3A_1758 = tpu.memref_slice %arg30[%dma_start3A_1752, %dma_start3A_1753, %dma_start3A_1757] : memref<26x4x128xi32, #tpu.memory_space<vmem>> -> memref<1x1x128xi32, #tpu.memory_space<vmem>>
    %dma_start3A_1759 = tpu.memref_squeeze %dma_start3A_1758 : memref<1x1x128xi32, #tpu.memory_space<vmem>> -> memref<128xi32, #tpu.memory_space<vmem>>
    %dma_start3A_1760 = arith.constant 0 : i32
    %dma_start3A_1761 = arith.constant 0 : i32
    %dma_start3A_1762 = tpu.memref_slice %arg23[%dma_start3A_1760, %dma_start3A_1761] : memref<100000x32xf32, #tpu.memory_space<hbm>> -> memref<100000x32xf32, #tpu.memory_space<hbm>>
    tpu.enqueue_indirect_dma source(%dma_start3A_1762 : memref<100000x32xf32, #tpu.memory_space<hbm>>) target(%dma_start3A_1756 : memref<128x32xf32, #tpu.memory_space<vmem>>) offsets(%dma_start3A_1759 : memref<128xi32, #tpu.memory_space<vmem>>) semaphore(%arg33 : memref<!tpu.dma_semaphore, #tpu.memory_space<semaphore_mem>>)
    %dma_wait3A_1763 = arith.constant 19 : i32
    %dma_wait3A_1764 = arith.constant 0 : i32
    %dma_wait3A_1765 = arith.constant 0 : i32
    %dma_wait3A_1766 = arith.constant 0 : i32
    %dma_wait3A_1767 = tpu.memref_slice %arg32[%dma_wait3A_1765, %dma_wait3A_1766] : memref<512x32xf32, #tpu.memory_space<vmem>> -> memref<128x32xf32, #tpu.memory_space<vmem>>
    %dma_wait3A_1768 = arith.constant 0 : i32
    %dma_wait3A_1769 = tpu.memref_slice %arg30[%dma_wait3A_1763, %dma_wait3A_1764, %dma_wait3A_1768] : memref<26x4x128xi32, #tpu.memory_space<vmem>> -> memref<1x1x128xi32, #tpu.memory_space<vmem>>
    %dma_wait3A_1770 = tpu.memref_squeeze %dma_wait3A_1769 : memref<1x1x128xi32, #tpu.memory_space<vmem>> -> memref<128xi32, #tpu.memory_space<vmem>>
    %dma_wait3A_1771 = arith.constant 0 : i32
    %dma_wait3A_1772 = arith.constant 0 : i32
    %dma_wait3A_1773 = tpu.memref_slice %arg22[%dma_wait3A_1771, %dma_wait3A_1772] : memref<100000x32xf32, #tpu.memory_space<hbm>> -> memref<100000x32xf32, #tpu.memory_space<hbm>>
    tpu.wait_indirect_dma semaphore(%arg34 : memref<!tpu.dma_semaphore, #tpu.memory_space<semaphore_mem>>) src(%dma_wait3A_1773 : memref<100000x32xf32, #tpu.memory_space<hbm>>) dst(%dma_wait3A_1767 : memref<128x32xf32, #tpu.memory_space<vmem>>)
    %dma_wait3A_1774 = arith.constant 19 : i32
    %dma_wait3A_1775 = arith.constant 1 : i32
    %dma_wait3A_1776 = arith.constant 128 : i32
    %dma_wait3A_1777 = arith.constant 0 : i32
    %dma_wait3A_1778 = tpu.memref_slice %arg32[%dma_wait3A_1776, %dma_wait3A_1777] : memref<512x32xf32, #tpu.memory_space<vmem>> -> memref<128x32xf32, #tpu.memory_space<vmem>>
    %dma_wait3A_1779 = arith.constant 0 : i32
    %dma_wait3A_1780 = tpu.memref_slice %arg30[%dma_wait3A_1774, %dma_wait3A_1775, %dma_wait3A_1779] : memref<26x4x128xi32, #tpu.memory_space<vmem>> -> memref<1x1x128xi32, #tpu.memory_space<vmem>>
    %dma_wait3A_1781 = tpu.memref_squeeze %dma_wait3A_1780 : memref<1x1x128xi32, #tpu.memory_space<vmem>> -> memref<128xi32, #tpu.memory_space<vmem>>
    %dma_wait3A_1782 = arith.constant 0 : i32
    %dma_wait3A_1783 = arith.constant 0 : i32
    %dma_wait3A_1784 = tpu.memref_slice %arg22[%dma_wait3A_1782, %dma_wait3A_1783] : memref<100000x32xf32, #tpu.memory_space<hbm>> -> memref<100000x32xf32, #tpu.memory_space<hbm>>
    tpu.wait_indirect_dma semaphore(%arg34 : memref<!tpu.dma_semaphore, #tpu.memory_space<semaphore_mem>>) src(%dma_wait3A_1784 : memref<100000x32xf32, #tpu.memory_space<hbm>>) dst(%dma_wait3A_1778 : memref<128x32xf32, #tpu.memory_space<vmem>>)
    %dma_wait3A_1785 = arith.constant 19 : i32
    %dma_wait3A_1786 = arith.constant 2 : i32
    %dma_wait3A_1787 = arith.constant 256 : i32
    %dma_wait3A_1788 = arith.constant 0 : i32
    %dma_wait3A_1789 = tpu.memref_slice %arg32[%dma_wait3A_1787, %dma_wait3A_1788] : memref<512x32xf32, #tpu.memory_space<vmem>> -> memref<128x32xf32, #tpu.memory_space<vmem>>
    %dma_wait3A_1790 = arith.constant 0 : i32
    %dma_wait3A_1791 = tpu.memref_slice %arg30[%dma_wait3A_1785, %dma_wait3A_1786, %dma_wait3A_1790] : memref<26x4x128xi32, #tpu.memory_space<vmem>> -> memref<1x1x128xi32, #tpu.memory_space<vmem>>
    %dma_wait3A_1792 = tpu.memref_squeeze %dma_wait3A_1791 : memref<1x1x128xi32, #tpu.memory_space<vmem>> -> memref<128xi32, #tpu.memory_space<vmem>>
    %dma_wait3A_1793 = arith.constant 0 : i32
    %dma_wait3A_1794 = arith.constant 0 : i32
    %dma_wait3A_1795 = tpu.memref_slice %arg22[%dma_wait3A_1793, %dma_wait3A_1794] : memref<100000x32xf32, #tpu.memory_space<hbm>> -> memref<100000x32xf32, #tpu.memory_space<hbm>>
    tpu.wait_indirect_dma semaphore(%arg34 : memref<!tpu.dma_semaphore, #tpu.memory_space<semaphore_mem>>) src(%dma_wait3A_1795 : memref<100000x32xf32, #tpu.memory_space<hbm>>) dst(%dma_wait3A_1789 : memref<128x32xf32, #tpu.memory_space<vmem>>)
    %dma_wait3A_1796 = arith.constant 19 : i32
    %dma_wait3A_1797 = arith.constant 3 : i32
    %dma_wait3A_1798 = arith.constant 384 : i32
    %dma_wait3A_1799 = arith.constant 0 : i32
    %dma_wait3A_1800 = tpu.memref_slice %arg32[%dma_wait3A_1798, %dma_wait3A_1799] : memref<512x32xf32, #tpu.memory_space<vmem>> -> memref<128x32xf32, #tpu.memory_space<vmem>>
    %dma_wait3A_1801 = arith.constant 0 : i32
    %dma_wait3A_1802 = tpu.memref_slice %arg30[%dma_wait3A_1796, %dma_wait3A_1797, %dma_wait3A_1801] : memref<26x4x128xi32, #tpu.memory_space<vmem>> -> memref<1x1x128xi32, #tpu.memory_space<vmem>>
    %dma_wait3A_1803 = tpu.memref_squeeze %dma_wait3A_1802 : memref<1x1x128xi32, #tpu.memory_space<vmem>> -> memref<128xi32, #tpu.memory_space<vmem>>
    %dma_wait3A_1804 = arith.constant 0 : i32
    %dma_wait3A_1805 = arith.constant 0 : i32
    %dma_wait3A_1806 = tpu.memref_slice %arg22[%dma_wait3A_1804, %dma_wait3A_1805] : memref<100000x32xf32, #tpu.memory_space<hbm>> -> memref<100000x32xf32, #tpu.memory_space<hbm>>
    tpu.wait_indirect_dma semaphore(%arg34 : memref<!tpu.dma_semaphore, #tpu.memory_space<semaphore_mem>>) src(%dma_wait3A_1806 : memref<100000x32xf32, #tpu.memory_space<hbm>>) dst(%dma_wait3A_1800 : memref<128x32xf32, #tpu.memory_space<vmem>>)
    "tpu.region"() ({
      %run_scoped3A = tpu.sem_alloc : memref<!tpu.dma_semaphore, #tpu.memory_space<semaphore_mem>>
      %dma_start3A_2291 = arith.constant 608 : i32
      %dma_start3A_2292 = tpu.memref_slice %arg29[%mul3A_2, %dma_start3A_2291] : memref<16384x832xf32, #tpu.memory_space<hbm>> -> memref<512x32xf32, #tpu.memory_space<hbm>>
      %dma_start3A_2293 = arith.constant 608 : i32
      %dma_start3A_2294 = tpu.memref_slice %arg29[%mul3A_2, %dma_start3A_2293] : memref<16384x832xf32, #tpu.memory_space<hbm>> -> memref<512x32xf32, #tpu.memory_space<hbm>>
      tpu.enqueue_dma source(%arg32 : memref<512x32xf32, #tpu.memory_space<vmem>>) target(%dma_start3A_2294 : memref<512x32xf32, #tpu.memory_space<hbm>>) target_semaphore(%run_scoped3A : memref<!tpu.dma_semaphore, #tpu.memory_space<semaphore_mem>>)
      %dma_wait3A_2295 = arith.constant 608 : i32
      %dma_wait3A_2296 = tpu.memref_slice %arg29[%mul3A_2, %dma_wait3A_2295] : memref<16384x832xf32, #tpu.memory_space<hbm>> -> memref<512x32xf32, #tpu.memory_space<hbm>>
      %dma_wait3A_2297 = arith.constant 608 : i32
      %dma_wait3A_2298 = tpu.memref_slice %arg29[%mul3A_2, %dma_wait3A_2297] : memref<16384x832xf32, #tpu.memory_space<hbm>> -> memref<512x32xf32, #tpu.memory_space<hbm>>
      tpu.wait_dma2 semaphore(%run_scoped3A : memref<!tpu.dma_semaphore, #tpu.memory_space<semaphore_mem>>) src(%arg32 : memref<512x32xf32, #tpu.memory_space<vmem>>) dst(%dma_wait3A_2298 : memref<512x32xf32, #tpu.memory_space<hbm>>)
      tpu.yield
    }) : () -> ()
    %dma_start3A_1807 = arith.constant 21 : i32
    %dma_start3A_1808 = arith.constant 0 : i32
    %dma_start3A_1809 = arith.constant 0 : i32
    %dma_start3A_1810 = arith.constant 0 : i32
    %dma_start3A_1811 = tpu.memref_slice %arg32[%dma_start3A_1809, %dma_start3A_1810] : memref<512x32xf32, #tpu.memory_space<vmem>> -> memref<128x32xf32, #tpu.memory_space<vmem>>
    %dma_start3A_1812 = arith.constant 0 : i32
    %dma_start3A_1813 = tpu.memref_slice %arg30[%dma_start3A_1807, %dma_start3A_1808, %dma_start3A_1812] : memref<26x4x128xi32, #tpu.memory_space<vmem>> -> memref<1x1x128xi32, #tpu.memory_space<vmem>>
    %dma_start3A_1814 = tpu.memref_squeeze %dma_start3A_1813 : memref<1x1x128xi32, #tpu.memory_space<vmem>> -> memref<128xi32, #tpu.memory_space<vmem>>
    %dma_start3A_1815 = arith.constant 0 : i32
    %dma_start3A_1816 = arith.constant 0 : i32
    %dma_start3A_1817 = tpu.memref_slice %arg24[%dma_start3A_1815, %dma_start3A_1816] : memref<100000x32xf32, #tpu.memory_space<hbm>> -> memref<100000x32xf32, #tpu.memory_space<hbm>>
    tpu.enqueue_indirect_dma source(%dma_start3A_1817 : memref<100000x32xf32, #tpu.memory_space<hbm>>) target(%dma_start3A_1811 : memref<128x32xf32, #tpu.memory_space<vmem>>) offsets(%dma_start3A_1814 : memref<128xi32, #tpu.memory_space<vmem>>) semaphore(%arg34 : memref<!tpu.dma_semaphore, #tpu.memory_space<semaphore_mem>>)
    %dma_start3A_1818 = arith.constant 21 : i32
    %dma_start3A_1819 = arith.constant 1 : i32
    %dma_start3A_1820 = arith.constant 128 : i32
    %dma_start3A_1821 = arith.constant 0 : i32
    %dma_start3A_1822 = tpu.memref_slice %arg32[%dma_start3A_1820, %dma_start3A_1821] : memref<512x32xf32, #tpu.memory_space<vmem>> -> memref<128x32xf32, #tpu.memory_space<vmem>>
    %dma_start3A_1823 = arith.constant 0 : i32
    %dma_start3A_1824 = tpu.memref_slice %arg30[%dma_start3A_1818, %dma_start3A_1819, %dma_start3A_1823] : memref<26x4x128xi32, #tpu.memory_space<vmem>> -> memref<1x1x128xi32, #tpu.memory_space<vmem>>
    %dma_start3A_1825 = tpu.memref_squeeze %dma_start3A_1824 : memref<1x1x128xi32, #tpu.memory_space<vmem>> -> memref<128xi32, #tpu.memory_space<vmem>>
    %dma_start3A_1826 = arith.constant 0 : i32
    %dma_start3A_1827 = arith.constant 0 : i32
    %dma_start3A_1828 = tpu.memref_slice %arg24[%dma_start3A_1826, %dma_start3A_1827] : memref<100000x32xf32, #tpu.memory_space<hbm>> -> memref<100000x32xf32, #tpu.memory_space<hbm>>
    tpu.enqueue_indirect_dma source(%dma_start3A_1828 : memref<100000x32xf32, #tpu.memory_space<hbm>>) target(%dma_start3A_1822 : memref<128x32xf32, #tpu.memory_space<vmem>>) offsets(%dma_start3A_1825 : memref<128xi32, #tpu.memory_space<vmem>>) semaphore(%arg34 : memref<!tpu.dma_semaphore, #tpu.memory_space<semaphore_mem>>)
    %dma_start3A_1829 = arith.constant 21 : i32
    %dma_start3A_1830 = arith.constant 2 : i32
    %dma_start3A_1831 = arith.constant 256 : i32
    %dma_start3A_1832 = arith.constant 0 : i32
    %dma_start3A_1833 = tpu.memref_slice %arg32[%dma_start3A_1831, %dma_start3A_1832] : memref<512x32xf32, #tpu.memory_space<vmem>> -> memref<128x32xf32, #tpu.memory_space<vmem>>
    %dma_start3A_1834 = arith.constant 0 : i32
    %dma_start3A_1835 = tpu.memref_slice %arg30[%dma_start3A_1829, %dma_start3A_1830, %dma_start3A_1834] : memref<26x4x128xi32, #tpu.memory_space<vmem>> -> memref<1x1x128xi32, #tpu.memory_space<vmem>>
    %dma_start3A_1836 = tpu.memref_squeeze %dma_start3A_1835 : memref<1x1x128xi32, #tpu.memory_space<vmem>> -> memref<128xi32, #tpu.memory_space<vmem>>
    %dma_start3A_1837 = arith.constant 0 : i32
    %dma_start3A_1838 = arith.constant 0 : i32
    %dma_start3A_1839 = tpu.memref_slice %arg24[%dma_start3A_1837, %dma_start3A_1838] : memref<100000x32xf32, #tpu.memory_space<hbm>> -> memref<100000x32xf32, #tpu.memory_space<hbm>>
    tpu.enqueue_indirect_dma source(%dma_start3A_1839 : memref<100000x32xf32, #tpu.memory_space<hbm>>) target(%dma_start3A_1833 : memref<128x32xf32, #tpu.memory_space<vmem>>) offsets(%dma_start3A_1836 : memref<128xi32, #tpu.memory_space<vmem>>) semaphore(%arg34 : memref<!tpu.dma_semaphore, #tpu.memory_space<semaphore_mem>>)
    %dma_start3A_1840 = arith.constant 21 : i32
    %dma_start3A_1841 = arith.constant 3 : i32
    %dma_start3A_1842 = arith.constant 384 : i32
    %dma_start3A_1843 = arith.constant 0 : i32
    %dma_start3A_1844 = tpu.memref_slice %arg32[%dma_start3A_1842, %dma_start3A_1843] : memref<512x32xf32, #tpu.memory_space<vmem>> -> memref<128x32xf32, #tpu.memory_space<vmem>>
    %dma_start3A_1845 = arith.constant 0 : i32
    %dma_start3A_1846 = tpu.memref_slice %arg30[%dma_start3A_1840, %dma_start3A_1841, %dma_start3A_1845] : memref<26x4x128xi32, #tpu.memory_space<vmem>> -> memref<1x1x128xi32, #tpu.memory_space<vmem>>
    %dma_start3A_1847 = tpu.memref_squeeze %dma_start3A_1846 : memref<1x1x128xi32, #tpu.memory_space<vmem>> -> memref<128xi32, #tpu.memory_space<vmem>>
    %dma_start3A_1848 = arith.constant 0 : i32
    %dma_start3A_1849 = arith.constant 0 : i32
    %dma_start3A_1850 = tpu.memref_slice %arg24[%dma_start3A_1848, %dma_start3A_1849] : memref<100000x32xf32, #tpu.memory_space<hbm>> -> memref<100000x32xf32, #tpu.memory_space<hbm>>
    tpu.enqueue_indirect_dma source(%dma_start3A_1850 : memref<100000x32xf32, #tpu.memory_space<hbm>>) target(%dma_start3A_1844 : memref<128x32xf32, #tpu.memory_space<vmem>>) offsets(%dma_start3A_1847 : memref<128xi32, #tpu.memory_space<vmem>>) semaphore(%arg34 : memref<!tpu.dma_semaphore, #tpu.memory_space<semaphore_mem>>)
    %dma_wait3A_1851 = arith.constant 20 : i32
    %dma_wait3A_1852 = arith.constant 0 : i32
    %dma_wait3A_1853 = arith.constant 0 : i32
    %dma_wait3A_1854 = arith.constant 0 : i32
    %dma_wait3A_1855 = tpu.memref_slice %arg31[%dma_wait3A_1853, %dma_wait3A_1854] : memref<512x32xf32, #tpu.memory_space<vmem>> -> memref<128x32xf32, #tpu.memory_space<vmem>>
    %dma_wait3A_1856 = arith.constant 0 : i32
    %dma_wait3A_1857 = tpu.memref_slice %arg30[%dma_wait3A_1851, %dma_wait3A_1852, %dma_wait3A_1856] : memref<26x4x128xi32, #tpu.memory_space<vmem>> -> memref<1x1x128xi32, #tpu.memory_space<vmem>>
    %dma_wait3A_1858 = tpu.memref_squeeze %dma_wait3A_1857 : memref<1x1x128xi32, #tpu.memory_space<vmem>> -> memref<128xi32, #tpu.memory_space<vmem>>
    %dma_wait3A_1859 = arith.constant 0 : i32
    %dma_wait3A_1860 = arith.constant 0 : i32
    %dma_wait3A_1861 = tpu.memref_slice %arg23[%dma_wait3A_1859, %dma_wait3A_1860] : memref<100000x32xf32, #tpu.memory_space<hbm>> -> memref<100000x32xf32, #tpu.memory_space<hbm>>
    tpu.wait_indirect_dma semaphore(%arg33 : memref<!tpu.dma_semaphore, #tpu.memory_space<semaphore_mem>>) src(%dma_wait3A_1861 : memref<100000x32xf32, #tpu.memory_space<hbm>>) dst(%dma_wait3A_1855 : memref<128x32xf32, #tpu.memory_space<vmem>>)
    %dma_wait3A_1862 = arith.constant 20 : i32
    %dma_wait3A_1863 = arith.constant 1 : i32
    %dma_wait3A_1864 = arith.constant 128 : i32
    %dma_wait3A_1865 = arith.constant 0 : i32
    %dma_wait3A_1866 = tpu.memref_slice %arg31[%dma_wait3A_1864, %dma_wait3A_1865] : memref<512x32xf32, #tpu.memory_space<vmem>> -> memref<128x32xf32, #tpu.memory_space<vmem>>
    %dma_wait3A_1867 = arith.constant 0 : i32
    %dma_wait3A_1868 = tpu.memref_slice %arg30[%dma_wait3A_1862, %dma_wait3A_1863, %dma_wait3A_1867] : memref<26x4x128xi32, #tpu.memory_space<vmem>> -> memref<1x1x128xi32, #tpu.memory_space<vmem>>
    %dma_wait3A_1869 = tpu.memref_squeeze %dma_wait3A_1868 : memref<1x1x128xi32, #tpu.memory_space<vmem>> -> memref<128xi32, #tpu.memory_space<vmem>>
    %dma_wait3A_1870 = arith.constant 0 : i32
    %dma_wait3A_1871 = arith.constant 0 : i32
    %dma_wait3A_1872 = tpu.memref_slice %arg23[%dma_wait3A_1870, %dma_wait3A_1871] : memref<100000x32xf32, #tpu.memory_space<hbm>> -> memref<100000x32xf32, #tpu.memory_space<hbm>>
    tpu.wait_indirect_dma semaphore(%arg33 : memref<!tpu.dma_semaphore, #tpu.memory_space<semaphore_mem>>) src(%dma_wait3A_1872 : memref<100000x32xf32, #tpu.memory_space<hbm>>) dst(%dma_wait3A_1866 : memref<128x32xf32, #tpu.memory_space<vmem>>)
    %dma_wait3A_1873 = arith.constant 20 : i32
    %dma_wait3A_1874 = arith.constant 2 : i32
    %dma_wait3A_1875 = arith.constant 256 : i32
    %dma_wait3A_1876 = arith.constant 0 : i32
    %dma_wait3A_1877 = tpu.memref_slice %arg31[%dma_wait3A_1875, %dma_wait3A_1876] : memref<512x32xf32, #tpu.memory_space<vmem>> -> memref<128x32xf32, #tpu.memory_space<vmem>>
    %dma_wait3A_1878 = arith.constant 0 : i32
    %dma_wait3A_1879 = tpu.memref_slice %arg30[%dma_wait3A_1873, %dma_wait3A_1874, %dma_wait3A_1878] : memref<26x4x128xi32, #tpu.memory_space<vmem>> -> memref<1x1x128xi32, #tpu.memory_space<vmem>>
    %dma_wait3A_1880 = tpu.memref_squeeze %dma_wait3A_1879 : memref<1x1x128xi32, #tpu.memory_space<vmem>> -> memref<128xi32, #tpu.memory_space<vmem>>
    %dma_wait3A_1881 = arith.constant 0 : i32
    %dma_wait3A_1882 = arith.constant 0 : i32
    %dma_wait3A_1883 = tpu.memref_slice %arg23[%dma_wait3A_1881, %dma_wait3A_1882] : memref<100000x32xf32, #tpu.memory_space<hbm>> -> memref<100000x32xf32, #tpu.memory_space<hbm>>
    tpu.wait_indirect_dma semaphore(%arg33 : memref<!tpu.dma_semaphore, #tpu.memory_space<semaphore_mem>>) src(%dma_wait3A_1883 : memref<100000x32xf32, #tpu.memory_space<hbm>>) dst(%dma_wait3A_1877 : memref<128x32xf32, #tpu.memory_space<vmem>>)
    %dma_wait3A_1884 = arith.constant 20 : i32
    %dma_wait3A_1885 = arith.constant 3 : i32
    %dma_wait3A_1886 = arith.constant 384 : i32
    %dma_wait3A_1887 = arith.constant 0 : i32
    %dma_wait3A_1888 = tpu.memref_slice %arg31[%dma_wait3A_1886, %dma_wait3A_1887] : memref<512x32xf32, #tpu.memory_space<vmem>> -> memref<128x32xf32, #tpu.memory_space<vmem>>
    %dma_wait3A_1889 = arith.constant 0 : i32
    %dma_wait3A_1890 = tpu.memref_slice %arg30[%dma_wait3A_1884, %dma_wait3A_1885, %dma_wait3A_1889] : memref<26x4x128xi32, #tpu.memory_space<vmem>> -> memref<1x1x128xi32, #tpu.memory_space<vmem>>
    %dma_wait3A_1891 = tpu.memref_squeeze %dma_wait3A_1890 : memref<1x1x128xi32, #tpu.memory_space<vmem>> -> memref<128xi32, #tpu.memory_space<vmem>>
    %dma_wait3A_1892 = arith.constant 0 : i32
    %dma_wait3A_1893 = arith.constant 0 : i32
    %dma_wait3A_1894 = tpu.memref_slice %arg23[%dma_wait3A_1892, %dma_wait3A_1893] : memref<100000x32xf32, #tpu.memory_space<hbm>> -> memref<100000x32xf32, #tpu.memory_space<hbm>>
    tpu.wait_indirect_dma semaphore(%arg33 : memref<!tpu.dma_semaphore, #tpu.memory_space<semaphore_mem>>) src(%dma_wait3A_1894 : memref<100000x32xf32, #tpu.memory_space<hbm>>) dst(%dma_wait3A_1888 : memref<128x32xf32, #tpu.memory_space<vmem>>)
    "tpu.region"() ({
      %run_scoped3A = tpu.sem_alloc : memref<!tpu.dma_semaphore, #tpu.memory_space<semaphore_mem>>
      %dma_start3A_2291 = arith.constant 640 : i32
      %dma_start3A_2292 = tpu.memref_slice %arg29[%mul3A_2, %dma_start3A_2291] : memref<16384x832xf32, #tpu.memory_space<hbm>> -> memref<512x32xf32, #tpu.memory_space<hbm>>
      %dma_start3A_2293 = arith.constant 640 : i32
      %dma_start3A_2294 = tpu.memref_slice %arg29[%mul3A_2, %dma_start3A_2293] : memref<16384x832xf32, #tpu.memory_space<hbm>> -> memref<512x32xf32, #tpu.memory_space<hbm>>
      tpu.enqueue_dma source(%arg31 : memref<512x32xf32, #tpu.memory_space<vmem>>) target(%dma_start3A_2294 : memref<512x32xf32, #tpu.memory_space<hbm>>) target_semaphore(%run_scoped3A : memref<!tpu.dma_semaphore, #tpu.memory_space<semaphore_mem>>)
      %dma_wait3A_2295 = arith.constant 640 : i32
      %dma_wait3A_2296 = tpu.memref_slice %arg29[%mul3A_2, %dma_wait3A_2295] : memref<16384x832xf32, #tpu.memory_space<hbm>> -> memref<512x32xf32, #tpu.memory_space<hbm>>
      %dma_wait3A_2297 = arith.constant 640 : i32
      %dma_wait3A_2298 = tpu.memref_slice %arg29[%mul3A_2, %dma_wait3A_2297] : memref<16384x832xf32, #tpu.memory_space<hbm>> -> memref<512x32xf32, #tpu.memory_space<hbm>>
      tpu.wait_dma2 semaphore(%run_scoped3A : memref<!tpu.dma_semaphore, #tpu.memory_space<semaphore_mem>>) src(%arg31 : memref<512x32xf32, #tpu.memory_space<vmem>>) dst(%dma_wait3A_2298 : memref<512x32xf32, #tpu.memory_space<hbm>>)
      tpu.yield
    }) : () -> ()
    %dma_start3A_1895 = arith.constant 22 : i32
    %dma_start3A_1896 = arith.constant 0 : i32
    %dma_start3A_1897 = arith.constant 0 : i32
    %dma_start3A_1898 = arith.constant 0 : i32
    %dma_start3A_1899 = tpu.memref_slice %arg31[%dma_start3A_1897, %dma_start3A_1898] : memref<512x32xf32, #tpu.memory_space<vmem>> -> memref<128x32xf32, #tpu.memory_space<vmem>>
    %dma_start3A_1900 = arith.constant 0 : i32
    %dma_start3A_1901 = tpu.memref_slice %arg30[%dma_start3A_1895, %dma_start3A_1896, %dma_start3A_1900] : memref<26x4x128xi32, #tpu.memory_space<vmem>> -> memref<1x1x128xi32, #tpu.memory_space<vmem>>
    %dma_start3A_1902 = tpu.memref_squeeze %dma_start3A_1901 : memref<1x1x128xi32, #tpu.memory_space<vmem>> -> memref<128xi32, #tpu.memory_space<vmem>>
    %dma_start3A_1903 = arith.constant 0 : i32
    %dma_start3A_1904 = arith.constant 0 : i32
    %dma_start3A_1905 = tpu.memref_slice %arg25[%dma_start3A_1903, %dma_start3A_1904] : memref<100000x32xf32, #tpu.memory_space<hbm>> -> memref<100000x32xf32, #tpu.memory_space<hbm>>
    tpu.enqueue_indirect_dma source(%dma_start3A_1905 : memref<100000x32xf32, #tpu.memory_space<hbm>>) target(%dma_start3A_1899 : memref<128x32xf32, #tpu.memory_space<vmem>>) offsets(%dma_start3A_1902 : memref<128xi32, #tpu.memory_space<vmem>>) semaphore(%arg33 : memref<!tpu.dma_semaphore, #tpu.memory_space<semaphore_mem>>)
    %dma_start3A_1906 = arith.constant 22 : i32
    %dma_start3A_1907 = arith.constant 1 : i32
    %dma_start3A_1908 = arith.constant 128 : i32
    %dma_start3A_1909 = arith.constant 0 : i32
    %dma_start3A_1910 = tpu.memref_slice %arg31[%dma_start3A_1908, %dma_start3A_1909] : memref<512x32xf32, #tpu.memory_space<vmem>> -> memref<128x32xf32, #tpu.memory_space<vmem>>
    %dma_start3A_1911 = arith.constant 0 : i32
    %dma_start3A_1912 = tpu.memref_slice %arg30[%dma_start3A_1906, %dma_start3A_1907, %dma_start3A_1911] : memref<26x4x128xi32, #tpu.memory_space<vmem>> -> memref<1x1x128xi32, #tpu.memory_space<vmem>>
    %dma_start3A_1913 = tpu.memref_squeeze %dma_start3A_1912 : memref<1x1x128xi32, #tpu.memory_space<vmem>> -> memref<128xi32, #tpu.memory_space<vmem>>
    %dma_start3A_1914 = arith.constant 0 : i32
    %dma_start3A_1915 = arith.constant 0 : i32
    %dma_start3A_1916 = tpu.memref_slice %arg25[%dma_start3A_1914, %dma_start3A_1915] : memref<100000x32xf32, #tpu.memory_space<hbm>> -> memref<100000x32xf32, #tpu.memory_space<hbm>>
    tpu.enqueue_indirect_dma source(%dma_start3A_1916 : memref<100000x32xf32, #tpu.memory_space<hbm>>) target(%dma_start3A_1910 : memref<128x32xf32, #tpu.memory_space<vmem>>) offsets(%dma_start3A_1913 : memref<128xi32, #tpu.memory_space<vmem>>) semaphore(%arg33 : memref<!tpu.dma_semaphore, #tpu.memory_space<semaphore_mem>>)
    %dma_start3A_1917 = arith.constant 22 : i32
    %dma_start3A_1918 = arith.constant 2 : i32
    %dma_start3A_1919 = arith.constant 256 : i32
    %dma_start3A_1920 = arith.constant 0 : i32
    %dma_start3A_1921 = tpu.memref_slice %arg31[%dma_start3A_1919, %dma_start3A_1920] : memref<512x32xf32, #tpu.memory_space<vmem>> -> memref<128x32xf32, #tpu.memory_space<vmem>>
    %dma_start3A_1922 = arith.constant 0 : i32
    %dma_start3A_1923 = tpu.memref_slice %arg30[%dma_start3A_1917, %dma_start3A_1918, %dma_start3A_1922] : memref<26x4x128xi32, #tpu.memory_space<vmem>> -> memref<1x1x128xi32, #tpu.memory_space<vmem>>
    %dma_start3A_1924 = tpu.memref_squeeze %dma_start3A_1923 : memref<1x1x128xi32, #tpu.memory_space<vmem>> -> memref<128xi32, #tpu.memory_space<vmem>>
    %dma_start3A_1925 = arith.constant 0 : i32
    %dma_start3A_1926 = arith.constant 0 : i32
    %dma_start3A_1927 = tpu.memref_slice %arg25[%dma_start3A_1925, %dma_start3A_1926] : memref<100000x32xf32, #tpu.memory_space<hbm>> -> memref<100000x32xf32, #tpu.memory_space<hbm>>
    tpu.enqueue_indirect_dma source(%dma_start3A_1927 : memref<100000x32xf32, #tpu.memory_space<hbm>>) target(%dma_start3A_1921 : memref<128x32xf32, #tpu.memory_space<vmem>>) offsets(%dma_start3A_1924 : memref<128xi32, #tpu.memory_space<vmem>>) semaphore(%arg33 : memref<!tpu.dma_semaphore, #tpu.memory_space<semaphore_mem>>)
    %dma_start3A_1928 = arith.constant 22 : i32
    %dma_start3A_1929 = arith.constant 3 : i32
    %dma_start3A_1930 = arith.constant 384 : i32
    %dma_start3A_1931 = arith.constant 0 : i32
    %dma_start3A_1932 = tpu.memref_slice %arg31[%dma_start3A_1930, %dma_start3A_1931] : memref<512x32xf32, #tpu.memory_space<vmem>> -> memref<128x32xf32, #tpu.memory_space<vmem>>
    %dma_start3A_1933 = arith.constant 0 : i32
    %dma_start3A_1934 = tpu.memref_slice %arg30[%dma_start3A_1928, %dma_start3A_1929, %dma_start3A_1933] : memref<26x4x128xi32, #tpu.memory_space<vmem>> -> memref<1x1x128xi32, #tpu.memory_space<vmem>>
    %dma_start3A_1935 = tpu.memref_squeeze %dma_start3A_1934 : memref<1x1x128xi32, #tpu.memory_space<vmem>> -> memref<128xi32, #tpu.memory_space<vmem>>
    %dma_start3A_1936 = arith.constant 0 : i32
    %dma_start3A_1937 = arith.constant 0 : i32
    %dma_start3A_1938 = tpu.memref_slice %arg25[%dma_start3A_1936, %dma_start3A_1937] : memref<100000x32xf32, #tpu.memory_space<hbm>> -> memref<100000x32xf32, #tpu.memory_space<hbm>>
    tpu.enqueue_indirect_dma source(%dma_start3A_1938 : memref<100000x32xf32, #tpu.memory_space<hbm>>) target(%dma_start3A_1932 : memref<128x32xf32, #tpu.memory_space<vmem>>) offsets(%dma_start3A_1935 : memref<128xi32, #tpu.memory_space<vmem>>) semaphore(%arg33 : memref<!tpu.dma_semaphore, #tpu.memory_space<semaphore_mem>>)
    %dma_wait3A_1939 = arith.constant 21 : i32
    %dma_wait3A_1940 = arith.constant 0 : i32
    %dma_wait3A_1941 = arith.constant 0 : i32
    %dma_wait3A_1942 = arith.constant 0 : i32
    %dma_wait3A_1943 = tpu.memref_slice %arg32[%dma_wait3A_1941, %dma_wait3A_1942] : memref<512x32xf32, #tpu.memory_space<vmem>> -> memref<128x32xf32, #tpu.memory_space<vmem>>
    %dma_wait3A_1944 = arith.constant 0 : i32
    %dma_wait3A_1945 = tpu.memref_slice %arg30[%dma_wait3A_1939, %dma_wait3A_1940, %dma_wait3A_1944] : memref<26x4x128xi32, #tpu.memory_space<vmem>> -> memref<1x1x128xi32, #tpu.memory_space<vmem>>
    %dma_wait3A_1946 = tpu.memref_squeeze %dma_wait3A_1945 : memref<1x1x128xi32, #tpu.memory_space<vmem>> -> memref<128xi32, #tpu.memory_space<vmem>>
    %dma_wait3A_1947 = arith.constant 0 : i32
    %dma_wait3A_1948 = arith.constant 0 : i32
    %dma_wait3A_1949 = tpu.memref_slice %arg24[%dma_wait3A_1947, %dma_wait3A_1948] : memref<100000x32xf32, #tpu.memory_space<hbm>> -> memref<100000x32xf32, #tpu.memory_space<hbm>>
    tpu.wait_indirect_dma semaphore(%arg34 : memref<!tpu.dma_semaphore, #tpu.memory_space<semaphore_mem>>) src(%dma_wait3A_1949 : memref<100000x32xf32, #tpu.memory_space<hbm>>) dst(%dma_wait3A_1943 : memref<128x32xf32, #tpu.memory_space<vmem>>)
    %dma_wait3A_1950 = arith.constant 21 : i32
    %dma_wait3A_1951 = arith.constant 1 : i32
    %dma_wait3A_1952 = arith.constant 128 : i32
    %dma_wait3A_1953 = arith.constant 0 : i32
    %dma_wait3A_1954 = tpu.memref_slice %arg32[%dma_wait3A_1952, %dma_wait3A_1953] : memref<512x32xf32, #tpu.memory_space<vmem>> -> memref<128x32xf32, #tpu.memory_space<vmem>>
    %dma_wait3A_1955 = arith.constant 0 : i32
    %dma_wait3A_1956 = tpu.memref_slice %arg30[%dma_wait3A_1950, %dma_wait3A_1951, %dma_wait3A_1955] : memref<26x4x128xi32, #tpu.memory_space<vmem>> -> memref<1x1x128xi32, #tpu.memory_space<vmem>>
    %dma_wait3A_1957 = tpu.memref_squeeze %dma_wait3A_1956 : memref<1x1x128xi32, #tpu.memory_space<vmem>> -> memref<128xi32, #tpu.memory_space<vmem>>
    %dma_wait3A_1958 = arith.constant 0 : i32
    %dma_wait3A_1959 = arith.constant 0 : i32
    %dma_wait3A_1960 = tpu.memref_slice %arg24[%dma_wait3A_1958, %dma_wait3A_1959] : memref<100000x32xf32, #tpu.memory_space<hbm>> -> memref<100000x32xf32, #tpu.memory_space<hbm>>
    tpu.wait_indirect_dma semaphore(%arg34 : memref<!tpu.dma_semaphore, #tpu.memory_space<semaphore_mem>>) src(%dma_wait3A_1960 : memref<100000x32xf32, #tpu.memory_space<hbm>>) dst(%dma_wait3A_1954 : memref<128x32xf32, #tpu.memory_space<vmem>>)
    %dma_wait3A_1961 = arith.constant 21 : i32
    %dma_wait3A_1962 = arith.constant 2 : i32
    %dma_wait3A_1963 = arith.constant 256 : i32
    %dma_wait3A_1964 = arith.constant 0 : i32
    %dma_wait3A_1965 = tpu.memref_slice %arg32[%dma_wait3A_1963, %dma_wait3A_1964] : memref<512x32xf32, #tpu.memory_space<vmem>> -> memref<128x32xf32, #tpu.memory_space<vmem>>
    %dma_wait3A_1966 = arith.constant 0 : i32
    %dma_wait3A_1967 = tpu.memref_slice %arg30[%dma_wait3A_1961, %dma_wait3A_1962, %dma_wait3A_1966] : memref<26x4x128xi32, #tpu.memory_space<vmem>> -> memref<1x1x128xi32, #tpu.memory_space<vmem>>
    %dma_wait3A_1968 = tpu.memref_squeeze %dma_wait3A_1967 : memref<1x1x128xi32, #tpu.memory_space<vmem>> -> memref<128xi32, #tpu.memory_space<vmem>>
    %dma_wait3A_1969 = arith.constant 0 : i32
    %dma_wait3A_1970 = arith.constant 0 : i32
    %dma_wait3A_1971 = tpu.memref_slice %arg24[%dma_wait3A_1969, %dma_wait3A_1970] : memref<100000x32xf32, #tpu.memory_space<hbm>> -> memref<100000x32xf32, #tpu.memory_space<hbm>>
    tpu.wait_indirect_dma semaphore(%arg34 : memref<!tpu.dma_semaphore, #tpu.memory_space<semaphore_mem>>) src(%dma_wait3A_1971 : memref<100000x32xf32, #tpu.memory_space<hbm>>) dst(%dma_wait3A_1965 : memref<128x32xf32, #tpu.memory_space<vmem>>)
    %dma_wait3A_1972 = arith.constant 21 : i32
    %dma_wait3A_1973 = arith.constant 3 : i32
    %dma_wait3A_1974 = arith.constant 384 : i32
    %dma_wait3A_1975 = arith.constant 0 : i32
    %dma_wait3A_1976 = tpu.memref_slice %arg32[%dma_wait3A_1974, %dma_wait3A_1975] : memref<512x32xf32, #tpu.memory_space<vmem>> -> memref<128x32xf32, #tpu.memory_space<vmem>>
    %dma_wait3A_1977 = arith.constant 0 : i32
    %dma_wait3A_1978 = tpu.memref_slice %arg30[%dma_wait3A_1972, %dma_wait3A_1973, %dma_wait3A_1977] : memref<26x4x128xi32, #tpu.memory_space<vmem>> -> memref<1x1x128xi32, #tpu.memory_space<vmem>>
    %dma_wait3A_1979 = tpu.memref_squeeze %dma_wait3A_1978 : memref<1x1x128xi32, #tpu.memory_space<vmem>> -> memref<128xi32, #tpu.memory_space<vmem>>
    %dma_wait3A_1980 = arith.constant 0 : i32
    %dma_wait3A_1981 = arith.constant 0 : i32
    %dma_wait3A_1982 = tpu.memref_slice %arg24[%dma_wait3A_1980, %dma_wait3A_1981] : memref<100000x32xf32, #tpu.memory_space<hbm>> -> memref<100000x32xf32, #tpu.memory_space<hbm>>
    tpu.wait_indirect_dma semaphore(%arg34 : memref<!tpu.dma_semaphore, #tpu.memory_space<semaphore_mem>>) src(%dma_wait3A_1982 : memref<100000x32xf32, #tpu.memory_space<hbm>>) dst(%dma_wait3A_1976 : memref<128x32xf32, #tpu.memory_space<vmem>>)
    "tpu.region"() ({
      %run_scoped3A = tpu.sem_alloc : memref<!tpu.dma_semaphore, #tpu.memory_space<semaphore_mem>>
      %dma_start3A_2291 = arith.constant 672 : i32
      %dma_start3A_2292 = tpu.memref_slice %arg29[%mul3A_2, %dma_start3A_2291] : memref<16384x832xf32, #tpu.memory_space<hbm>> -> memref<512x32xf32, #tpu.memory_space<hbm>>
      %dma_start3A_2293 = arith.constant 672 : i32
      %dma_start3A_2294 = tpu.memref_slice %arg29[%mul3A_2, %dma_start3A_2293] : memref<16384x832xf32, #tpu.memory_space<hbm>> -> memref<512x32xf32, #tpu.memory_space<hbm>>
      tpu.enqueue_dma source(%arg32 : memref<512x32xf32, #tpu.memory_space<vmem>>) target(%dma_start3A_2294 : memref<512x32xf32, #tpu.memory_space<hbm>>) target_semaphore(%run_scoped3A : memref<!tpu.dma_semaphore, #tpu.memory_space<semaphore_mem>>)
      %dma_wait3A_2295 = arith.constant 672 : i32
      %dma_wait3A_2296 = tpu.memref_slice %arg29[%mul3A_2, %dma_wait3A_2295] : memref<16384x832xf32, #tpu.memory_space<hbm>> -> memref<512x32xf32, #tpu.memory_space<hbm>>
      %dma_wait3A_2297 = arith.constant 672 : i32
      %dma_wait3A_2298 = tpu.memref_slice %arg29[%mul3A_2, %dma_wait3A_2297] : memref<16384x832xf32, #tpu.memory_space<hbm>> -> memref<512x32xf32, #tpu.memory_space<hbm>>
      tpu.wait_dma2 semaphore(%run_scoped3A : memref<!tpu.dma_semaphore, #tpu.memory_space<semaphore_mem>>) src(%arg32 : memref<512x32xf32, #tpu.memory_space<vmem>>) dst(%dma_wait3A_2298 : memref<512x32xf32, #tpu.memory_space<hbm>>)
      tpu.yield
    }) : () -> ()
    %dma_start3A_1983 = arith.constant 23 : i32
    %dma_start3A_1984 = arith.constant 0 : i32
    %dma_start3A_1985 = arith.constant 0 : i32
    %dma_start3A_1986 = arith.constant 0 : i32
    %dma_start3A_1987 = tpu.memref_slice %arg32[%dma_start3A_1985, %dma_start3A_1986] : memref<512x32xf32, #tpu.memory_space<vmem>> -> memref<128x32xf32, #tpu.memory_space<vmem>>
    %dma_start3A_1988 = arith.constant 0 : i32
    %dma_start3A_1989 = tpu.memref_slice %arg30[%dma_start3A_1983, %dma_start3A_1984, %dma_start3A_1988] : memref<26x4x128xi32, #tpu.memory_space<vmem>> -> memref<1x1x128xi32, #tpu.memory_space<vmem>>
    %dma_start3A_1990 = tpu.memref_squeeze %dma_start3A_1989 : memref<1x1x128xi32, #tpu.memory_space<vmem>> -> memref<128xi32, #tpu.memory_space<vmem>>
    %dma_start3A_1991 = arith.constant 0 : i32
    %dma_start3A_1992 = arith.constant 0 : i32
    %dma_start3A_1993 = tpu.memref_slice %arg26[%dma_start3A_1991, %dma_start3A_1992] : memref<100000x32xf32, #tpu.memory_space<hbm>> -> memref<100000x32xf32, #tpu.memory_space<hbm>>
    tpu.enqueue_indirect_dma source(%dma_start3A_1993 : memref<100000x32xf32, #tpu.memory_space<hbm>>) target(%dma_start3A_1987 : memref<128x32xf32, #tpu.memory_space<vmem>>) offsets(%dma_start3A_1990 : memref<128xi32, #tpu.memory_space<vmem>>) semaphore(%arg34 : memref<!tpu.dma_semaphore, #tpu.memory_space<semaphore_mem>>)
    %dma_start3A_1994 = arith.constant 23 : i32
    %dma_start3A_1995 = arith.constant 1 : i32
    %dma_start3A_1996 = arith.constant 128 : i32
    %dma_start3A_1997 = arith.constant 0 : i32
    %dma_start3A_1998 = tpu.memref_slice %arg32[%dma_start3A_1996, %dma_start3A_1997] : memref<512x32xf32, #tpu.memory_space<vmem>> -> memref<128x32xf32, #tpu.memory_space<vmem>>
    %dma_start3A_1999 = arith.constant 0 : i32
    %dma_start3A_2000 = tpu.memref_slice %arg30[%dma_start3A_1994, %dma_start3A_1995, %dma_start3A_1999] : memref<26x4x128xi32, #tpu.memory_space<vmem>> -> memref<1x1x128xi32, #tpu.memory_space<vmem>>
    %dma_start3A_2001 = tpu.memref_squeeze %dma_start3A_2000 : memref<1x1x128xi32, #tpu.memory_space<vmem>> -> memref<128xi32, #tpu.memory_space<vmem>>
    %dma_start3A_2002 = arith.constant 0 : i32
    %dma_start3A_2003 = arith.constant 0 : i32
    %dma_start3A_2004 = tpu.memref_slice %arg26[%dma_start3A_2002, %dma_start3A_2003] : memref<100000x32xf32, #tpu.memory_space<hbm>> -> memref<100000x32xf32, #tpu.memory_space<hbm>>
    tpu.enqueue_indirect_dma source(%dma_start3A_2004 : memref<100000x32xf32, #tpu.memory_space<hbm>>) target(%dma_start3A_1998 : memref<128x32xf32, #tpu.memory_space<vmem>>) offsets(%dma_start3A_2001 : memref<128xi32, #tpu.memory_space<vmem>>) semaphore(%arg34 : memref<!tpu.dma_semaphore, #tpu.memory_space<semaphore_mem>>)
    %dma_start3A_2005 = arith.constant 23 : i32
    %dma_start3A_2006 = arith.constant 2 : i32
    %dma_start3A_2007 = arith.constant 256 : i32
    %dma_start3A_2008 = arith.constant 0 : i32
    %dma_start3A_2009 = tpu.memref_slice %arg32[%dma_start3A_2007, %dma_start3A_2008] : memref<512x32xf32, #tpu.memory_space<vmem>> -> memref<128x32xf32, #tpu.memory_space<vmem>>
    %dma_start3A_2010 = arith.constant 0 : i32
    %dma_start3A_2011 = tpu.memref_slice %arg30[%dma_start3A_2005, %dma_start3A_2006, %dma_start3A_2010] : memref<26x4x128xi32, #tpu.memory_space<vmem>> -> memref<1x1x128xi32, #tpu.memory_space<vmem>>
    %dma_start3A_2012 = tpu.memref_squeeze %dma_start3A_2011 : memref<1x1x128xi32, #tpu.memory_space<vmem>> -> memref<128xi32, #tpu.memory_space<vmem>>
    %dma_start3A_2013 = arith.constant 0 : i32
    %dma_start3A_2014 = arith.constant 0 : i32
    %dma_start3A_2015 = tpu.memref_slice %arg26[%dma_start3A_2013, %dma_start3A_2014] : memref<100000x32xf32, #tpu.memory_space<hbm>> -> memref<100000x32xf32, #tpu.memory_space<hbm>>
    tpu.enqueue_indirect_dma source(%dma_start3A_2015 : memref<100000x32xf32, #tpu.memory_space<hbm>>) target(%dma_start3A_2009 : memref<128x32xf32, #tpu.memory_space<vmem>>) offsets(%dma_start3A_2012 : memref<128xi32, #tpu.memory_space<vmem>>) semaphore(%arg34 : memref<!tpu.dma_semaphore, #tpu.memory_space<semaphore_mem>>)
    %dma_start3A_2016 = arith.constant 23 : i32
    %dma_start3A_2017 = arith.constant 3 : i32
    %dma_start3A_2018 = arith.constant 384 : i32
    %dma_start3A_2019 = arith.constant 0 : i32
    %dma_start3A_2020 = tpu.memref_slice %arg32[%dma_start3A_2018, %dma_start3A_2019] : memref<512x32xf32, #tpu.memory_space<vmem>> -> memref<128x32xf32, #tpu.memory_space<vmem>>
    %dma_start3A_2021 = arith.constant 0 : i32
    %dma_start3A_2022 = tpu.memref_slice %arg30[%dma_start3A_2016, %dma_start3A_2017, %dma_start3A_2021] : memref<26x4x128xi32, #tpu.memory_space<vmem>> -> memref<1x1x128xi32, #tpu.memory_space<vmem>>
    %dma_start3A_2023 = tpu.memref_squeeze %dma_start3A_2022 : memref<1x1x128xi32, #tpu.memory_space<vmem>> -> memref<128xi32, #tpu.memory_space<vmem>>
    %dma_start3A_2024 = arith.constant 0 : i32
    %dma_start3A_2025 = arith.constant 0 : i32
    %dma_start3A_2026 = tpu.memref_slice %arg26[%dma_start3A_2024, %dma_start3A_2025] : memref<100000x32xf32, #tpu.memory_space<hbm>> -> memref<100000x32xf32, #tpu.memory_space<hbm>>
    tpu.enqueue_indirect_dma source(%dma_start3A_2026 : memref<100000x32xf32, #tpu.memory_space<hbm>>) target(%dma_start3A_2020 : memref<128x32xf32, #tpu.memory_space<vmem>>) offsets(%dma_start3A_2023 : memref<128xi32, #tpu.memory_space<vmem>>) semaphore(%arg34 : memref<!tpu.dma_semaphore, #tpu.memory_space<semaphore_mem>>)
    %dma_wait3A_2027 = arith.constant 22 : i32
    %dma_wait3A_2028 = arith.constant 0 : i32
    %dma_wait3A_2029 = arith.constant 0 : i32
    %dma_wait3A_2030 = arith.constant 0 : i32
    %dma_wait3A_2031 = tpu.memref_slice %arg31[%dma_wait3A_2029, %dma_wait3A_2030] : memref<512x32xf32, #tpu.memory_space<vmem>> -> memref<128x32xf32, #tpu.memory_space<vmem>>
    %dma_wait3A_2032 = arith.constant 0 : i32
    %dma_wait3A_2033 = tpu.memref_slice %arg30[%dma_wait3A_2027, %dma_wait3A_2028, %dma_wait3A_2032] : memref<26x4x128xi32, #tpu.memory_space<vmem>> -> memref<1x1x128xi32, #tpu.memory_space<vmem>>
    %dma_wait3A_2034 = tpu.memref_squeeze %dma_wait3A_2033 : memref<1x1x128xi32, #tpu.memory_space<vmem>> -> memref<128xi32, #tpu.memory_space<vmem>>
    %dma_wait3A_2035 = arith.constant 0 : i32
    %dma_wait3A_2036 = arith.constant 0 : i32
    %dma_wait3A_2037 = tpu.memref_slice %arg25[%dma_wait3A_2035, %dma_wait3A_2036] : memref<100000x32xf32, #tpu.memory_space<hbm>> -> memref<100000x32xf32, #tpu.memory_space<hbm>>
    tpu.wait_indirect_dma semaphore(%arg33 : memref<!tpu.dma_semaphore, #tpu.memory_space<semaphore_mem>>) src(%dma_wait3A_2037 : memref<100000x32xf32, #tpu.memory_space<hbm>>) dst(%dma_wait3A_2031 : memref<128x32xf32, #tpu.memory_space<vmem>>)
    %dma_wait3A_2038 = arith.constant 22 : i32
    %dma_wait3A_2039 = arith.constant 1 : i32
    %dma_wait3A_2040 = arith.constant 128 : i32
    %dma_wait3A_2041 = arith.constant 0 : i32
    %dma_wait3A_2042 = tpu.memref_slice %arg31[%dma_wait3A_2040, %dma_wait3A_2041] : memref<512x32xf32, #tpu.memory_space<vmem>> -> memref<128x32xf32, #tpu.memory_space<vmem>>
    %dma_wait3A_2043 = arith.constant 0 : i32
    %dma_wait3A_2044 = tpu.memref_slice %arg30[%dma_wait3A_2038, %dma_wait3A_2039, %dma_wait3A_2043] : memref<26x4x128xi32, #tpu.memory_space<vmem>> -> memref<1x1x128xi32, #tpu.memory_space<vmem>>
    %dma_wait3A_2045 = tpu.memref_squeeze %dma_wait3A_2044 : memref<1x1x128xi32, #tpu.memory_space<vmem>> -> memref<128xi32, #tpu.memory_space<vmem>>
    %dma_wait3A_2046 = arith.constant 0 : i32
    %dma_wait3A_2047 = arith.constant 0 : i32
    %dma_wait3A_2048 = tpu.memref_slice %arg25[%dma_wait3A_2046, %dma_wait3A_2047] : memref<100000x32xf32, #tpu.memory_space<hbm>> -> memref<100000x32xf32, #tpu.memory_space<hbm>>
    tpu.wait_indirect_dma semaphore(%arg33 : memref<!tpu.dma_semaphore, #tpu.memory_space<semaphore_mem>>) src(%dma_wait3A_2048 : memref<100000x32xf32, #tpu.memory_space<hbm>>) dst(%dma_wait3A_2042 : memref<128x32xf32, #tpu.memory_space<vmem>>)
    %dma_wait3A_2049 = arith.constant 22 : i32
    %dma_wait3A_2050 = arith.constant 2 : i32
    %dma_wait3A_2051 = arith.constant 256 : i32
    %dma_wait3A_2052 = arith.constant 0 : i32
    %dma_wait3A_2053 = tpu.memref_slice %arg31[%dma_wait3A_2051, %dma_wait3A_2052] : memref<512x32xf32, #tpu.memory_space<vmem>> -> memref<128x32xf32, #tpu.memory_space<vmem>>
    %dma_wait3A_2054 = arith.constant 0 : i32
    %dma_wait3A_2055 = tpu.memref_slice %arg30[%dma_wait3A_2049, %dma_wait3A_2050, %dma_wait3A_2054] : memref<26x4x128xi32, #tpu.memory_space<vmem>> -> memref<1x1x128xi32, #tpu.memory_space<vmem>>
    %dma_wait3A_2056 = tpu.memref_squeeze %dma_wait3A_2055 : memref<1x1x128xi32, #tpu.memory_space<vmem>> -> memref<128xi32, #tpu.memory_space<vmem>>
    %dma_wait3A_2057 = arith.constant 0 : i32
    %dma_wait3A_2058 = arith.constant 0 : i32
    %dma_wait3A_2059 = tpu.memref_slice %arg25[%dma_wait3A_2057, %dma_wait3A_2058] : memref<100000x32xf32, #tpu.memory_space<hbm>> -> memref<100000x32xf32, #tpu.memory_space<hbm>>
    tpu.wait_indirect_dma semaphore(%arg33 : memref<!tpu.dma_semaphore, #tpu.memory_space<semaphore_mem>>) src(%dma_wait3A_2059 : memref<100000x32xf32, #tpu.memory_space<hbm>>) dst(%dma_wait3A_2053 : memref<128x32xf32, #tpu.memory_space<vmem>>)
    %dma_wait3A_2060 = arith.constant 22 : i32
    %dma_wait3A_2061 = arith.constant 3 : i32
    %dma_wait3A_2062 = arith.constant 384 : i32
    %dma_wait3A_2063 = arith.constant 0 : i32
    %dma_wait3A_2064 = tpu.memref_slice %arg31[%dma_wait3A_2062, %dma_wait3A_2063] : memref<512x32xf32, #tpu.memory_space<vmem>> -> memref<128x32xf32, #tpu.memory_space<vmem>>
    %dma_wait3A_2065 = arith.constant 0 : i32
    %dma_wait3A_2066 = tpu.memref_slice %arg30[%dma_wait3A_2060, %dma_wait3A_2061, %dma_wait3A_2065] : memref<26x4x128xi32, #tpu.memory_space<vmem>> -> memref<1x1x128xi32, #tpu.memory_space<vmem>>
    %dma_wait3A_2067 = tpu.memref_squeeze %dma_wait3A_2066 : memref<1x1x128xi32, #tpu.memory_space<vmem>> -> memref<128xi32, #tpu.memory_space<vmem>>
    %dma_wait3A_2068 = arith.constant 0 : i32
    %dma_wait3A_2069 = arith.constant 0 : i32
    %dma_wait3A_2070 = tpu.memref_slice %arg25[%dma_wait3A_2068, %dma_wait3A_2069] : memref<100000x32xf32, #tpu.memory_space<hbm>> -> memref<100000x32xf32, #tpu.memory_space<hbm>>
    tpu.wait_indirect_dma semaphore(%arg33 : memref<!tpu.dma_semaphore, #tpu.memory_space<semaphore_mem>>) src(%dma_wait3A_2070 : memref<100000x32xf32, #tpu.memory_space<hbm>>) dst(%dma_wait3A_2064 : memref<128x32xf32, #tpu.memory_space<vmem>>)
    "tpu.region"() ({
      %run_scoped3A = tpu.sem_alloc : memref<!tpu.dma_semaphore, #tpu.memory_space<semaphore_mem>>
      %dma_start3A_2291 = arith.constant 704 : i32
      %dma_start3A_2292 = tpu.memref_slice %arg29[%mul3A_2, %dma_start3A_2291] : memref<16384x832xf32, #tpu.memory_space<hbm>> -> memref<512x32xf32, #tpu.memory_space<hbm>>
      %dma_start3A_2293 = arith.constant 704 : i32
      %dma_start3A_2294 = tpu.memref_slice %arg29[%mul3A_2, %dma_start3A_2293] : memref<16384x832xf32, #tpu.memory_space<hbm>> -> memref<512x32xf32, #tpu.memory_space<hbm>>
      tpu.enqueue_dma source(%arg31 : memref<512x32xf32, #tpu.memory_space<vmem>>) target(%dma_start3A_2294 : memref<512x32xf32, #tpu.memory_space<hbm>>) target_semaphore(%run_scoped3A : memref<!tpu.dma_semaphore, #tpu.memory_space<semaphore_mem>>)
      %dma_wait3A_2295 = arith.constant 704 : i32
      %dma_wait3A_2296 = tpu.memref_slice %arg29[%mul3A_2, %dma_wait3A_2295] : memref<16384x832xf32, #tpu.memory_space<hbm>> -> memref<512x32xf32, #tpu.memory_space<hbm>>
      %dma_wait3A_2297 = arith.constant 704 : i32
      %dma_wait3A_2298 = tpu.memref_slice %arg29[%mul3A_2, %dma_wait3A_2297] : memref<16384x832xf32, #tpu.memory_space<hbm>> -> memref<512x32xf32, #tpu.memory_space<hbm>>
      tpu.wait_dma2 semaphore(%run_scoped3A : memref<!tpu.dma_semaphore, #tpu.memory_space<semaphore_mem>>) src(%arg31 : memref<512x32xf32, #tpu.memory_space<vmem>>) dst(%dma_wait3A_2298 : memref<512x32xf32, #tpu.memory_space<hbm>>)
      tpu.yield
    }) : () -> ()
    %dma_start3A_2071 = arith.constant 24 : i32
    %dma_start3A_2072 = arith.constant 0 : i32
    %dma_start3A_2073 = arith.constant 0 : i32
    %dma_start3A_2074 = arith.constant 0 : i32
    %dma_start3A_2075 = tpu.memref_slice %arg31[%dma_start3A_2073, %dma_start3A_2074] : memref<512x32xf32, #tpu.memory_space<vmem>> -> memref<128x32xf32, #tpu.memory_space<vmem>>
    %dma_start3A_2076 = arith.constant 0 : i32
    %dma_start3A_2077 = tpu.memref_slice %arg30[%dma_start3A_2071, %dma_start3A_2072, %dma_start3A_2076] : memref<26x4x128xi32, #tpu.memory_space<vmem>> -> memref<1x1x128xi32, #tpu.memory_space<vmem>>
    %dma_start3A_2078 = tpu.memref_squeeze %dma_start3A_2077 : memref<1x1x128xi32, #tpu.memory_space<vmem>> -> memref<128xi32, #tpu.memory_space<vmem>>
    %dma_start3A_2079 = arith.constant 0 : i32
    %dma_start3A_2080 = arith.constant 0 : i32
    %dma_start3A_2081 = tpu.memref_slice %arg27[%dma_start3A_2079, %dma_start3A_2080] : memref<100000x32xf32, #tpu.memory_space<hbm>> -> memref<100000x32xf32, #tpu.memory_space<hbm>>
    tpu.enqueue_indirect_dma source(%dma_start3A_2081 : memref<100000x32xf32, #tpu.memory_space<hbm>>) target(%dma_start3A_2075 : memref<128x32xf32, #tpu.memory_space<vmem>>) offsets(%dma_start3A_2078 : memref<128xi32, #tpu.memory_space<vmem>>) semaphore(%arg33 : memref<!tpu.dma_semaphore, #tpu.memory_space<semaphore_mem>>)
    %dma_start3A_2082 = arith.constant 24 : i32
    %dma_start3A_2083 = arith.constant 1 : i32
    %dma_start3A_2084 = arith.constant 128 : i32
    %dma_start3A_2085 = arith.constant 0 : i32
    %dma_start3A_2086 = tpu.memref_slice %arg31[%dma_start3A_2084, %dma_start3A_2085] : memref<512x32xf32, #tpu.memory_space<vmem>> -> memref<128x32xf32, #tpu.memory_space<vmem>>
    %dma_start3A_2087 = arith.constant 0 : i32
    %dma_start3A_2088 = tpu.memref_slice %arg30[%dma_start3A_2082, %dma_start3A_2083, %dma_start3A_2087] : memref<26x4x128xi32, #tpu.memory_space<vmem>> -> memref<1x1x128xi32, #tpu.memory_space<vmem>>
    %dma_start3A_2089 = tpu.memref_squeeze %dma_start3A_2088 : memref<1x1x128xi32, #tpu.memory_space<vmem>> -> memref<128xi32, #tpu.memory_space<vmem>>
    %dma_start3A_2090 = arith.constant 0 : i32
    %dma_start3A_2091 = arith.constant 0 : i32
    %dma_start3A_2092 = tpu.memref_slice %arg27[%dma_start3A_2090, %dma_start3A_2091] : memref<100000x32xf32, #tpu.memory_space<hbm>> -> memref<100000x32xf32, #tpu.memory_space<hbm>>
    tpu.enqueue_indirect_dma source(%dma_start3A_2092 : memref<100000x32xf32, #tpu.memory_space<hbm>>) target(%dma_start3A_2086 : memref<128x32xf32, #tpu.memory_space<vmem>>) offsets(%dma_start3A_2089 : memref<128xi32, #tpu.memory_space<vmem>>) semaphore(%arg33 : memref<!tpu.dma_semaphore, #tpu.memory_space<semaphore_mem>>)
    %dma_start3A_2093 = arith.constant 24 : i32
    %dma_start3A_2094 = arith.constant 2 : i32
    %dma_start3A_2095 = arith.constant 256 : i32
    %dma_start3A_2096 = arith.constant 0 : i32
    %dma_start3A_2097 = tpu.memref_slice %arg31[%dma_start3A_2095, %dma_start3A_2096] : memref<512x32xf32, #tpu.memory_space<vmem>> -> memref<128x32xf32, #tpu.memory_space<vmem>>
    %dma_start3A_2098 = arith.constant 0 : i32
    %dma_start3A_2099 = tpu.memref_slice %arg30[%dma_start3A_2093, %dma_start3A_2094, %dma_start3A_2098] : memref<26x4x128xi32, #tpu.memory_space<vmem>> -> memref<1x1x128xi32, #tpu.memory_space<vmem>>
    %dma_start3A_2100 = tpu.memref_squeeze %dma_start3A_2099 : memref<1x1x128xi32, #tpu.memory_space<vmem>> -> memref<128xi32, #tpu.memory_space<vmem>>
    %dma_start3A_2101 = arith.constant 0 : i32
    %dma_start3A_2102 = arith.constant 0 : i32
    %dma_start3A_2103 = tpu.memref_slice %arg27[%dma_start3A_2101, %dma_start3A_2102] : memref<100000x32xf32, #tpu.memory_space<hbm>> -> memref<100000x32xf32, #tpu.memory_space<hbm>>
    tpu.enqueue_indirect_dma source(%dma_start3A_2103 : memref<100000x32xf32, #tpu.memory_space<hbm>>) target(%dma_start3A_2097 : memref<128x32xf32, #tpu.memory_space<vmem>>) offsets(%dma_start3A_2100 : memref<128xi32, #tpu.memory_space<vmem>>) semaphore(%arg33 : memref<!tpu.dma_semaphore, #tpu.memory_space<semaphore_mem>>)
    %dma_start3A_2104 = arith.constant 24 : i32
    %dma_start3A_2105 = arith.constant 3 : i32
    %dma_start3A_2106 = arith.constant 384 : i32
    %dma_start3A_2107 = arith.constant 0 : i32
    %dma_start3A_2108 = tpu.memref_slice %arg31[%dma_start3A_2106, %dma_start3A_2107] : memref<512x32xf32, #tpu.memory_space<vmem>> -> memref<128x32xf32, #tpu.memory_space<vmem>>
    %dma_start3A_2109 = arith.constant 0 : i32
    %dma_start3A_2110 = tpu.memref_slice %arg30[%dma_start3A_2104, %dma_start3A_2105, %dma_start3A_2109] : memref<26x4x128xi32, #tpu.memory_space<vmem>> -> memref<1x1x128xi32, #tpu.memory_space<vmem>>
    %dma_start3A_2111 = tpu.memref_squeeze %dma_start3A_2110 : memref<1x1x128xi32, #tpu.memory_space<vmem>> -> memref<128xi32, #tpu.memory_space<vmem>>
    %dma_start3A_2112 = arith.constant 0 : i32
    %dma_start3A_2113 = arith.constant 0 : i32
    %dma_start3A_2114 = tpu.memref_slice %arg27[%dma_start3A_2112, %dma_start3A_2113] : memref<100000x32xf32, #tpu.memory_space<hbm>> -> memref<100000x32xf32, #tpu.memory_space<hbm>>
    tpu.enqueue_indirect_dma source(%dma_start3A_2114 : memref<100000x32xf32, #tpu.memory_space<hbm>>) target(%dma_start3A_2108 : memref<128x32xf32, #tpu.memory_space<vmem>>) offsets(%dma_start3A_2111 : memref<128xi32, #tpu.memory_space<vmem>>) semaphore(%arg33 : memref<!tpu.dma_semaphore, #tpu.memory_space<semaphore_mem>>)
    %dma_wait3A_2115 = arith.constant 23 : i32
    %dma_wait3A_2116 = arith.constant 0 : i32
    %dma_wait3A_2117 = arith.constant 0 : i32
    %dma_wait3A_2118 = arith.constant 0 : i32
    %dma_wait3A_2119 = tpu.memref_slice %arg32[%dma_wait3A_2117, %dma_wait3A_2118] : memref<512x32xf32, #tpu.memory_space<vmem>> -> memref<128x32xf32, #tpu.memory_space<vmem>>
    %dma_wait3A_2120 = arith.constant 0 : i32
    %dma_wait3A_2121 = tpu.memref_slice %arg30[%dma_wait3A_2115, %dma_wait3A_2116, %dma_wait3A_2120] : memref<26x4x128xi32, #tpu.memory_space<vmem>> -> memref<1x1x128xi32, #tpu.memory_space<vmem>>
    %dma_wait3A_2122 = tpu.memref_squeeze %dma_wait3A_2121 : memref<1x1x128xi32, #tpu.memory_space<vmem>> -> memref<128xi32, #tpu.memory_space<vmem>>
    %dma_wait3A_2123 = arith.constant 0 : i32
    %dma_wait3A_2124 = arith.constant 0 : i32
    %dma_wait3A_2125 = tpu.memref_slice %arg26[%dma_wait3A_2123, %dma_wait3A_2124] : memref<100000x32xf32, #tpu.memory_space<hbm>> -> memref<100000x32xf32, #tpu.memory_space<hbm>>
    tpu.wait_indirect_dma semaphore(%arg34 : memref<!tpu.dma_semaphore, #tpu.memory_space<semaphore_mem>>) src(%dma_wait3A_2125 : memref<100000x32xf32, #tpu.memory_space<hbm>>) dst(%dma_wait3A_2119 : memref<128x32xf32, #tpu.memory_space<vmem>>)
    %dma_wait3A_2126 = arith.constant 23 : i32
    %dma_wait3A_2127 = arith.constant 1 : i32
    %dma_wait3A_2128 = arith.constant 128 : i32
    %dma_wait3A_2129 = arith.constant 0 : i32
    %dma_wait3A_2130 = tpu.memref_slice %arg32[%dma_wait3A_2128, %dma_wait3A_2129] : memref<512x32xf32, #tpu.memory_space<vmem>> -> memref<128x32xf32, #tpu.memory_space<vmem>>
    %dma_wait3A_2131 = arith.constant 0 : i32
    %dma_wait3A_2132 = tpu.memref_slice %arg30[%dma_wait3A_2126, %dma_wait3A_2127, %dma_wait3A_2131] : memref<26x4x128xi32, #tpu.memory_space<vmem>> -> memref<1x1x128xi32, #tpu.memory_space<vmem>>
    %dma_wait3A_2133 = tpu.memref_squeeze %dma_wait3A_2132 : memref<1x1x128xi32, #tpu.memory_space<vmem>> -> memref<128xi32, #tpu.memory_space<vmem>>
    %dma_wait3A_2134 = arith.constant 0 : i32
    %dma_wait3A_2135 = arith.constant 0 : i32
    %dma_wait3A_2136 = tpu.memref_slice %arg26[%dma_wait3A_2134, %dma_wait3A_2135] : memref<100000x32xf32, #tpu.memory_space<hbm>> -> memref<100000x32xf32, #tpu.memory_space<hbm>>
    tpu.wait_indirect_dma semaphore(%arg34 : memref<!tpu.dma_semaphore, #tpu.memory_space<semaphore_mem>>) src(%dma_wait3A_2136 : memref<100000x32xf32, #tpu.memory_space<hbm>>) dst(%dma_wait3A_2130 : memref<128x32xf32, #tpu.memory_space<vmem>>)
    %dma_wait3A_2137 = arith.constant 23 : i32
    %dma_wait3A_2138 = arith.constant 2 : i32
    %dma_wait3A_2139 = arith.constant 256 : i32
    %dma_wait3A_2140 = arith.constant 0 : i32
    %dma_wait3A_2141 = tpu.memref_slice %arg32[%dma_wait3A_2139, %dma_wait3A_2140] : memref<512x32xf32, #tpu.memory_space<vmem>> -> memref<128x32xf32, #tpu.memory_space<vmem>>
    %dma_wait3A_2142 = arith.constant 0 : i32
    %dma_wait3A_2143 = tpu.memref_slice %arg30[%dma_wait3A_2137, %dma_wait3A_2138, %dma_wait3A_2142] : memref<26x4x128xi32, #tpu.memory_space<vmem>> -> memref<1x1x128xi32, #tpu.memory_space<vmem>>
    %dma_wait3A_2144 = tpu.memref_squeeze %dma_wait3A_2143 : memref<1x1x128xi32, #tpu.memory_space<vmem>> -> memref<128xi32, #tpu.memory_space<vmem>>
    %dma_wait3A_2145 = arith.constant 0 : i32
    %dma_wait3A_2146 = arith.constant 0 : i32
    %dma_wait3A_2147 = tpu.memref_slice %arg26[%dma_wait3A_2145, %dma_wait3A_2146] : memref<100000x32xf32, #tpu.memory_space<hbm>> -> memref<100000x32xf32, #tpu.memory_space<hbm>>
    tpu.wait_indirect_dma semaphore(%arg34 : memref<!tpu.dma_semaphore, #tpu.memory_space<semaphore_mem>>) src(%dma_wait3A_2147 : memref<100000x32xf32, #tpu.memory_space<hbm>>) dst(%dma_wait3A_2141 : memref<128x32xf32, #tpu.memory_space<vmem>>)
    %dma_wait3A_2148 = arith.constant 23 : i32
    %dma_wait3A_2149 = arith.constant 3 : i32
    %dma_wait3A_2150 = arith.constant 384 : i32
    %dma_wait3A_2151 = arith.constant 0 : i32
    %dma_wait3A_2152 = tpu.memref_slice %arg32[%dma_wait3A_2150, %dma_wait3A_2151] : memref<512x32xf32, #tpu.memory_space<vmem>> -> memref<128x32xf32, #tpu.memory_space<vmem>>
    %dma_wait3A_2153 = arith.constant 0 : i32
    %dma_wait3A_2154 = tpu.memref_slice %arg30[%dma_wait3A_2148, %dma_wait3A_2149, %dma_wait3A_2153] : memref<26x4x128xi32, #tpu.memory_space<vmem>> -> memref<1x1x128xi32, #tpu.memory_space<vmem>>
    %dma_wait3A_2155 = tpu.memref_squeeze %dma_wait3A_2154 : memref<1x1x128xi32, #tpu.memory_space<vmem>> -> memref<128xi32, #tpu.memory_space<vmem>>
    %dma_wait3A_2156 = arith.constant 0 : i32
    %dma_wait3A_2157 = arith.constant 0 : i32
    %dma_wait3A_2158 = tpu.memref_slice %arg26[%dma_wait3A_2156, %dma_wait3A_2157] : memref<100000x32xf32, #tpu.memory_space<hbm>> -> memref<100000x32xf32, #tpu.memory_space<hbm>>
    tpu.wait_indirect_dma semaphore(%arg34 : memref<!tpu.dma_semaphore, #tpu.memory_space<semaphore_mem>>) src(%dma_wait3A_2158 : memref<100000x32xf32, #tpu.memory_space<hbm>>) dst(%dma_wait3A_2152 : memref<128x32xf32, #tpu.memory_space<vmem>>)
    "tpu.region"() ({
      %run_scoped3A = tpu.sem_alloc : memref<!tpu.dma_semaphore, #tpu.memory_space<semaphore_mem>>
      %dma_start3A_2291 = arith.constant 736 : i32
      %dma_start3A_2292 = tpu.memref_slice %arg29[%mul3A_2, %dma_start3A_2291] : memref<16384x832xf32, #tpu.memory_space<hbm>> -> memref<512x32xf32, #tpu.memory_space<hbm>>
      %dma_start3A_2293 = arith.constant 736 : i32
      %dma_start3A_2294 = tpu.memref_slice %arg29[%mul3A_2, %dma_start3A_2293] : memref<16384x832xf32, #tpu.memory_space<hbm>> -> memref<512x32xf32, #tpu.memory_space<hbm>>
      tpu.enqueue_dma source(%arg32 : memref<512x32xf32, #tpu.memory_space<vmem>>) target(%dma_start3A_2294 : memref<512x32xf32, #tpu.memory_space<hbm>>) target_semaphore(%run_scoped3A : memref<!tpu.dma_semaphore, #tpu.memory_space<semaphore_mem>>)
      %dma_wait3A_2295 = arith.constant 736 : i32
      %dma_wait3A_2296 = tpu.memref_slice %arg29[%mul3A_2, %dma_wait3A_2295] : memref<16384x832xf32, #tpu.memory_space<hbm>> -> memref<512x32xf32, #tpu.memory_space<hbm>>
      %dma_wait3A_2297 = arith.constant 736 : i32
      %dma_wait3A_2298 = tpu.memref_slice %arg29[%mul3A_2, %dma_wait3A_2297] : memref<16384x832xf32, #tpu.memory_space<hbm>> -> memref<512x32xf32, #tpu.memory_space<hbm>>
      tpu.wait_dma2 semaphore(%run_scoped3A : memref<!tpu.dma_semaphore, #tpu.memory_space<semaphore_mem>>) src(%arg32 : memref<512x32xf32, #tpu.memory_space<vmem>>) dst(%dma_wait3A_2298 : memref<512x32xf32, #tpu.memory_space<hbm>>)
      tpu.yield
    }) : () -> ()
    %dma_start3A_2159 = arith.constant 25 : i32
    %dma_start3A_2160 = arith.constant 0 : i32
    %dma_start3A_2161 = arith.constant 0 : i32
    %dma_start3A_2162 = arith.constant 0 : i32
    %dma_start3A_2163 = tpu.memref_slice %arg32[%dma_start3A_2161, %dma_start3A_2162] : memref<512x32xf32, #tpu.memory_space<vmem>> -> memref<128x32xf32, #tpu.memory_space<vmem>>
    %dma_start3A_2164 = arith.constant 0 : i32
    %dma_start3A_2165 = tpu.memref_slice %arg30[%dma_start3A_2159, %dma_start3A_2160, %dma_start3A_2164] : memref<26x4x128xi32, #tpu.memory_space<vmem>> -> memref<1x1x128xi32, #tpu.memory_space<vmem>>
    %dma_start3A_2166 = tpu.memref_squeeze %dma_start3A_2165 : memref<1x1x128xi32, #tpu.memory_space<vmem>> -> memref<128xi32, #tpu.memory_space<vmem>>
    %dma_start3A_2167 = arith.constant 0 : i32
    %dma_start3A_2168 = arith.constant 0 : i32
    %dma_start3A_2169 = tpu.memref_slice %arg28[%dma_start3A_2167, %dma_start3A_2168] : memref<100000x32xf32, #tpu.memory_space<hbm>> -> memref<100000x32xf32, #tpu.memory_space<hbm>>
    tpu.enqueue_indirect_dma source(%dma_start3A_2169 : memref<100000x32xf32, #tpu.memory_space<hbm>>) target(%dma_start3A_2163 : memref<128x32xf32, #tpu.memory_space<vmem>>) offsets(%dma_start3A_2166 : memref<128xi32, #tpu.memory_space<vmem>>) semaphore(%arg34 : memref<!tpu.dma_semaphore, #tpu.memory_space<semaphore_mem>>)
    %dma_start3A_2170 = arith.constant 25 : i32
    %dma_start3A_2171 = arith.constant 1 : i32
    %dma_start3A_2172 = arith.constant 128 : i32
    %dma_start3A_2173 = arith.constant 0 : i32
    %dma_start3A_2174 = tpu.memref_slice %arg32[%dma_start3A_2172, %dma_start3A_2173] : memref<512x32xf32, #tpu.memory_space<vmem>> -> memref<128x32xf32, #tpu.memory_space<vmem>>
    %dma_start3A_2175 = arith.constant 0 : i32
    %dma_start3A_2176 = tpu.memref_slice %arg30[%dma_start3A_2170, %dma_start3A_2171, %dma_start3A_2175] : memref<26x4x128xi32, #tpu.memory_space<vmem>> -> memref<1x1x128xi32, #tpu.memory_space<vmem>>
    %dma_start3A_2177 = tpu.memref_squeeze %dma_start3A_2176 : memref<1x1x128xi32, #tpu.memory_space<vmem>> -> memref<128xi32, #tpu.memory_space<vmem>>
    %dma_start3A_2178 = arith.constant 0 : i32
    %dma_start3A_2179 = arith.constant 0 : i32
    %dma_start3A_2180 = tpu.memref_slice %arg28[%dma_start3A_2178, %dma_start3A_2179] : memref<100000x32xf32, #tpu.memory_space<hbm>> -> memref<100000x32xf32, #tpu.memory_space<hbm>>
    tpu.enqueue_indirect_dma source(%dma_start3A_2180 : memref<100000x32xf32, #tpu.memory_space<hbm>>) target(%dma_start3A_2174 : memref<128x32xf32, #tpu.memory_space<vmem>>) offsets(%dma_start3A_2177 : memref<128xi32, #tpu.memory_space<vmem>>) semaphore(%arg34 : memref<!tpu.dma_semaphore, #tpu.memory_space<semaphore_mem>>)
    %dma_start3A_2181 = arith.constant 25 : i32
    %dma_start3A_2182 = arith.constant 2 : i32
    %dma_start3A_2183 = arith.constant 256 : i32
    %dma_start3A_2184 = arith.constant 0 : i32
    %dma_start3A_2185 = tpu.memref_slice %arg32[%dma_start3A_2183, %dma_start3A_2184] : memref<512x32xf32, #tpu.memory_space<vmem>> -> memref<128x32xf32, #tpu.memory_space<vmem>>
    %dma_start3A_2186 = arith.constant 0 : i32
    %dma_start3A_2187 = tpu.memref_slice %arg30[%dma_start3A_2181, %dma_start3A_2182, %dma_start3A_2186] : memref<26x4x128xi32, #tpu.memory_space<vmem>> -> memref<1x1x128xi32, #tpu.memory_space<vmem>>
    %dma_start3A_2188 = tpu.memref_squeeze %dma_start3A_2187 : memref<1x1x128xi32, #tpu.memory_space<vmem>> -> memref<128xi32, #tpu.memory_space<vmem>>
    %dma_start3A_2189 = arith.constant 0 : i32
    %dma_start3A_2190 = arith.constant 0 : i32
    %dma_start3A_2191 = tpu.memref_slice %arg28[%dma_start3A_2189, %dma_start3A_2190] : memref<100000x32xf32, #tpu.memory_space<hbm>> -> memref<100000x32xf32, #tpu.memory_space<hbm>>
    tpu.enqueue_indirect_dma source(%dma_start3A_2191 : memref<100000x32xf32, #tpu.memory_space<hbm>>) target(%dma_start3A_2185 : memref<128x32xf32, #tpu.memory_space<vmem>>) offsets(%dma_start3A_2188 : memref<128xi32, #tpu.memory_space<vmem>>) semaphore(%arg34 : memref<!tpu.dma_semaphore, #tpu.memory_space<semaphore_mem>>)
    %dma_start3A_2192 = arith.constant 25 : i32
    %dma_start3A_2193 = arith.constant 3 : i32
    %dma_start3A_2194 = arith.constant 384 : i32
    %dma_start3A_2195 = arith.constant 0 : i32
    %dma_start3A_2196 = tpu.memref_slice %arg32[%dma_start3A_2194, %dma_start3A_2195] : memref<512x32xf32, #tpu.memory_space<vmem>> -> memref<128x32xf32, #tpu.memory_space<vmem>>
    %dma_start3A_2197 = arith.constant 0 : i32
    %dma_start3A_2198 = tpu.memref_slice %arg30[%dma_start3A_2192, %dma_start3A_2193, %dma_start3A_2197] : memref<26x4x128xi32, #tpu.memory_space<vmem>> -> memref<1x1x128xi32, #tpu.memory_space<vmem>>
    %dma_start3A_2199 = tpu.memref_squeeze %dma_start3A_2198 : memref<1x1x128xi32, #tpu.memory_space<vmem>> -> memref<128xi32, #tpu.memory_space<vmem>>
    %dma_start3A_2200 = arith.constant 0 : i32
    %dma_start3A_2201 = arith.constant 0 : i32
    %dma_start3A_2202 = tpu.memref_slice %arg28[%dma_start3A_2200, %dma_start3A_2201] : memref<100000x32xf32, #tpu.memory_space<hbm>> -> memref<100000x32xf32, #tpu.memory_space<hbm>>
    tpu.enqueue_indirect_dma source(%dma_start3A_2202 : memref<100000x32xf32, #tpu.memory_space<hbm>>) target(%dma_start3A_2196 : memref<128x32xf32, #tpu.memory_space<vmem>>) offsets(%dma_start3A_2199 : memref<128xi32, #tpu.memory_space<vmem>>) semaphore(%arg34 : memref<!tpu.dma_semaphore, #tpu.memory_space<semaphore_mem>>)
    %dma_wait3A_2203 = arith.constant 24 : i32
    %dma_wait3A_2204 = arith.constant 0 : i32
    %dma_wait3A_2205 = arith.constant 0 : i32
    %dma_wait3A_2206 = arith.constant 0 : i32
    %dma_wait3A_2207 = tpu.memref_slice %arg31[%dma_wait3A_2205, %dma_wait3A_2206] : memref<512x32xf32, #tpu.memory_space<vmem>> -> memref<128x32xf32, #tpu.memory_space<vmem>>
    %dma_wait3A_2208 = arith.constant 0 : i32
    %dma_wait3A_2209 = tpu.memref_slice %arg30[%dma_wait3A_2203, %dma_wait3A_2204, %dma_wait3A_2208] : memref<26x4x128xi32, #tpu.memory_space<vmem>> -> memref<1x1x128xi32, #tpu.memory_space<vmem>>
    %dma_wait3A_2210 = tpu.memref_squeeze %dma_wait3A_2209 : memref<1x1x128xi32, #tpu.memory_space<vmem>> -> memref<128xi32, #tpu.memory_space<vmem>>
    %dma_wait3A_2211 = arith.constant 0 : i32
    %dma_wait3A_2212 = arith.constant 0 : i32
    %dma_wait3A_2213 = tpu.memref_slice %arg27[%dma_wait3A_2211, %dma_wait3A_2212] : memref<100000x32xf32, #tpu.memory_space<hbm>> -> memref<100000x32xf32, #tpu.memory_space<hbm>>
    tpu.wait_indirect_dma semaphore(%arg33 : memref<!tpu.dma_semaphore, #tpu.memory_space<semaphore_mem>>) src(%dma_wait3A_2213 : memref<100000x32xf32, #tpu.memory_space<hbm>>) dst(%dma_wait3A_2207 : memref<128x32xf32, #tpu.memory_space<vmem>>)
    %dma_wait3A_2214 = arith.constant 24 : i32
    %dma_wait3A_2215 = arith.constant 1 : i32
    %dma_wait3A_2216 = arith.constant 128 : i32
    %dma_wait3A_2217 = arith.constant 0 : i32
    %dma_wait3A_2218 = tpu.memref_slice %arg31[%dma_wait3A_2216, %dma_wait3A_2217] : memref<512x32xf32, #tpu.memory_space<vmem>> -> memref<128x32xf32, #tpu.memory_space<vmem>>
    %dma_wait3A_2219 = arith.constant 0 : i32
    %dma_wait3A_2220 = tpu.memref_slice %arg30[%dma_wait3A_2214, %dma_wait3A_2215, %dma_wait3A_2219] : memref<26x4x128xi32, #tpu.memory_space<vmem>> -> memref<1x1x128xi32, #tpu.memory_space<vmem>>
    %dma_wait3A_2221 = tpu.memref_squeeze %dma_wait3A_2220 : memref<1x1x128xi32, #tpu.memory_space<vmem>> -> memref<128xi32, #tpu.memory_space<vmem>>
    %dma_wait3A_2222 = arith.constant 0 : i32
    %dma_wait3A_2223 = arith.constant 0 : i32
    %dma_wait3A_2224 = tpu.memref_slice %arg27[%dma_wait3A_2222, %dma_wait3A_2223] : memref<100000x32xf32, #tpu.memory_space<hbm>> -> memref<100000x32xf32, #tpu.memory_space<hbm>>
    tpu.wait_indirect_dma semaphore(%arg33 : memref<!tpu.dma_semaphore, #tpu.memory_space<semaphore_mem>>) src(%dma_wait3A_2224 : memref<100000x32xf32, #tpu.memory_space<hbm>>) dst(%dma_wait3A_2218 : memref<128x32xf32, #tpu.memory_space<vmem>>)
    %dma_wait3A_2225 = arith.constant 24 : i32
    %dma_wait3A_2226 = arith.constant 2 : i32
    %dma_wait3A_2227 = arith.constant 256 : i32
    %dma_wait3A_2228 = arith.constant 0 : i32
    %dma_wait3A_2229 = tpu.memref_slice %arg31[%dma_wait3A_2227, %dma_wait3A_2228] : memref<512x32xf32, #tpu.memory_space<vmem>> -> memref<128x32xf32, #tpu.memory_space<vmem>>
    %dma_wait3A_2230 = arith.constant 0 : i32
    %dma_wait3A_2231 = tpu.memref_slice %arg30[%dma_wait3A_2225, %dma_wait3A_2226, %dma_wait3A_2230] : memref<26x4x128xi32, #tpu.memory_space<vmem>> -> memref<1x1x128xi32, #tpu.memory_space<vmem>>
    %dma_wait3A_2232 = tpu.memref_squeeze %dma_wait3A_2231 : memref<1x1x128xi32, #tpu.memory_space<vmem>> -> memref<128xi32, #tpu.memory_space<vmem>>
    %dma_wait3A_2233 = arith.constant 0 : i32
    %dma_wait3A_2234 = arith.constant 0 : i32
    %dma_wait3A_2235 = tpu.memref_slice %arg27[%dma_wait3A_2233, %dma_wait3A_2234] : memref<100000x32xf32, #tpu.memory_space<hbm>> -> memref<100000x32xf32, #tpu.memory_space<hbm>>
    tpu.wait_indirect_dma semaphore(%arg33 : memref<!tpu.dma_semaphore, #tpu.memory_space<semaphore_mem>>) src(%dma_wait3A_2235 : memref<100000x32xf32, #tpu.memory_space<hbm>>) dst(%dma_wait3A_2229 : memref<128x32xf32, #tpu.memory_space<vmem>>)
    %dma_wait3A_2236 = arith.constant 24 : i32
    %dma_wait3A_2237 = arith.constant 3 : i32
    %dma_wait3A_2238 = arith.constant 384 : i32
    %dma_wait3A_2239 = arith.constant 0 : i32
    %dma_wait3A_2240 = tpu.memref_slice %arg31[%dma_wait3A_2238, %dma_wait3A_2239] : memref<512x32xf32, #tpu.memory_space<vmem>> -> memref<128x32xf32, #tpu.memory_space<vmem>>
    %dma_wait3A_2241 = arith.constant 0 : i32
    %dma_wait3A_2242 = tpu.memref_slice %arg30[%dma_wait3A_2236, %dma_wait3A_2237, %dma_wait3A_2241] : memref<26x4x128xi32, #tpu.memory_space<vmem>> -> memref<1x1x128xi32, #tpu.memory_space<vmem>>
    %dma_wait3A_2243 = tpu.memref_squeeze %dma_wait3A_2242 : memref<1x1x128xi32, #tpu.memory_space<vmem>> -> memref<128xi32, #tpu.memory_space<vmem>>
    %dma_wait3A_2244 = arith.constant 0 : i32
    %dma_wait3A_2245 = arith.constant 0 : i32
    %dma_wait3A_2246 = tpu.memref_slice %arg27[%dma_wait3A_2244, %dma_wait3A_2245] : memref<100000x32xf32, #tpu.memory_space<hbm>> -> memref<100000x32xf32, #tpu.memory_space<hbm>>
    tpu.wait_indirect_dma semaphore(%arg33 : memref<!tpu.dma_semaphore, #tpu.memory_space<semaphore_mem>>) src(%dma_wait3A_2246 : memref<100000x32xf32, #tpu.memory_space<hbm>>) dst(%dma_wait3A_2240 : memref<128x32xf32, #tpu.memory_space<vmem>>)
    "tpu.region"() ({
      %run_scoped3A = tpu.sem_alloc : memref<!tpu.dma_semaphore, #tpu.memory_space<semaphore_mem>>
      %dma_start3A_2291 = arith.constant 768 : i32
      %dma_start3A_2292 = tpu.memref_slice %arg29[%mul3A_2, %dma_start3A_2291] : memref<16384x832xf32, #tpu.memory_space<hbm>> -> memref<512x32xf32, #tpu.memory_space<hbm>>
      %dma_start3A_2293 = arith.constant 768 : i32
      %dma_start3A_2294 = tpu.memref_slice %arg29[%mul3A_2, %dma_start3A_2293] : memref<16384x832xf32, #tpu.memory_space<hbm>> -> memref<512x32xf32, #tpu.memory_space<hbm>>
      tpu.enqueue_dma source(%arg31 : memref<512x32xf32, #tpu.memory_space<vmem>>) target(%dma_start3A_2294 : memref<512x32xf32, #tpu.memory_space<hbm>>) target_semaphore(%run_scoped3A : memref<!tpu.dma_semaphore, #tpu.memory_space<semaphore_mem>>)
      %dma_wait3A_2295 = arith.constant 768 : i32
      %dma_wait3A_2296 = tpu.memref_slice %arg29[%mul3A_2, %dma_wait3A_2295] : memref<16384x832xf32, #tpu.memory_space<hbm>> -> memref<512x32xf32, #tpu.memory_space<hbm>>
      %dma_wait3A_2297 = arith.constant 768 : i32
      %dma_wait3A_2298 = tpu.memref_slice %arg29[%mul3A_2, %dma_wait3A_2297] : memref<16384x832xf32, #tpu.memory_space<hbm>> -> memref<512x32xf32, #tpu.memory_space<hbm>>
      tpu.wait_dma2 semaphore(%run_scoped3A : memref<!tpu.dma_semaphore, #tpu.memory_space<semaphore_mem>>) src(%arg31 : memref<512x32xf32, #tpu.memory_space<vmem>>) dst(%dma_wait3A_2298 : memref<512x32xf32, #tpu.memory_space<hbm>>)
      tpu.yield
    }) : () -> ()
    %dma_wait3A_2247 = arith.constant 25 : i32
    %dma_wait3A_2248 = arith.constant 0 : i32
    %dma_wait3A_2249 = arith.constant 0 : i32
    %dma_wait3A_2250 = arith.constant 0 : i32
    %dma_wait3A_2251 = tpu.memref_slice %arg32[%dma_wait3A_2249, %dma_wait3A_2250] : memref<512x32xf32, #tpu.memory_space<vmem>> -> memref<128x32xf32, #tpu.memory_space<vmem>>
    %dma_wait3A_2252 = arith.constant 0 : i32
    %dma_wait3A_2253 = tpu.memref_slice %arg30[%dma_wait3A_2247, %dma_wait3A_2248, %dma_wait3A_2252] : memref<26x4x128xi32, #tpu.memory_space<vmem>> -> memref<1x1x128xi32, #tpu.memory_space<vmem>>
    %dma_wait3A_2254 = tpu.memref_squeeze %dma_wait3A_2253 : memref<1x1x128xi32, #tpu.memory_space<vmem>> -> memref<128xi32, #tpu.memory_space<vmem>>
    %dma_wait3A_2255 = arith.constant 0 : i32
    %dma_wait3A_2256 = arith.constant 0 : i32
    %dma_wait3A_2257 = tpu.memref_slice %arg28[%dma_wait3A_2255, %dma_wait3A_2256] : memref<100000x32xf32, #tpu.memory_space<hbm>> -> memref<100000x32xf32, #tpu.memory_space<hbm>>
    tpu.wait_indirect_dma semaphore(%arg34 : memref<!tpu.dma_semaphore, #tpu.memory_space<semaphore_mem>>) src(%dma_wait3A_2257 : memref<100000x32xf32, #tpu.memory_space<hbm>>) dst(%dma_wait3A_2251 : memref<128x32xf32, #tpu.memory_space<vmem>>)
    %dma_wait3A_2258 = arith.constant 25 : i32
    %dma_wait3A_2259 = arith.constant 1 : i32
    %dma_wait3A_2260 = arith.constant 128 : i32
    %dma_wait3A_2261 = arith.constant 0 : i32
    %dma_wait3A_2262 = tpu.memref_slice %arg32[%dma_wait3A_2260, %dma_wait3A_2261] : memref<512x32xf32, #tpu.memory_space<vmem>> -> memref<128x32xf32, #tpu.memory_space<vmem>>
    %dma_wait3A_2263 = arith.constant 0 : i32
    %dma_wait3A_2264 = tpu.memref_slice %arg30[%dma_wait3A_2258, %dma_wait3A_2259, %dma_wait3A_2263] : memref<26x4x128xi32, #tpu.memory_space<vmem>> -> memref<1x1x128xi32, #tpu.memory_space<vmem>>
    %dma_wait3A_2265 = tpu.memref_squeeze %dma_wait3A_2264 : memref<1x1x128xi32, #tpu.memory_space<vmem>> -> memref<128xi32, #tpu.memory_space<vmem>>
    %dma_wait3A_2266 = arith.constant 0 : i32
    %dma_wait3A_2267 = arith.constant 0 : i32
    %dma_wait3A_2268 = tpu.memref_slice %arg28[%dma_wait3A_2266, %dma_wait3A_2267] : memref<100000x32xf32, #tpu.memory_space<hbm>> -> memref<100000x32xf32, #tpu.memory_space<hbm>>
    tpu.wait_indirect_dma semaphore(%arg34 : memref<!tpu.dma_semaphore, #tpu.memory_space<semaphore_mem>>) src(%dma_wait3A_2268 : memref<100000x32xf32, #tpu.memory_space<hbm>>) dst(%dma_wait3A_2262 : memref<128x32xf32, #tpu.memory_space<vmem>>)
    %dma_wait3A_2269 = arith.constant 25 : i32
    %dma_wait3A_2270 = arith.constant 2 : i32
    %dma_wait3A_2271 = arith.constant 256 : i32
    %dma_wait3A_2272 = arith.constant 0 : i32
    %dma_wait3A_2273 = tpu.memref_slice %arg32[%dma_wait3A_2271, %dma_wait3A_2272] : memref<512x32xf32, #tpu.memory_space<vmem>> -> memref<128x32xf32, #tpu.memory_space<vmem>>
    %dma_wait3A_2274 = arith.constant 0 : i32
    %dma_wait3A_2275 = tpu.memref_slice %arg30[%dma_wait3A_2269, %dma_wait3A_2270, %dma_wait3A_2274] : memref<26x4x128xi32, #tpu.memory_space<vmem>> -> memref<1x1x128xi32, #tpu.memory_space<vmem>>
    %dma_wait3A_2276 = tpu.memref_squeeze %dma_wait3A_2275 : memref<1x1x128xi32, #tpu.memory_space<vmem>> -> memref<128xi32, #tpu.memory_space<vmem>>
    %dma_wait3A_2277 = arith.constant 0 : i32
    %dma_wait3A_2278 = arith.constant 0 : i32
    %dma_wait3A_2279 = tpu.memref_slice %arg28[%dma_wait3A_2277, %dma_wait3A_2278] : memref<100000x32xf32, #tpu.memory_space<hbm>> -> memref<100000x32xf32, #tpu.memory_space<hbm>>
    tpu.wait_indirect_dma semaphore(%arg34 : memref<!tpu.dma_semaphore, #tpu.memory_space<semaphore_mem>>) src(%dma_wait3A_2279 : memref<100000x32xf32, #tpu.memory_space<hbm>>) dst(%dma_wait3A_2273 : memref<128x32xf32, #tpu.memory_space<vmem>>)
    %dma_wait3A_2280 = arith.constant 25 : i32
    %dma_wait3A_2281 = arith.constant 3 : i32
    %dma_wait3A_2282 = arith.constant 384 : i32
    %dma_wait3A_2283 = arith.constant 0 : i32
    %dma_wait3A_2284 = tpu.memref_slice %arg32[%dma_wait3A_2282, %dma_wait3A_2283] : memref<512x32xf32, #tpu.memory_space<vmem>> -> memref<128x32xf32, #tpu.memory_space<vmem>>
    %dma_wait3A_2285 = arith.constant 0 : i32
    %dma_wait3A_2286 = tpu.memref_slice %arg30[%dma_wait3A_2280, %dma_wait3A_2281, %dma_wait3A_2285] : memref<26x4x128xi32, #tpu.memory_space<vmem>> -> memref<1x1x128xi32, #tpu.memory_space<vmem>>
    %dma_wait3A_2287 = tpu.memref_squeeze %dma_wait3A_2286 : memref<1x1x128xi32, #tpu.memory_space<vmem>> -> memref<128xi32, #tpu.memory_space<vmem>>
    %dma_wait3A_2288 = arith.constant 0 : i32
    %dma_wait3A_2289 = arith.constant 0 : i32
    %dma_wait3A_2290 = tpu.memref_slice %arg28[%dma_wait3A_2288, %dma_wait3A_2289] : memref<100000x32xf32, #tpu.memory_space<hbm>> -> memref<100000x32xf32, #tpu.memory_space<hbm>>
    tpu.wait_indirect_dma semaphore(%arg34 : memref<!tpu.dma_semaphore, #tpu.memory_space<semaphore_mem>>) src(%dma_wait3A_2290 : memref<100000x32xf32, #tpu.memory_space<hbm>>) dst(%dma_wait3A_2284 : memref<128x32xf32, #tpu.memory_space<vmem>>)
    "tpu.region"() ({
      %run_scoped3A = tpu.sem_alloc : memref<!tpu.dma_semaphore, #tpu.memory_space<semaphore_mem>>
      %dma_start3A_2291 = arith.constant 800 : i32
      %dma_start3A_2292 = tpu.memref_slice %arg29[%mul3A_2, %dma_start3A_2291] : memref<16384x832xf32, #tpu.memory_space<hbm>> -> memref<512x32xf32, #tpu.memory_space<hbm>>
      %dma_start3A_2293 = arith.constant 800 : i32
      %dma_start3A_2294 = tpu.memref_slice %arg29[%mul3A_2, %dma_start3A_2293] : memref<16384x832xf32, #tpu.memory_space<hbm>> -> memref<512x32xf32, #tpu.memory_space<hbm>>
      tpu.enqueue_dma source(%arg32 : memref<512x32xf32, #tpu.memory_space<vmem>>) target(%dma_start3A_2294 : memref<512x32xf32, #tpu.memory_space<hbm>>) target_semaphore(%run_scoped3A : memref<!tpu.dma_semaphore, #tpu.memory_space<semaphore_mem>>)
      %dma_wait3A_2295 = arith.constant 800 : i32
      %dma_wait3A_2296 = tpu.memref_slice %arg29[%mul3A_2, %dma_wait3A_2295] : memref<16384x832xf32, #tpu.memory_space<hbm>> -> memref<512x32xf32, #tpu.memory_space<hbm>>
      %dma_wait3A_2297 = arith.constant 800 : i32
      %dma_wait3A_2298 = tpu.memref_slice %arg29[%mul3A_2, %dma_wait3A_2297] : memref<16384x832xf32, #tpu.memory_space<hbm>> -> memref<512x32xf32, #tpu.memory_space<hbm>>
      tpu.wait_dma2 semaphore(%run_scoped3A : memref<!tpu.dma_semaphore, #tpu.memory_space<semaphore_mem>>) src(%arg32 : memref<512x32xf32, #tpu.memory_space<vmem>>) dst(%dma_wait3A_2298 : memref<512x32xf32, #tpu.memory_space<hbm>>)
      tpu.yield
    }) : () -> ()
    return
  }
}

module attributes {stable_mosaic.version = 14 : i64} {
  func.func @_mlp_body(%arg0: i32, %arg1: memref<2048x832xf32, #tpu.memory_space<vmem>>, %arg2: memref<832x128xf32, #tpu.memory_space<vmem>>, %arg3: memref<1x128xf32, #tpu.memory_space<vmem>>, %arg4: memref<128x32xf32, #tpu.memory_space<vmem>>, %arg5: memref<128x32xf32, #tpu.memory_space<vmem>>, %arg6: memref<1x32xf32, #tpu.memory_space<vmem>>, %arg7: memref<1x32xf32, #tpu.memory_space<vmem>>, %arg8: memref<2048x32xf32, #tpu.memory_space<vmem>>, %arg9: memref<2048x32xf32, #tpu.memory_space<vmem>>, %arg10: memref<2048x32xf32, #tpu.memory_space<vmem>>, %arg11: memref<2048x32xf32, #tpu.memory_space<vmem>>) attributes {dimension_semantics = [#tpu.dimension_semantics<parallel>], iteration_bounds = array<i64: 8>, scalar_prefetch = 0 : i64, scratch_operands = 0 : i64, tpu.core_type = #tpu.core_type<tc>, window_params = [{transform_indices = @transform_0, window_bounds = array<i64: 2048, 832>}, {pipeline_mode = #tpu.pipeline_mode<synchronous>, transform_indices = @transform_1, window_bounds = array<i64: 832, 128>}, {pipeline_mode = #tpu.pipeline_mode<synchronous>, transform_indices = @transform_2, window_bounds = array<i64: 1, 128>}, {pipeline_mode = #tpu.pipeline_mode<synchronous>, transform_indices = @transform_3, window_bounds = array<i64: 128, 32>}, {pipeline_mode = #tpu.pipeline_mode<synchronous>, transform_indices = @transform_4, window_bounds = array<i64: 128, 32>}, {pipeline_mode = #tpu.pipeline_mode<synchronous>, transform_indices = @transform_5, window_bounds = array<i64: 1, 32>}, {pipeline_mode = #tpu.pipeline_mode<synchronous>, transform_indices = @transform_6, window_bounds = array<i64: 1, 32>}, {transform_indices = @transform_7, window_bounds = array<i64: 2048, 32>}, {transform_indices = @transform_8, window_bounds = array<i64: 2048, 32>}, {transform_indices = @transform_9, window_bounds = array<i64: 2048, 32>}, {transform_indices = @transform_10, window_bounds = array<i64: 2048, 32>}]} {
    %get3A = arith.constant 0 : index
    %get3A_0 = arith.constant 0 : index
    %get3A_1 = vector.load %arg1[%get3A, %get3A_0] : memref<2048x832xf32, #tpu.memory_space<vmem>>, vector<2048x832xf32>
    %get3A_2 = arith.constant 0 : index
    %get3A_3 = arith.constant 0 : index
    %get3A_4 = vector.load %arg2[%get3A_2, %get3A_3] : memref<832x128xf32, #tpu.memory_space<vmem>>, vector<832x128xf32>
    %dot_general3A = arith.constant dense<0.000000e+00> : vector<2048x128xf32>
    %dot_general3A_5 = tpu.matmul %get3A_1, %get3A_4, %dot_general3A {dimension_numbers = #tpu.dot_dimension_numbers<[1], [0], [0], [1], [0, 0, 1, 1], [], []>, transpose_lhs_hint = false} : vector<2048x832xf32>, vector<832x128xf32>, vector<2048x128xf32> -> vector<2048x128xf32>
    %get3A_6 = arith.constant 0 : index
    %get3A_7 = arith.constant 0 : index
    %get3A_8 = vector.load %arg3[%get3A_6, %get3A_7] : memref<1x128xf32, #tpu.memory_space<vmem>>, vector<1x128xf32>
    %add3A = vector.broadcast %get3A_8 : vector<1x128xf32> to vector<2048x128xf32>
    %add3A_9 = arith.addf %dot_general3A_5, %add3A : vector<2048x128xf32>
    %max3A = arith.constant 0.000000e+00 : f32
    %max3A_10 = vector.broadcast %max3A : f32 to vector<2048x128xf32>
    %max3A_11 = arith.maximumf %add3A_9, %max3A_10 : vector<2048x128xf32>
    %get3A_12 = arith.constant 0 : index
    %get3A_13 = arith.constant 0 : index
    %get3A_14 = vector.load %arg4[%get3A_12, %get3A_13] : memref<128x32xf32, #tpu.memory_space<vmem>>, vector<128x32xf32>
    %dot_general3A_15 = arith.constant dense<0.000000e+00> : vector<2048x32xf32>
    %dot_general3A_16 = tpu.matmul %max3A_11, %get3A_14, %dot_general3A_15 {dimension_numbers = #tpu.dot_dimension_numbers<[1], [0], [0], [1], [0, 0, 1, 1], [], []>, transpose_lhs_hint = false} : vector<2048x128xf32>, vector<128x32xf32>, vector<2048x32xf32> -> vector<2048x32xf32>
    %get3A_17 = arith.constant 0 : index
    %get3A_18 = arith.constant 0 : index
    %get3A_19 = vector.load %arg6[%get3A_17, %get3A_18] : memref<1x32xf32, #tpu.memory_space<vmem>>, vector<1x32xf32>
    %add3A_20 = vector.broadcast %get3A_19 : vector<1x32xf32> to vector<2048x32xf32>
    %add3A_21 = arith.addf %dot_general3A_16, %add3A_20 : vector<2048x32xf32>
    %get3A_22 = arith.constant 0 : index
    %get3A_23 = arith.constant 0 : index
    %get3A_24 = vector.load %arg5[%get3A_22, %get3A_23] : memref<128x32xf32, #tpu.memory_space<vmem>>, vector<128x32xf32>
    %dot_general3A_25 = arith.constant dense<0.000000e+00> : vector<2048x32xf32>
    %dot_general3A_26 = tpu.matmul %max3A_11, %get3A_24, %dot_general3A_25 {dimension_numbers = #tpu.dot_dimension_numbers<[1], [0], [0], [1], [0, 0, 1, 1], [], []>, transpose_lhs_hint = false} : vector<2048x128xf32>, vector<128x32xf32>, vector<2048x32xf32> -> vector<2048x32xf32>
    %get3A_27 = arith.constant 0 : index
    %get3A_28 = arith.constant 0 : index
    %get3A_29 = vector.load %arg7[%get3A_27, %get3A_28] : memref<1x32xf32, #tpu.memory_space<vmem>>, vector<1x32xf32>
    %add3A_30 = vector.broadcast %get3A_29 : vector<1x32xf32> to vector<2048x32xf32>
    %add3A_31 = arith.addf %dot_general3A_26, %add3A_30 : vector<2048x32xf32>
    %mul3A = arith.constant 5.000000e-01 : f32
    %mul3A_32 = vector.broadcast %mul3A : f32 to vector<2048x32xf32>
    %mul3A_33 = arith.mulf %mul3A_32, %add3A_31 : vector<2048x32xf32>
    %exp3A = math.exp %mul3A_33 : vector<2048x32xf32>
    %get3A_34 = arith.constant 0 : index
    %get3A_35 = arith.constant 0 : index
    %get3A_36 = vector.load %arg8[%get3A_34, %get3A_35] : memref<2048x32xf32, #tpu.memory_space<vmem>>, vector<2048x32xf32>
    %mul3A_37 = arith.mulf %get3A_36, %exp3A : vector<2048x32xf32>
    %add3A_38 = arith.addf %add3A_21, %mul3A_37 : vector<2048x32xf32>
    %swap3A = arith.constant 0 : index
    %swap3A_39 = arith.constant 0 : index
    %swap3A_40 = vector.load %arg9[%swap3A, %swap3A_39] : memref<2048x32xf32, #tpu.memory_space<vmem>>, vector<2048x32xf32>
    tpu.vector_store %arg9[%swap3A, %swap3A_39], %add3A_38 {strides = array<i32>} : memref<2048x32xf32, #tpu.memory_space<vmem>>, vector<2048x32xf32>,
    %swap3A_41 = arith.constant 0 : index
    %swap3A_42 = arith.constant 0 : index
    %swap3A_43 = vector.load %arg10[%swap3A_41, %swap3A_42] : memref<2048x32xf32, #tpu.memory_space<vmem>>, vector<2048x32xf32>
    tpu.vector_store %arg10[%swap3A_41, %swap3A_42], %add3A_21 {strides = array<i32>} : memref<2048x32xf32, #tpu.memory_space<vmem>>, vector<2048x32xf32>,
    %swap3A_44 = arith.constant 0 : index
    %swap3A_45 = arith.constant 0 : index
    %swap3A_46 = vector.load %arg11[%swap3A_44, %swap3A_45] : memref<2048x32xf32, #tpu.memory_space<vmem>>, vector<2048x32xf32>
    tpu.vector_store %arg11[%swap3A_44, %swap3A_45], %add3A_31 {strides = array<i32>} : memref<2048x32xf32, #tpu.memory_space<vmem>>, vector<2048x32xf32>,
    return
  }
  func.func @transform_0(%arg0: i32) -> (i32, i32) {
    %c0_i32 = arith.constant 0 : i32
    %c0_i32_0 = arith.constant 0 : i32
    return %arg0, %c0_i32 : i32, i32
  }
  func.func @transform_1(%arg0: i32) -> (i32, i32) {
    %c0_i32 = arith.constant 0 : i32
    %c0_i32_0 = arith.constant 0 : i32
    %c0_i32_1 = arith.constant 0 : i32
    return %c0_i32, %c0_i32_0 : i32, i32
  }
  func.func @transform_2(%arg0: i32) -> (i32, i32) {
    %c0_i32 = arith.constant 0 : i32
    %c0_i32_0 = arith.constant 0 : i32
    %c0_i32_1 = arith.constant 0 : i32
    return %c0_i32, %c0_i32_0 : i32, i32
  }
  func.func @transform_3(%arg0: i32) -> (i32, i32) {
    %c0_i32 = arith.constant 0 : i32
    %c0_i32_0 = arith.constant 0 : i32
    %c0_i32_1 = arith.constant 0 : i32
    return %c0_i32, %c0_i32_0 : i32, i32
  }
  func.func @transform_4(%arg0: i32) -> (i32, i32) {
    %c0_i32 = arith.constant 0 : i32
    %c0_i32_0 = arith.constant 0 : i32
    %c0_i32_1 = arith.constant 0 : i32
    return %c0_i32, %c0_i32_0 : i32, i32
  }
  func.func @transform_5(%arg0: i32) -> (i32, i32) {
    %c0_i32 = arith.constant 0 : i32
    %c0_i32_0 = arith.constant 0 : i32
    %c0_i32_1 = arith.constant 0 : i32
    return %c0_i32, %c0_i32_0 : i32, i32
  }
  func.func @transform_6(%arg0: i32) -> (i32, i32) {
    %c0_i32 = arith.constant 0 : i32
    %c0_i32_0 = arith.constant 0 : i32
    %c0_i32_1 = arith.constant 0 : i32
    return %c0_i32, %c0_i32_0 : i32, i32
  }
  func.func @transform_7(%arg0: i32) -> (i32, i32) {
    %c0_i32 = arith.constant 0 : i32
    %c0_i32_0 = arith.constant 0 : i32
    return %arg0, %c0_i32 : i32, i32
  }
  func.func @transform_8(%arg0: i32) -> (i32, i32) {
    %c0_i32 = arith.constant 0 : i32
    %c0_i32_0 = arith.constant 0 : i32
    return %arg0, %c0_i32 : i32, i32
  }
  func.func @transform_9(%arg0: i32) -> (i32, i32) {
    %c0_i32 = arith.constant 0 : i32
    %c0_i32_0 = arith.constant 0 : i32
    return %arg0, %c0_i32 : i32, i32
  }
  func.func @transform_10(%arg0: i32) -> (i32, i32) {
    %c0_i32 = arith.constant 0 : i32
    %c0_i32_0 = arith.constant 0 : i32
    return %arg0, %c0_i32 : i32, i32
  }
}

</mosaic_0001>

<sc_bundles>
// kernel: kernel.4.cloned.1.call-start
scs
__scs_entry_jumppad:
0x0: {  	(pc) =	sbr.rel $0x88, $3  }
0x1: {  	(tag) =	ssettag $0x0;
	lr =	simm.s32 $0x1  }
0x2: {  	[smem:$0x3F69] =	sst lr;
	_ =	strace $0xD0000000  }
0x3: {  	_ = 	snop  }
0x4: {  	_ = 	snop  }
0x5: {  	_ = 	snop  }
0x6: {  	_ = 	snop  }
0x7: {  	_ = 	snop  }
__scs_overlays_trampoline_lowered:
0x8: {  	[smem:$0x3F78] =	sst s0  }
0x9: {  	[smem:$0x3F79] =	sst s1  }
0xa: {  	[smem:$0x3F7A] =	sst s2  }
0xb: {  	[smem:$0x3F7B] =	sst s3  }
0xc: {  	[smem:$0x3F7C] =	sst s4  }
0xd: {  	[smem:$0x3F7D] =	sst s5  }
0xe: {  	[smem:$0x3F7E] =	sst s6  }
0xf: {  	[smem:$0x3F7F] =	sst s7  }
0x10: {  	[smem:$0x3F80] =	sst s8  }
0x11: {  	[smem:$0x3F81] =	sst s9;
	s0 =	simm.s32 @!p0 $0x0  }
0x12: {  	s1 =	sld [smem:$0x3F67];
	s0 =	simm.s32 @p0 $0x1  }
0x13: {  	[smem:$0x3F82] =	sst s0;
	s0 =	simm.s32 @!p1 $0x0  }
0x14: {  	s2 =	sld [smem:$0x3F66];
	s0 =	simm.s32 @p1 $0x1  }
0x15: {  	[smem:$0x3F83] =	sst s0;
	s0 =	simm.s32 @!p2 $0x0  }
0x16: {  	s3 =	sld [smem:$0x3FDB];
	s0 =	simm.s32 @p2 $0x1  }
0x17: {  	s4 =	simm.s32 $0x1BF5;
	[smem:$0x3F85] =	sst s0  }
0x18: {  	s0 =	sld [smem:$0x3F68];
	_ =	swait.ge [sflag:s4], $0x0  }
0x19: {  	s7 =	sld [smem:$0x3F69]  }
0x1a: {  	s8 =	sadd.s32 $0xFFFFE003, lr  }
0x1b: {  	s9 =	sadd.s32 $0xFFFFFEF7, lr;
	s5 =	simm.s32 $0xFFFFFFFF;
	p2 =	slt.u32 s8, $0xFFFFF086  }
0x1c: {  	p1 =	slt.u32 s9, $0xF7A;
	s5 =	simm.s32 @!p2 $0x0  }
0x1d: {  	s5 =	simm.s32 @p1 $0x1;
	p0 =	seq.s32 s7, s2  }
0x1e: {  	s7 =	smul.u32 @!p0 $0xF7A, s2;
	p2 =	seq.s32 @!p0 s5, $0x0  }
0x1f: {  	s9 =	smul.u32 $0xF7A, s1;
	s8 =	simm.s32 @!p0 $0x1BF5;
	p2 =	por !p2, p0  }
0x20: {  	[sflag:s8] =	ssyncset.s32 @!p0 $0xFFFFF086;
	s6 =	sadd.s32 @!p0 s3, s7;
	s7 =	simm.s32 @!p0 $0x108  }
0x21: {  	s3 =	sadd.s32 s3, s9;
	s6 =	sadd.s32 @!p0 $0x88, s6;
	s7 =	simm.s32 @p2 $0x1082  }
0x22: {  	[simem:s7], [sflag:s8] =	dma.local @!p0 [hbm:s6], $0xF7A  }
0x23: {  	s9 =	sor.u32 $0xD0000000, s2;
	s6 =	simm.s32 $0x108;
	_ =	swait.ge @!p0 [sflag:s8], $0x0  }
0x24: {  	s3 =	sadd.s32 $0x88, s3;
	s6 =	simm.s32 @!p1 $0x1082;
	[sflag:s4] =	ssyncset.s32 $0xFFFFF086  }
0x25: {  	[simem:s6], [sflag:s4] =	dma.local [hbm:s3], $0xF7A  }
0x26: {  	[smem:$0x3F69] =	sst s1;
	(tag) =	ssettag s2;
	_ =	strace s9  }
0x27: {  	s1 =	sld [smem:$0x3F79]  }
0x28: {  	s2 =	sld [smem:$0x3F7A]  }
0x29: {  	s4 =	sld [smem:$0x3F7C]  }
0x2a: {  	p0 =	seq.s32 s5, $0x0;
	s5 =	sld [smem:$0x3F7D]  }
0x2b: {  	s6 =	sld [smem:$0x3F7E]  }
0x2c: {  	s7 =	sld [smem:$0x3F7F]  }
0x2d: {  	s3 =	simm.s32 $0x108;
	s8 =	sld [smem:$0x3F80]  }
0x2e: {  	s3 =	simm.s32 @!p0 $0x1082;
	s9 =	sld [smem:$0x3F81]  }
0x2f: {  	lr =	sadd.s32 s0, s3;
	s0 =	sld [smem:$0x3F78]  }
0x30: {  	s3 =	sld [smem:$0x3F7B]  }
0x31: {  	[smem:$0x3F84] =	sst s10  }
0x32: {  	s10 =	sld [smem:$0x3F82];
	_ =	sdelay $0x3  }
0x33: {  	p0 =	seq.s32 s10, $0x1;
	s10 =	sld [smem:$0x3F84];
	_ =	sdelay $0x3  }
0x34: {  	[smem:$0x3F84] =	sst s10  }
0x35: {  	s10 =	sld [smem:$0x3F83];
	_ =	sdelay $0x3  }
0x36: {  	p1 =	seq.s32 s10, $0x1;
	s10 =	sld [smem:$0x3F84];
	_ =	sdelay $0x3  }
0x37: {  	[smem:$0x3F84] =	sst s10  }
0x38: {  	s10 =	sld [smem:$0x3F85]  }
0x39: {  	_ = 	snop;
	(pc) =	sbr.ind lr, $3  }
0x3a: {  	_ = 	snop  }
0x3b: {  	_ = 	snop  }
0x3c: {  	p2 =	seq.s32 s10, $0x1;
	s10 =	sld [smem:$0x3F84]  }
0x3d: {  	_ =	shalt  }
0x3e: {  	_ =	shalt  }
0x3f: {  	_ =	shalt  }
0x40: {  	_ =	shalt  }
0x41: {  	_ =	shalt  }
0x42: {  	_ =	shalt  }
0x43: {  	_ =	shalt  }
0x44: {  	_ =	shalt  }
0x45: {  	_ =	shalt  }
0x46: {  	_ =	shalt  }
0x47: {  	_ =	shalt  }
0x48: {  	_ =	shalt  }
0x49: {  	_ =	shalt  }
0x4a: {  	_ =	shalt  }
0x4b: {  	_ =	shalt  }
0x4c: {  	_ =	shalt  }
0x4d: {  	_ =	shalt  }
0x4e: {  	_ =	shalt  }
0x4f: {  	_ =	shalt  }
0x50: {  	_ =	shalt  }
0x51: {  	_ =	shalt  }
0x52: {  	_ =	shalt  }
0x53: {  	_ =	shalt  }
0x54: {  	_ =	shalt  }
0x55: {  	_ =	shalt  }
0x56: {  	_ =	shalt  }
0x57: {  	_ =	shalt  }
0x58: {  	_ =	shalt  }
0x59: {  	_ =	shalt  }
0x5a: {  	_ =	shalt  }
0x5b: {  	_ =	shalt  }
0x5c: {  	_ =	shalt  }
0x5d: {  	_ =	shalt  }
0x5e: {  	_ =	shalt  }
0x5f: {  	_ =	shalt  }
0x60: {  	_ =	shalt  }
0x61: {  	_ =	shalt  }
0x62: {  	_ =	shalt  }
0x63: {  	_ =	shalt  }
0x64: {  	_ =	shalt  }
0x65: {  	_ =	shalt  }
0x66: {  	_ =	shalt  }
0x67: {  	_ =	shalt  }
0x68: {  	_ =	shalt  }
0x69: {  	_ =	shalt  }
0x6a: {  	_ =	shalt  }
0x6b: {  	_ =	shalt  }
0x6c: {  	_ =	shalt  }
0x6d: {  	_ =	shalt  }
0x6e: {  	_ =	shalt  }
0x6f: {  	_ =	shalt  }
0x70: {  	_ =	shalt  }
0x71: {  	_ =	shalt  }
0x72: {  	_ =	shalt  }
0x73: {  	_ =	shalt  }
0x74: {  	_ =	shalt  }
0x75: {  	_ =	shalt  }
0x76: {  	_ =	shalt  }
0x77: {  	_ =	shalt  }
0x78: {  	_ =	shalt  }
0x79: {  	_ =	shalt  }
0x7a: {  	_ =	shalt  }
0x7b: {  	_ =	shalt  }
0x7c: {  	_ =	shalt  }
0x7d: {  	_ =	shalt  }
0x7e: {  	_ =	shalt  }
0x7f: {  	_ =	shalt  }
0x80: {  	_ =	shalt  }
0x81: {  	_ =	shalt  }
0x82: {  	_ =	shalt  }
0x83: {  	_ =	shalt  }
0x84: {  	_ =	shalt  }
0x85: {  	_ =	shalt  }
0x86: {  	_ =	shalt  }
0x87: {  	_ =	shalt  }
.Lfunc_end0:
.L_simem_size_0:
called_computation_lowered:
.L_overlay_start_0:
0x88: {  	s2 =	sld [smem:$0x3FD9]  }
0x89: {  	s3 =	sld [smem:$0x3FFE];
	_ =	sdelay $0x1  }
0x8a: {  	s1 =	srdreg.scid  }
0x8b: {  	s0 =	sand.u32 $0x1, s1  }
0x8c: {  	s14 =	sshll.u32 s0, $0xA;
	s2 =	sadd.s32 s3, s2  }
0x8d: {  	s2 =	sadd.s32 s2, s14  }
0x8e: {  	[smem:$0x3F90] =	sst s2  }
0x8f: {  	_ = 	snop  }
0x90: {  	s2 =	sld [smem:$0x3FD0];
	_ =	sdelay $0x2  }
0x91: {  	s15 =	simm.s32 $0xA;
	s4 =	simm.s32 $0x10  }
0x92: {  	[smem:s4], [sflag:s15] =	dma.local [hbm:s2], $0x1  }
0x93: {  	_ =	swait.eq [sflag:s15], $0x1  }
0x94: {  	[sflag:s15] =	ssyncset.done $0x0  }
0x95: {  	[sflag:s15] =	ssyncadd.s32 $0xFFFFFFFF  }
0x96: {  	s16 =	sld [smem:$0x12];
	(tm) =	ssettm $0x1  }
0x97: {  	s17 =	sld [smem:$0x3FFB];
	_ =	sdelay $0x3  }
0x98: {  	_ =	strace s17  }
0x99: {  	s3 =	sld [smem:$0x3FFC];
	_ =	sdelay $0x3  }
0x9a: {  	_ =	strace s3  }
0x9b: {  	s3 =	sld [smem:$0x3FFD];
	_ =	sdelay $0x3  }
0x9c: {  	_ =	strace s3  }
0x9d: {  	_ =	strace $0x8FFFFFFF  }
0x9e: {  	s18 =	sld [smem:$0x3FDB];
	_ =	sdelay $0x1  }
0x9f: {  	s19 =	simm.s32 $_scs_section_size  }
0xa0: {  	s5 =	simm.s32 $_size__tile_overlayer_lowered;
	s6 =	simm.s32 $_tile_overlayer_lowered  }
0xa1: {  	s22 =	simm.s32 $0x1BFF;
	s21 =	sshll.u32 s6, $0x1;
	s3 =	sadd.s32 s19, s18  }
0xa2: {  	s7 =	simm.s32 $0x0;
	s20 =	sshll.u32 s5, $0x1;
	s5 =	sadd.s32 s21, s3  }
0xa3: {  	[timem:s7], [sflag:s22] =	dma.local [hbm:s5], s20  }
0xa4: {  	_ =	swait.ge [sflag:s22], s20  }
0xa5: {  	s4 =	ssub.s32 $0x0, s20;
	[sflag:s22] =	ssyncset.done $0x0  }
0xa6: {  	[sflag:s22] =	ssyncadd.s32 s4;
	_ =	sdelay $0x1  }
0xa7: {  	s23 =	simm.s32 $0x1B8B  }
0xa8: {  	_ =	swait.ge [sflag:s23], $0x1  }
0xa9: {  	[sflag:s23] =	ssyncset.done $0x0  }
0xaa: {  	s25 =	simm.s32 $0x1B8E;
	s24 =	sld [smem:$0x3FFE];
	[sflag:s23] =	ssyncadd.s32 $0xFFFFFFFF  }
0xab: {  	s26 =	simm.s32 $execute0_lowered;
	[smem:$0x3FD2] =	sst s25  }
0xac: {  	s5 =	sshll.u32 s26, $0x1;
	_ =	strace $0x80000046;
	[dreg:$0x1] =	wrdreg $0xFFFFFFFF  }
0xad: {  	s28 =	simm.s32 $_size_execute0_lowered;
	s3 =	sadd.s32 s3, s5;
	[dreg:$0x0] =	wrdreg $0x0  }
0xae: {  	s5 =	sshll.u32 s28, $0x1;
	[dreg:$0x2] =	wrdreg s3  }
0xaf: {  	[dreg:$0x3] =	wrdreg s5  }
0xb0: {  	[dreg:$0x4] =	wrdreg $0xC0  }
0xb1: {  	_ =	task [dreg:s7], $0x5FFFF  }
0xb2: {  	[dreg:$0x1] =	wrdreg $0xFFFFFFFF  }
0xb3: {  	[dreg:$0x0] =	wrdreg $0x60  }
0xb4: {  	[dreg:$0x2] =	wrdreg s16  }
0xb5: {  	[dreg:$0x3] =	wrdreg s24  }
0xb6: {  	[dreg:$0x4] =	wrdreg $0x9  }
0xb7: {  	_ =	task.clear_ibuf [dreg:s7], $0x5FFFF;
	_ =	strace $0x90000046  }
0xb8: {  	s29 =	simm.s32 $0x9;
	_ =	strace $0x80000048  }
0xb9: {  	_ =	swait.ge [sflag:s29], $0x1  }
0xba: {  	[sflag:s29] =	ssyncadd.s32 $0xFFFFFFFF  }
0xbb: {  	_ =	strace $0x90000048  }
0xbc: {  	_ =	sfence  }
0xbd: {  	s30 =	sld [smem:$0x0];
	_ =	sdelay $0x2  }
0xbe: {  	s31 =	sshll.u32 s1, $0xD;
	s1 =	sshrl.u32 s1, $0x2  }
0xbf: {  	s3 =	sand.u32 $0x4000, s31;
	s1 =	sadd.s32 s1, s30  }
0xc0: {  	s0 =	sor.u32 s3, s0;
	s1 =	sshll.u32 s1, $0x11  }
0xc1: {  	s0 =	sor.u32 s1, s0  }
0xc2: {  	s0 =	sadd.s32 $0x8F2B, s0  }
0xc3: {  	[sflag:s0] =	ssyncadd.remote.s32 $0x1  }
0xc4: {  	_ =	sfence.sel $0xFFFF  }
0xc5: {  	[dreg:$0x0] =	wrdreg $0xFFFFFFFF;
	(pc) =	sbr.abs _section_cstart, $3  }
0xc6: {  	[dreg:$0x1] =	wrdreg $0xFFFFFFFF  }
0xc7: {  	_ =	task.clear_ibuf [dreg:s7], $0x2FFFF;
	_ =	strace $0x9FFFFFFF  }
0xc8: {  	(tm) =	ssettm $0x7FFFFFFF  }
0xc9: {  	_ =	shalt  }
tec
execute0_lowered:
.L_overlay_start_1:
0x0: {  	(tag) =	ssettag $0x1  }
0x1: {  	s0 =	srdreg.scid  }
0x2: {  	s2 =	stileid.u32;
	s1 =	rddreg [dreg:$0x0];
	s8 =	simm.s32 $0x0  }
0x3: {  	s3 =	sand.u32 $0x1, s0;
	s19 =	sshll.u32 s2, $0x1;
	s2 =	rddreg [dreg:$0x1]  }
0x4: {  	[smem:$0x7FF] =	sst s8;
	s0 =	sor.u32 s3, s19  }
0x5: {  	s31 =	sadd.s32 $0x8E6000, s2;
	s4 =	smul.u32 $0xD000, s0;
	s0 =	sshll.u32 s0, $0x6  }
0x6: {  	_ =	strace $0x80000047;
	[smem:$0x7F5] =	sst s31;
	s0 =	sadd.s32 s1, s0  }
0x7: {  	s4 =	sadd.s32 s4, s2;
	[dreg:$0x3] =	wrdreg s0;
	s0 =	simm.s32 $0x2E00  }
0x8: {  	s20 =	sadd.s32 $0xB92400, s4;
	[smem:$0x7E5] =	sst s0  }
0x9: {  	s21 =	sadd.s32 $0xB92404, s4;
	[dreg:$0x4] =	wrdreg s20  }
0xa: {  	s22 =	sadd.s32 $0xB92408, s4;
	[dreg:$0x5] =	wrdreg s21  }
0xb: {  	s23 =	sadd.s32 $0xB9240C, s4;
	[dreg:$0x6] =	wrdreg s22  }
0xc: {  	s24 =	sadd.s32 $0xB92410, s4;
	[dreg:$0x7] =	wrdreg s23  }
0xd: {  	s25 =	sadd.s32 $0xB92414, s4;
	[dreg:$0x8] =	wrdreg s24  }
0xe: {  	s26 =	sadd.s32 $0xB92418, s4;
	[dreg:$0x9] =	wrdreg s25  }
0xf: {  	s28 =	sadd.s32 $0xB9241C, s4;
	[dreg:$0xa] =	wrdreg s26  }
0x10: {  	s1 =	sadd.s32 $0xB92420, s4;
	[dreg:$0xb] =	wrdreg s28  }
0x11: {  	s5 =	sadd.s32 $0xB92424, s4;
	[dreg:$0xc] =	wrdreg s1  }
0x12: {  	s6 =	sadd.s32 $0xB92428, s4;
	[dreg:$0xd] =	wrdreg s5  }
0x13: {  	s7 =	sadd.s32 $0xB9242C, s4;
	[dreg:$0xe] =	wrdreg s6  }
0x14: {  	s9 =	sadd.s32 $0xB92430, s4;
	[dreg:$0xf] =	wrdreg s7  }
0x15: {  	s10 =	sadd.s32 $0xB92434, s4;
	[dreg:$0x10] =	wrdreg s9  }
0x16: {  	s11 =	sadd.s32 $0xB92438, s4;
	[dreg:$0x11] =	wrdreg s10  }
0x17: {  	s12 =	sadd.s32 $0xB9243C, s4;
	[dreg:$0x12] =	wrdreg s11  }
0x18: {  	s13 =	sadd.s32 $0xB92440, s4;
	[dreg:$0x13] =	wrdreg s12  }
0x19: {  	s14 =	sadd.s32 $0xB92444, s4;
	[dreg:$0x14] =	wrdreg s13  }
0x1a: {  	s15 =	sadd.s32 $0xB92448, s4;
	[dreg:$0x15] =	wrdreg s14  }
0x1b: {  	s16 =	sadd.s32 $0xB9244C, s4;
	[dreg:$0x16] =	wrdreg s15  }
0x1c: {  	s17 =	sadd.s32 $0xB92450, s4;
	[dreg:$0x17] =	wrdreg s16  }
0x1d: {  	s18 =	sadd.s32 $0xB92454, s4;
	[dreg:$0x18] =	wrdreg s17  }
0x1e: {  	s19 =	sadd.s32 $0xB92458, s4;
	[dreg:$0x19] =	wrdreg s18  }
0x1f: {  	[dreg:$0x1a] =	wrdreg s19;
	s20 =	sadd.s32 $0xB9245C, s4  }
0x20: {  	s21 =	sadd.s32 $0xB92460, s4;
	[dreg:$0x1b] =	wrdreg s20  }
0x21: {  	s22 =	sadd.s32 $0xB92464, s4;
	[dreg:$0x1c] =	wrdreg s21  }
0x22: {  	s23 =	simm.s32 $0x4000;
	[dreg:$0x1d] =	wrdreg s22  }
0x23: {  	s24 =	simm.s32 $0x100;
	[dreg:$0x1e] =	wrdreg s23  }
0x24: {  	s25 =	simm.s32 $0x180;
	[dreg:$0x1f] =	wrdreg s24  }
0x25: {  	s26 =	simm.s32 $0x280;
	[smem:$0x782] =	sst s25  }
0x26: {  	s28 =	simm.s32 $0x300;
	[smem:$0x783] =	sst s26  }
0x27: {  	s1 =	simm.s32 $0x380;
	[smem:$0x784] =	sst s28  }
0x28: {  	s4 =	simm.s32 $0x400;
	[smem:$0x785] =	sst s1  }
0x29: {  	s5 =	simm.s32 $0x480;
	[smem:$0x786] =	sst s4  }
0x2a: {  	s6 =	simm.s32 $0x500;
	[smem:$0x787] =	sst s5  }
0x2b: {  	s7 =	simm.s32 $0x580;
	[smem:$0x788] =	sst s6  }
0x2c: {  	s9 =	simm.s32 $0x600;
	[smem:$0x789] =	sst s7  }
0x2d: {  	s10 =	simm.s32 $0x680;
	[smem:$0x78A] =	sst s9  }
0x2e: {  	s11 =	simm.s32 $0x700;
	[smem:$0x78B] =	sst s10  }
0x2f: {  	s12 =	simm.s32 $0x780;
	[smem:$0x78C] =	sst s11  }
0x30: {  	s13 =	simm.s32 $0x800;
	[smem:$0x78D] =	sst s12  }
0x31: {  	s14 =	simm.s32 $0x880;
	[smem:$0x78E] =	sst s13  }
0x32: {  	s15 =	simm.s32 $0x900;
	[smem:$0x78F] =	sst s14  }
0x33: {  	s16 =	simm.s32 $0x980;
	[smem:$0x790] =	sst s15  }
0x34: {  	s17 =	simm.s32 $0xA00;
	[smem:$0x791] =	sst s16  }
0x35: {  	s18 =	simm.s32 $0xA80;
	[smem:$0x792] =	sst s17  }
0x36: {  	s19 =	simm.s32 $0xB00;
	[smem:$0x793] =	sst s18  }
0x37: {  	[smem:$0x794] =	sst s19;
	s20 =	simm.s32 $0xB80  }
0x38: {  	s21 =	simm.s32 $0xC00;
	[smem:$0x795] =	sst s20  }
0x39: {  	s22 =	simm.s32 $0xC80;
	[smem:$0x796] =	sst s21  }
0x3a: {  	s23 =	simm.s32 $0xD00;
	[smem:$0x797] =	sst s22  }
0x3b: {  	s24 =	simm.s32 $0xD80;
	[smem:$0x798] =	sst s23  }
0x3c: {  	s25 =	simm.s32 $0xE00;
	[smem:$0x799] =	sst s24  }
0x3d: {  	s26 =	simm.s32 $0xE80;
	[smem:$0x79A] =	sst s25  }
0x3e: {  	s28 =	simm.s32 $0xF00;
	[smem:$0x79B] =	sst s26  }
0x3f: {  	s1 =	simm.s32 $0xF80;
	[smem:$0x79C] =	sst s28  }
0x40: {  	s4 =	simm.s32 $0x1000;
	[smem:$0x79D] =	sst s1  }
0x41: {  	s5 =	simm.s32 $0x1080;
	[smem:$0x79E] =	sst s4  }
0x42: {  	s6 =	simm.s32 $0x1100;
	[smem:$0x79F] =	sst s5  }
0x43: {  	s7 =	simm.s32 $0x1180;
	[smem:$0x7A0] =	sst s6  }
0x44: {  	s9 =	simm.s32 $0x1200;
	[smem:$0x7A1] =	sst s7  }
0x45: {  	s10 =	simm.s32 $0x1280;
	[smem:$0x7A2] =	sst s9  }
0x46: {  	s11 =	simm.s32 $0x1300;
	[smem:$0x7A3] =	sst s10  }
0x47: {  	s12 =	simm.s32 $0x1380;
	[smem:$0x7A4] =	sst s11  }
0x48: {  	s13 =	simm.s32 $0x1400;
	[smem:$0x7A5] =	sst s12  }
0x49: {  	s14 =	simm.s32 $0x1480;
	[smem:$0x7A6] =	sst s13  }
0x4a: {  	s15 =	simm.s32 $0x1500;
	[smem:$0x7A7] =	sst s14  }
0x4b: {  	s16 =	simm.s32 $0x1580;
	[smem:$0x7A8] =	sst s15  }
0x4c: {  	s17 =	simm.s32 $0x1600;
	[smem:$0x7A9] =	sst s16  }
0x4d: {  	s18 =	simm.s32 $0x1680;
	[smem:$0x7AA] =	sst s17  }
0x4e: {  	s19 =	simm.s32 $0x1700;
	[smem:$0x7AB] =	sst s18  }
0x4f: {  	[smem:$0x7AC] =	sst s19;
	s20 =	simm.s32 $0x1780  }
0x50: {  	s21 =	simm.s32 $0x1800;
	[smem:$0x7AD] =	sst s20  }
0x51: {  	s22 =	simm.s32 $0x1880;
	[smem:$0x7AE] =	sst s21  }
0x52: {  	s23 =	simm.s32 $0x1900;
	[smem:$0x7AF] =	sst s22  }
0x53: {  	s24 =	simm.s32 $0x1980;
	[smem:$0x7B0] =	sst s23  }
0x54: {  	s25 =	simm.s32 $0x1A00;
	[smem:$0x7B1] =	sst s24  }
0x55: {  	s26 =	simm.s32 $0x1A80;
	[smem:$0x7B2] =	sst s25  }
0x56: {  	s28 =	simm.s32 $0x1B00;
	[smem:$0x7B3] =	sst s26  }
0x57: {  	s1 =	simm.s32 $0x1B80;
	[smem:$0x7B4] =	sst s28  }
0x58: {  	s4 =	simm.s32 $0x1C00;
	[smem:$0x7B5] =	sst s1  }
0x59: {  	s5 =	simm.s32 $0x1C80;
	[smem:$0x7B6] =	sst s4  }
0x5a: {  	s6 =	simm.s32 $0x1D00;
	[smem:$0x7B7] =	sst s5  }
0x5b: {  	s7 =	simm.s32 $0x1D80;
	[smem:$0x7B8] =	sst s6  }
0x5c: {  	s9 =	simm.s32 $0x1E00;
	[smem:$0x7B9] =	sst s7  }
0x5d: {  	s10 =	simm.s32 $0x1E80;
	[smem:$0x7BA] =	sst s9  }
0x5e: {  	s11 =	simm.s32 $0x1F00;
	[smem:$0x7BB] =	sst s10  }
0x5f: {  	s12 =	simm.s32 $0x1F80;
	[smem:$0x7BC] =	sst s11  }
0x60: {  	s13 =	simm.s32 $0x2000;
	[smem:$0x7BD] =	sst s12  }
0x61: {  	s14 =	simm.s32 $0x2080;
	[smem:$0x7BE] =	sst s13  }
0x62: {  	s15 =	simm.s32 $0x2100;
	[smem:$0x7BF] =	sst s14  }
0x63: {  	s16 =	simm.s32 $0x2180;
	[smem:$0x7C0] =	sst s15  }
0x64: {  	s17 =	simm.s32 $0x2200;
	[smem:$0x7C1] =	sst s16  }
0x65: {  	s18 =	simm.s32 $0x2280;
	[smem:$0x7C2] =	sst s17  }
0x66: {  	s19 =	simm.s32 $0x2300;
	[smem:$0x7C3] =	sst s18  }
0x67: {  	[smem:$0x7C4] =	sst s19;
	s20 =	simm.s32 $0x2380  }
0x68: {  	s21 =	simm.s32 $0x2400;
	[smem:$0x7C5] =	sst s20  }
0x69: {  	s22 =	simm.s32 $0x2480;
	[smem:$0x7C6] =	sst s21  }
0x6a: {  	s23 =	simm.s32 $0x2500;
	[smem:$0x7C7] =	sst s22  }
0x6b: {  	s24 =	simm.s32 $0x2580;
	[smem:$0x7C8] =	sst s23  }
0x6c: {  	s25 =	simm.s32 $0x2600;
	[smem:$0x7C9] =	sst s24  }
0x6d: {  	s26 =	simm.s32 $0x2680;
	[smem:$0x7CA] =	sst s25  }
0x6e: {  	s28 =	simm.s32 $0x2700;
	[smem:$0x7CB] =	sst s26  }
0x6f: {  	s1 =	simm.s32 $0x2780;
	[smem:$0x7CC] =	sst s28  }
0x70: {  	s5 =	sadd.s32 $0x1A4C00, s2;
	[smem:$0x7CD] =	sst s1  }
0x71: {  	s4 =	simm.s32 $0x2800;
	[smem:$0x7CE] =	sst s5  }
0x72: {  	s7 =	sadd.s32 $0x206800, s2;
	[smem:$0x7CF] =	sst s4  }
0x73: {  	s6 =	simm.s32 $0x2880;
	[smem:$0x7D0] =	sst s7  }
0x74: {  	s10 =	sadd.s32 $0x268400, s2;
	[smem:$0x7D1] =	sst s6  }
0x75: {  	s9 =	simm.s32 $0x2900;
	[smem:$0x7D2] =	sst s10  }
0x76: {  	s12 =	sadd.s32 $0x2CA000, s2;
	[smem:$0x7D3] =	sst s9  }
0x77: {  	s11 =	simm.s32 $0x2980;
	[smem:$0x7D4] =	sst s12  }
0x78: {  	s14 =	sadd.s32 $0x32BC00, s2;
	[smem:$0x7D5] =	sst s11  }
0x79: {  	s13 =	simm.s32 $0x2A00;
	[smem:$0x7D6] =	sst s14  }
0x7a: {  	s16 =	sadd.s32 $0x38D800, s2;
	[smem:$0x7D7] =	sst s13  }
0x7b: {  	s15 =	simm.s32 $0x2A80;
	[smem:$0x7D8] =	sst s16  }
0x7c: {  	s18 =	sadd.s32 $0x3EF400, s2;
	[smem:$0x7D9] =	sst s15  }
0x7d: {  	s17 =	simm.s32 $0x2B00;
	[smem:$0x7DA] =	sst s18  }
0x7e: {  	s19 =	simm.s32 $0x2B80;
	[smem:$0x7DB] =	sst s17  }
0x7f: {  	s20 =	sadd.s32 $0x451000, s2;
	[smem:$0x7DD] =	sst s19  }
0x80: {  	s22 =	sadd.s32 $0x4B2C00, s2;
	[smem:$0x7DC] =	sst s20  }
0x81: {  	s21 =	simm.s32 $0x2C00;
	[smem:$0x7DE] =	sst s22  }
0x82: {  	s24 =	sadd.s32 $0x514800, s2;
	[smem:$0x7DF] =	sst s21  }
0x83: {  	s23 =	simm.s32 $0x2C80;
	[smem:$0x7E0] =	sst s24  }
0x84: {  	s26 =	sadd.s32 $0x576400, s2;
	[smem:$0x7E1] =	sst s23  }
0x85: {  	s25 =	simm.s32 $0x2D00;
	[smem:$0x7E2] =	sst s26  }
0x86: {  	s28 =	simm.s32 $0x2D80;
	[smem:$0x7E3] =	sst s25  }
0x87: {  	s1 =	simm.s32 $0x2E80;
	[smem:$0x7E4] =	sst s28  }
0x88: {  	s5 =	simm.s32 $0x2F00;
	[smem:$0x7E6] =	sst s1  }
0x89: {  	p0 =	por $0x0, $0x0;
	s6 =	simm.s32 $0x2F80;
	[smem:$0x7E7] =	sst s5  }
0x8a: {  	s3 =	ssub.s32 $0x2, s3;
	s7 =	simm.s32 $0x3000;
	[smem:$0x7E8] =	sst s6  }
0x8b: {  	s30 =	sadd.s32 $0xACEC00, s2;
	s9 =	simm.s32 $0x3080;
	[smem:$0x7E9] =	sst s7  }
0x8c: {  	s29 =	sadd.s32 $0xB30800, s2;
	s10 =	simm.s32 $0x3100;
	[smem:$0x7EA] =	sst s9  }
0x8d: {  	s19 =	sadd.s32 $0x822800, s2;
	s11 =	simm.s32 $0x3180;
	[smem:$0x7EB] =	sst s10  }
0x8e: {  	s18 =	sadd.s32 $0x884400, s2;
	s12 =	simm.s32 $0x3200;
	[smem:$0x7EC] =	sst s11  }
0x8f: {  	s13 =	simm.s32 $0x3280;
	s16 =	sadd.s32 $0x947C00, s2;
	[smem:$0x7ED] =	sst s12  }
0x90: {  	s14 =	sadd.s32 $0x5D8000, s2;
	s24 =	sadd.s32 $0x639C00, s2;
	[smem:$0x7EE] =	sst s13  }
0x91: {  	s15 =	simm.s32 $0x3300;
	s23 =	sadd.s32 $0x69B800, s2;
	[smem:$0x7EF] =	sst s16  }
0x92: {  	s17 =	simm.s32 $0x3380;
	s22 =	sadd.s32 $0x6FD400, s2;
	[smem:$0x7F0] =	sst s15  }
0x93: {  	s4 =	simm.s32 $0x20;
	s20 =	sadd.s32 $0x7C0C00, s2;
	[smem:$0x7F1] =	sst s17  }
0x94: {  	s21 =	sadd.s32 $0x75F000, s2;
	s25 =	sadd.s32 $0x9A9800, s2;
	[smem:$0x7F6] =	sst s18  }
0x95: {  	s5 =	sshrl.u32 s3, $0x1;
	s26 =	sadd.s32 $0xA0B400, s2;
	[smem:$0x7F7] =	sst s19  }
0x96: {  	s28 =	sadd.s32 $0xA6D000, s2;
	s1 =	simm.s32 $0x200;
	[smem:$0x7FD] =	sst s14  }
0x97: {  	s2 =	simm.s32 $0x3;
	s10 =	simm.s32 $0x80;
	[smem:$0x7F2] =	sst s25  }
0x98: {  	s7 =	simm.s32 $0x3400;
	s3 =	ssub.s32 s3, s5;
	[smem:$0x7F3] =	sst s26  }
0x99: {  	s17 =	simm.s32 $0x4400;
	[smem:$0x7F4] =	sst s28;
	s3 =	smax.u32 s3, $0x1  }
0x9a: {  	s15 =	simm.s32 $0x5400;
	s26 =	rddreg [dreg:$0x3];
	p1 =	sne.s32 s3, $0x1  }
.Ltmp0:
0x9b: {  	s16 =	simm.s32 $0x6400;
	[smem:$0x7F8] =	sst s20;
	(pc) =	sbr.rel @!p1 .LBB2_1-.Ltmp0, $4  }
0x9c: {  	s13 =	simm.s32 $0x8400;
	s11 =	simm.s32 $0x9400;
	[smem:$0x7F9] =	sst s21  }
0x9d: {  	s12 =	simm.s32 $0xA400;
	s9 =	simm.s32 $0x1;
	[smem:$0x7FA] =	sst s22  }
0x9e: {  	s6 =	simm.s32 $0x2;
	s5 =	simm.s32 $0x340;
	[smem:$0x7FB] =	sst s23  }
0x9f: {  	[smem:$0x7FC] =	sst s24;
	s0 =	sadd.s32 $0xFFFFFFFF, s3;
	s3 =	simm.s32 $0x7400  }
0xa0: {  	s25 =	rddreg [dreg:$0x1e]  }
0xa1: {  	[tilespmem:s8], [sflag:$0x3] =	stream.strided.gather [hbm4b:s26+s1], $0x3400, s25, s1, $0x38;
	[tilespmem:$0xB400] =	vst v63  }
0xa2: {  	_ =	swait.ge [sflag:s2], $0x3400  }
0xa3: {  	s28 =	sld [smem:$0x7CE]  }
0xa4: {  	[sflag:s2] =	ssyncset.done $0x0  }
0xa5: {  	s25 =	simm.s32 $0x0;
	[sflag:s2] =	ssyncadd.s32 $0xFFFFCC00  }
0xa6: {  	[tilespmem:s7], [sflag:$0x1] =	stream.indirect.gather [hbm4b:s28+s10], $0x20, s25, s10, $0xb8;
	[tilespmem:$0xB400] =	vst v63  }
0xa7: {  	s26 =	rddreg [dreg:$0x1f]  }
0xa8: {  	[tilespmem:s17], [sflag:$0x1] =	stream.indirect.gather [hbm4b:s28+s10], $0x20, s10, s10, $0xb8;
	[tilespmem:$0xB400] =	vst v63  }
0xa9: {  	s1 =	sld [smem:$0x782]  }
0xaa: {  	[tilespmem:s15], [sflag:$0x1] =	stream.indirect.gather [hbm4b:s28+s10], $0x20, s26, s10, $0xb8;
	[tilespmem:$0xB400] =	vst v63  }
0xab: {  	_ = 	snop  }
0xac: {  	[tilespmem:s16], [sflag:$0x1] =	stream.indirect.gather [hbm4b:s28+s10], $0x20, s1, s10, $0xb8;
	[tilespmem:$0xB400] =	vst v63  }
0xad: {  	s1 =	sld [smem:$0x7D0];
	_ =	sdelay $0x1  }
0xae: {  	s8 =	simm.s32 $0x200;
	s26 =	sld [smem:$0x783]  }
0xaf: {  	[tilespmem:s3], [sflag:$0x2] =	stream.indirect.gather [hbm4b:s1+s10], $0x20, s8, s10, $0xb8;
	[tilespmem:$0xB400] =	vst v63  }
0xb0: {  	s28 =	sld [smem:$0x784]  }
0xb1: {  	[tilespmem:s13], [sflag:$0x2] =	stream.indirect.gather [hbm4b:s1+s10], $0x20, s26, s10, $0xb8;
	[tilespmem:$0xB400] =	vst v63  }
0xb2: {  	s8 =	sld [smem:$0x785]  }
0xb3: {  	[tilespmem:s11], [sflag:$0x2] =	stream.indirect.gather [hbm4b:s1+s10], $0x20, s28, s10, $0xb8;
	[tilespmem:$0xB400] =	vst v63  }
0xb4: {  	_ = 	snop  }
0xb5: {  	[tilespmem:s12], [sflag:$0x2] =	stream.indirect.gather [hbm4b:s1+s10], $0x20, s8, s10, $0xb8;
	[tilespmem:$0xB400] =	vst v63  }
0xb6: {  	_ =	swait.ge [sflag:s9], $0x1000  }
0xb7: {  	[sflag:s9] =	ssyncset.done $0x0  }
0xb8: {  	[sflag:s9] =	ssyncadd.s32 $0xFFFFF000  }
0xb9: {  	_ =	swait.ge [sflag:s9], $0x1000  }
0xba: {  	[sflag:s9] =	ssyncset.done $0x0  }
0xbb: {  	[sflag:s9] =	ssyncadd.s32 $0xFFFFF000  }
0xbc: {  	_ =	swait.ge [sflag:s9], $0x1000  }
0xbd: {  	[sflag:s9] =	ssyncset.done $0x0  }
0xbe: {  	[sflag:s9] =	ssyncadd.s32 $0xFFFFF000  }
0xbf: {  	_ =	swait.ge [sflag:s9], $0x1000  }
0xc0: {  	[sflag:s9] =	ssyncset.done $0x0  }
0xc1: {  	s26 =	rddreg [dreg:$0x4];
	[sflag:s9] =	ssyncadd.s32 $0xFFFFF000  }
0xc2: {  	[hbm4b:s26+s4] =	stream.strided.scatter [tilespmem:s7], [sflag:$0x3], $0x4000, s5, s4, $0x38;
	[tilespmem:$0xB400] =	vst v63  }
0xc3: {  	_ =	swait.ge [sflag:s2], $0x4000  }
0xc4: {  	s28 =	sld [smem:$0x786]  }
0xc5: {  	s8 =	sld [smem:$0x7D2]  }
0xc6: {  	[sflag:s2] =	ssyncset.done $0x0  }
0xc7: {  	s1 =	sld [smem:$0x787];
	[sflag:s2] =	ssyncadd.s32 $0xFFFFC000  }
0xc8: {  	[tilespmem:s7], [sflag:$0x1] =	stream.indirect.gather [hbm4b:s8+s10], $0x20, s28, s10, $0xb8;
	[tilespmem:$0xB400] =	vst v63  }
0xc9: {  	s28 =	sld [smem:$0x788]  }
0xca: {  	[tilespmem:s17], [sflag:$0x1] =	stream.indirect.gather [hbm4b:s8+s10], $0x20, s1, s10, $0xb8;
	[tilespmem:$0xB400] =	vst v63  }
0xcb: {  	s26 =	sld [smem:$0x789]  }
0xcc: {  	[tilespmem:s15], [sflag:$0x1] =	stream.indirect.gather [hbm4b:s8+s10], $0x20, s28, s10, $0xb8;
	[tilespmem:$0xB400] =	vst v63  }
0xcd: {  	_ = 	snop  }
0xce: {  	[tilespmem:s16], [sflag:$0x1] =	stream.indirect.gather [hbm4b:s8+s10], $0x20, s26, s10, $0xb8;
	[tilespmem:$0xB400] =	vst v63  }
0xcf: {  	_ =	swait.ge [sflag:s6], $0x1000  }
0xd0: {  	[sflag:s6] =	ssyncset.done $0x0  }
0xd1: {  	[sflag:s6] =	ssyncadd.s32 $0xFFFFF000  }
0xd2: {  	_ =	swait.ge [sflag:s6], $0x1000  }
0xd3: {  	[sflag:s6] =	ssyncset.done $0x0  }
0xd4: {  	[sflag:s6] =	ssyncadd.s32 $0xFFFFF000  }
0xd5: {  	_ =	swait.ge [sflag:s6], $0x1000  }
0xd6: {  	[sflag:s6] =	ssyncset.done $0x0  }
0xd7: {  	[sflag:s6] =	ssyncadd.s32 $0xFFFFF000  }
0xd8: {  	_ =	swait.ge [sflag:s6], $0x1000  }
0xd9: {  	[sflag:s6] =	ssyncset.done $0x0  }
0xda: {  	s8 =	rddreg [dreg:$0x5];
	[sflag:s6] =	ssyncadd.s32 $0xFFFFF000  }
0xdb: {  	[hbm4b:s8+s4] =	stream.strided.scatter [tilespmem:s3], [sflag:$0x3], $0x4000, s5, s4, $0x38;
	[tilespmem:$0xB400] =	vst v63  }
0xdc: {  	_ =	swait.ge [sflag:s2], $0x4000  }
0xdd: {  	s26 =	sld [smem:$0x78A]  }
0xde: {  	s1 =	sld [smem:$0x7D4]  }
0xdf: {  	[sflag:s2] =	ssyncset.done $0x0  }
0xe0: {  	s28 =	sld [smem:$0x78B];
	[sflag:s2] =	ssyncadd.s32 $0xFFFFC000  }
0xe1: {  	[tilespmem:s3], [sflag:$0x2] =	stream.indirect.gather [hbm4b:s1+s10], $0x20, s26, s10, $0xb8;
	[tilespmem:$0xB400] =	vst v63  }
0xe2: {  	s8 =	sld [smem:$0x78C]  }
0xe3: {  	[tilespmem:s13], [sflag:$0x2] =	stream.indirect.gather [hbm4b:s1+s10], $0x20, s28, s10, $0xb8;
	[tilespmem:$0xB400] =	vst v63  }
0xe4: {  	s28 =	sld [smem:$0x78D]  }
0xe5: {  	[tilespmem:s11], [sflag:$0x2] =	stream.indirect.gather [hbm4b:s1+s10], $0x20, s8, s10, $0xb8;
	[tilespmem:$0xB400] =	vst v63  }
0xe6: {  	_ = 	snop  }
0xe7: {  	[tilespmem:s12], [sflag:$0x2] =	stream.indirect.gather [hbm4b:s1+s10], $0x20, s28, s10, $0xb8;
	[tilespmem:$0xB400] =	vst v63  }
0xe8: {  	_ =	swait.ge [sflag:s9], $0x1000  }
0xe9: {  	[sflag:s9] =	ssyncset.done $0x0  }
0xea: {  	[sflag:s9] =	ssyncadd.s32 $0xFFFFF000  }
0xeb: {  	_ =	swait.ge [sflag:s9], $0x1000  }
0xec: {  	[sflag:s9] =	ssyncset.done $0x0  }
0xed: {  	[sflag:s9] =	ssyncadd.s32 $0xFFFFF000  }
0xee: {  	_ =	swait.ge [sflag:s9], $0x1000  }
0xef: {  	[sflag:s9] =	ssyncset.done $0x0  }
0xf0: {  	[sflag:s9] =	ssyncadd.s32 $0xFFFFF000  }
0xf1: {  	_ =	swait.ge [sflag:s9], $0x1000  }
0xf2: {  	[sflag:s9] =	ssyncset.done $0x0  }
0xf3: {  	s8 =	rddreg [dreg:$0x6];
	[sflag:s9] =	ssyncadd.s32 $0xFFFFF000  }
0xf4: {  	[hbm4b:s8+s4] =	stream.strided.scatter [tilespmem:s7], [sflag:$0x3], $0x4000, s5, s4, $0x38;
	[tilespmem:$0xB400] =	vst v63  }
0xf5: {  	_ =	swait.ge [sflag:s2], $0x4000  }
0xf6: {  	s26 =	sld [smem:$0x78E]  }
0xf7: {  	s1 =	sld [smem:$0x7D6]  }
0xf8: {  	[sflag:s2] =	ssyncset.done $0x0  }
0xf9: {  	s28 =	sld [smem:$0x78F];
	[sflag:s2] =	ssyncadd.s32 $0xFFFFC000  }
0xfa: {  	[tilespmem:s7], [sflag:$0x1] =	stream.indirect.gather [hbm4b:s1+s10], $0x20, s26, s10, $0xb8;
	[tilespmem:$0xB400] =	vst v63  }
0xfb: {  	s8 =	sld [smem:$0x790]  }
0xfc: {  	[tilespmem:s17], [sflag:$0x1] =	stream.indirect.gather [hbm4b:s1+s10], $0x20, s28, s10, $0xb8;
	[tilespmem:$0xB400] =	vst v63  }
0xfd: {  	s28 =	sld [smem:$0x791]  }
0xfe: {  	[tilespmem:s15], [sflag:$0x1] =	stream.indirect.gather [hbm4b:s1+s10], $0x20, s8, s10, $0xb8;
	[tilespmem:$0xB400] =	vst v63  }
0xff: {  	_ = 	snop  }
0x100: {  	[tilespmem:s16], [sflag:$0x1] =	stream.indirect.gather [hbm4b:s1+s10], $0x20, s28, s10, $0xb8;
	[tilespmem:$0xB400] =	vst v63  }
0x101: {  	_ =	swait.ge [sflag:s6], $0x1000  }
0x102: {  	[sflag:s6] =	ssyncset.done $0x0  }
0x103: {  	[sflag:s6] =	ssyncadd.s32 $0xFFFFF000  }
0x104: {  	_ =	swait.ge [sflag:s6], $0x1000  }
0x105: {  	[sflag:s6] =	ssyncset.done $0x0  }
0x106: {  	[sflag:s6] =	ssyncadd.s32 $0xFFFFF000  }
0x107: {  	_ =	swait.ge [sflag:s6], $0x1000  }
0x108: {  	[sflag:s6] =	ssyncset.done $0x0  }
0x109: {  	[sflag:s6] =	ssyncadd.s32 $0xFFFFF000  }
0x10a: {  	_ =	swait.ge [sflag:s6], $0x1000  }
0x10b: {  	[sflag:s6] =	ssyncset.done $0x0  }
0x10c: {  	s8 =	rddreg [dreg:$0x7];
	[sflag:s6] =	ssyncadd.s32 $0xFFFFF000  }
0x10d: {  	[hbm4b:s8+s4] =	stream.strided.scatter [tilespmem:s3], [sflag:$0x3], $0x4000, s5, s4, $0x38;
	[tilespmem:$0xB400] =	vst v63  }
0x10e: {  	_ =	swait.ge [sflag:s2], $0x4000  }
0x10f: {  	s26 =	sld [smem:$0x792]  }
0x110: {  	s1 =	sld [smem:$0x7D8]  }
0x111: {  	[sflag:s2] =	ssyncset.done $0x0  }
0x112: {  	s28 =	sld [smem:$0x793];
	[sflag:s2] =	ssyncadd.s32 $0xFFFFC000  }
0x113: {  	[tilespmem:s3], [sflag:$0x2] =	stream.indirect.gather [hbm4b:s1+s10], $0x20, s26, s10, $0xb8;
	[tilespmem:$0xB400] =	vst v63  }
0x114: {  	s8 =	sld [smem:$0x794]  }
0x115: {  	[tilespmem:s13], [sflag:$0x2] =	stream.indirect.gather [hbm4b:s1+s10], $0x20, s28, s10, $0xb8;
	[tilespmem:$0xB400] =	vst v63  }
0x116: {  	s28 =	sld [smem:$0x795]  }
0x117: {  	[tilespmem:s11], [sflag:$0x2] =	stream.indirect.gather [hbm4b:s1+s10], $0x20, s8, s10, $0xb8;
	[tilespmem:$0xB400] =	vst v63  }
0x118: {  	_ = 	snop  }
0x119: {  	[tilespmem:s12], [sflag:$0x2] =	stream.indirect.gather [hbm4b:s1+s10], $0x20, s28, s10, $0xb8;
	[tilespmem:$0xB400] =	vst v63  }
0x11a: {  	_ =	swait.ge [sflag:s9], $0x1000  }
0x11b: {  	[sflag:s9] =	ssyncset.done $0x0  }
0x11c: {  	[sflag:s9] =	ssyncadd.s32 $0xFFFFF000  }
0x11d: {  	_ =	swait.ge [sflag:s9], $0x1000  }
0x11e: {  	[sflag:s9] =	ssyncset.done $0x0  }
0x11f: {  	[sflag:s9] =	ssyncadd.s32 $0xFFFFF000  }
0x120: {  	_ =	swait.ge [sflag:s9], $0x1000  }
0x121: {  	[sflag:s9] =	ssyncset.done $0x0  }
0x122: {  	[sflag:s9] =	ssyncadd.s32 $0xFFFFF000  }
0x123: {  	_ =	swait.ge [sflag:s9], $0x1000  }
0x124: {  	[sflag:s9] =	ssyncset.done $0x0  }
0x125: {  	s8 =	rddreg [dreg:$0x8];
	[sflag:s9] =	ssyncadd.s32 $0xFFFFF000  }
0x126: {  	[hbm4b:s8+s4] =	stream.strided.scatter [tilespmem:s7], [sflag:$0x3], $0x4000, s5, s4, $0x38;
	[tilespmem:$0xB400] =	vst v63  }
0x127: {  	_ =	swait.ge [sflag:s2], $0x4000  }
0x128: {  	s26 =	sld [smem:$0x796]  }
0x129: {  	s1 =	sld [smem:$0x7DA]  }
0x12a: {  	[sflag:s2] =	ssyncset.done $0x0  }
0x12b: {  	s28 =	sld [smem:$0x797];
	[sflag:s2] =	ssyncadd.s32 $0xFFFFC000  }
0x12c: {  	[tilespmem:s7], [sflag:$0x1] =	stream.indirect.gather [hbm4b:s1+s10], $0x20, s26, s10, $0xb8;
	[tilespmem:$0xB400] =	vst v63  }
0x12d: {  	s8 =	sld [smem:$0x798]  }
0x12e: {  	[tilespmem:s17], [sflag:$0x1] =	stream.indirect.gather [hbm4b:s1+s10], $0x20, s28, s10, $0xb8;
	[tilespmem:$0xB400] =	vst v63  }
0x12f: {  	s28 =	sld [smem:$0x799]  }
0x130: {  	[tilespmem:s15], [sflag:$0x1] =	stream.indirect.gather [hbm4b:s1+s10], $0x20, s8, s10, $0xb8;
	[tilespmem:$0xB400] =	vst v63  }
0x131: {  	_ = 	snop  }
0x132: {  	[tilespmem:s16], [sflag:$0x1] =	stream.indirect.gather [hbm4b:s1+s10], $0x20, s28, s10, $0xb8;
	[tilespmem:$0xB400] =	vst v63  }
0x133: {  	_ =	swait.ge [sflag:s6], $0x1000  }
0x134: {  	[sflag:s6] =	ssyncset.done $0x0  }
0x135: {  	[sflag:s6] =	ssyncadd.s32 $0xFFFFF000  }
0x136: {  	_ =	swait.ge [sflag:s6], $0x1000  }
0x137: {  	[sflag:s6] =	ssyncset.done $0x0  }
0x138: {  	[sflag:s6] =	ssyncadd.s32 $0xFFFFF000  }
0x139: {  	_ =	swait.ge [sflag:s6], $0x1000  }
0x13a: {  	[sflag:s6] =	ssyncset.done $0x0  }
0x13b: {  	[sflag:s6] =	ssyncadd.s32 $0xFFFFF000  }
0x13c: {  	_ =	swait.ge [sflag:s6], $0x1000  }
0x13d: {  	[sflag:s6] =	ssyncset.done $0x0  }
0x13e: {  	s8 =	rddreg [dreg:$0x9];
	[sflag:s6] =	ssyncadd.s32 $0xFFFFF000  }
0x13f: {  	[hbm4b:s8+s4] =	stream.strided.scatter [tilespmem:s3], [sflag:$0x3], $0x4000, s5, s4, $0x38;
	[tilespmem:$0xB400] =	vst v63  }
0x140: {  	_ =	swait.ge [sflag:s2], $0x4000  }
0x141: {  	s26 =	sld [smem:$0x79A]  }
0x142: {  	s1 =	sld [smem:$0x7DC]  }
0x143: {  	[sflag:s2] =	ssyncset.done $0x0  }
0x144: {  	s28 =	sld [smem:$0x79B];
	[sflag:s2] =	ssyncadd.s32 $0xFFFFC000  }
0x145: {  	[tilespmem:s3], [sflag:$0x2] =	stream.indirect.gather [hbm4b:s1+s10], $0x20, s26, s10, $0xb8;
	[tilespmem:$0xB400] =	vst v63  }
0x146: {  	s8 =	sld [smem:$0x79C]  }
0x147: {  	[tilespmem:s13], [sflag:$0x2] =	stream.indirect.gather [hbm4b:s1+s10], $0x20, s28, s10, $0xb8;
	[tilespmem:$0xB400] =	vst v63  }
0x148: {  	s28 =	sld [smem:$0x79D]  }
0x149: {  	[tilespmem:s11], [sflag:$0x2] =	stream.indirect.gather [hbm4b:s1+s10], $0x20, s8, s10, $0xb8;
	[tilespmem:$0xB400] =	vst v63  }
0x14a: {  	_ = 	snop  }
0x14b: {  	[tilespmem:s12], [sflag:$0x2] =	stream.indirect.gather [hbm4b:s1+s10], $0x20, s28, s10, $0xb8;
	[tilespmem:$0xB400] =	vst v63  }
0x14c: {  	_ =	swait.ge [sflag:s9], $0x1000  }
0x14d: {  	[sflag:s9] =	ssyncset.done $0x0  }
0x14e: {  	[sflag:s9] =	ssyncadd.s32 $0xFFFFF000  }
0x14f: {  	_ =	swait.ge [sflag:s9], $0x1000  }
0x150: {  	[sflag:s9] =	ssyncset.done $0x0  }
0x151: {  	[sflag:s9] =	ssyncadd.s32 $0xFFFFF000  }
0x152: {  	_ =	swait.ge [sflag:s9], $0x1000  }
0x153: {  	[sflag:s9] =	ssyncset.done $0x0  }
0x154: {  	[sflag:s9] =	ssyncadd.s32 $0xFFFFF000  }
0x155: {  	_ =	swait.ge [sflag:s9], $0x1000  }
0x156: {  	[sflag:s9] =	ssyncset.done $0x0  }
0x157: {  	s8 =	rddreg [dreg:$0xa];
	[sflag:s9] =	ssyncadd.s32 $0xFFFFF000  }
0x158: {  	[hbm4b:s8+s4] =	stream.strided.scatter [tilespmem:s7], [sflag:$0x3], $0x4000, s5, s4, $0x38;
	[tilespmem:$0xB400] =	vst v63  }
0x159: {  	_ =	swait.ge [sflag:s2], $0x4000  }
0x15a: {  	s26 =	sld [smem:$0x79E]  }
0x15b: {  	s1 =	sld [smem:$0x7DE]  }
0x15c: {  	[sflag:s2] =	ssyncset.done $0x0  }
0x15d: {  	s28 =	sld [smem:$0x79F];
	[sflag:s2] =	ssyncadd.s32 $0xFFFFC000  }
0x15e: {  	[tilespmem:s7], [sflag:$0x1] =	stream.indirect.gather [hbm4b:s1+s10], $0x20, s26, s10, $0xb8;
	[tilespmem:$0xB400] =	vst v63  }
0x15f: {  	s8 =	sld [smem:$0x7A0]  }
0x160: {  	[tilespmem:s17], [sflag:$0x1] =	stream.indirect.gather [hbm4b:s1+s10], $0x20, s28, s10, $0xb8;
	[tilespmem:$0xB400] =	vst v63  }
0x161: {  	s28 =	sld [smem:$0x7A1]  }
0x162: {  	[tilespmem:s15], [sflag:$0x1] =	stream.indirect.gather [hbm4b:s1+s10], $0x20, s8, s10, $0xb8;
	[tilespmem:$0xB400] =	vst v63  }
0x163: {  	_ = 	snop  }
0x164: {  	[tilespmem:s16], [sflag:$0x1] =	stream.indirect.gather [hbm4b:s1+s10], $0x20, s28, s10, $0xb8;
	[tilespmem:$0xB400] =	vst v63  }
0x165: {  	_ =	swait.ge [sflag:s6], $0x1000  }
0x166: {  	[sflag:s6] =	ssyncset.done $0x0  }
0x167: {  	[sflag:s6] =	ssyncadd.s32 $0xFFFFF000  }
0x168: {  	_ =	swait.ge [sflag:s6], $0x1000  }
0x169: {  	[sflag:s6] =	ssyncset.done $0x0  }
0x16a: {  	[sflag:s6] =	ssyncadd.s32 $0xFFFFF000  }
0x16b: {  	_ =	swait.ge [sflag:s6], $0x1000  }
0x16c: {  	[sflag:s6] =	ssyncset.done $0x0  }
0x16d: {  	[sflag:s6] =	ssyncadd.s32 $0xFFFFF000  }
0x16e: {  	_ =	swait.ge [sflag:s6], $0x1000  }
0x16f: {  	[sflag:s6] =	ssyncset.done $0x0  }
0x170: {  	s8 =	rddreg [dreg:$0xb];
	[sflag:s6] =	ssyncadd.s32 $0xFFFFF000  }
0x171: {  	[hbm4b:s8+s4] =	stream.strided.scatter [tilespmem:s3], [sflag:$0x3], $0x4000, s5, s4, $0x38;
	[tilespmem:$0xB400] =	vst v63  }
0x172: {  	_ =	swait.ge [sflag:s2], $0x4000  }
0x173: {  	s26 =	sld [smem:$0x7A2]  }
0x174: {  	s1 =	sld [smem:$0x7E0]  }
0x175: {  	[sflag:s2] =	ssyncset.done $0x0  }
0x176: {  	s28 =	sld [smem:$0x7A3];
	[sflag:s2] =	ssyncadd.s32 $0xFFFFC000  }
0x177: {  	[tilespmem:s3], [sflag:$0x2] =	stream.indirect.gather [hbm4b:s1+s10], $0x20, s26, s10, $0xb8;
	[tilespmem:$0xB400] =	vst v63  }
0x178: {  	s8 =	sld [smem:$0x7A4]  }
0x179: {  	[tilespmem:s13], [sflag:$0x2] =	stream.indirect.gather [hbm4b:s1+s10], $0x20, s28, s10, $0xb8;
	[tilespmem:$0xB400] =	vst v63  }
0x17a: {  	s28 =	sld [smem:$0x7A5]  }
0x17b: {  	[tilespmem:s11], [sflag:$0x2] =	stream.indirect.gather [hbm4b:s1+s10], $0x20, s8, s10, $0xb8;
	[tilespmem:$0xB400] =	vst v63  }
0x17c: {  	_ = 	snop  }
0x17d: {  	[tilespmem:s12], [sflag:$0x2] =	stream.indirect.gather [hbm4b:s1+s10], $0x20, s28, s10, $0xb8;
	[tilespmem:$0xB400] =	vst v63  }
0x17e: {  	_ =	swait.ge [sflag:s9], $0x1000  }
0x17f: {  	[sflag:s9] =	ssyncset.done $0x0  }
0x180: {  	[sflag:s9] =	ssyncadd.s32 $0xFFFFF000  }
0x181: {  	_ =	swait.ge [sflag:s9], $0x1000  }
0x182: {  	[sflag:s9] =	ssyncset.done $0x0  }
0x183: {  	[sflag:s9] =	ssyncadd.s32 $0xFFFFF000  }
0x184: {  	_ =	swait.ge [sflag:s9], $0x1000  }
0x185: {  	[sflag:s9] =	ssyncset.done $0x0  }
0x186: {  	[sflag:s9] =	ssyncadd.s32 $0xFFFFF000  }
0x187: {  	_ =	swait.ge [sflag:s9], $0x1000  }
0x188: {  	[sflag:s9] =	ssyncset.done $0x0  }
0x189: {  	s8 =	rddreg [dreg:$0xc];
	[sflag:s9] =	ssyncadd.s32 $0xFFFFF000  }
0x18a: {  	[hbm4b:s8+s4] =	stream.strided.scatter [tilespmem:s7], [sflag:$0x3], $0x4000, s5, s4, $0x38;
	[tilespmem:$0xB400] =	vst v63  }
0x18b: {  	_ =	swait.ge [sflag:s2], $0x4000  }
0x18c: {  	s26 =	sld [smem:$0x7A6]  }
0x18d: {  	s1 =	sld [smem:$0x7E2]  }
0x18e: {  	[sflag:s2] =	ssyncset.done $0x0  }
0x18f: {  	s28 =	sld [smem:$0x7A7];
	[sflag:s2] =	ssyncadd.s32 $0xFFFFC000  }
0x190: {  	[tilespmem:s7], [sflag:$0x1] =	stream.indirect.gather [hbm4b:s1+s10], $0x20, s26, s10, $0xb8;
	[tilespmem:$0xB400] =	vst v63  }
0x191: {  	s8 =	sld [smem:$0x7A8]  }
0x192: {  	[tilespmem:s17], [sflag:$0x1] =	stream.indirect.gather [hbm4b:s1+s10], $0x20, s28, s10, $0xb8;
	[tilespmem:$0xB400] =	vst v63  }
0x193: {  	s28 =	sld [smem:$0x7A9]  }
0x194: {  	[tilespmem:s15], [sflag:$0x1] =	stream.indirect.gather [hbm4b:s1+s10], $0x20, s8, s10, $0xb8;
	[tilespmem:$0xB400] =	vst v63  }
0x195: {  	_ = 	snop  }
0x196: {  	[tilespmem:s16], [sflag:$0x1] =	stream.indirect.gather [hbm4b:s1+s10], $0x20, s28, s10, $0xb8;
	[tilespmem:$0xB400] =	vst v63  }
0x197: {  	_ =	swait.ge [sflag:s6], $0x1000  }
0x198: {  	[sflag:s6] =	ssyncset.done $0x0  }
0x199: {  	[sflag:s6] =	ssyncadd.s32 $0xFFFFF000  }
0x19a: {  	_ =	swait.ge [sflag:s6], $0x1000  }
0x19b: {  	[sflag:s6] =	ssyncset.done $0x0  }
0x19c: {  	[sflag:s6] =	ssyncadd.s32 $0xFFFFF000  }
0x19d: {  	_ =	swait.ge [sflag:s6], $0x1000  }
0x19e: {  	[sflag:s6] =	ssyncset.done $0x0  }
0x19f: {  	[sflag:s6] =	ssyncadd.s32 $0xFFFFF000  }
0x1a0: {  	_ =	swait.ge [sflag:s6], $0x1000  }
0x1a1: {  	[sflag:s6] =	ssyncset.done $0x0  }
0x1a2: {  	s8 =	rddreg [dreg:$0xd];
	[sflag:s6] =	ssyncadd.s32 $0xFFFFF000  }
0x1a3: {  	[hbm4b:s8+s4] =	stream.strided.scatter [tilespmem:s3], [sflag:$0x3], $0x4000, s5, s4, $0x38;
	[tilespmem:$0xB400] =	vst v63  }
0x1a4: {  	_ =	swait.ge [sflag:s2], $0x4000  }
0x1a5: {  	s26 =	sld [smem:$0x7AA]  }
0x1a6: {  	[sflag:s2] =	ssyncset.done $0x0  }
0x1a7: {  	s28 =	sld [smem:$0x7AB];
	[sflag:s2] =	ssyncadd.s32 $0xFFFFC000  }
0x1a8: {  	[tilespmem:s3], [sflag:$0x2] =	stream.indirect.gather [hbm4b:s14+s10], $0x20, s26, s10, $0xb8;
	[tilespmem:$0xB400] =	vst v63  }
0x1a9: {  	s1 =	sld [smem:$0x7AC]  }
0x1aa: {  	[tilespmem:s13], [sflag:$0x2] =	stream.indirect.gather [hbm4b:s14+s10], $0x20, s28, s10, $0xb8;
	[tilespmem:$0xB400] =	vst v63  }
0x1ab: {  	s8 =	sld [smem:$0x7AD]  }
0x1ac: {  	[tilespmem:s11], [sflag:$0x2] =	stream.indirect.gather [hbm4b:s14+s10], $0x20, s1, s10, $0xb8;
	[tilespmem:$0xB400] =	vst v63  }
0x1ad: {  	_ = 	snop  }
0x1ae: {  	[tilespmem:s12], [sflag:$0x2] =	stream.indirect.gather [hbm4b:s14+s10], $0x20, s8, s10, $0xb8;
	[tilespmem:$0xB400] =	vst v63  }
0x1af: {  	_ =	swait.ge [sflag:s9], $0x1000  }
0x1b0: {  	[sflag:s9] =	ssyncset.done $0x0  }
0x1b1: {  	[sflag:s9] =	ssyncadd.s32 $0xFFFFF000  }
0x1b2: {  	_ =	swait.ge [sflag:s9], $0x1000  }
0x1b3: {  	[sflag:s9] =	ssyncset.done $0x0  }
0x1b4: {  	[sflag:s9] =	ssyncadd.s32 $0xFFFFF000  }
0x1b5: {  	_ =	swait.ge [sflag:s9], $0x1000  }
0x1b6: {  	[sflag:s9] =	ssyncset.done $0x0  }
0x1b7: {  	[sflag:s9] =	ssyncadd.s32 $0xFFFFF000  }
0x1b8: {  	_ =	swait.ge [sflag:s9], $0x1000  }
0x1b9: {  	[sflag:s9] =	ssyncset.done $0x0  }
0x1ba: {  	s28 =	rddreg [dreg:$0xe];
	[sflag:s9] =	ssyncadd.s32 $0xFFFFF000  }
0x1bb: {  	[hbm4b:s28+s4] =	stream.strided.scatter [tilespmem:s7], [sflag:$0x3], $0x4000, s5, s4, $0x38;
	[tilespmem:$0xB400] =	vst v63  }
0x1bc: {  	_ =	swait.ge [sflag:s2], $0x4000  }
0x1bd: {  	s1 =	sld [smem:$0x7AE]  }
0x1be: {  	[sflag:s2] =	ssyncset.done $0x0  }
0x1bf: {  	s8 =	sld [smem:$0x7AF];
	[sflag:s2] =	ssyncadd.s32 $0xFFFFC000  }
0x1c0: {  	[tilespmem:s7], [sflag:$0x1] =	stream.indirect.gather [hbm4b:s24+s10], $0x20, s1, s10, $0xb8;
	[tilespmem:$0xB400] =	vst v63  }
0x1c1: {  	s28 =	sld [smem:$0x7B0]  }
0x1c2: {  	[tilespmem:s17], [sflag:$0x1] =	stream.indirect.gather [hbm4b:s24+s10], $0x20, s8, s10, $0xb8;
	[tilespmem:$0xB400] =	vst v63  }
0x1c3: {  	s1 =	sld [smem:$0x7B1]  }
0x1c4: {  	[tilespmem:s15], [sflag:$0x1] =	stream.indirect.gather [hbm4b:s24+s10], $0x20, s28, s10, $0xb8;
	[tilespmem:$0xB400] =	vst v63  }
0x1c5: {  	_ = 	snop  }
0x1c6: {  	[tilespmem:s16], [sflag:$0x1] =	stream.indirect.gather [hbm4b:s24+s10], $0x20, s1, s10, $0xb8;
	[tilespmem:$0xB400] =	vst v63  }
0x1c7: {  	_ =	swait.ge [sflag:s6], $0x1000  }
0x1c8: {  	[sflag:s6] =	ssyncset.done $0x0  }
0x1c9: {  	[sflag:s6] =	ssyncadd.s32 $0xFFFFF000  }
0x1ca: {  	_ =	swait.ge [sflag:s6], $0x1000  }
0x1cb: {  	[sflag:s6] =	ssyncset.done $0x0  }
0x1cc: {  	[sflag:s6] =	ssyncadd.s32 $0xFFFFF000  }
0x1cd: {  	_ =	swait.ge [sflag:s6], $0x1000  }
0x1ce: {  	[sflag:s6] =	ssyncset.done $0x0  }
0x1cf: {  	[sflag:s6] =	ssyncadd.s32 $0xFFFFF000  }
0x1d0: {  	_ =	swait.ge [sflag:s6], $0x1000  }
0x1d1: {  	[sflag:s6] =	ssyncset.done $0x0  }
0x1d2: {  	s8 =	rddreg [dreg:$0xf];
	[sflag:s6] =	ssyncadd.s32 $0xFFFFF000  }
0x1d3: {  	[hbm4b:s8+s4] =	stream.strided.scatter [tilespmem:s3], [sflag:$0x3], $0x4000, s5, s4, $0x38;
	[tilespmem:$0xB400] =	vst v63  }
0x1d4: {  	_ =	swait.ge [sflag:s2], $0x4000  }
0x1d5: {  	s26 =	sld [smem:$0x7B2]  }
0x1d6: {  	[sflag:s2] =	ssyncset.done $0x0  }
0x1d7: {  	s28 =	sld [smem:$0x7B3];
	[sflag:s2] =	ssyncadd.s32 $0xFFFFC000  }
0x1d8: {  	[tilespmem:s3], [sflag:$0x2] =	stream.indirect.gather [hbm4b:s23+s10], $0x20, s26, s10, $0xb8;
	[tilespmem:$0xB400] =	vst v63  }
0x1d9: {  	s1 =	sld [smem:$0x7B4]  }
0x1da: {  	[tilespmem:s13], [sflag:$0x2] =	stream.indirect.gather [hbm4b:s23+s10], $0x20, s28, s10, $0xb8;
	[tilespmem:$0xB400] =	vst v63  }
0x1db: {  	s8 =	sld [smem:$0x7B5]  }
0x1dc: {  	[tilespmem:s11], [sflag:$0x2] =	stream.indirect.gather [hbm4b:s23+s10], $0x20, s1, s10, $0xb8;
	[tilespmem:$0xB400] =	vst v63  }
0x1dd: {  	_ = 	snop  }
0x1de: {  	[tilespmem:s12], [sflag:$0x2] =	stream.indirect.gather [hbm4b:s23+s10], $0x20, s8, s10, $0xb8;
	[tilespmem:$0xB400] =	vst v63  }
0x1df: {  	_ =	swait.ge [sflag:s9], $0x1000  }
0x1e0: {  	[sflag:s9] =	ssyncset.done $0x0  }
0x1e1: {  	[sflag:s9] =	ssyncadd.s32 $0xFFFFF000  }
0x1e2: {  	_ =	swait.ge [sflag:s9], $0x1000  }
0x1e3: {  	[sflag:s9] =	ssyncset.done $0x0  }
0x1e4: {  	[sflag:s9] =	ssyncadd.s32 $0xFFFFF000  }
0x1e5: {  	_ =	swait.ge [sflag:s9], $0x1000  }
0x1e6: {  	[sflag:s9] =	ssyncset.done $0x0  }
0x1e7: {  	[sflag:s9] =	ssyncadd.s32 $0xFFFFF000  }
0x1e8: {  	_ =	swait.ge [sflag:s9], $0x1000  }
0x1e9: {  	[sflag:s9] =	ssyncset.done $0x0  }
0x1ea: {  	s28 =	rddreg [dreg:$0x10];
	[sflag:s9] =	ssyncadd.s32 $0xFFFFF000  }
0x1eb: {  	[hbm4b:s28+s4] =	stream.strided.scatter [tilespmem:s7], [sflag:$0x3], $0x4000, s5, s4, $0x38;
	[tilespmem:$0xB400] =	vst v63  }
0x1ec: {  	_ =	swait.ge [sflag:s2], $0x4000  }
0x1ed: {  	s1 =	sld [smem:$0x7B6]  }
0x1ee: {  	[sflag:s2] =	ssyncset.done $0x0  }
0x1ef: {  	s8 =	sld [smem:$0x7B7];
	[sflag:s2] =	ssyncadd.s32 $0xFFFFC000  }
0x1f0: {  	[tilespmem:s7], [sflag:$0x1] =	stream.indirect.gather [hbm4b:s22+s10], $0x20, s1, s10, $0xb8;
	[tilespmem:$0xB400] =	vst v63  }
0x1f1: {  	s28 =	sld [smem:$0x7B8]  }
0x1f2: {  	[tilespmem:s17], [sflag:$0x1] =	stream.indirect.gather [hbm4b:s22+s10], $0x20, s8, s10, $0xb8;
	[tilespmem:$0xB400] =	vst v63  }
0x1f3: {  	s1 =	sld [smem:$0x7B9]  }
0x1f4: {  	[tilespmem:s15], [sflag:$0x1] =	stream.indirect.gather [hbm4b:s22+s10], $0x20, s28, s10, $0xb8;
	[tilespmem:$0xB400] =	vst v63  }
0x1f5: {  	_ = 	snop  }
0x1f6: {  	[tilespmem:s16], [sflag:$0x1] =	stream.indirect.gather [hbm4b:s22+s10], $0x20, s1, s10, $0xb8;
	[tilespmem:$0xB400] =	vst v63  }
0x1f7: {  	_ =	swait.ge [sflag:s6], $0x1000  }
0x1f8: {  	[sflag:s6] =	ssyncset.done $0x0  }
0x1f9: {  	[sflag:s6] =	ssyncadd.s32 $0xFFFFF000  }
0x1fa: {  	_ =	swait.ge [sflag:s6], $0x1000  }
0x1fb: {  	[sflag:s6] =	ssyncset.done $0x0  }
0x1fc: {  	[sflag:s6] =	ssyncadd.s32 $0xFFFFF000  }
0x1fd: {  	_ =	swait.ge [sflag:s6], $0x1000  }
0x1fe: {  	[sflag:s6] =	ssyncset.done $0x0  }
0x1ff: {  	[sflag:s6] =	ssyncadd.s32 $0xFFFFF000  }
0x200: {  	_ =	swait.ge [sflag:s6], $0x1000  }
0x201: {  	[sflag:s6] =	ssyncset.done $0x0  }
0x202: {  	s8 =	rddreg [dreg:$0x11];
	[sflag:s6] =	ssyncadd.s32 $0xFFFFF000  }
0x203: {  	[hbm4b:s8+s4] =	stream.strided.scatter [tilespmem:s3], [sflag:$0x3], $0x4000, s5, s4, $0x38;
	[tilespmem:$0xB400] =	vst v63  }
0x204: {  	_ =	swait.ge [sflag:s2], $0x4000  }
0x205: {  	s26 =	sld [smem:$0x7BA]  }
0x206: {  	[sflag:s2] =	ssyncset.done $0x0  }
0x207: {  	s28 =	sld [smem:$0x7BB];
	[sflag:s2] =	ssyncadd.s32 $0xFFFFC000  }
0x208: {  	[tilespmem:s3], [sflag:$0x2] =	stream.indirect.gather [hbm4b:s21+s10], $0x20, s26, s10, $0xb8;
	[tilespmem:$0xB400] =	vst v63  }
0x209: {  	s1 =	sld [smem:$0x7BC]  }
0x20a: {  	[tilespmem:s13], [sflag:$0x2] =	stream.indirect.gather [hbm4b:s21+s10], $0x20, s28, s10, $0xb8;
	[tilespmem:$0xB400] =	vst v63  }
0x20b: {  	s8 =	sld [smem:$0x7BD]  }
0x20c: {  	[tilespmem:s11], [sflag:$0x2] =	stream.indirect.gather [hbm4b:s21+s10], $0x20, s1, s10, $0xb8;
	[tilespmem:$0xB400] =	vst v63  }
0x20d: {  	_ = 	snop  }
0x20e: {  	[tilespmem:s12], [sflag:$0x2] =	stream.indirect.gather [hbm4b:s21+s10], $0x20, s8, s10, $0xb8;
	[tilespmem:$0xB400] =	vst v63  }
0x20f: {  	_ =	swait.ge [sflag:s9], $0x1000  }
0x210: {  	[sflag:s9] =	ssyncset.done $0x0  }
0x211: {  	[sflag:s9] =	ssyncadd.s32 $0xFFFFF000  }
0x212: {  	_ =	swait.ge [sflag:s9], $0x1000  }
0x213: {  	[sflag:s9] =	ssyncset.done $0x0  }
0x214: {  	[sflag:s9] =	ssyncadd.s32 $0xFFFFF000  }
0x215: {  	_ =	swait.ge [sflag:s9], $0x1000  }
0x216: {  	[sflag:s9] =	ssyncset.done $0x0  }
0x217: {  	[sflag:s9] =	ssyncadd.s32 $0xFFFFF000  }
0x218: {  	_ =	swait.ge [sflag:s9], $0x1000  }
0x219: {  	[sflag:s9] =	ssyncset.done $0x0  }
0x21a: {  	s28 =	rddreg [dreg:$0x12];
	[sflag:s9] =	ssyncadd.s32 $0xFFFFF000  }
0x21b: {  	[hbm4b:s28+s4] =	stream.strided.scatter [tilespmem:s7], [sflag:$0x3], $0x4000, s5, s4, $0x38;
	[tilespmem:$0xB400] =	vst v63  }
0x21c: {  	_ =	swait.ge [sflag:s2], $0x4000  }
0x21d: {  	s1 =	sld [smem:$0x7BE]  }
0x21e: {  	[sflag:s2] =	ssyncset.done $0x0  }
0x21f: {  	s8 =	sld [smem:$0x7BF];
	[sflag:s2] =	ssyncadd.s32 $0xFFFFC000  }
0x220: {  	[tilespmem:s7], [sflag:$0x1] =	stream.indirect.gather [hbm4b:s20+s10], $0x20, s1, s10, $0xb8;
	[tilespmem:$0xB400] =	vst v63  }
0x221: {  	s28 =	sld [smem:$0x7C0]  }
0x222: {  	[tilespmem:s17], [sflag:$0x1] =	stream.indirect.gather [hbm4b:s20+s10], $0x20, s8, s10, $0xb8;
	[tilespmem:$0xB400] =	vst v63  }
0x223: {  	s1 =	sld [smem:$0x7C1]  }
0x224: {  	[tilespmem:s15], [sflag:$0x1] =	stream.indirect.gather [hbm4b:s20+s10], $0x20, s28, s10, $0xb8;
	[tilespmem:$0xB400] =	vst v63  }
0x225: {  	_ = 	snop  }
0x226: {  	[tilespmem:s16], [sflag:$0x1] =	stream.indirect.gather [hbm4b:s20+s10], $0x20, s1, s10, $0xb8;
	[tilespmem:$0xB400] =	vst v63  }
0x227: {  	_ =	swait.ge [sflag:s6], $0x1000  }
0x228: {  	[sflag:s6] =	ssyncset.done $0x0  }
0x229: {  	[sflag:s6] =	ssyncadd.s32 $0xFFFFF000  }
0x22a: {  	_ =	swait.ge [sflag:s6], $0x1000  }
0x22b: {  	[sflag:s6] =	ssyncset.done $0x0  }
0x22c: {  	[sflag:s6] =	ssyncadd.s32 $0xFFFFF000  }
0x22d: {  	_ =	swait.ge [sflag:s6], $0x1000  }
0x22e: {  	[sflag:s6] =	ssyncset.done $0x0  }
0x22f: {  	[sflag:s6] =	ssyncadd.s32 $0xFFFFF000  }
0x230: {  	_ =	swait.ge [sflag:s6], $0x1000  }
0x231: {  	[sflag:s6] =	ssyncset.done $0x0  }
0x232: {  	s8 =	rddreg [dreg:$0x13];
	[sflag:s6] =	ssyncadd.s32 $0xFFFFF000  }
0x233: {  	[hbm4b:s8+s4] =	stream.strided.scatter [tilespmem:s3], [sflag:$0x3], $0x4000, s5, s4, $0x38;
	[tilespmem:$0xB400] =	vst v63  }
0x234: {  	_ =	swait.ge [sflag:s2], $0x4000  }
0x235: {  	s26 =	sld [smem:$0x7C2]  }
0x236: {  	[sflag:s2] =	ssyncset.done $0x0  }
0x237: {  	s28 =	sld [smem:$0x7C3];
	[sflag:s2] =	ssyncadd.s32 $0xFFFFC000  }
0x238: {  	[tilespmem:s3], [sflag:$0x2] =	stream.indirect.gather [hbm4b:s19+s10], $0x20, s26, s10, $0xb8;
	[tilespmem:$0xB400] =	vst v63  }
0x239: {  	s1 =	sld [smem:$0x7C4]  }
0x23a: {  	[tilespmem:s13], [sflag:$0x2] =	stream.indirect.gather [hbm4b:s19+s10], $0x20, s28, s10, $0xb8;
	[tilespmem:$0xB400] =	vst v63  }
0x23b: {  	s8 =	sld [smem:$0x7C5]  }
0x23c: {  	[tilespmem:s11], [sflag:$0x2] =	stream.indirect.gather [hbm4b:s19+s10], $0x20, s1, s10, $0xb8;
	[tilespmem:$0xB400] =	vst v63  }
0x23d: {  	_ = 	snop  }
0x23e: {  	[tilespmem:s12], [sflag:$0x2] =	stream.indirect.gather [hbm4b:s19+s10], $0x20, s8, s10, $0xb8;
	[tilespmem:$0xB400] =	vst v63  }
0x23f: {  	_ =	swait.ge [sflag:s9], $0x1000  }
0x240: {  	[sflag:s9] =	ssyncset.done $0x0  }
0x241: {  	[sflag:s9] =	ssyncadd.s32 $0xFFFFF000  }
0x242: {  	_ =	swait.ge [sflag:s9], $0x1000  }
0x243: {  	[sflag:s9] =	ssyncset.done $0x0  }
0x244: {  	[sflag:s9] =	ssyncadd.s32 $0xFFFFF000  }
0x245: {  	_ =	swait.ge [sflag:s9], $0x1000  }
0x246: {  	[sflag:s9] =	ssyncset.done $0x0  }
0x247: {  	[sflag:s9] =	ssyncadd.s32 $0xFFFFF000  }
0x248: {  	_ =	swait.ge [sflag:s9], $0x1000  }
0x249: {  	[sflag:s9] =	ssyncset.done $0x0  }
0x24a: {  	s28 =	rddreg [dreg:$0x14];
	[sflag:s9] =	ssyncadd.s32 $0xFFFFF000  }
0x24b: {  	[hbm4b:s28+s4] =	stream.strided.scatter [tilespmem:s7], [sflag:$0x3], $0x4000, s5, s4, $0x38;
	[tilespmem:$0xB400] =	vst v63  }
0x24c: {  	_ =	swait.ge [sflag:s2], $0x4000  }
0x24d: {  	s1 =	sld [smem:$0x7C6]  }
0x24e: {  	[sflag:s2] =	ssyncset.done $0x0  }
0x24f: {  	s8 =	sld [smem:$0x7C7];
	[sflag:s2] =	ssyncadd.s32 $0xFFFFC000  }
0x250: {  	[tilespmem:s7], [sflag:$0x1] =	stream.indirect.gather [hbm4b:s18+s10], $0x20, s1, s10, $0xb8;
	[tilespmem:$0xB400] =	vst v63  }
0x251: {  	s28 =	sld [smem:$0x7C8]  }
0x252: {  	[tilespmem:s17], [sflag:$0x1] =	stream.indirect.gather [hbm4b:s18+s10], $0x20, s8, s10, $0xb8;
	[tilespmem:$0xB400] =	vst v63  }
0x253: {  	s1 =	sld [smem:$0x7C9]  }
0x254: {  	[tilespmem:s15], [sflag:$0x1] =	stream.indirect.gather [hbm4b:s18+s10], $0x20, s28, s10, $0xb8;
	[tilespmem:$0xB400] =	vst v63  }
0x255: {  	_ = 	snop  }
0x256: {  	[tilespmem:s16], [sflag:$0x1] =	stream.indirect.gather [hbm4b:s18+s10], $0x20, s1, s10, $0xb8;
	[tilespmem:$0xB400] =	vst v63  }
0x257: {  	_ =	swait.ge [sflag:s6], $0x1000  }
0x258: {  	[sflag:s6] =	ssyncset.done $0x0  }
0x259: {  	[sflag:s6] =	ssyncadd.s32 $0xFFFFF000  }
0x25a: {  	_ =	swait.ge [sflag:s6], $0x1000  }
0x25b: {  	[sflag:s6] =	ssyncset.done $0x0  }
0x25c: {  	[sflag:s6] =	ssyncadd.s32 $0xFFFFF000  }
0x25d: {  	_ =	swait.ge [sflag:s6], $0x1000  }
0x25e: {  	[sflag:s6] =	ssyncset.done $0x0  }
0x25f: {  	[sflag:s6] =	ssyncadd.s32 $0xFFFFF000  }
0x260: {  	_ =	swait.ge [sflag:s6], $0x1000  }
0x261: {  	[sflag:s6] =	ssyncset.done $0x0  }
0x262: {  	s8 =	rddreg [dreg:$0x15];
	[sflag:s6] =	ssyncadd.s32 $0xFFFFF000  }
0x263: {  	[hbm4b:s8+s4] =	stream.strided.scatter [tilespmem:s3], [sflag:$0x3], $0x4000, s5, s4, $0x38;
	[tilespmem:$0xB400] =	vst v63  }
0x264: {  	_ =	swait.ge [sflag:s2], $0x4000  }
0x265: {  	s26 =	sld [smem:$0x7CA]  }
0x266: {  	[sflag:s2] =	ssyncset.done $0x0  }
0x267: {  	s28 =	sld [smem:$0x7CB];
	[sflag:s2] =	ssyncadd.s32 $0xFFFFC000  }
0x268: {  	[tilespmem:s3], [sflag:$0x2] =	stream.indirect.gather [hbm4b:s31+s10], $0x20, s26, s10, $0xb8;
	[tilespmem:$0xB400] =	vst v63  }
0x269: {  	s1 =	sld [smem:$0x7CC]  }
0x26a: {  	[tilespmem:s13], [sflag:$0x2] =	stream.indirect.gather [hbm4b:s31+s10], $0x20, s28, s10, $0xb8;
	[tilespmem:$0xB400] =	vst v63  }
0x26b: {  	s8 =	sld [smem:$0x7CD]  }
0x26c: {  	[tilespmem:s11], [sflag:$0x2] =	stream.indirect.gather [hbm4b:s31+s10], $0x20, s1, s10, $0xb8;
	[tilespmem:$0xB400] =	vst v63  }
0x26d: {  	_ = 	snop  }
0x26e: {  	[tilespmem:s12], [sflag:$0x2] =	stream.indirect.gather [hbm4b:s31+s10], $0x20, s8, s10, $0xb8;
	[tilespmem:$0xB400] =	vst v63  }
0x26f: {  	_ =	swait.ge [sflag:s9], $0x1000  }
0x270: {  	[sflag:s9] =	ssyncset.done $0x0  }
0x271: {  	[sflag:s9] =	ssyncadd.s32 $0xFFFFF000  }
0x272: {  	_ =	swait.ge [sflag:s9], $0x1000  }
0x273: {  	[sflag:s9] =	ssyncset.done $0x0  }
0x274: {  	[sflag:s9] =	ssyncadd.s32 $0xFFFFF000  }
0x275: {  	_ =	swait.ge [sflag:s9], $0x1000  }
0x276: {  	[sflag:s9] =	ssyncset.done $0x0  }
0x277: {  	[sflag:s9] =	ssyncadd.s32 $0xFFFFF000  }
0x278: {  	_ =	swait.ge [sflag:s9], $0x1000  }
0x279: {  	[sflag:s9] =	ssyncset.done $0x0  }
0x27a: {  	s26 =	rddreg [dreg:$0x16];
	[sflag:s9] =	ssyncadd.s32 $0xFFFFF000  }
0x27b: {  	[hbm4b:s26+s4] =	stream.strided.scatter [tilespmem:s7], [sflag:$0x3], $0x4000, s5, s4, $0x38;
	[tilespmem:$0xB400] =	vst v63  }
0x27c: {  	_ =	swait.ge [sflag:s2], $0x4000  }
0x27d: {  	s28 =	sld [smem:$0x7CF]  }
0x27e: {  	s1 =	sld [smem:$0x7EF]  }
0x27f: {  	[sflag:s2] =	ssyncset.done $0x0  }
0x280: {  	s8 =	sld [smem:$0x7D1];
	[sflag:s2] =	ssyncadd.s32 $0xFFFFC000  }
0x281: {  	[tilespmem:s7], [sflag:$0x1] =	stream.indirect.gather [hbm4b:s1+s10], $0x20, s28, s10, $0xb8;
	[tilespmem:$0xB400] =	vst v63  }
0x282: {  	s28 =	sld [smem:$0x7D3]  }
0x283: {  	[tilespmem:s17], [sflag:$0x1] =	stream.indirect.gather [hbm4b:s1+s10], $0x20, s8, s10, $0xb8;
	[tilespmem:$0xB400] =	vst v63  }
0x284: {  	s8 =	sld [smem:$0x7D5]  }
0x285: {  	[tilespmem:s15], [sflag:$0x1] =	stream.indirect.gather [hbm4b:s1+s10], $0x20, s28, s10, $0xb8;
	[tilespmem:$0xB400] =	vst v63  }
0x286: {  	_ = 	snop  }
0x287: {  	[tilespmem:s16], [sflag:$0x1] =	stream.indirect.gather [hbm4b:s1+s10], $0x20, s8, s10, $0xb8;
	[tilespmem:$0xB400] =	vst v63  }
0x288: {  	_ =	swait.ge [sflag:s6], $0x1000  }
0x289: {  	[sflag:s6] =	ssyncset.done $0x0  }
0x28a: {  	[sflag:s6] =	ssyncadd.s32 $0xFFFFF000  }
0x28b: {  	_ =	swait.ge [sflag:s6], $0x1000  }
0x28c: {  	[sflag:s6] =	ssyncset.done $0x0  }
0x28d: {  	[sflag:s6] =	ssyncadd.s32 $0xFFFFF000  }
0x28e: {  	_ =	swait.ge [sflag:s6], $0x1000  }
0x28f: {  	[sflag:s6] =	ssyncset.done $0x0  }
0x290: {  	[sflag:s6] =	ssyncadd.s32 $0xFFFFF000  }
0x291: {  	_ =	swait.ge [sflag:s6], $0x1000  }
0x292: {  	[sflag:s6] =	ssyncset.done $0x0  }
0x293: {  	s26 =	rddreg [dreg:$0x17];
	[sflag:s6] =	ssyncadd.s32 $0xFFFFF000  }
0x294: {  	[hbm4b:s26+s4] =	stream.strided.scatter [tilespmem:s3], [sflag:$0x3], $0x4000, s5, s4, $0x38;
	[tilespmem:$0xB400] =	vst v63  }
0x295: {  	_ =	swait.ge [sflag:s2], $0x4000  }
0x296: {  	s28 =	sld [smem:$0x7D7]  }
0x297: {  	s1 =	sld [smem:$0x7F2]  }
0x298: {  	[sflag:s2] =	ssyncset.done $0x0  }
0x299: {  	s8 =	sld [smem:$0x7D9];
	[sflag:s2] =	ssyncadd.s32 $0xFFFFC000  }
0x29a: {  	[tilespmem:s3], [sflag:$0x2] =	stream.indirect.gather [hbm4b:s1+s10], $0x20, s28, s10, $0xb8;
	[tilespmem:$0xB400] =	vst v63  }
0x29b: {  	s28 =	sld [smem:$0x7DB]  }
0x29c: {  	[tilespmem:s13], [sflag:$0x2] =	stream.indirect.gather [hbm4b:s1+s10], $0x20, s8, s10, $0xb8;
	[tilespmem:$0xB400] =	vst v63  }
0x29d: {  	s8 =	sld [smem:$0x7DD]  }
0x29e: {  	[tilespmem:s11], [sflag:$0x2] =	stream.indirect.gather [hbm4b:s1+s10], $0x20, s28, s10, $0xb8;
	[tilespmem:$0xB400] =	vst v63  }
0x29f: {  	_ = 	snop  }
0x2a0: {  	[tilespmem:s12], [sflag:$0x2] =	stream.indirect.gather [hbm4b:s1+s10], $0x20, s8, s10, $0xb8;
	[tilespmem:$0xB400] =	vst v63  }
0x2a1: {  	_ =	swait.ge [sflag:s9], $0x1000  }
0x2a2: {  	[sflag:s9] =	ssyncset.done $0x0  }
0x2a3: {  	[sflag:s9] =	ssyncadd.s32 $0xFFFFF000  }
0x2a4: {  	_ =	swait.ge [sflag:s9], $0x1000  }
0x2a5: {  	[sflag:s9] =	ssyncset.done $0x0  }
0x2a6: {  	[sflag:s9] =	ssyncadd.s32 $0xFFFFF000  }
0x2a7: {  	_ =	swait.ge [sflag:s9], $0x1000  }
0x2a8: {  	[sflag:s9] =	ssyncset.done $0x0  }
0x2a9: {  	[sflag:s9] =	ssyncadd.s32 $0xFFFFF000  }
0x2aa: {  	_ =	swait.ge [sflag:s9], $0x1000  }
0x2ab: {  	[sflag:s9] =	ssyncset.done $0x0  }
0x2ac: {  	s26 =	rddreg [dreg:$0x18];
	[sflag:s9] =	ssyncadd.s32 $0xFFFFF000  }
0x2ad: {  	[hbm4b:s26+s4] =	stream.strided.scatter [tilespmem:s7], [sflag:$0x3], $0x4000, s5, s4, $0x38;
	[tilespmem:$0xB400] =	vst v63  }
0x2ae: {  	_ =	swait.ge [sflag:s2], $0x4000  }
0x2af: {  	s28 =	sld [smem:$0x7DF]  }
0x2b0: {  	s1 =	smov.u32 s0;
	s0 =	sld [smem:$0x7F3]  }
0x2b1: {  	[sflag:s2] =	ssyncset.done $0x0  }
0x2b2: {  	s8 =	sld [smem:$0x7E1];
	[sflag:s2] =	ssyncadd.s32 $0xFFFFC000  }
0x2b3: {  	[tilespmem:s7], [sflag:$0x1] =	stream.indirect.gather [hbm4b:s0+s10], $0x20, s28, s10, $0xb8;
	[tilespmem:$0xB400] =	vst v63  }
0x2b4: {  	s28 =	sld [smem:$0x7E3]  }
0x2b5: {  	[tilespmem:s17], [sflag:$0x1] =	stream.indirect.gather [hbm4b:s0+s10], $0x20, s8, s10, $0xb8;
	[tilespmem:$0xB400] =	vst v63  }
0x2b6: {  	s8 =	sld [smem:$0x7E4]  }
0x2b7: {  	[tilespmem:s15], [sflag:$0x1] =	stream.indirect.gather [hbm4b:s0+s10], $0x20, s28, s10, $0xb8;
	[tilespmem:$0xB400] =	vst v63  }
0x2b8: {  	_ = 	snop  }
0x2b9: {  	[tilespmem:s16], [sflag:$0x1] =	stream.indirect.gather [hbm4b:s0+s10], $0x20, s8, s10, $0xb8;
	[tilespmem:$0xB400] =	vst v63  }
0x2ba: {  	_ =	swait.ge [sflag:s6], $0x1000  }
0x2bb: {  	[sflag:s6] =	ssyncset.done $0x0  }
0x2bc: {  	[sflag:s6] =	ssyncadd.s32 $0xFFFFF000  }
0x2bd: {  	_ =	swait.ge [sflag:s6], $0x1000  }
0x2be: {  	[sflag:s6] =	ssyncset.done $0x0  }
0x2bf: {  	[sflag:s6] =	ssyncadd.s32 $0xFFFFF000  }
0x2c0: {  	_ =	swait.ge [sflag:s6], $0x1000  }
0x2c1: {  	[sflag:s6] =	ssyncset.done $0x0  }
0x2c2: {  	[sflag:s6] =	ssyncadd.s32 $0xFFFFF000  }
0x2c3: {  	_ =	swait.ge [sflag:s6], $0x1000  }
0x2c4: {  	[sflag:s6] =	ssyncset.done $0x0  }
0x2c5: {  	s26 =	rddreg [dreg:$0x19];
	[sflag:s6] =	ssyncadd.s32 $0xFFFFF000  }
0x2c6: {  	[hbm4b:s26+s4] =	stream.strided.scatter [tilespmem:s3], [sflag:$0x3], $0x4000, s5, s4, $0x38;
	[tilespmem:$0xB400] =	vst v63  }
0x2c7: {  	_ =	swait.ge [sflag:s2], $0x4000  }
0x2c8: {  	s28 =	sld [smem:$0x7E5]  }
0x2c9: {  	s0 =	sld [smem:$0x7F4]  }
0x2ca: {  	[sflag:s2] =	ssyncset.done $0x0  }
0x2cb: {  	s8 =	sld [smem:$0x7E6];
	[sflag:s2] =	ssyncadd.s32 $0xFFFFC000  }
0x2cc: {  	[tilespmem:s3], [sflag:$0x2] =	stream.indirect.gather [hbm4b:s0+s10], $0x20, s28, s10, $0xb8;
	[tilespmem:$0xB400] =	vst v63  }
0x2cd: {  	s28 =	sld [smem:$0x7E7]  }
0x2ce: {  	[tilespmem:s13], [sflag:$0x2] =	stream.indirect.gather [hbm4b:s0+s10], $0x20, s8, s10, $0xb8;
	[tilespmem:$0xB400] =	vst v63  }
0x2cf: {  	s8 =	sld [smem:$0x7E8]  }
0x2d0: {  	[tilespmem:s11], [sflag:$0x2] =	stream.indirect.gather [hbm4b:s0+s10], $0x20, s28, s10, $0xb8;
	[tilespmem:$0xB400] =	vst v63  }
0x2d1: {  	_ = 	snop  }
0x2d2: {  	[tilespmem:s12], [sflag:$0x2] =	stream.indirect.gather [hbm4b:s0+s10], $0x20, s8, s10, $0xb8;
	[tilespmem:$0xB400] =	vst v63  }
0x2d3: {  	_ =	swait.ge [sflag:s9], $0x1000  }
0x2d4: {  	[sflag:s9] =	ssyncset.done $0x0  }
0x2d5: {  	[sflag:s9] =	ssyncadd.s32 $0xFFFFF000  }
0x2d6: {  	_ =	swait.ge [sflag:s9], $0x1000  }
0x2d7: {  	[sflag:s9] =	ssyncset.done $0x0  }
0x2d8: {  	[sflag:s9] =	ssyncadd.s32 $0xFFFFF000  }
0x2d9: {  	_ =	swait.ge [sflag:s9], $0x1000  }
0x2da: {  	[sflag:s9] =	ssyncset.done $0x0  }
0x2db: {  	[sflag:s9] =	ssyncadd.s32 $0xFFFFF000  }
0x2dc: {  	_ =	swait.ge [sflag:s9], $0x1000  }
0x2dd: {  	[sflag:s9] =	ssyncset.done $0x0  }
0x2de: {  	s28 =	rddreg [dreg:$0x1a];
	[sflag:s9] =	ssyncadd.s32 $0xFFFFF000  }
0x2df: {  	[hbm4b:s28+s4] =	stream.strided.scatter [tilespmem:s7], [sflag:$0x3], $0x4000, s5, s4, $0x38;
	[tilespmem:$0xB400] =	vst v63  }
0x2e0: {  	_ =	swait.ge [sflag:s2], $0x4000  }
0x2e1: {  	s0 =	sld [smem:$0x7E9]  }
0x2e2: {  	[sflag:s2] =	ssyncset.done $0x0  }
0x2e3: {  	s8 =	sld [smem:$0x7EA];
	[sflag:s2] =	ssyncadd.s32 $0xFFFFC000  }
0x2e4: {  	[tilespmem:s7], [sflag:$0x1] =	stream.indirect.gather [hbm4b:s30+s10], $0x20, s0, s10, $0xb8;
	[tilespmem:$0xB400] =	vst v63  }
0x2e5: {  	s28 =	sld [smem:$0x7EB]  }
0x2e6: {  	[tilespmem:s17], [sflag:$0x1] =	stream.indirect.gather [hbm4b:s30+s10], $0x20, s8, s10, $0xb8;
	[tilespmem:$0xB400] =	vst v63  }
0x2e7: {  	s0 =	sld [smem:$0x7EC]  }
0x2e8: {  	[tilespmem:s15], [sflag:$0x1] =	stream.indirect.gather [hbm4b:s30+s10], $0x20, s28, s10, $0xb8;
	[tilespmem:$0xB400] =	vst v63  }
0x2e9: {  	_ = 	snop  }
0x2ea: {  	[tilespmem:s16], [sflag:$0x1] =	stream.indirect.gather [hbm4b:s30+s10], $0x20, s0, s10, $0xb8;
	[tilespmem:$0xB400] =	vst v63  }
0x2eb: {  	_ =	swait.ge [sflag:s6], $0x1000  }
0x2ec: {  	[sflag:s6] =	ssyncset.done $0x0  }
0x2ed: {  	[sflag:s6] =	ssyncadd.s32 $0xFFFFF000  }
0x2ee: {  	_ =	swait.ge [sflag:s6], $0x1000  }
0x2ef: {  	[sflag:s6] =	ssyncset.done $0x0  }
0x2f0: {  	[sflag:s6] =	ssyncadd.s32 $0xFFFFF000  }
0x2f1: {  	_ =	swait.ge [sflag:s6], $0x1000  }
0x2f2: {  	[sflag:s6] =	ssyncset.done $0x0  }
0x2f3: {  	[sflag:s6] =	ssyncadd.s32 $0xFFFFF000  }
0x2f4: {  	_ =	swait.ge [sflag:s6], $0x1000  }
0x2f5: {  	[sflag:s6] =	ssyncset.done $0x0  }
0x2f6: {  	s8 =	rddreg [dreg:$0x1b];
	[sflag:s6] =	ssyncadd.s32 $0xFFFFF000  }
0x2f7: {  	[hbm4b:s8+s4] =	stream.strided.scatter [tilespmem:s3], [sflag:$0x3], $0x4000, s5, s4, $0x38;
	[tilespmem:$0xB400] =	vst v63  }
0x2f8: {  	_ =	swait.ge [sflag:s2], $0x4000  }
0x2f9: {  	s26 =	sld [smem:$0x7ED]  }
0x2fa: {  	[sflag:s2] =	ssyncset.done $0x0  }
0x2fb: {  	s28 =	sld [smem:$0x7EE];
	[sflag:s2] =	ssyncadd.s32 $0xFFFFC000  }
0x2fc: {  	[tilespmem:s3], [sflag:$0x2] =	stream.indirect.gather [hbm4b:s29+s10], $0x20, s26, s10, $0xb8;
	[tilespmem:$0xB400] =	vst v63  }
0x2fd: {  	s0 =	sld [smem:$0x7F0]  }
0x2fe: {  	[tilespmem:s13], [sflag:$0x2] =	stream.indirect.gather [hbm4b:s29+s10], $0x20, s28, s10, $0xb8;
	[tilespmem:$0xB400] =	vst v63  }
0x2ff: {  	s8 =	sld [smem:$0x7F1]  }
0x300: {  	[tilespmem:s11], [sflag:$0x2] =	stream.indirect.gather [hbm4b:s29+s10], $0x20, s0, s10, $0xb8;
	[tilespmem:$0xB400] =	vst v63  }
0x301: {  	_ = 	snop  }
0x302: {  	[tilespmem:s12], [sflag:$0x2] =	stream.indirect.gather [hbm4b:s29+s10], $0x20, s8, s10, $0xb8;
	[tilespmem:$0xB400] =	vst v63  }
0x303: {  	_ =	swait.ge [sflag:s9], $0x1000  }
0x304: {  	[sflag:s9] =	ssyncset.done $0x0  }
0x305: {  	[sflag:s9] =	ssyncadd.s32 $0xFFFFF000  }
0x306: {  	_ =	swait.ge [sflag:s9], $0x1000  }
0x307: {  	[sflag:s9] =	ssyncset.done $0x0  }
0x308: {  	[sflag:s9] =	ssyncadd.s32 $0xFFFFF000  }
0x309: {  	_ =	swait.ge [sflag:s9], $0x1000  }
0x30a: {  	[sflag:s9] =	ssyncset.done $0x0  }
0x30b: {  	[sflag:s9] =	ssyncadd.s32 $0xFFFFF000  }
0x30c: {  	_ =	swait.ge [sflag:s9], $0x1000  }
0x30d: {  	[sflag:s9] =	ssyncset.done $0x0  }
0x30e: {  	s26 =	rddreg [dreg:$0x1c];
	[sflag:s9] =	ssyncadd.s32 $0xFFFFF000  }
0x30f: {  	[hbm4b:s26+s4] =	stream.strided.scatter [tilespmem:s7], [sflag:$0x3], $0x4000, s5, s4, $0x38;
	[tilespmem:$0xB400] =	vst v63  }
0x310: {  	_ =	swait.ge [sflag:s2], $0x4000  }
0x311: {  	[sflag:s2] =	ssyncset.done $0x0  }
0x312: {  	[sflag:s2] =	ssyncadd.s32 $0xFFFFC000  }
0x313: {  	_ =	swait.ge [sflag:s6], $0x1000  }
0x314: {  	[sflag:s6] =	ssyncset.done $0x0  }
0x315: {  	[sflag:s6] =	ssyncadd.s32 $0xFFFFF000  }
0x316: {  	_ =	swait.ge [sflag:s6], $0x1000  }
0x317: {  	[sflag:s6] =	ssyncset.done $0x0  }
0x318: {  	[sflag:s6] =	ssyncadd.s32 $0xFFFFF000  }
0x319: {  	_ =	swait.ge [sflag:s6], $0x1000  }
0x31a: {  	[sflag:s6] =	ssyncset.done $0x0  }
0x31b: {  	[sflag:s6] =	ssyncadd.s32 $0xFFFFF000  }
0x31c: {  	p1 =	sne.s32 s1, $0x1;
	_ =	swait.ge [sflag:s6], $0x1000  }
.Ltmp1:
0x31d: {  	[sflag:s6] =	ssyncset.done $0x0;
	(pc) =	sbr.rel @!p1 .LBB2_7-.Ltmp1, $4  }
0x31e: {  	s28 =	rddreg [dreg:$0x1d];
	[sflag:s6] =	ssyncadd.s32 $0xFFFFF000  }
0x31f: {  	[hbm4b:s28+s4] =	stream.strided.scatter [tilespmem:s3], [sflag:$0x3], $0x4000, s5, s4, $0x38;
	[tilespmem:$0xB400] =	vst v63  }
0x320: {  	p0 =	por $0x1, $0x1;
	_ =	swait.ge [sflag:s2], $0x4000  }
0x321: {  	s25 =	sadd.s32 $0xFFFFFFFF, s1;
	s26 =	rddreg [dreg:$0x3];
	[sflag:s2] =	ssyncset.done $0x0  }
0x322: {  	s8 =	smov.u32 s14;
	s14 =	simm.s32 $0x0  }
.LBB2_4:
0x323: {  	s28 =	rddreg [dreg:$0x1e];
	[sflag:s2] =	ssyncadd.s32 $0xFFFFC000;
	s0 =	simm.s32 $0x200  }
0x324: {  	[tilespmem:s14], [sflag:$0x3] =	stream.strided.gather [hbm4b:s26+s0], $0x3400, s28, s0, $0x38;
	[tilespmem:$0xB400] =	vst v63  }
0x325: {  	_ =	swait.ge [sflag:s2], $0x3400  }
0x326: {  	s1 =	sld [smem:$0x7CE]  }
0x327: {  	[sflag:s2] =	ssyncset.done $0x0  }
0x328: {  	[sflag:s2] =	ssyncadd.s32 $0xFFFFCC00  }
0x329: {  	[tilespmem:s7], [sflag:$0x1] =	stream.indirect.gather [hbm4b:s1+s10], $0x20, s14, s10, $0xb8;
	[tilespmem:$0xB400] =	vst v63  }
0x32a: {  	s26 =	rddreg [dreg:$0x1f]  }
0x32b: {  	[tilespmem:s17], [sflag:$0x1] =	stream.indirect.gather [hbm4b:s1+s10], $0x20, s10, s10, $0xb8;
	[tilespmem:$0xB400] =	vst v63  }
0x32c: {  	s28 =	sld [smem:$0x782]  }
0x32d: {  	[tilespmem:s15], [sflag:$0x1] =	stream.indirect.gather [hbm4b:s1+s10], $0x20, s26, s10, $0xb8;
	[tilespmem:$0xB400] =	vst v63  }
0x32e: {  	_ = 	snop  }
0x32f: {  	[tilespmem:s16], [sflag:$0x1] =	stream.indirect.gather [hbm4b:s1+s10], $0x20, s28, s10, $0xb8;
	[tilespmem:$0xB400] =	vst v63  }
0x330: {  	s1 =	sld [smem:$0x7D0];
	_ =	sdelay $0x1  }
0x331: {  	s26 =	sld [smem:$0x783]  }
0x332: {  	[tilespmem:s3], [sflag:$0x2] =	stream.indirect.gather [hbm4b:s1+s10], $0x20, s0, s10, $0xb8;
	[tilespmem:$0xB400] =	vst v63  }
0x333: {  	s28 =	sld [smem:$0x784]  }
0x334: {  	[tilespmem:s13], [sflag:$0x2] =	stream.indirect.gather [hbm4b:s1+s10], $0x20, s26, s10, $0xb8;
	[tilespmem:$0xB400] =	vst v63  }
0x335: {  	s0 =	sld [smem:$0x785]  }
0x336: {  	[tilespmem:s11], [sflag:$0x2] =	stream.indirect.gather [hbm4b:s1+s10], $0x20, s28, s10, $0xb8;
	[tilespmem:$0xB400] =	vst v63  }
0x337: {  	_ = 	snop  }
0x338: {  	[tilespmem:s12], [sflag:$0x2] =	stream.indirect.gather [hbm4b:s1+s10], $0x20, s0, s10, $0xb8;
	[tilespmem:$0xB400] =	vst v63  }
0x339: {  	_ =	swait.ge [sflag:s9], $0x1000  }
0x33a: {  	[sflag:s9] =	ssyncset.done $0x0  }
0x33b: {  	[sflag:s9] =	ssyncadd.s32 $0xFFFFF000  }
0x33c: {  	_ =	swait.ge [sflag:s9], $0x1000  }
0x33d: {  	[sflag:s9] =	ssyncset.done $0x0  }
0x33e: {  	[sflag:s9] =	ssyncadd.s32 $0xFFFFF000  }
0x33f: {  	_ =	swait.ge [sflag:s9], $0x1000  }
0x340: {  	[sflag:s9] =	ssyncset.done $0x0  }
0x341: {  	[sflag:s9] =	ssyncadd.s32 $0xFFFFF000  }
0x342: {  	_ =	swait.ge [sflag:s9], $0x1000  }
0x343: {  	[sflag:s9] =	ssyncset.done $0x0  }
0x344: {  	s28 =	rddreg [dreg:$0x4];
	[sflag:s9] =	ssyncadd.s32 $0xFFFFF000  }
0x345: {  	[hbm4b:s28+s4] =	stream.strided.scatter [tilespmem:s7], [sflag:$0x3], $0x4000, s5, s4, $0x38;
	[tilespmem:$0xB400] =	vst v63  }
0x346: {  	_ =	swait.ge [sflag:s2], $0x4000  }
0x347: {  	s0 =	sld [smem:$0x786]  }
0x348: {  	s1 =	sld [smem:$0x7D2]  }
0x349: {  	[sflag:s2] =	ssyncset.done $0x0  }
0x34a: {  	s28 =	sld [smem:$0x787];
	[sflag:s2] =	ssyncadd.s32 $0xFFFFC000  }
0x34b: {  	[tilespmem:s7], [sflag:$0x1] =	stream.indirect.gather [hbm4b:s1+s10], $0x20, s0, s10, $0xb8;
	[tilespmem:$0xB400] =	vst v63  }
0x34c: {  	s0 =	sld [smem:$0x788]  }
0x34d: {  	[tilespmem:s17], [sflag:$0x1] =	stream.indirect.gather [hbm4b:s1+s10], $0x20, s28, s10, $0xb8;
	[tilespmem:$0xB400] =	vst v63  }
0x34e: {  	s28 =	sld [smem:$0x789]  }
0x34f: {  	[tilespmem:s15], [sflag:$0x1] =	stream.indirect.gather [hbm4b:s1+s10], $0x20, s0, s10, $0xb8;
	[tilespmem:$0xB400] =	vst v63  }
0x350: {  	_ = 	snop  }
0x351: {  	[tilespmem:s16], [sflag:$0x1] =	stream.indirect.gather [hbm4b:s1+s10], $0x20, s28, s10, $0xb8;
	[tilespmem:$0xB400] =	vst v63  }
0x352: {  	_ =	swait.ge [sflag:s6], $0x1000  }
0x353: {  	[sflag:s6] =	ssyncset.done $0x0  }
0x354: {  	[sflag:s6] =	ssyncadd.s32 $0xFFFFF000  }
0x355: {  	_ =	swait.ge [sflag:s6], $0x1000  }
0x356: {  	[sflag:s6] =	ssyncset.done $0x0  }
0x357: {  	[sflag:s6] =	ssyncadd.s32 $0xFFFFF000  }
0x358: {  	_ =	swait.ge [sflag:s6], $0x1000  }
0x359: {  	[sflag:s6] =	ssyncset.done $0x0  }
0x35a: {  	[sflag:s6] =	ssyncadd.s32 $0xFFFFF000  }
0x35b: {  	_ =	swait.ge [sflag:s6], $0x1000  }
0x35c: {  	[sflag:s6] =	ssyncset.done $0x0  }
0x35d: {  	s28 =	rddreg [dreg:$0x5];
	[sflag:s6] =	ssyncadd.s32 $0xFFFFF000  }
0x35e: {  	[hbm4b:s28+s4] =	stream.strided.scatter [tilespmem:s3], [sflag:$0x3], $0x4000, s5, s4, $0x38;
	[tilespmem:$0xB400] =	vst v63  }
0x35f: {  	_ =	swait.ge [sflag:s2], $0x4000  }
0x360: {  	s26 =	sld [smem:$0x78A]  }
0x361: {  	s1 =	sld [smem:$0x7D4]  }
0x362: {  	[sflag:s2] =	ssyncset.done $0x0  }
0x363: {  	s0 =	sld [smem:$0x78B];
	[sflag:s2] =	ssyncadd.s32 $0xFFFFC000  }
0x364: {  	[tilespmem:s3], [sflag:$0x2] =	stream.indirect.gather [hbm4b:s1+s10], $0x20, s26, s10, $0xb8;
	[tilespmem:$0xB400] =	vst v63  }
0x365: {  	s26 =	sld [smem:$0x78C]  }
0x366: {  	[tilespmem:s13], [sflag:$0x2] =	stream.indirect.gather [hbm4b:s1+s10], $0x20, s0, s10, $0xb8;
	[tilespmem:$0xB400] =	vst v63  }
0x367: {  	s0 =	sld [smem:$0x78D]  }
0x368: {  	[tilespmem:s11], [sflag:$0x2] =	stream.indirect.gather [hbm4b:s1+s10], $0x20, s26, s10, $0xb8;
	[tilespmem:$0xB400] =	vst v63  }
0x369: {  	_ = 	snop  }
0x36a: {  	[tilespmem:s12], [sflag:$0x2] =	stream.indirect.gather [hbm4b:s1+s10], $0x20, s0, s10, $0xb8;
	[tilespmem:$0xB400] =	vst v63  }
0x36b: {  	_ =	swait.ge [sflag:s9], $0x1000  }
0x36c: {  	[sflag:s9] =	ssyncset.done $0x0  }
0x36d: {  	[sflag:s9] =	ssyncadd.s32 $0xFFFFF000  }
0x36e: {  	_ =	swait.ge [sflag:s9], $0x1000  }
0x36f: {  	[sflag:s9] =	ssyncset.done $0x0  }
0x370: {  	[sflag:s9] =	ssyncadd.s32 $0xFFFFF000  }
0x371: {  	_ =	swait.ge [sflag:s9], $0x1000  }
0x372: {  	[sflag:s9] =	ssyncset.done $0x0  }
0x373: {  	[sflag:s9] =	ssyncadd.s32 $0xFFFFF000  }
0x374: {  	_ =	swait.ge [sflag:s9], $0x1000  }
0x375: {  	[sflag:s9] =	ssyncset.done $0x0  }
0x376: {  	s28 =	rddreg [dreg:$0x6];
	[sflag:s9] =	ssyncadd.s32 $0xFFFFF000  }
0x377: {  	[hbm4b:s28+s4] =	stream.strided.scatter [tilespmem:s7], [sflag:$0x3], $0x4000, s5, s4, $0x38;
	[tilespmem:$0xB400] =	vst v63  }
0x378: {  	_ =	swait.ge [sflag:s2], $0x4000  }
0x379: {  	s26 =	sld [smem:$0x78E]  }
0x37a: {  	s1 =	sld [smem:$0x7D6]  }
0x37b: {  	[sflag:s2] =	ssyncset.done $0x0  }
0x37c: {  	s0 =	sld [smem:$0x78F];
	[sflag:s2] =	ssyncadd.s32 $0xFFFFC000  }
0x37d: {  	[tilespmem:s7], [sflag:$0x1] =	stream.indirect.gather [hbm4b:s1+s10], $0x20, s26, s10, $0xb8;
	[tilespmem:$0xB400] =	vst v63  }
0x37e: {  	s26 =	sld [smem:$0x790]  }
0x37f: {  	[tilespmem:s17], [sflag:$0x1] =	stream.indirect.gather [hbm4b:s1+s10], $0x20, s0, s10, $0xb8;
	[tilespmem:$0xB400] =	vst v63  }
0x380: {  	s0 =	sld [smem:$0x791]  }
0x381: {  	[tilespmem:s15], [sflag:$0x1] =	stream.indirect.gather [hbm4b:s1+s10], $0x20, s26, s10, $0xb8;
	[tilespmem:$0xB400] =	vst v63  }
0x382: {  	_ = 	snop  }
0x383: {  	[tilespmem:s16], [sflag:$0x1] =	stream.indirect.gather [hbm4b:s1+s10], $0x20, s0, s10, $0xb8;
	[tilespmem:$0xB400] =	vst v63  }
0x384: {  	_ =	swait.ge [sflag:s6], $0x1000  }
0x385: {  	[sflag:s6] =	ssyncset.done $0x0  }
0x386: {  	[sflag:s6] =	ssyncadd.s32 $0xFFFFF000  }
0x387: {  	_ =	swait.ge [sflag:s6], $0x1000  }
0x388: {  	[sflag:s6] =	ssyncset.done $0x0  }
0x389: {  	[sflag:s6] =	ssyncadd.s32 $0xFFFFF000  }
0x38a: {  	_ =	swait.ge [sflag:s6], $0x1000  }
0x38b: {  	[sflag:s6] =	ssyncset.done $0x0  }
0x38c: {  	[sflag:s6] =	ssyncadd.s32 $0xFFFFF000  }
0x38d: {  	_ =	swait.ge [sflag:s6], $0x1000  }
0x38e: {  	[sflag:s6] =	ssyncset.done $0x0  }
0x38f: {  	s28 =	rddreg [dreg:$0x7];
	[sflag:s6] =	ssyncadd.s32 $0xFFFFF000  }
0x390: {  	[hbm4b:s28+s4] =	stream.strided.scatter [tilespmem:s3], [sflag:$0x3], $0x4000, s5, s4, $0x38;
	[tilespmem:$0xB400] =	vst v63  }
0x391: {  	_ =	swait.ge [sflag:s2], $0x4000  }
0x392: {  	s26 =	sld [smem:$0x792]  }
0x393: {  	s1 =	sld [smem:$0x7D8]  }
0x394: {  	[sflag:s2] =	ssyncset.done $0x0  }
0x395: {  	s0 =	sld [smem:$0x793];
	[sflag:s2] =	ssyncadd.s32 $0xFFFFC000  }
0x396: {  	[tilespmem:s3], [sflag:$0x2] =	stream.indirect.gather [hbm4b:s1+s10], $0x20, s26, s10, $0xb8;
	[tilespmem:$0xB400] =	vst v63  }
0x397: {  	s26 =	sld [smem:$0x794]  }
0x398: {  	[tilespmem:s13], [sflag:$0x2] =	stream.indirect.gather [hbm4b:s1+s10], $0x20, s0, s10, $0xb8;
	[tilespmem:$0xB400] =	vst v63  }
0x399: {  	s0 =	sld [smem:$0x795]  }
0x39a: {  	[tilespmem:s11], [sflag:$0x2] =	stream.indirect.gather [hbm4b:s1+s10], $0x20, s26, s10, $0xb8;
	[tilespmem:$0xB400] =	vst v63  }
0x39b: {  	_ = 	snop  }
0x39c: {  	[tilespmem:s12], [sflag:$0x2] =	stream.indirect.gather [hbm4b:s1+s10], $0x20, s0, s10, $0xb8;
	[tilespmem:$0xB400] =	vst v63  }
0x39d: {  	_ =	swait.ge [sflag:s9], $0x1000  }
0x39e: {  	[sflag:s9] =	ssyncset.done $0x0  }
0x39f: {  	[sflag:s9] =	ssyncadd.s32 $0xFFFFF000  }
0x3a0: {  	_ =	swait.ge [sflag:s9], $0x1000  }
0x3a1: {  	[sflag:s9] =	ssyncset.done $0x0  }
0x3a2: {  	[sflag:s9] =	ssyncadd.s32 $0xFFFFF000  }
0x3a3: {  	_ =	swait.ge [sflag:s9], $0x1000  }
0x3a4: {  	[sflag:s9] =	ssyncset.done $0x0  }
0x3a5: {  	[sflag:s9] =	ssyncadd.s32 $0xFFFFF000  }
0x3a6: {  	_ =	swait.ge [sflag:s9], $0x1000  }
0x3a7: {  	[sflag:s9] =	ssyncset.done $0x0  }
0x3a8: {  	s28 =	rddreg [dreg:$0x8];
	[sflag:s9] =	ssyncadd.s32 $0xFFFFF000  }
0x3a9: {  	[hbm4b:s28+s4] =	stream.strided.scatter [tilespmem:s7], [sflag:$0x3], $0x4000, s5, s4, $0x38;
	[tilespmem:$0xB400] =	vst v63  }
0x3aa: {  	_ =	swait.ge [sflag:s2], $0x4000  }
0x3ab: {  	s26 =	sld [smem:$0x796]  }
0x3ac: {  	s1 =	sld [smem:$0x7DA]  }
0x3ad: {  	[sflag:s2] =	ssyncset.done $0x0  }
0x3ae: {  	s0 =	sld [smem:$0x797];
	[sflag:s2] =	ssyncadd.s32 $0xFFFFC000  }
0x3af: {  	[tilespmem:s7], [sflag:$0x1] =	stream.indirect.gather [hbm4b:s1+s10], $0x20, s26, s10, $0xb8;
	[tilespmem:$0xB400] =	vst v63  }
0x3b0: {  	s26 =	sld [smem:$0x798]  }
0x3b1: {  	[tilespmem:s17], [sflag:$0x1] =	stream.indirect.gather [hbm4b:s1+s10], $0x20, s0, s10, $0xb8;
	[tilespmem:$0xB400] =	vst v63  }
0x3b2: {  	s0 =	sld [smem:$0x799]  }
0x3b3: {  	[tilespmem:s15], [sflag:$0x1] =	stream.indirect.gather [hbm4b:s1+s10], $0x20, s26, s10, $0xb8;
	[tilespmem:$0xB400] =	vst v63  }
0x3b4: {  	_ = 	snop  }
0x3b5: {  	[tilespmem:s16], [sflag:$0x1] =	stream.indirect.gather [hbm4b:s1+s10], $0x20, s0, s10, $0xb8;
	[tilespmem:$0xB400] =	vst v63  }
0x3b6: {  	_ =	swait.ge [sflag:s6], $0x1000  }
0x3b7: {  	[sflag:s6] =	ssyncset.done $0x0  }
0x3b8: {  	[sflag:s6] =	ssyncadd.s32 $0xFFFFF000  }
0x3b9: {  	_ =	swait.ge [sflag:s6], $0x1000  }
0x3ba: {  	[sflag:s6] =	ssyncset.done $0x0  }
0x3bb: {  	[sflag:s6] =	ssyncadd.s32 $0xFFFFF000  }
0x3bc: {  	_ =	swait.ge [sflag:s6], $0x1000  }
0x3bd: {  	[sflag:s6] =	ssyncset.done $0x0  }
0x3be: {  	[sflag:s6] =	ssyncadd.s32 $0xFFFFF000  }
0x3bf: {  	_ =	swait.ge [sflag:s6], $0x1000  }
0x3c0: {  	[sflag:s6] =	ssyncset.done $0x0  }
0x3c1: {  	s28 =	rddreg [dreg:$0x9];
	[sflag:s6] =	ssyncadd.s32 $0xFFFFF000  }
0x3c2: {  	[hbm4b:s28+s4] =	stream.strided.scatter [tilespmem:s3], [sflag:$0x3], $0x4000, s5, s4, $0x38;
	[tilespmem:$0xB400] =	vst v63  }
0x3c3: {  	_ =	swait.ge [sflag:s2], $0x4000  }
0x3c4: {  	s26 =	sld [smem:$0x79A]  }
0x3c5: {  	s1 =	sld [smem:$0x7DC]  }
0x3c6: {  	[sflag:s2] =	ssyncset.done $0x0  }
0x3c7: {  	s0 =	sld [smem:$0x79B];
	[sflag:s2] =	ssyncadd.s32 $0xFFFFC000  }
0x3c8: {  	[tilespmem:s3], [sflag:$0x2] =	stream.indirect.gather [hbm4b:s1+s10], $0x20, s26, s10, $0xb8;
	[tilespmem:$0xB400] =	vst v63  }
0x3c9: {  	s26 =	sld [smem:$0x79C]  }
0x3ca: {  	[tilespmem:s13], [sflag:$0x2] =	stream.indirect.gather [hbm4b:s1+s10], $0x20, s0, s10, $0xb8;
	[tilespmem:$0xB400] =	vst v63  }
0x3cb: {  	s0 =	sld [smem:$0x79D]  }
0x3cc: {  	[tilespmem:s11], [sflag:$0x2] =	stream.indirect.gather [hbm4b:s1+s10], $0x20, s26, s10, $0xb8;
	[tilespmem:$0xB400] =	vst v63  }
0x3cd: {  	_ = 	snop  }
0x3ce: {  	[tilespmem:s12], [sflag:$0x2] =	stream.indirect.gather [hbm4b:s1+s10], $0x20, s0, s10, $0xb8;
	[tilespmem:$0xB400] =	vst v63  }
0x3cf: {  	_ =	swait.ge [sflag:s9], $0x1000  }
0x3d0: {  	[sflag:s9] =	ssyncset.done $0x0  }
0x3d1: {  	[sflag:s9] =	ssyncadd.s32 $0xFFFFF000  }
0x3d2: {  	_ =	swait.ge [sflag:s9], $0x1000  }
0x3d3: {  	[sflag:s9] =	ssyncset.done $0x0  }
0x3d4: {  	[sflag:s9] =	ssyncadd.s32 $0xFFFFF000  }
0x3d5: {  	_ =	swait.ge [sflag:s9], $0x1000  }
0x3d6: {  	[sflag:s9] =	ssyncset.done $0x0  }
0x3d7: {  	[sflag:s9] =	ssyncadd.s32 $0xFFFFF000  }
0x3d8: {  	_ =	swait.ge [sflag:s9], $0x1000  }
0x3d9: {  	[sflag:s9] =	ssyncset.done $0x0  }
0x3da: {  	s28 =	rddreg [dreg:$0xa];
	[sflag:s9] =	ssyncadd.s32 $0xFFFFF000  }
0x3db: {  	[hbm4b:s28+s4] =	stream.strided.scatter [tilespmem:s7], [sflag:$0x3], $0x4000, s5, s4, $0x38;
	[tilespmem:$0xB400] =	vst v63  }
0x3dc: {  	_ =	swait.ge [sflag:s2], $0x4000  }
0x3dd: {  	s26 =	sld [smem:$0x79E]  }
0x3de: {  	s1 =	sld [smem:$0x7DE]  }
0x3df: {  	[sflag:s2] =	ssyncset.done $0x0  }
0x3e0: {  	s0 =	sld [smem:$0x79F];
	[sflag:s2] =	ssyncadd.s32 $0xFFFFC000  }
0x3e1: {  	[tilespmem:s7], [sflag:$0x1] =	stream.indirect.gather [hbm4b:s1+s10], $0x20, s26, s10, $0xb8;
	[tilespmem:$0xB400] =	vst v63  }
0x3e2: {  	s26 =	sld [smem:$0x7A0]  }
0x3e3: {  	[tilespmem:s17], [sflag:$0x1] =	stream.indirect.gather [hbm4b:s1+s10], $0x20, s0, s10, $0xb8;
	[tilespmem:$0xB400] =	vst v63  }
0x3e4: {  	s0 =	sld [smem:$0x7A1]  }
0x3e5: {  	[tilespmem:s15], [sflag:$0x1] =	stream.indirect.gather [hbm4b:s1+s10], $0x20, s26, s10, $0xb8;
	[tilespmem:$0xB400] =	vst v63  }
0x3e6: {  	_ = 	snop  }
0x3e7: {  	[tilespmem:s16], [sflag:$0x1] =	stream.indirect.gather [hbm4b:s1+s10], $0x20, s0, s10, $0xb8;
	[tilespmem:$0xB400] =	vst v63  }
0x3e8: {  	_ =	swait.ge [sflag:s6], $0x1000  }
0x3e9: {  	[sflag:s6] =	ssyncset.done $0x0  }
0x3ea: {  	[sflag:s6] =	ssyncadd.s32 $0xFFFFF000  }
0x3eb: {  	_ =	swait.ge [sflag:s6], $0x1000  }
0x3ec: {  	[sflag:s6] =	ssyncset.done $0x0  }
0x3ed: {  	[sflag:s6] =	ssyncadd.s32 $0xFFFFF000  }
0x3ee: {  	_ =	swait.ge [sflag:s6], $0x1000  }
0x3ef: {  	[sflag:s6] =	ssyncset.done $0x0  }
0x3f0: {  	[sflag:s6] =	ssyncadd.s32 $0xFFFFF000  }
0x3f1: {  	_ =	swait.ge [sflag:s6], $0x1000  }
0x3f2: {  	[sflag:s6] =	ssyncset.done $0x0  }
0x3f3: {  	s28 =	rddreg [dreg:$0xb];
	[sflag:s6] =	ssyncadd.s32 $0xFFFFF000  }
0x3f4: {  	[hbm4b:s28+s4] =	stream.strided.scatter [tilespmem:s3], [sflag:$0x3], $0x4000, s5, s4, $0x38;
	[tilespmem:$0xB400] =	vst v63  }
0x3f5: {  	_ =	swait.ge [sflag:s2], $0x4000  }
0x3f6: {  	s26 =	sld [smem:$0x7A2]  }
0x3f7: {  	s1 =	sld [smem:$0x7E0]  }
0x3f8: {  	[sflag:s2] =	ssyncset.done $0x0  }
0x3f9: {  	s0 =	sld [smem:$0x7A3];
	[sflag:s2] =	ssyncadd.s32 $0xFFFFC000  }
0x3fa: {  	[tilespmem:s3], [sflag:$0x2] =	stream.indirect.gather [hbm4b:s1+s10], $0x20, s26, s10, $0xb8;
	[tilespmem:$0xB400] =	vst v63  }
0x3fb: {  	s26 =	sld [smem:$0x7A4]  }
0x3fc: {  	[tilespmem:s13], [sflag:$0x2] =	stream.indirect.gather [hbm4b:s1+s10], $0x20, s0, s10, $0xb8;
	[tilespmem:$0xB400] =	vst v63  }
0x3fd: {  	s0 =	sld [smem:$0x7A5]  }
0x3fe: {  	[tilespmem:s11], [sflag:$0x2] =	stream.indirect.gather [hbm4b:s1+s10], $0x20, s26, s10, $0xb8;
	[tilespmem:$0xB400] =	vst v63  }
0x3ff: {  	_ = 	snop  }
0x400: {  	[tilespmem:s12], [sflag:$0x2] =	stream.indirect.gather [hbm4b:s1+s10], $0x20, s0, s10, $0xb8;
	[tilespmem:$0xB400] =	vst v63  }
0x401: {  	_ =	swait.ge [sflag:s9], $0x1000  }
0x402: {  	[sflag:s9] =	ssyncset.done $0x0  }
0x403: {  	[sflag:s9] =	ssyncadd.s32 $0xFFFFF000  }
0x404: {  	_ =	swait.ge [sflag:s9], $0x1000  }
0x405: {  	[sflag:s9] =	ssyncset.done $0x0  }
0x406: {  	[sflag:s9] =	ssyncadd.s32 $0xFFFFF000  }
0x407: {  	_ =	swait.ge [sflag:s9], $0x1000  }
0x408: {  	[sflag:s9] =	ssyncset.done $0x0  }
0x409: {  	[sflag:s9] =	ssyncadd.s32 $0xFFFFF000  }
0x40a: {  	_ =	swait.ge [sflag:s9], $0x1000  }
0x40b: {  	[sflag:s9] =	ssyncset.done $0x0  }
0x40c: {  	s28 =	rddreg [dreg:$0xc];
	[sflag:s9] =	ssyncadd.s32 $0xFFFFF000  }
0x40d: {  	[hbm4b:s28+s4] =	stream.strided.scatter [tilespmem:s7], [sflag:$0x3], $0x4000, s5, s4, $0x38;
	[tilespmem:$0xB400] =	vst v63  }
0x40e: {  	_ =	swait.ge [sflag:s2], $0x4000  }
0x40f: {  	s26 =	sld [smem:$0x7A6]  }
0x410: {  	s1 =	sld [smem:$0x7E2]  }
0x411: {  	[sflag:s2] =	ssyncset.done $0x0  }
0x412: {  	s0 =	sld [smem:$0x7A7];
	[sflag:s2] =	ssyncadd.s32 $0xFFFFC000  }
0x413: {  	[tilespmem:s7], [sflag:$0x1] =	stream.indirect.gather [hbm4b:s1+s10], $0x20, s26, s10, $0xb8;
	[tilespmem:$0xB400] =	vst v63  }
0x414: {  	s26 =	sld [smem:$0x7A8]  }
0x415: {  	[tilespmem:s17], [sflag:$0x1] =	stream.indirect.gather [hbm4b:s1+s10], $0x20, s0, s10, $0xb8;
	[tilespmem:$0xB400] =	vst v63  }
0x416: {  	s0 =	sld [smem:$0x7A9]  }
0x417: {  	[tilespmem:s15], [sflag:$0x1] =	stream.indirect.gather [hbm4b:s1+s10], $0x20, s26, s10, $0xb8;
	[tilespmem:$0xB400] =	vst v63  }
0x418: {  	_ = 	snop  }
0x419: {  	[tilespmem:s16], [sflag:$0x1] =	stream.indirect.gather [hbm4b:s1+s10], $0x20, s0, s10, $0xb8;
	[tilespmem:$0xB400] =	vst v63  }
0x41a: {  	_ =	swait.ge [sflag:s6], $0x1000  }
0x41b: {  	[sflag:s6] =	ssyncset.done $0x0  }
0x41c: {  	[sflag:s6] =	ssyncadd.s32 $0xFFFFF000  }
0x41d: {  	_ =	swait.ge [sflag:s6], $0x1000  }
0x41e: {  	[sflag:s6] =	ssyncset.done $0x0  }
0x41f: {  	[sflag:s6] =	ssyncadd.s32 $0xFFFFF000  }
0x420: {  	_ =	swait.ge [sflag:s6], $0x1000  }
0x421: {  	[sflag:s6] =	ssyncset.done $0x0  }
0x422: {  	[sflag:s6] =	ssyncadd.s32 $0xFFFFF000  }
0x423: {  	_ =	swait.ge [sflag:s6], $0x1000  }
0x424: {  	[sflag:s6] =	ssyncset.done $0x0  }
0x425: {  	s28 =	rddreg [dreg:$0xd];
	[sflag:s6] =	ssyncadd.s32 $0xFFFFF000  }
0x426: {  	[hbm4b:s28+s4] =	stream.strided.scatter [tilespmem:s3], [sflag:$0x3], $0x4000, s5, s4, $0x38;
	[tilespmem:$0xB400] =	vst v63  }
0x427: {  	_ =	swait.ge [sflag:s2], $0x4000  }
0x428: {  	s0 =	sld [smem:$0x7AA]  }
0x429: {  	[sflag:s2] =	ssyncset.done $0x0  }
0x42a: {  	s1 =	sld [smem:$0x7AB];
	[sflag:s2] =	ssyncadd.s32 $0xFFFFC000  }
0x42b: {  	[tilespmem:s3], [sflag:$0x2] =	stream.indirect.gather [hbm4b:s8+s10], $0x20, s0, s10, $0xb8;
	[tilespmem:$0xB400] =	vst v63  }
0x42c: {  	s0 =	sld [smem:$0x7AC]  }
0x42d: {  	[tilespmem:s13], [sflag:$0x2] =	stream.indirect.gather [hbm4b:s8+s10], $0x20, s1, s10, $0xb8;
	[tilespmem:$0xB400] =	vst v63  }
0x42e: {  	s1 =	sld [smem:$0x7AD]  }
0x42f: {  	[tilespmem:s11], [sflag:$0x2] =	stream.indirect.gather [hbm4b:s8+s10], $0x20, s0, s10, $0xb8;
	[tilespmem:$0xB400] =	vst v63  }
0x430: {  	_ = 	snop  }
0x431: {  	[tilespmem:s12], [sflag:$0x2] =	stream.indirect.gather [hbm4b:s8+s10], $0x20, s1, s10, $0xb8;
	[tilespmem:$0xB400] =	vst v63  }
0x432: {  	_ =	swait.ge [sflag:s9], $0x1000  }
0x433: {  	[sflag:s9] =	ssyncset.done $0x0  }
0x434: {  	[sflag:s9] =	ssyncadd.s32 $0xFFFFF000  }
0x435: {  	_ =	swait.ge [sflag:s9], $0x1000  }
0x436: {  	[sflag:s9] =	ssyncset.done $0x0  }
0x437: {  	[sflag:s9] =	ssyncadd.s32 $0xFFFFF000  }
0x438: {  	_ =	swait.ge [sflag:s9], $0x1000  }
0x439: {  	[sflag:s9] =	ssyncset.done $0x0  }
0x43a: {  	[sflag:s9] =	ssyncadd.s32 $0xFFFFF000  }
0x43b: {  	_ =	swait.ge [sflag:s9], $0x1000  }
0x43c: {  	[sflag:s9] =	ssyncset.done $0x0  }
0x43d: {  	s28 =	rddreg [dreg:$0xe];
	[sflag:s9] =	ssyncadd.s32 $0xFFFFF000  }
0x43e: {  	[hbm4b:s28+s4] =	stream.strided.scatter [tilespmem:s7], [sflag:$0x3], $0x4000, s5, s4, $0x38;
	[tilespmem:$0xB400] =	vst v63  }
0x43f: {  	_ =	swait.ge [sflag:s2], $0x4000  }
0x440: {  	s0 =	sld [smem:$0x7AE]  }
0x441: {  	[sflag:s2] =	ssyncset.done $0x0  }
0x442: {  	s1 =	sld [smem:$0x7AF];
	[sflag:s2] =	ssyncadd.s32 $0xFFFFC000  }
0x443: {  	[tilespmem:s7], [sflag:$0x1] =	stream.indirect.gather [hbm4b:s24+s10], $0x20, s0, s10, $0xb8;
	[tilespmem:$0xB400] =	vst v63  }
0x444: {  	s0 =	sld [smem:$0x7B0]  }
0x445: {  	[tilespmem:s17], [sflag:$0x1] =	stream.indirect.gather [hbm4b:s24+s10], $0x20, s1, s10, $0xb8;
	[tilespmem:$0xB400] =	vst v63  }
0x446: {  	s1 =	sld [smem:$0x7B1]  }
0x447: {  	[tilespmem:s15], [sflag:$0x1] =	stream.indirect.gather [hbm4b:s24+s10], $0x20, s0, s10, $0xb8;
	[tilespmem:$0xB400] =	vst v63  }
0x448: {  	_ = 	snop  }
0x449: {  	[tilespmem:s16], [sflag:$0x1] =	stream.indirect.gather [hbm4b:s24+s10], $0x20, s1, s10, $0xb8;
	[tilespmem:$0xB400] =	vst v63  }
0x44a: {  	_ =	swait.ge [sflag:s6], $0x1000  }
0x44b: {  	[sflag:s6] =	ssyncset.done $0x0  }
0x44c: {  	[sflag:s6] =	ssyncadd.s32 $0xFFFFF000  }
0x44d: {  	_ =	swait.ge [sflag:s6], $0x1000  }
0x44e: {  	[sflag:s6] =	ssyncset.done $0x0  }
0x44f: {  	[sflag:s6] =	ssyncadd.s32 $0xFFFFF000  }
0x450: {  	_ =	swait.ge [sflag:s6], $0x1000  }
0x451: {  	[sflag:s6] =	ssyncset.done $0x0  }
0x452: {  	[sflag:s6] =	ssyncadd.s32 $0xFFFFF000  }
0x453: {  	_ =	swait.ge [sflag:s6], $0x1000  }
0x454: {  	[sflag:s6] =	ssyncset.done $0x0  }
0x455: {  	s28 =	rddreg [dreg:$0xf];
	[sflag:s6] =	ssyncadd.s32 $0xFFFFF000  }
0x456: {  	[hbm4b:s28+s4] =	stream.strided.scatter [tilespmem:s3], [sflag:$0x3], $0x4000, s5, s4, $0x38;
	[tilespmem:$0xB400] =	vst v63  }
0x457: {  	_ =	swait.ge [sflag:s2], $0x4000  }
0x458: {  	s0 =	sld [smem:$0x7B2]  }
0x459: {  	[sflag:s2] =	ssyncset.done $0x0  }
0x45a: {  	s1 =	sld [smem:$0x7B3];
	[sflag:s2] =	ssyncadd.s32 $0xFFFFC000  }
0x45b: {  	[tilespmem:s3], [sflag:$0x2] =	stream.indirect.gather [hbm4b:s23+s10], $0x20, s0, s10, $0xb8;
	[tilespmem:$0xB400] =	vst v63  }
0x45c: {  	s0 =	sld [smem:$0x7B4]  }
0x45d: {  	[tilespmem:s13], [sflag:$0x2] =	stream.indirect.gather [hbm4b:s23+s10], $0x20, s1, s10, $0xb8;
	[tilespmem:$0xB400] =	vst v63  }
0x45e: {  	s1 =	sld [smem:$0x7B5]  }
0x45f: {  	[tilespmem:s11], [sflag:$0x2] =	stream.indirect.gather [hbm4b:s23+s10], $0x20, s0, s10, $0xb8;
	[tilespmem:$0xB400] =	vst v63  }
0x460: {  	_ = 	snop  }
0x461: {  	[tilespmem:s12], [sflag:$0x2] =	stream.indirect.gather [hbm4b:s23+s10], $0x20, s1, s10, $0xb8;
	[tilespmem:$0xB400] =	vst v63  }
0x462: {  	_ =	swait.ge [sflag:s9], $0x1000  }
0x463: {  	[sflag:s9] =	ssyncset.done $0x0  }
0x464: {  	[sflag:s9] =	ssyncadd.s32 $0xFFFFF000  }
0x465: {  	_ =	swait.ge [sflag:s9], $0x1000  }
0x466: {  	[sflag:s9] =	ssyncset.done $0x0  }
0x467: {  	[sflag:s9] =	ssyncadd.s32 $0xFFFFF000  }
0x468: {  	_ =	swait.ge [sflag:s9], $0x1000  }
0x469: {  	[sflag:s9] =	ssyncset.done $0x0  }
0x46a: {  	[sflag:s9] =	ssyncadd.s32 $0xFFFFF000  }
0x46b: {  	_ =	swait.ge [sflag:s9], $0x1000  }
0x46c: {  	[sflag:s9] =	ssyncset.done $0x0  }
0x46d: {  	s28 =	rddreg [dreg:$0x10];
	[sflag:s9] =	ssyncadd.s32 $0xFFFFF000  }
0x46e: {  	[hbm4b:s28+s4] =	stream.strided.scatter [tilespmem:s7], [sflag:$0x3], $0x4000, s5, s4, $0x38;
	[tilespmem:$0xB400] =	vst v63  }
0x46f: {  	_ =	swait.ge [sflag:s2], $0x4000  }
0x470: {  	s0 =	sld [smem:$0x7B6]  }
0x471: {  	[sflag:s2] =	ssyncset.done $0x0  }
0x472: {  	s1 =	sld [smem:$0x7B7];
	[sflag:s2] =	ssyncadd.s32 $0xFFFFC000  }
0x473: {  	[tilespmem:s7], [sflag:$0x1] =	stream.indirect.gather [hbm4b:s22+s10], $0x20, s0, s10, $0xb8;
	[tilespmem:$0xB400] =	vst v63  }
0x474: {  	s0 =	sld [smem:$0x7B8]  }
0x475: {  	[tilespmem:s17], [sflag:$0x1] =	stream.indirect.gather [hbm4b:s22+s10], $0x20, s1, s10, $0xb8;
	[tilespmem:$0xB400] =	vst v63  }
0x476: {  	s1 =	sld [smem:$0x7B9]  }
0x477: {  	[tilespmem:s15], [sflag:$0x1] =	stream.indirect.gather [hbm4b:s22+s10], $0x20, s0, s10, $0xb8;
	[tilespmem:$0xB400] =	vst v63  }
0x478: {  	_ = 	snop  }
0x479: {  	[tilespmem:s16], [sflag:$0x1] =	stream.indirect.gather [hbm4b:s22+s10], $0x20, s1, s10, $0xb8;
	[tilespmem:$0xB400] =	vst v63  }
0x47a: {  	_ =	swait.ge [sflag:s6], $0x1000  }
0x47b: {  	[sflag:s6] =	ssyncset.done $0x0  }
0x47c: {  	[sflag:s6] =	ssyncadd.s32 $0xFFFFF000  }
0x47d: {  	_ =	swait.ge [sflag:s6], $0x1000  }
0x47e: {  	[sflag:s6] =	ssyncset.done $0x0  }
0x47f: {  	[sflag:s6] =	ssyncadd.s32 $0xFFFFF000  }
0x480: {  	_ =	swait.ge [sflag:s6], $0x1000  }
0x481: {  	[sflag:s6] =	ssyncset.done $0x0  }
0x482: {  	[sflag:s6] =	ssyncadd.s32 $0xFFFFF000  }
0x483: {  	_ =	swait.ge [sflag:s6], $0x1000  }
0x484: {  	[sflag:s6] =	ssyncset.done $0x0  }
0x485: {  	s28 =	rddreg [dreg:$0x11];
	[sflag:s6] =	ssyncadd.s32 $0xFFFFF000  }
0x486: {  	[hbm4b:s28+s4] =	stream.strided.scatter [tilespmem:s3], [sflag:$0x3], $0x4000, s5, s4, $0x38;
	[tilespmem:$0xB400] =	vst v63  }
0x487: {  	_ =	swait.ge [sflag:s2], $0x4000  }
0x488: {  	s0 =	sld [smem:$0x7BA]  }
0x489: {  	[sflag:s2] =	ssyncset.done $0x0  }
0x48a: {  	s1 =	sld [smem:$0x7BB];
	[sflag:s2] =	ssyncadd.s32 $0xFFFFC000  }
0x48b: {  	[tilespmem:s3], [sflag:$0x2] =	stream.indirect.gather [hbm4b:s21+s10], $0x20, s0, s10, $0xb8;
	[tilespmem:$0xB400] =	vst v63  }
0x48c: {  	s0 =	sld [smem:$0x7BC]  }
0x48d: {  	[tilespmem:s13], [sflag:$0x2] =	stream.indirect.gather [hbm4b:s21+s10], $0x20, s1, s10, $0xb8;
	[tilespmem:$0xB400] =	vst v63  }
0x48e: {  	s1 =	sld [smem:$0x7BD]  }
0x48f: {  	[tilespmem:s11], [sflag:$0x2] =	stream.indirect.gather [hbm4b:s21+s10], $0x20, s0, s10, $0xb8;
	[tilespmem:$0xB400] =	vst v63  }
0x490: {  	_ = 	snop  }
0x491: {  	[tilespmem:s12], [sflag:$0x2] =	stream.indirect.gather [hbm4b:s21+s10], $0x20, s1, s10, $0xb8;
	[tilespmem:$0xB400] =	vst v63  }
0x492: {  	_ =	swait.ge [sflag:s9], $0x1000  }
0x493: {  	[sflag:s9] =	ssyncset.done $0x0  }
0x494: {  	[sflag:s9] =	ssyncadd.s32 $0xFFFFF000  }
0x495: {  	_ =	swait.ge [sflag:s9], $0x1000  }
0x496: {  	[sflag:s9] =	ssyncset.done $0x0  }
0x497: {  	[sflag:s9] =	ssyncadd.s32 $0xFFFFF000  }
0x498: {  	_ =	swait.ge [sflag:s9], $0x1000  }
0x499: {  	[sflag:s9] =	ssyncset.done $0x0  }
0x49a: {  	[sflag:s9] =	ssyncadd.s32 $0xFFFFF000  }
0x49b: {  	_ =	swait.ge [sflag:s9], $0x1000  }
0x49c: {  	[sflag:s9] =	ssyncset.done $0x0  }
0x49d: {  	s28 =	rddreg [dreg:$0x12];
	[sflag:s9] =	ssyncadd.s32 $0xFFFFF000  }
0x49e: {  	[hbm4b:s28+s4] =	stream.strided.scatter [tilespmem:s7], [sflag:$0x3], $0x4000, s5, s4, $0x38;
	[tilespmem:$0xB400] =	vst v63  }
0x49f: {  	_ =	swait.ge [sflag:s2], $0x4000  }
0x4a0: {  	s0 =	sld [smem:$0x7BE]  }
0x4a1: {  	[sflag:s2] =	ssyncset.done $0x0  }
0x4a2: {  	s1 =	sld [smem:$0x7BF];
	[sflag:s2] =	ssyncadd.s32 $0xFFFFC000  }
0x4a3: {  	[tilespmem:s7], [sflag:$0x1] =	stream.indirect.gather [hbm4b:s20+s10], $0x20, s0, s10, $0xb8;
	[tilespmem:$0xB400] =	vst v63  }
0x4a4: {  	s0 =	sld [smem:$0x7C0]  }
0x4a5: {  	[tilespmem:s17], [sflag:$0x1] =	stream.indirect.gather [hbm4b:s20+s10], $0x20, s1, s10, $0xb8;
	[tilespmem:$0xB400] =	vst v63  }
0x4a6: {  	s1 =	sld [smem:$0x7C1]  }
0x4a7: {  	[tilespmem:s15], [sflag:$0x1] =	stream.indirect.gather [hbm4b:s20+s10], $0x20, s0, s10, $0xb8;
	[tilespmem:$0xB400] =	vst v63  }
0x4a8: {  	_ = 	snop  }
0x4a9: {  	[tilespmem:s16], [sflag:$0x1] =	stream.indirect.gather [hbm4b:s20+s10], $0x20, s1, s10, $0xb8;
	[tilespmem:$0xB400] =	vst v63  }
0x4aa: {  	_ =	swait.ge [sflag:s6], $0x1000  }
0x4ab: {  	[sflag:s6] =	ssyncset.done $0x0  }
0x4ac: {  	[sflag:s6] =	ssyncadd.s32 $0xFFFFF000  }
0x4ad: {  	_ =	swait.ge [sflag:s6], $0x1000  }
0x4ae: {  	[sflag:s6] =	ssyncset.done $0x0  }
0x4af: {  	[sflag:s6] =	ssyncadd.s32 $0xFFFFF000  }
0x4b0: {  	_ =	swait.ge [sflag:s6], $0x1000  }
0x4b1: {  	[sflag:s6] =	ssyncset.done $0x0  }
0x4b2: {  	[sflag:s6] =	ssyncadd.s32 $0xFFFFF000  }
0x4b3: {  	_ =	swait.ge [sflag:s6], $0x1000  }
0x4b4: {  	[sflag:s6] =	ssyncset.done $0x0  }
0x4b5: {  	s28 =	rddreg [dreg:$0x13];
	[sflag:s6] =	ssyncadd.s32 $0xFFFFF000  }
0x4b6: {  	[hbm4b:s28+s4] =	stream.strided.scatter [tilespmem:s3], [sflag:$0x3], $0x4000, s5, s4, $0x38;
	[tilespmem:$0xB400] =	vst v63  }
0x4b7: {  	_ =	swait.ge [sflag:s2], $0x4000  }
0x4b8: {  	s0 =	sld [smem:$0x7C2]  }
0x4b9: {  	[sflag:s2] =	ssyncset.done $0x0  }
0x4ba: {  	s1 =	sld [smem:$0x7C3];
	[sflag:s2] =	ssyncadd.s32 $0xFFFFC000  }
0x4bb: {  	[tilespmem:s3], [sflag:$0x2] =	stream.indirect.gather [hbm4b:s19+s10], $0x20, s0, s10, $0xb8;
	[tilespmem:$0xB400] =	vst v63  }
0x4bc: {  	s0 =	sld [smem:$0x7C4]  }
0x4bd: {  	[tilespmem:s13], [sflag:$0x2] =	stream.indirect.gather [hbm4b:s19+s10], $0x20, s1, s10, $0xb8;
	[tilespmem:$0xB400] =	vst v63  }
0x4be: {  	s1 =	sld [smem:$0x7C5]  }
0x4bf: {  	[tilespmem:s11], [sflag:$0x2] =	stream.indirect.gather [hbm4b:s19+s10], $0x20, s0, s10, $0xb8;
	[tilespmem:$0xB400] =	vst v63  }
0x4c0: {  	_ = 	snop  }
0x4c1: {  	[tilespmem:s12], [sflag:$0x2] =	stream.indirect.gather [hbm4b:s19+s10], $0x20, s1, s10, $0xb8;
	[tilespmem:$0xB400] =	vst v63  }
0x4c2: {  	_ =	swait.ge [sflag:s9], $0x1000  }
0x4c3: {  	[sflag:s9] =	ssyncset.done $0x0  }
0x4c4: {  	[sflag:s9] =	ssyncadd.s32 $0xFFFFF000  }
0x4c5: {  	_ =	swait.ge [sflag:s9], $0x1000  }
0x4c6: {  	[sflag:s9] =	ssyncset.done $0x0  }
0x4c7: {  	[sflag:s9] =	ssyncadd.s32 $0xFFFFF000  }
0x4c8: {  	_ =	swait.ge [sflag:s9], $0x1000  }
0x4c9: {  	[sflag:s9] =	ssyncset.done $0x0  }
0x4ca: {  	[sflag:s9] =	ssyncadd.s32 $0xFFFFF000  }
0x4cb: {  	_ =	swait.ge [sflag:s9], $0x1000  }
0x4cc: {  	[sflag:s9] =	ssyncset.done $0x0  }
0x4cd: {  	s28 =	rddreg [dreg:$0x14];
	[sflag:s9] =	ssyncadd.s32 $0xFFFFF000  }
0x4ce: {  	[hbm4b:s28+s4] =	stream.strided.scatter [tilespmem:s7], [sflag:$0x3], $0x4000, s5, s4, $0x38;
	[tilespmem:$0xB400] =	vst v63  }
0x4cf: {  	_ =	swait.ge [sflag:s2], $0x4000  }
0x4d0: {  	s0 =	sld [smem:$0x7C6]  }
0x4d1: {  	[sflag:s2] =	ssyncset.done $0x0  }
0x4d2: {  	s1 =	sld [smem:$0x7C7];
	[sflag:s2] =	ssyncadd.s32 $0xFFFFC000  }
0x4d3: {  	[tilespmem:s7], [sflag:$0x1] =	stream.indirect.gather [hbm4b:s18+s10], $0x20, s0, s10, $0xb8;
	[tilespmem:$0xB400] =	vst v63  }
0x4d4: {  	s0 =	sld [smem:$0x7C8]  }
0x4d5: {  	[tilespmem:s17], [sflag:$0x1] =	stream.indirect.gather [hbm4b:s18+s10], $0x20, s1, s10, $0xb8;
	[tilespmem:$0xB400] =	vst v63  }
0x4d6: {  	s1 =	sld [smem:$0x7C9]  }
0x4d7: {  	[tilespmem:s15], [sflag:$0x1] =	stream.indirect.gather [hbm4b:s18+s10], $0x20, s0, s10, $0xb8;
	[tilespmem:$0xB400] =	vst v63  }
0x4d8: {  	_ = 	snop  }
0x4d9: {  	[tilespmem:s16], [sflag:$0x1] =	stream.indirect.gather [hbm4b:s18+s10], $0x20, s1, s10, $0xb8;
	[tilespmem:$0xB400] =	vst v63  }
0x4da: {  	_ =	swait.ge [sflag:s6], $0x1000  }
0x4db: {  	[sflag:s6] =	ssyncset.done $0x0  }
0x4dc: {  	[sflag:s6] =	ssyncadd.s32 $0xFFFFF000  }
0x4dd: {  	_ =	swait.ge [sflag:s6], $0x1000  }
0x4de: {  	[sflag:s6] =	ssyncset.done $0x0  }
0x4df: {  	[sflag:s6] =	ssyncadd.s32 $0xFFFFF000  }
0x4e0: {  	_ =	swait.ge [sflag:s6], $0x1000  }
0x4e1: {  	[sflag:s6] =	ssyncset.done $0x0  }
0x4e2: {  	[sflag:s6] =	ssyncadd.s32 $0xFFFFF000  }
0x4e3: {  	_ =	swait.ge [sflag:s6], $0x1000  }
0x4e4: {  	[sflag:s6] =	ssyncset.done $0x0  }
0x4e5: {  	s28 =	rddreg [dreg:$0x15];
	[sflag:s6] =	ssyncadd.s32 $0xFFFFF000  }
0x4e6: {  	[hbm4b:s28+s4] =	stream.strided.scatter [tilespmem:s3], [sflag:$0x3], $0x4000, s5, s4, $0x38;
	[tilespmem:$0xB400] =	vst v63  }
0x4e7: {  	_ =	swait.ge [sflag:s2], $0x4000  }
0x4e8: {  	s0 =	sld [smem:$0x7CA]  }
0x4e9: {  	[sflag:s2] =	ssyncset.done $0x0  }
0x4ea: {  	s1 =	sld [smem:$0x7CB];
	[sflag:s2] =	ssyncadd.s32 $0xFFFFC000  }
0x4eb: {  	[tilespmem:s3], [sflag:$0x2] =	stream.indirect.gather [hbm4b:s31+s10], $0x20, s0, s10, $0xb8;
	[tilespmem:$0xB400] =	vst v63  }
0x4ec: {  	s0 =	sld [smem:$0x7CC]  }
0x4ed: {  	[tilespmem:s13], [sflag:$0x2] =	stream.indirect.gather [hbm4b:s31+s10], $0x20, s1, s10, $0xb8;
	[tilespmem:$0xB400] =	vst v63  }
0x4ee: {  	s1 =	sld [smem:$0x7CD]  }
0x4ef: {  	[tilespmem:s11], [sflag:$0x2] =	stream.indirect.gather [hbm4b:s31+s10], $0x20, s0, s10, $0xb8;
	[tilespmem:$0xB400] =	vst v63  }
0x4f0: {  	_ = 	snop  }
0x4f1: {  	[tilespmem:s12], [sflag:$0x2] =	stream.indirect.gather [hbm4b:s31+s10], $0x20, s1, s10, $0xb8;
	[tilespmem:$0xB400] =	vst v63  }
0x4f2: {  	_ =	swait.ge [sflag:s9], $0x1000  }
0x4f3: {  	[sflag:s9] =	ssyncset.done $0x0  }
0x4f4: {  	[sflag:s9] =	ssyncadd.s32 $0xFFFFF000  }
0x4f5: {  	_ =	swait.ge [sflag:s9], $0x1000  }
0x4f6: {  	[sflag:s9] =	ssyncset.done $0x0  }
0x4f7: {  	[sflag:s9] =	ssyncadd.s32 $0xFFFFF000  }
0x4f8: {  	_ =	swait.ge [sflag:s9], $0x1000  }
0x4f9: {  	[sflag:s9] =	ssyncset.done $0x0  }
0x4fa: {  	[sflag:s9] =	ssyncadd.s32 $0xFFFFF000  }
0x4fb: {  	_ =	swait.ge [sflag:s9], $0x1000  }
0x4fc: {  	[sflag:s9] =	ssyncset.done $0x0  }
0x4fd: {  	s28 =	rddreg [dreg:$0x16];
	[sflag:s9] =	ssyncadd.s32 $0xFFFFF000  }
0x4fe: {  	[hbm4b:s28+s4] =	stream.strided.scatter [tilespmem:s7], [sflag:$0x3], $0x4000, s5, s4, $0x38;
	[tilespmem:$0xB400] =	vst v63  }
0x4ff: {  	_ =	swait.ge [sflag:s2], $0x4000  }
0x500: {  	s26 =	sld [smem:$0x7CF]  }
0x501: {  	s1 =	sld [smem:$0x7EF]  }
0x502: {  	[sflag:s2] =	ssyncset.done $0x0  }
0x503: {  	s0 =	sld [smem:$0x7D1];
	[sflag:s2] =	ssyncadd.s32 $0xFFFFC000  }
0x504: {  	[tilespmem:s7], [sflag:$0x1] =	stream.indirect.gather [hbm4b:s1+s10], $0x20, s26, s10, $0xb8;
	[tilespmem:$0xB400] =	vst v63  }
0x505: {  	s26 =	sld [smem:$0x7D3]  }
0x506: {  	[tilespmem:s17], [sflag:$0x1] =	stream.indirect.gather [hbm4b:s1+s10], $0x20, s0, s10, $0xb8;
	[tilespmem:$0xB400] =	vst v63  }
0x507: {  	s0 =	sld [smem:$0x7D5]  }
0x508: {  	[tilespmem:s15], [sflag:$0x1] =	stream.indirect.gather [hbm4b:s1+s10], $0x20, s26, s10, $0xb8;
	[tilespmem:$0xB400] =	vst v63  }
0x509: {  	_ = 	snop  }
0x50a: {  	[tilespmem:s16], [sflag:$0x1] =	stream.indirect.gather [hbm4b:s1+s10], $0x20, s0, s10, $0xb8;
	[tilespmem:$0xB400] =	vst v63  }
0x50b: {  	_ =	swait.ge [sflag:s6], $0x1000  }
0x50c: {  	[sflag:s6] =	ssyncset.done $0x0  }
0x50d: {  	[sflag:s6] =	ssyncadd.s32 $0xFFFFF000  }
0x50e: {  	_ =	swait.ge [sflag:s6], $0x1000  }
0x50f: {  	[sflag:s6] =	ssyncset.done $0x0  }
0x510: {  	[sflag:s6] =	ssyncadd.s32 $0xFFFFF000  }
0x511: {  	_ =	swait.ge [sflag:s6], $0x1000  }
0x512: {  	[sflag:s6] =	ssyncset.done $0x0  }
0x513: {  	[sflag:s6] =	ssyncadd.s32 $0xFFFFF000  }
0x514: {  	_ =	swait.ge [sflag:s6], $0x1000  }
0x515: {  	[sflag:s6] =	ssyncset.done $0x0  }
0x516: {  	s28 =	rddreg [dreg:$0x17];
	[sflag:s6] =	ssyncadd.s32 $0xFFFFF000  }
0x517: {  	[hbm4b:s28+s4] =	stream.strided.scatter [tilespmem:s3], [sflag:$0x3], $0x4000, s5, s4, $0x38;
	[tilespmem:$0xB400] =	vst v63  }
0x518: {  	_ =	swait.ge [sflag:s2], $0x4000  }
0x519: {  	s26 =	sld [smem:$0x7D7]  }
0x51a: {  	s1 =	sld [smem:$0x7F2]  }
0x51b: {  	[sflag:s2] =	ssyncset.done $0x0  }
0x51c: {  	s0 =	sld [smem:$0x7D9];
	[sflag:s2] =	ssyncadd.s32 $0xFFFFC000  }
0x51d: {  	[tilespmem:s3], [sflag:$0x2] =	stream.indirect.gather [hbm4b:s1+s10], $0x20, s26, s10, $0xb8;
	[tilespmem:$0xB400] =	vst v63  }
0x51e: {  	s26 =	sld [smem:$0x7DB]  }
0x51f: {  	[tilespmem:s13], [sflag:$0x2] =	stream.indirect.gather [hbm4b:s1+s10], $0x20, s0, s10, $0xb8;
	[tilespmem:$0xB400] =	vst v63  }
0x520: {  	s0 =	sld [smem:$0x7DD]  }
0x521: {  	[tilespmem:s11], [sflag:$0x2] =	stream.indirect.gather [hbm4b:s1+s10], $0x20, s26, s10, $0xb8;
	[tilespmem:$0xB400] =	vst v63  }
0x522: {  	_ = 	snop  }
0x523: {  	[tilespmem:s12], [sflag:$0x2] =	stream.indirect.gather [hbm4b:s1+s10], $0x20, s0, s10, $0xb8;
	[tilespmem:$0xB400] =	vst v63  }
0x524: {  	_ =	swait.ge [sflag:s9], $0x1000  }
0x525: {  	[sflag:s9] =	ssyncset.done $0x0  }
0x526: {  	[sflag:s9] =	ssyncadd.s32 $0xFFFFF000  }
0x527: {  	_ =	swait.ge [sflag:s9], $0x1000  }
0x528: {  	[sflag:s9] =	ssyncset.done $0x0  }
0x529: {  	[sflag:s9] =	ssyncadd.s32 $0xFFFFF000  }
0x52a: {  	_ =	swait.ge [sflag:s9], $0x1000  }
0x52b: {  	[sflag:s9] =	ssyncset.done $0x0  }
0x52c: {  	[sflag:s9] =	ssyncadd.s32 $0xFFFFF000  }
0x52d: {  	_ =	swait.ge [sflag:s9], $0x1000  }
0x52e: {  	[sflag:s9] =	ssyncset.done $0x0  }
0x52f: {  	s0 =	rddreg [dreg:$0x18];
	[sflag:s9] =	ssyncadd.s32 $0xFFFFF000  }
0x530: {  	[hbm4b:s0+s4] =	stream.strided.scatter [tilespmem:s7], [sflag:$0x3], $0x4000, s5, s4, $0x38;
	[tilespmem:$0xB400] =	vst v63  }
0x531: {  	_ =	swait.ge [sflag:s2], $0x4000  }
0x532: {  	s26 =	sld [smem:$0x7DF]  }
0x533: {  	s0 =	sld [smem:$0x7F3]  }
0x534: {  	[sflag:s2] =	ssyncset.done $0x0  }
0x535: {  	s1 =	sld [smem:$0x7E1];
	[sflag:s2] =	ssyncadd.s32 $0xFFFFC000  }
0x536: {  	[tilespmem:s7], [sflag:$0x1] =	stream.indirect.gather [hbm4b:s0+s10], $0x20, s26, s10, $0xb8;
	[tilespmem:$0xB400] =	vst v63  }
0x537: {  	s26 =	sld [smem:$0x7E3]  }
0x538: {  	[tilespmem:s17], [sflag:$0x1] =	stream.indirect.gather [hbm4b:s0+s10], $0x20, s1, s10, $0xb8;
	[tilespmem:$0xB400] =	vst v63  }
0x539: {  	s1 =	sld [smem:$0x7E4]  }
0x53a: {  	[tilespmem:s15], [sflag:$0x1] =	stream.indirect.gather [hbm4b:s0+s10], $0x20, s26, s10, $0xb8;
	[tilespmem:$0xB400] =	vst v63  }
0x53b: {  	_ = 	snop  }
0x53c: {  	[tilespmem:s16], [sflag:$0x1] =	stream.indirect.gather [hbm4b:s0+s10], $0x20, s1, s10, $0xb8;
	[tilespmem:$0xB400] =	vst v63  }
0x53d: {  	_ =	swait.ge [sflag:s6], $0x1000  }
0x53e: {  	[sflag:s6] =	ssyncset.done $0x0  }
0x53f: {  	[sflag:s6] =	ssyncadd.s32 $0xFFFFF000  }
0x540: {  	_ =	swait.ge [sflag:s6], $0x1000  }
0x541: {  	[sflag:s6] =	ssyncset.done $0x0  }
0x542: {  	[sflag:s6] =	ssyncadd.s32 $0xFFFFF000  }
0x543: {  	_ =	swait.ge [sflag:s6], $0x1000  }
0x544: {  	[sflag:s6] =	ssyncset.done $0x0  }
0x545: {  	[sflag:s6] =	ssyncadd.s32 $0xFFFFF000  }
0x546: {  	_ =	swait.ge [sflag:s6], $0x1000  }
0x547: {  	[sflag:s6] =	ssyncset.done $0x0  }
0x548: {  	s0 =	rddreg [dreg:$0x19];
	[sflag:s6] =	ssyncadd.s32 $0xFFFFF000  }
0x549: {  	[hbm4b:s0+s4] =	stream.strided.scatter [tilespmem:s3], [sflag:$0x3], $0x4000, s5, s4, $0x38;
	[tilespmem:$0xB400] =	vst v63  }
0x54a: {  	_ =	swait.ge [sflag:s2], $0x4000  }
0x54b: {  	s26 =	sld [smem:$0x7E5]  }
0x54c: {  	s0 =	sld [smem:$0x7F4]  }
0x54d: {  	[sflag:s2] =	ssyncset.done $0x0  }
0x54e: {  	s1 =	sld [smem:$0x7E6];
	[sflag:s2] =	ssyncadd.s32 $0xFFFFC000  }
0x54f: {  	[tilespmem:s3], [sflag:$0x2] =	stream.indirect.gather [hbm4b:s0+s10], $0x20, s26, s10, $0xb8;
	[tilespmem:$0xB400] =	vst v63  }
0x550: {  	s26 =	sld [smem:$0x7E7]  }
0x551: {  	[tilespmem:s13], [sflag:$0x2] =	stream.indirect.gather [hbm4b:s0+s10], $0x20, s1, s10, $0xb8;
	[tilespmem:$0xB400] =	vst v63  }
0x552: {  	s1 =	sld [smem:$0x7E8]  }
0x553: {  	[tilespmem:s11], [sflag:$0x2] =	stream.indirect.gather [hbm4b:s0+s10], $0x20, s26, s10, $0xb8;
	[tilespmem:$0xB400] =	vst v63  }
0x554: {  	_ = 	snop  }
0x555: {  	[tilespmem:s12], [sflag:$0x2] =	stream.indirect.gather [hbm4b:s0+s10], $0x20, s1, s10, $0xb8;
	[tilespmem:$0xB400] =	vst v63  }
0x556: {  	_ =	swait.ge [sflag:s9], $0x1000  }
0x557: {  	[sflag:s9] =	ssyncset.done $0x0  }
0x558: {  	[sflag:s9] =	ssyncadd.s32 $0xFFFFF000  }
0x559: {  	_ =	swait.ge [sflag:s9], $0x1000  }
0x55a: {  	[sflag:s9] =	ssyncset.done $0x0  }
0x55b: {  	[sflag:s9] =	ssyncadd.s32 $0xFFFFF000  }
0x55c: {  	_ =	swait.ge [sflag:s9], $0x1000  }
0x55d: {  	[sflag:s9] =	ssyncset.done $0x0  }
0x55e: {  	[sflag:s9] =	ssyncadd.s32 $0xFFFFF000  }
0x55f: {  	_ =	swait.ge [sflag:s9], $0x1000  }
0x560: {  	[sflag:s9] =	ssyncset.done $0x0  }
0x561: {  	s28 =	rddreg [dreg:$0x1a];
	[sflag:s9] =	ssyncadd.s32 $0xFFFFF000  }
0x562: {  	[hbm4b:s28+s4] =	stream.strided.scatter [tilespmem:s7], [sflag:$0x3], $0x4000, s5, s4, $0x38;
	[tilespmem:$0xB400] =	vst v63  }
0x563: {  	_ =	swait.ge [sflag:s2], $0x4000  }
0x564: {  	s0 =	sld [smem:$0x7E9]  }
0x565: {  	[sflag:s2] =	ssyncset.done $0x0  }
0x566: {  	s1 =	sld [smem:$0x7EA];
	[sflag:s2] =	ssyncadd.s32 $0xFFFFC000  }
0x567: {  	[tilespmem:s7], [sflag:$0x1] =	stream.indirect.gather [hbm4b:s30+s10], $0x20, s0, s10, $0xb8;
	[tilespmem:$0xB400] =	vst v63  }
0x568: {  	s0 =	sld [smem:$0x7EB]  }
0x569: {  	[tilespmem:s17], [sflag:$0x1] =	stream.indirect.gather [hbm4b:s30+s10], $0x20, s1, s10, $0xb8;
	[tilespmem:$0xB400] =	vst v63  }
0x56a: {  	s1 =	sld [smem:$0x7EC]  }
0x56b: {  	[tilespmem:s15], [sflag:$0x1] =	stream.indirect.gather [hbm4b:s30+s10], $0x20, s0, s10, $0xb8;
	[tilespmem:$0xB400] =	vst v63  }
0x56c: {  	_ = 	snop  }
0x56d: {  	[tilespmem:s16], [sflag:$0x1] =	stream.indirect.gather [hbm4b:s30+s10], $0x20, s1, s10, $0xb8;
	[tilespmem:$0xB400] =	vst v63  }
0x56e: {  	_ =	swait.ge [sflag:s6], $0x1000  }
0x56f: {  	[sflag:s6] =	ssyncset.done $0x0  }
0x570: {  	[sflag:s6] =	ssyncadd.s32 $0xFFFFF000  }
0x571: {  	_ =	swait.ge [sflag:s6], $0x1000  }
0x572: {  	[sflag:s6] =	ssyncset.done $0x0  }
0x573: {  	[sflag:s6] =	ssyncadd.s32 $0xFFFFF000  }
0x574: {  	_ =	swait.ge [sflag:s6], $0x1000  }
0x575: {  	[sflag:s6] =	ssyncset.done $0x0  }
0x576: {  	[sflag:s6] =	ssyncadd.s32 $0xFFFFF000  }
0x577: {  	_ =	swait.ge [sflag:s6], $0x1000  }
0x578: {  	[sflag:s6] =	ssyncset.done $0x0  }
0x579: {  	s0 =	rddreg [dreg:$0x1b];
	[sflag:s6] =	ssyncadd.s32 $0xFFFFF000  }
0x57a: {  	[hbm4b:s0+s4] =	stream.strided.scatter [tilespmem:s3], [sflag:$0x3], $0x4000, s5, s4, $0x38;
	[tilespmem:$0xB400] =	vst v63  }
0x57b: {  	_ =	swait.ge [sflag:s2], $0x4000  }
0x57c: {  	s1 =	sld [smem:$0x7ED]  }
0x57d: {  	[sflag:s2] =	ssyncset.done $0x0  }
0x57e: {  	s0 =	sld [smem:$0x7EE];
	[sflag:s2] =	ssyncadd.s32 $0xFFFFC000  }
0x57f: {  	[tilespmem:s3], [sflag:$0x2] =	stream.indirect.gather [hbm4b:s29+s10], $0x20, s1, s10, $0xb8;
	[tilespmem:$0xB400] =	vst v63  }
0x580: {  	s1 =	sld [smem:$0x7F0]  }
0x581: {  	[tilespmem:s13], [sflag:$0x2] =	stream.indirect.gather [hbm4b:s29+s10], $0x20, s0, s10, $0xb8;
	[tilespmem:$0xB400] =	vst v63  }
0x582: {  	s0 =	sld [smem:$0x7F1]  }
0x583: {  	[tilespmem:s11], [sflag:$0x2] =	stream.indirect.gather [hbm4b:s29+s10], $0x20, s1, s10, $0xb8;
	[tilespmem:$0xB400] =	vst v63  }
0x584: {  	_ = 	snop  }
0x585: {  	[tilespmem:s12], [sflag:$0x2] =	stream.indirect.gather [hbm4b:s29+s10], $0x20, s0, s10, $0xb8;
	[tilespmem:$0xB400] =	vst v63  }
0x586: {  	_ =	swait.ge [sflag:s9], $0x1000  }
0x587: {  	[sflag:s9] =	ssyncset.done $0x0  }
0x588: {  	[sflag:s9] =	ssyncadd.s32 $0xFFFFF000  }
0x589: {  	_ =	swait.ge [sflag:s9], $0x1000  }
0x58a: {  	[sflag:s9] =	ssyncset.done $0x0  }
0x58b: {  	[sflag:s9] =	ssyncadd.s32 $0xFFFFF000  }
0x58c: {  	_ =	swait.ge [sflag:s9], $0x1000  }
0x58d: {  	[sflag:s9] =	ssyncset.done $0x0  }
0x58e: {  	[sflag:s9] =	ssyncadd.s32 $0xFFFFF000  }
0x58f: {  	_ =	swait.ge [sflag:s9], $0x1000  }
0x590: {  	[sflag:s9] =	ssyncset.done $0x0  }
0x591: {  	s1 =	rddreg [dreg:$0x1c];
	[sflag:s9] =	ssyncadd.s32 $0xFFFFF000  }
0x592: {  	[hbm4b:s1+s4] =	stream.strided.scatter [tilespmem:s7], [sflag:$0x3], $0x4000, s5, s4, $0x38;
	[tilespmem:$0xB400] =	vst v63  }
0x593: {  	_ =	swait.ge [sflag:s2], $0x4000  }
0x594: {  	[sflag:s2] =	ssyncset.done $0x0  }
0x595: {  	[sflag:s2] =	ssyncadd.s32 $0xFFFFC000  }
0x596: {  	_ =	swait.ge [sflag:s6], $0x1000  }
0x597: {  	[sflag:s6] =	ssyncset.done $0x0  }
0x598: {  	[sflag:s6] =	ssyncadd.s32 $0xFFFFF000  }
0x599: {  	_ =	swait.ge [sflag:s6], $0x1000  }
0x59a: {  	[sflag:s6] =	ssyncset.done $0x0  }
0x59b: {  	[sflag:s6] =	ssyncadd.s32 $0xFFFFF000  }
0x59c: {  	_ =	swait.ge [sflag:s6], $0x1000  }
0x59d: {  	[sflag:s6] =	ssyncset.done $0x0  }
0x59e: {  	[sflag:s6] =	ssyncadd.s32 $0xFFFFF000  }
0x59f: {  	p1 =	sne.s32 s25, $0x1;
	_ =	swait.ge [sflag:s6], $0x1000  }
.Ltmp2:
0x5a0: {  	[sflag:s6] =	ssyncset.done $0x0;
	(pc) =	sbr.rel @p1 .LBB2_4-.Ltmp2, $4  }
0x5a1: {  	s28 =	rddreg [dreg:$0x1d];
	[sflag:s6] =	ssyncadd.s32 $0xFFFFF000  }
0x5a2: {  	[hbm4b:s28+s4] =	stream.strided.scatter [tilespmem:s3], [sflag:$0x3], $0x4000, s5, s4, $0x38;
	[tilespmem:$0xB400] =	vst v63  }
0x5a3: {  	_ =	swait.ge [sflag:s2], $0x4000  }
0x5a4: {  	s25 =	sadd.s32 $0xFFFFFFFF, s25;
	s26 =	rddreg [dreg:$0x3];
	[sflag:s2] =	ssyncset.done $0x0  }
0x5a5: {  	s28 =	sld [smem:$0x7CE]  }
0x5a6: {  	s31 =	sld [smem:$0x7F4]  }
.LBB2_6:
0x5a7: {  	s25 =	rddreg [dreg:$0x1e]  }
0x5a8: {  	[sflag:s2] =	ssyncadd.s32 @p0 $0xFFFFC000;
	s0 =	simm.s32 $0x0;
	s1 =	simm.s32 $0x200  }
0x5a9: {  	[tilespmem:s0], [sflag:$0x3] =	stream.strided.gather [hbm4b:s26+s1], $0x3400, s25, s1, $0x38;
	[tilespmem:$0xB400] =	vst v63  }
0x5aa: {  	_ =	swait.ge [sflag:s2], $0x3400  }
0x5ab: {  	[sflag:s2] =	ssyncset.done $0x0  }
0x5ac: {  	[sflag:s2] =	ssyncadd.s32 $0xFFFFCC00  }
0x5ad: {  	[tilespmem:s7], [sflag:$0x1] =	stream.indirect.gather [hbm4b:s28+s10], $0x20, s0, s10, $0xb8;
	[tilespmem:$0xB400] =	vst v63  }
0x5ae: {  	s23 =	rddreg [dreg:$0x1f]  }
0x5af: {  	[tilespmem:s17], [sflag:$0x1] =	stream.indirect.gather [hbm4b:s28+s10], $0x20, s10, s10, $0xb8;
	[tilespmem:$0xB400] =	vst v63  }
0x5b0: {  	s24 =	sld [smem:$0x782]  }
0x5b1: {  	[tilespmem:s15], [sflag:$0x1] =	stream.indirect.gather [hbm4b:s28+s10], $0x20, s23, s10, $0xb8;
	[tilespmem:$0xB400] =	vst v63  }
0x5b2: {  	s0 =	sld [smem:$0x7D0]  }
0x5b3: {  	[tilespmem:s16], [sflag:$0x1] =	stream.indirect.gather [hbm4b:s28+s10], $0x20, s24, s10, $0xb8;
	[tilespmem:$0xB400] =	vst v63  }
0x5b4: {  	s24 =	sld [smem:$0x783]  }
0x5b5: {  	[tilespmem:s3], [sflag:$0x2] =	stream.indirect.gather [hbm4b:s0+s10], $0x20, s1, s10, $0xb8;
	[tilespmem:$0xB400] =	vst v63  }
0x5b6: {  	s8 =	sld [smem:$0x784]  }
0x5b7: {  	[tilespmem:s13], [sflag:$0x2] =	stream.indirect.gather [hbm4b:s0+s10], $0x20, s24, s10, $0xb8;
	[tilespmem:$0xB400] =	vst v63  }
0x5b8: {  	s14 =	sld [smem:$0x785]  }
0x5b9: {  	[tilespmem:s11], [sflag:$0x2] =	stream.indirect.gather [hbm4b:s0+s10], $0x20, s8, s10, $0xb8;
	[tilespmem:$0xB400] =	vst v63  }
0x5ba: {  	_ = 	snop  }
0x5bb: {  	[tilespmem:s12], [sflag:$0x2] =	stream.indirect.gather [hbm4b:s0+s10], $0x20, s14, s10, $0xb8;
	[tilespmem:$0xB400] =	vst v63  }
0x5bc: {  	_ =	swait.ge [sflag:s9], $0x1000  }
0x5bd: {  	[sflag:s9] =	ssyncset.done $0x0  }
0x5be: {  	[sflag:s9] =	ssyncadd.s32 $0xFFFFF000  }
0x5bf: {  	_ =	swait.ge [sflag:s9], $0x1000  }
0x5c0: {  	[sflag:s9] =	ssyncset.done $0x0  }
0x5c1: {  	[sflag:s9] =	ssyncadd.s32 $0xFFFFF000  }
0x5c2: {  	_ =	swait.ge [sflag:s9], $0x1000  }
0x5c3: {  	[sflag:s9] =	ssyncset.done $0x0  }
0x5c4: {  	[sflag:s9] =	ssyncadd.s32 $0xFFFFF000  }
0x5c5: {  	_ =	swait.ge [sflag:s9], $0x1000  }
0x5c6: {  	[sflag:s9] =	ssyncset.done $0x0  }
0x5c7: {  	s23 =	rddreg [dreg:$0x4];
	[sflag:s9] =	ssyncadd.s32 $0xFFFFF000  }
0x5c8: {  	[hbm4b:s23+s4] =	stream.strided.scatter [tilespmem:s7], [sflag:$0x3], $0x4000, s5, s4, $0x38;
	[tilespmem:$0xB400] =	vst v63  }
0x5c9: {  	_ =	swait.ge [sflag:s2], $0x4000  }
0x5ca: {  	s18 =	sld [smem:$0x786]  }
0x5cb: {  	s20 =	sld [smem:$0x7D2]  }
0x5cc: {  	[sflag:s2] =	ssyncset.done $0x0  }
0x5cd: {  	s19 =	sld [smem:$0x787];
	[sflag:s2] =	ssyncadd.s32 $0xFFFFC000  }
0x5ce: {  	[tilespmem:s7], [sflag:$0x1] =	stream.indirect.gather [hbm4b:s20+s10], $0x20, s18, s10, $0xb8;
	[tilespmem:$0xB400] =	vst v63  }
0x5cf: {  	s21 =	sld [smem:$0x788]  }
0x5d0: {  	[tilespmem:s17], [sflag:$0x1] =	stream.indirect.gather [hbm4b:s20+s10], $0x20, s19, s10, $0xb8;
	[tilespmem:$0xB400] =	vst v63  }
0x5d1: {  	s22 =	sld [smem:$0x789]  }
0x5d2: {  	[tilespmem:s15], [sflag:$0x1] =	stream.indirect.gather [hbm4b:s20+s10], $0x20, s21, s10, $0xb8;
	[tilespmem:$0xB400] =	vst v63  }
0x5d3: {  	_ = 	snop  }
0x5d4: {  	[tilespmem:s16], [sflag:$0x1] =	stream.indirect.gather [hbm4b:s20+s10], $0x20, s22, s10, $0xb8;
	[tilespmem:$0xB400] =	vst v63  }
0x5d5: {  	_ =	swait.ge [sflag:s6], $0x1000  }
0x5d6: {  	[sflag:s6] =	ssyncset.done $0x0  }
0x5d7: {  	[sflag:s6] =	ssyncadd.s32 $0xFFFFF000  }
0x5d8: {  	_ =	swait.ge [sflag:s6], $0x1000  }
0x5d9: {  	[sflag:s6] =	ssyncset.done $0x0  }
0x5da: {  	[sflag:s6] =	ssyncadd.s32 $0xFFFFF000  }
0x5db: {  	_ =	swait.ge [sflag:s6], $0x1000  }
0x5dc: {  	[sflag:s6] =	ssyncset.done $0x0  }
0x5dd: {  	[sflag:s6] =	ssyncadd.s32 $0xFFFFF000  }
0x5de: {  	_ =	swait.ge [sflag:s6], $0x1000  }
0x5df: {  	s22 =	rddreg [dreg:$0x5];
	[sflag:s6] =	ssyncset.done $0x0  }
0x5e0: {  	[sflag:s6] =	ssyncadd.s32 $0xFFFFF000  }
0x5e1: {  	[hbm4b:s22+s4] =	stream.strided.scatter [tilespmem:s3], [sflag:$0x3], $0x4000, s5, s4, $0x38;
	[tilespmem:$0xB400] =	vst v63  }
0x5e2: {  	_ =	swait.ge [sflag:s2], $0x4000  }
0x5e3: {  	s25 =	sld [smem:$0x78A]  }
0x5e4: {  	s0 =	sld [smem:$0x7D4]  }
0x5e5: {  	[sflag:s2] =	ssyncset.done $0x0  }
0x5e6: {  	s26 =	sld [smem:$0x78B];
	[sflag:s2] =	ssyncadd.s32 $0xFFFFC000  }
0x5e7: {  	[tilespmem:s3], [sflag:$0x2] =	stream.indirect.gather [hbm4b:s0+s10], $0x20, s25, s10, $0xb8;
	[tilespmem:$0xB400] =	vst v63  }
0x5e8: {  	s1 =	sld [smem:$0x78C]  }
0x5e9: {  	[tilespmem:s13], [sflag:$0x2] =	stream.indirect.gather [hbm4b:s0+s10], $0x20, s26, s10, $0xb8;
	[tilespmem:$0xB400] =	vst v63  }
0x5ea: {  	s8 =	sld [smem:$0x78D]  }
0x5eb: {  	[tilespmem:s11], [sflag:$0x2] =	stream.indirect.gather [hbm4b:s0+s10], $0x20, s1, s10, $0xb8;
	[tilespmem:$0xB400] =	vst v63  }
0x5ec: {  	_ = 	snop  }
0x5ed: {  	[tilespmem:s12], [sflag:$0x2] =	stream.indirect.gather [hbm4b:s0+s10], $0x20, s8, s10, $0xb8;
	[tilespmem:$0xB400] =	vst v63  }
0x5ee: {  	_ =	swait.ge [sflag:s9], $0x1000  }
0x5ef: {  	[sflag:s9] =	ssyncset.done $0x0  }
0x5f0: {  	[sflag:s9] =	ssyncadd.s32 $0xFFFFF000  }
0x5f1: {  	_ =	swait.ge [sflag:s9], $0x1000  }
0x5f2: {  	[sflag:s9] =	ssyncset.done $0x0  }
0x5f3: {  	[sflag:s9] =	ssyncadd.s32 $0xFFFFF000  }
0x5f4: {  	_ =	swait.ge [sflag:s9], $0x1000  }
0x5f5: {  	[sflag:s9] =	ssyncset.done $0x0  }
0x5f6: {  	[sflag:s9] =	ssyncadd.s32 $0xFFFFF000  }
0x5f7: {  	_ =	swait.ge [sflag:s9], $0x1000  }
0x5f8: {  	[sflag:s9] =	ssyncset.done $0x0  }
0x5f9: {  	s21 =	rddreg [dreg:$0x6];
	[sflag:s9] =	ssyncadd.s32 $0xFFFFF000  }
0x5fa: {  	[hbm4b:s21+s4] =	stream.strided.scatter [tilespmem:s7], [sflag:$0x3], $0x4000, s5, s4, $0x38;
	[tilespmem:$0xB400] =	vst v63  }
0x5fb: {  	_ =	swait.ge [sflag:s2], $0x4000  }
0x5fc: {  	s14 =	sld [smem:$0x78E]  }
0x5fd: {  	s19 =	sld [smem:$0x7D6]  }
0x5fe: {  	[sflag:s2] =	ssyncset.done $0x0  }
0x5ff: {  	s18 =	sld [smem:$0x78F];
	[sflag:s2] =	ssyncadd.s32 $0xFFFFC000  }
0x600: {  	[tilespmem:s7], [sflag:$0x1] =	stream.indirect.gather [hbm4b:s19+s10], $0x20, s14, s10, $0xb8;
	[tilespmem:$0xB400] =	vst v63  }
0x601: {  	s20 =	sld [smem:$0x790]  }
0x602: {  	[tilespmem:s17], [sflag:$0x1] =	stream.indirect.gather [hbm4b:s19+s10], $0x20, s18, s10, $0xb8;
	[tilespmem:$0xB400] =	vst v63  }
0x603: {  	s23 =	sld [smem:$0x791]  }
0x604: {  	[tilespmem:s15], [sflag:$0x1] =	stream.indirect.gather [hbm4b:s19+s10], $0x20, s20, s10, $0xb8;
	[tilespmem:$0xB400] =	vst v63  }
0x605: {  	_ = 	snop  }
0x606: {  	[tilespmem:s16], [sflag:$0x1] =	stream.indirect.gather [hbm4b:s19+s10], $0x20, s23, s10, $0xb8;
	[tilespmem:$0xB400] =	vst v63  }
0x607: {  	_ =	swait.ge [sflag:s6], $0x1000  }
0x608: {  	[sflag:s6] =	ssyncset.done $0x0  }
0x609: {  	[sflag:s6] =	ssyncadd.s32 $0xFFFFF000  }
0x60a: {  	_ =	swait.ge [sflag:s6], $0x1000  }
0x60b: {  	[sflag:s6] =	ssyncset.done $0x0  }
0x60c: {  	[sflag:s6] =	ssyncadd.s32 $0xFFFFF000  }
0x60d: {  	_ =	swait.ge [sflag:s6], $0x1000  }
0x60e: {  	[sflag:s6] =	ssyncset.done $0x0  }
0x60f: {  	[sflag:s6] =	ssyncadd.s32 $0xFFFFF000  }
0x610: {  	_ =	swait.ge [sflag:s6], $0x1000  }
0x611: {  	[sflag:s6] =	ssyncset.done $0x0  }
0x612: {  	s20 =	rddreg [dreg:$0x7];
	[sflag:s6] =	ssyncadd.s32 $0xFFFFF000  }
0x613: {  	[hbm4b:s20+s4] =	stream.strided.scatter [tilespmem:s3], [sflag:$0x3], $0x4000, s5, s4, $0x38;
	[tilespmem:$0xB400] =	vst v63  }
0x614: {  	_ =	swait.ge [sflag:s2], $0x4000  }
0x615: {  	s24 =	sld [smem:$0x792]  }
0x616: {  	s26 =	sld [smem:$0x7D8]  }
0x617: {  	[sflag:s2] =	ssyncset.done $0x0  }
0x618: {  	s25 =	sld [smem:$0x793];
	[sflag:s2] =	ssyncadd.s32 $0xFFFFC000  }
0x619: {  	[tilespmem:s3], [sflag:$0x2] =	stream.indirect.gather [hbm4b:s26+s10], $0x20, s24, s10, $0xb8;
	[tilespmem:$0xB400] =	vst v63  }
0x61a: {  	s0 =	sld [smem:$0x794]  }
0x61b: {  	[tilespmem:s13], [sflag:$0x2] =	stream.indirect.gather [hbm4b:s26+s10], $0x20, s25, s10, $0xb8;
	[tilespmem:$0xB400] =	vst v63  }
0x61c: {  	s1 =	sld [smem:$0x795]  }
0x61d: {  	[tilespmem:s11], [sflag:$0x2] =	stream.indirect.gather [hbm4b:s26+s10], $0x20, s0, s10, $0xb8;
	[tilespmem:$0xB400] =	vst v63  }
0x61e: {  	_ = 	snop  }
0x61f: {  	[tilespmem:s12], [sflag:$0x2] =	stream.indirect.gather [hbm4b:s26+s10], $0x20, s1, s10, $0xb8;
	[tilespmem:$0xB400] =	vst v63  }
0x620: {  	_ =	swait.ge [sflag:s9], $0x1000  }
0x621: {  	[sflag:s9] =	ssyncset.done $0x0  }
0x622: {  	[sflag:s9] =	ssyncadd.s32 $0xFFFFF000  }
0x623: {  	_ =	swait.ge [sflag:s9], $0x1000  }
0x624: {  	[sflag:s9] =	ssyncset.done $0x0  }
0x625: {  	[sflag:s9] =	ssyncadd.s32 $0xFFFFF000  }
0x626: {  	_ =	swait.ge [sflag:s9], $0x1000  }
0x627: {  	[sflag:s9] =	ssyncset.done $0x0  }
0x628: {  	[sflag:s9] =	ssyncadd.s32 $0xFFFFF000  }
0x629: {  	_ =	swait.ge [sflag:s9], $0x1000  }
0x62a: {  	[sflag:s9] =	ssyncset.done $0x0  }
0x62b: {  	s19 =	rddreg [dreg:$0x8];
	[sflag:s9] =	ssyncadd.s32 $0xFFFFF000  }
0x62c: {  	[hbm4b:s19+s4] =	stream.strided.scatter [tilespmem:s7], [sflag:$0x3], $0x4000, s5, s4, $0x38;
	[tilespmem:$0xB400] =	vst v63  }
0x62d: {  	_ =	swait.ge [sflag:s2], $0x4000  }
0x62e: {  	s8 =	sld [smem:$0x796]  }
0x62f: {  	s18 =	sld [smem:$0x7DA]  }
0x630: {  	[sflag:s2] =	ssyncset.done $0x0  }
0x631: {  	s14 =	sld [smem:$0x797];
	[sflag:s2] =	ssyncadd.s32 $0xFFFFC000  }
0x632: {  	[tilespmem:s7], [sflag:$0x1] =	stream.indirect.gather [hbm4b:s18+s10], $0x20, s8, s10, $0xb8;
	[tilespmem:$0xB400] =	vst v63  }
0x633: {  	s21 =	sld [smem:$0x798]  }
0x634: {  	[tilespmem:s17], [sflag:$0x1] =	stream.indirect.gather [hbm4b:s18+s10], $0x20, s14, s10, $0xb8;
	[tilespmem:$0xB400] =	vst v63  }
0x635: {  	s22 =	sld [smem:$0x799]  }
0x636: {  	[tilespmem:s15], [sflag:$0x1] =	stream.indirect.gather [hbm4b:s18+s10], $0x20, s21, s10, $0xb8;
	[tilespmem:$0xB400] =	vst v63  }
0x637: {  	_ = 	snop  }
0x638: {  	[tilespmem:s16], [sflag:$0x1] =	stream.indirect.gather [hbm4b:s18+s10], $0x20, s22, s10, $0xb8;
	[tilespmem:$0xB400] =	vst v63  }
0x639: {  	_ =	swait.ge [sflag:s6], $0x1000  }
0x63a: {  	[sflag:s6] =	ssyncset.done $0x0  }
0x63b: {  	[sflag:s6] =	ssyncadd.s32 $0xFFFFF000  }
0x63c: {  	_ =	swait.ge [sflag:s6], $0x1000  }
0x63d: {  	[sflag:s6] =	ssyncset.done $0x0  }
0x63e: {  	[sflag:s6] =	ssyncadd.s32 $0xFFFFF000  }
0x63f: {  	_ =	swait.ge [sflag:s6], $0x1000  }
0x640: {  	[sflag:s6] =	ssyncset.done $0x0  }
0x641: {  	[sflag:s6] =	ssyncadd.s32 $0xFFFFF000  }
0x642: {  	_ =	swait.ge [sflag:s6], $0x1000  }
0x643: {  	[sflag:s6] =	ssyncset.done $0x0  }
0x644: {  	s18 =	rddreg [dreg:$0x9];
	[sflag:s6] =	ssyncadd.s32 $0xFFFFF000  }
0x645: {  	[hbm4b:s18+s4] =	stream.strided.scatter [tilespmem:s3], [sflag:$0x3], $0x4000, s5, s4, $0x38;
	[tilespmem:$0xB400] =	vst v63  }
0x646: {  	_ =	swait.ge [sflag:s2], $0x4000  }
0x647: {  	s23 =	sld [smem:$0x79A]  }
0x648: {  	s25 =	sld [smem:$0x7DC]  }
0x649: {  	[sflag:s2] =	ssyncset.done $0x0  }
0x64a: {  	s24 =	sld [smem:$0x79B];
	[sflag:s2] =	ssyncadd.s32 $0xFFFFC000  }
0x64b: {  	[tilespmem:s3], [sflag:$0x2] =	stream.indirect.gather [hbm4b:s25+s10], $0x20, s23, s10, $0xb8;
	[tilespmem:$0xB400] =	vst v63  }
0x64c: {  	s26 =	sld [smem:$0x79C]  }
0x64d: {  	[tilespmem:s13], [sflag:$0x2] =	stream.indirect.gather [hbm4b:s25+s10], $0x20, s24, s10, $0xb8;
	[tilespmem:$0xB400] =	vst v63  }
0x64e: {  	s0 =	sld [smem:$0x79D]  }
0x64f: {  	[tilespmem:s11], [sflag:$0x2] =	stream.indirect.gather [hbm4b:s25+s10], $0x20, s26, s10, $0xb8;
	[tilespmem:$0xB400] =	vst v63  }
0x650: {  	_ = 	snop  }
0x651: {  	[tilespmem:s12], [sflag:$0x2] =	stream.indirect.gather [hbm4b:s25+s10], $0x20, s0, s10, $0xb8;
	[tilespmem:$0xB400] =	vst v63  }
0x652: {  	_ =	swait.ge [sflag:s9], $0x1000  }
0x653: {  	[sflag:s9] =	ssyncset.done $0x0  }
0x654: {  	[sflag:s9] =	ssyncadd.s32 $0xFFFFF000  }
0x655: {  	_ =	swait.ge [sflag:s9], $0x1000  }
0x656: {  	[sflag:s9] =	ssyncset.done $0x0  }
0x657: {  	[sflag:s9] =	ssyncadd.s32 $0xFFFFF000  }
0x658: {  	_ =	swait.ge [sflag:s9], $0x1000  }
0x659: {  	[sflag:s9] =	ssyncset.done $0x0  }
0x65a: {  	[sflag:s9] =	ssyncadd.s32 $0xFFFFF000  }
0x65b: {  	_ =	swait.ge [sflag:s9], $0x1000  }
0x65c: {  	[sflag:s9] =	ssyncset.done $0x0  }
0x65d: {  	s14 =	rddreg [dreg:$0xa];
	[sflag:s9] =	ssyncadd.s32 $0xFFFFF000  }
0x65e: {  	[hbm4b:s14+s4] =	stream.strided.scatter [tilespmem:s7], [sflag:$0x3], $0x4000, s5, s4, $0x38;
	[tilespmem:$0xB400] =	vst v63  }
0x65f: {  	_ =	swait.ge [sflag:s2], $0x4000  }
0x660: {  	s1 =	sld [smem:$0x79E]  }
0x661: {  	s19 =	sld [smem:$0x7DE]  }
0x662: {  	[sflag:s2] =	ssyncset.done $0x0  }
0x663: {  	s8 =	sld [smem:$0x79F];
	[sflag:s2] =	ssyncadd.s32 $0xFFFFC000  }
0x664: {  	[tilespmem:s7], [sflag:$0x1] =	stream.indirect.gather [hbm4b:s19+s10], $0x20, s1, s10, $0xb8;
	[tilespmem:$0xB400] =	vst v63  }
0x665: {  	s20 =	sld [smem:$0x7A0]  }
0x666: {  	[tilespmem:s17], [sflag:$0x1] =	stream.indirect.gather [hbm4b:s19+s10], $0x20, s8, s10, $0xb8;
	[tilespmem:$0xB400] =	vst v63  }
0x667: {  	s21 =	sld [smem:$0x7A1]  }
0x668: {  	[tilespmem:s15], [sflag:$0x1] =	stream.indirect.gather [hbm4b:s19+s10], $0x20, s20, s10, $0xb8;
	[tilespmem:$0xB400] =	vst v63  }
0x669: {  	_ = 	snop  }
0x66a: {  	[tilespmem:s16], [sflag:$0x1] =	stream.indirect.gather [hbm4b:s19+s10], $0x20, s21, s10, $0xb8;
	[tilespmem:$0xB400] =	vst v63  }
0x66b: {  	_ =	swait.ge [sflag:s6], $0x1000  }
0x66c: {  	[sflag:s6] =	ssyncset.done $0x0  }
0x66d: {  	[sflag:s6] =	ssyncadd.s32 $0xFFFFF000  }
0x66e: {  	_ =	swait.ge [sflag:s6], $0x1000  }
0x66f: {  	[sflag:s6] =	ssyncset.done $0x0  }
0x670: {  	[sflag:s6] =	ssyncadd.s32 $0xFFFFF000  }
0x671: {  	_ =	swait.ge [sflag:s6], $0x1000  }
0x672: {  	[sflag:s6] =	ssyncset.done $0x0  }
0x673: {  	[sflag:s6] =	ssyncadd.s32 $0xFFFFF000  }
0x674: {  	_ =	swait.ge [sflag:s6], $0x1000  }
0x675: {  	[sflag:s6] =	ssyncset.done $0x0  }
0x676: {  	s8 =	rddreg [dreg:$0xb];
	[sflag:s6] =	ssyncadd.s32 $0xFFFFF000  }
0x677: {  	[hbm4b:s8+s4] =	stream.strided.scatter [tilespmem:s3], [sflag:$0x3], $0x4000, s5, s4, $0x38;
	[tilespmem:$0xB400] =	vst v63  }
0x678: {  	_ =	swait.ge [sflag:s2], $0x4000  }
0x679: {  	s22 =	sld [smem:$0x7A2]  }
0x67a: {  	s24 =	sld [smem:$0x7E0]  }
0x67b: {  	[sflag:s2] =	ssyncset.done $0x0  }
0x67c: {  	s23 =	sld [smem:$0x7A3];
	[sflag:s2] =	ssyncadd.s32 $0xFFFFC000  }
0x67d: {  	[tilespmem:s3], [sflag:$0x2] =	stream.indirect.gather [hbm4b:s24+s10], $0x20, s22, s10, $0xb8;
	[tilespmem:$0xB400] =	vst v63  }
0x67e: {  	s25 =	sld [smem:$0x7A4]  }
0x67f: {  	[tilespmem:s13], [sflag:$0x2] =	stream.indirect.gather [hbm4b:s24+s10], $0x20, s23, s10, $0xb8;
	[tilespmem:$0xB400] =	vst v63  }
0x680: {  	s26 =	sld [smem:$0x7A5]  }
0x681: {  	[tilespmem:s11], [sflag:$0x2] =	stream.indirect.gather [hbm4b:s24+s10], $0x20, s25, s10, $0xb8;
	[tilespmem:$0xB400] =	vst v63  }
0x682: {  	_ = 	snop  }
0x683: {  	[tilespmem:s12], [sflag:$0x2] =	stream.indirect.gather [hbm4b:s24+s10], $0x20, s26, s10, $0xb8;
	[tilespmem:$0xB400] =	vst v63  }
0x684: {  	_ =	swait.ge [sflag:s9], $0x1000  }
0x685: {  	[sflag:s9] =	ssyncset.done $0x0  }
0x686: {  	[sflag:s9] =	ssyncadd.s32 $0xFFFFF000  }
0x687: {  	_ =	swait.ge [sflag:s9], $0x1000  }
0x688: {  	[sflag:s9] =	ssyncset.done $0x0  }
0x689: {  	[sflag:s9] =	ssyncadd.s32 $0xFFFFF000  }
0x68a: {  	_ =	swait.ge [sflag:s9], $0x1000  }
0x68b: {  	[sflag:s9] =	ssyncset.done $0x0  }
0x68c: {  	[sflag:s9] =	ssyncadd.s32 $0xFFFFF000  }
0x68d: {  	_ =	swait.ge [sflag:s9], $0x1000  }
0x68e: {  	[sflag:s9] =	ssyncset.done $0x0  }
0x68f: {  	s0 =	rddreg [dreg:$0xc];
	[sflag:s9] =	ssyncadd.s32 $0xFFFFF000  }
0x690: {  	[hbm4b:s0+s4] =	stream.strided.scatter [tilespmem:s7], [sflag:$0x3], $0x4000, s5, s4, $0x38;
	[tilespmem:$0xB400] =	vst v63  }
0x691: {  	_ =	swait.ge [sflag:s2], $0x4000  }
0x692: {  	s8 =	sld [smem:$0x7A6]  }
0x693: {  	s18 =	sld [smem:$0x7E2]  }
0x694: {  	[sflag:s2] =	ssyncset.done $0x0  }
0x695: {  	s14 =	sld [smem:$0x7A7];
	[sflag:s2] =	ssyncadd.s32 $0xFFFFC000  }
0x696: {  	[tilespmem:s7], [sflag:$0x1] =	stream.indirect.gather [hbm4b:s18+s10], $0x20, s8, s10, $0xb8;
	[tilespmem:$0xB400] =	vst v63  }
0x697: {  	s19 =	sld [smem:$0x7A8]  }
0x698: {  	[tilespmem:s17], [sflag:$0x1] =	stream.indirect.gather [hbm4b:s18+s10], $0x20, s14, s10, $0xb8;
	[tilespmem:$0xB400] =	vst v63  }
0x699: {  	s20 =	sld [smem:$0x7A9]  }
0x69a: {  	[tilespmem:s15], [sflag:$0x1] =	stream.indirect.gather [hbm4b:s18+s10], $0x20, s19, s10, $0xb8;
	[tilespmem:$0xB400] =	vst v63  }
0x69b: {  	_ = 	snop  }
0x69c: {  	[tilespmem:s16], [sflag:$0x1] =	stream.indirect.gather [hbm4b:s18+s10], $0x20, s20, s10, $0xb8;
	[tilespmem:$0xB400] =	vst v63  }
0x69d: {  	_ =	swait.ge [sflag:s6], $0x1000  }
0x69e: {  	[sflag:s6] =	ssyncset.done $0x0  }
0x69f: {  	[sflag:s6] =	ssyncadd.s32 $0xFFFFF000  }
0x6a0: {  	_ =	swait.ge [sflag:s6], $0x1000  }
0x6a1: {  	[sflag:s6] =	ssyncset.done $0x0  }
0x6a2: {  	[sflag:s6] =	ssyncadd.s32 $0xFFFFF000  }
0x6a3: {  	_ =	swait.ge [sflag:s6], $0x1000  }
0x6a4: {  	[sflag:s6] =	ssyncset.done $0x0  }
0x6a5: {  	[sflag:s6] =	ssyncadd.s32 $0xFFFFF000  }
0x6a6: {  	_ =	swait.ge [sflag:s6], $0x1000  }
0x6a7: {  	[sflag:s6] =	ssyncset.done $0x0  }
0x6a8: {  	s21 =	rddreg [dreg:$0xd];
	[sflag:s6] =	ssyncadd.s32 $0xFFFFF000  }
0x6a9: {  	[hbm4b:s21+s4] =	stream.strided.scatter [tilespmem:s3], [sflag:$0x3], $0x4000, s5, s4, $0x38;
	[tilespmem:$0xB400] =	vst v63  }
0x6aa: {  	_ =	swait.ge [sflag:s2], $0x4000  }
0x6ab: {  	s22 =	sld [smem:$0x7AA]  }
0x6ac: {  	s24 =	sld [smem:$0x7FD]  }
0x6ad: {  	[sflag:s2] =	ssyncset.done $0x0  }
0x6ae: {  	s23 =	sld [smem:$0x7AB];
	[sflag:s2] =	ssyncadd.s32 $0xFFFFC000  }
0x6af: {  	[tilespmem:s3], [sflag:$0x2] =	stream.indirect.gather [hbm4b:s24+s10], $0x20, s22, s10, $0xb8;
	[tilespmem:$0xB400] =	vst v63  }
0x6b0: {  	s25 =	sld [smem:$0x7AC]  }
0x6b1: {  	[tilespmem:s13], [sflag:$0x2] =	stream.indirect.gather [hbm4b:s24+s10], $0x20, s23, s10, $0xb8;
	[tilespmem:$0xB400] =	vst v63  }
0x6b2: {  	s26 =	sld [smem:$0x7AD]  }
0x6b3: {  	[tilespmem:s11], [sflag:$0x2] =	stream.indirect.gather [hbm4b:s24+s10], $0x20, s25, s10, $0xb8;
	[tilespmem:$0xB400] =	vst v63  }
0x6b4: {  	_ = 	snop  }
0x6b5: {  	[tilespmem:s12], [sflag:$0x2] =	stream.indirect.gather [hbm4b:s24+s10], $0x20, s26, s10, $0xb8;
	[tilespmem:$0xB400] =	vst v63  }
0x6b6: {  	_ =	swait.ge [sflag:s9], $0x1000  }
0x6b7: {  	[sflag:s9] =	ssyncset.done $0x0  }
0x6b8: {  	[sflag:s9] =	ssyncadd.s32 $0xFFFFF000  }
0x6b9: {  	_ =	swait.ge [sflag:s9], $0x1000  }
0x6ba: {  	[sflag:s9] =	ssyncset.done $0x0  }
0x6bb: {  	[sflag:s9] =	ssyncadd.s32 $0xFFFFF000  }
0x6bc: {  	_ =	swait.ge [sflag:s9], $0x1000  }
0x6bd: {  	[sflag:s9] =	ssyncset.done $0x0  }
0x6be: {  	[sflag:s9] =	ssyncadd.s32 $0xFFFFF000  }
0x6bf: {  	_ =	swait.ge [sflag:s9], $0x1000  }
0x6c0: {  	[sflag:s9] =	ssyncset.done $0x0  }
0x6c1: {  	s1 =	rddreg [dreg:$0xe];
	[sflag:s9] =	ssyncadd.s32 $0xFFFFF000  }
0x6c2: {  	[hbm4b:s1+s4] =	stream.strided.scatter [tilespmem:s7], [sflag:$0x3], $0x4000, s5, s4, $0x38;
	[tilespmem:$0xB400] =	vst v63  }
0x6c3: {  	_ =	swait.ge [sflag:s2], $0x4000  }
0x6c4: {  	s8 =	sld [smem:$0x7AE]  }
0x6c5: {  	s18 =	sld [smem:$0x7FC]  }
0x6c6: {  	[sflag:s2] =	ssyncset.done $0x0  }
0x6c7: {  	s14 =	sld [smem:$0x7AF];
	[sflag:s2] =	ssyncadd.s32 $0xFFFFC000  }
0x6c8: {  	[tilespmem:s7], [sflag:$0x1] =	stream.indirect.gather [hbm4b:s18+s10], $0x20, s8, s10, $0xb8;
	[tilespmem:$0xB400] =	vst v63  }
0x6c9: {  	s19 =	sld [smem:$0x7B0]  }
0x6ca: {  	[tilespmem:s17], [sflag:$0x1] =	stream.indirect.gather [hbm4b:s18+s10], $0x20, s14, s10, $0xb8;
	[tilespmem:$0xB400] =	vst v63  }
0x6cb: {  	s20 =	sld [smem:$0x7B1]  }
0x6cc: {  	[tilespmem:s15], [sflag:$0x1] =	stream.indirect.gather [hbm4b:s18+s10], $0x20, s19, s10, $0xb8;
	[tilespmem:$0xB400] =	vst v63  }
0x6cd: {  	_ = 	snop  }
0x6ce: {  	[tilespmem:s16], [sflag:$0x1] =	stream.indirect.gather [hbm4b:s18+s10], $0x20, s20, s10, $0xb8;
	[tilespmem:$0xB400] =	vst v63  }
0x6cf: {  	_ =	swait.ge [sflag:s6], $0x1000  }
0x6d0: {  	[sflag:s6] =	ssyncset.done $0x0  }
0x6d1: {  	[sflag:s6] =	ssyncadd.s32 $0xFFFFF000  }
0x6d2: {  	_ =	swait.ge [sflag:s6], $0x1000  }
0x6d3: {  	[sflag:s6] =	ssyncset.done $0x0  }
0x6d4: {  	[sflag:s6] =	ssyncadd.s32 $0xFFFFF000  }
0x6d5: {  	_ =	swait.ge [sflag:s6], $0x1000  }
0x6d6: {  	[sflag:s6] =	ssyncset.done $0x0  }
0x6d7: {  	[sflag:s6] =	ssyncadd.s32 $0xFFFFF000  }
0x6d8: {  	_ =	swait.ge [sflag:s6], $0x1000  }
0x6d9: {  	[sflag:s6] =	ssyncset.done $0x0  }
0x6da: {  	s21 =	rddreg [dreg:$0xf];
	[sflag:s6] =	ssyncadd.s32 $0xFFFFF000  }
0x6db: {  	[hbm4b:s21+s4] =	stream.strided.scatter [tilespmem:s3], [sflag:$0x3], $0x4000, s5, s4, $0x38;
	[tilespmem:$0xB400] =	vst v63  }
0x6dc: {  	_ =	swait.ge [sflag:s2], $0x4000  }
0x6dd: {  	s22 =	sld [smem:$0x7B2]  }
0x6de: {  	s24 =	sld [smem:$0x7FB]  }
0x6df: {  	[sflag:s2] =	ssyncset.done $0x0  }
0x6e0: {  	s23 =	sld [smem:$0x7B3];
	[sflag:s2] =	ssyncadd.s32 $0xFFFFC000  }
0x6e1: {  	[tilespmem:s3], [sflag:$0x2] =	stream.indirect.gather [hbm4b:s24+s10], $0x20, s22, s10, $0xb8;
	[tilespmem:$0xB400] =	vst v63  }
0x6e2: {  	s25 =	sld [smem:$0x7B4]  }
0x6e3: {  	[tilespmem:s13], [sflag:$0x2] =	stream.indirect.gather [hbm4b:s24+s10], $0x20, s23, s10, $0xb8;
	[tilespmem:$0xB400] =	vst v63  }
0x6e4: {  	s26 =	sld [smem:$0x7B5]  }
0x6e5: {  	[tilespmem:s11], [sflag:$0x2] =	stream.indirect.gather [hbm4b:s24+s10], $0x20, s25, s10, $0xb8;
	[tilespmem:$0xB400] =	vst v63  }
0x6e6: {  	_ = 	snop  }
0x6e7: {  	[tilespmem:s12], [sflag:$0x2] =	stream.indirect.gather [hbm4b:s24+s10], $0x20, s26, s10, $0xb8;
	[tilespmem:$0xB400] =	vst v63  }
0x6e8: {  	_ =	swait.ge [sflag:s9], $0x1000  }
0x6e9: {  	[sflag:s9] =	ssyncset.done $0x0  }
0x6ea: {  	[sflag:s9] =	ssyncadd.s32 $0xFFFFF000  }
0x6eb: {  	_ =	swait.ge [sflag:s9], $0x1000  }
0x6ec: {  	[sflag:s9] =	ssyncset.done $0x0  }
0x6ed: {  	[sflag:s9] =	ssyncadd.s32 $0xFFFFF000  }
0x6ee: {  	_ =	swait.ge [sflag:s9], $0x1000  }
0x6ef: {  	[sflag:s9] =	ssyncset.done $0x0  }
0x6f0: {  	[sflag:s9] =	ssyncadd.s32 $0xFFFFF000  }
0x6f1: {  	_ =	swait.ge [sflag:s9], $0x1000  }
0x6f2: {  	[sflag:s9] =	ssyncset.done $0x0  }
0x6f3: {  	s1 =	rddreg [dreg:$0x10];
	[sflag:s9] =	ssyncadd.s32 $0xFFFFF000  }
0x6f4: {  	[hbm4b:s1+s4] =	stream.strided.scatter [tilespmem:s7], [sflag:$0x3], $0x4000, s5, s4, $0x38;
	[tilespmem:$0xB400] =	vst v63  }
0x6f5: {  	_ =	swait.ge [sflag:s2], $0x4000  }
0x6f6: {  	s8 =	sld [smem:$0x7B6]  }
0x6f7: {  	s18 =	sld [smem:$0x7FA]  }
0x6f8: {  	[sflag:s2] =	ssyncset.done $0x0  }
0x6f9: {  	s14 =	sld [smem:$0x7B7];
	[sflag:s2] =	ssyncadd.s32 $0xFFFFC000  }
0x6fa: {  	[tilespmem:s7], [sflag:$0x1] =	stream.indirect.gather [hbm4b:s18+s10], $0x20, s8, s10, $0xb8;
	[tilespmem:$0xB400] =	vst v63  }
0x6fb: {  	s19 =	sld [smem:$0x7B8]  }
0x6fc: {  	[tilespmem:s17], [sflag:$0x1] =	stream.indirect.gather [hbm4b:s18+s10], $0x20, s14, s10, $0xb8;
	[tilespmem:$0xB400] =	vst v63  }
0x6fd: {  	s20 =	sld [smem:$0x7B9]  }
0x6fe: {  	[tilespmem:s15], [sflag:$0x1] =	stream.indirect.gather [hbm4b:s18+s10], $0x20, s19, s10, $0xb8;
	[tilespmem:$0xB400] =	vst v63  }
0x6ff: {  	_ = 	snop  }
0x700: {  	[tilespmem:s16], [sflag:$0x1] =	stream.indirect.gather [hbm4b:s18+s10], $0x20, s20, s10, $0xb8;
	[tilespmem:$0xB400] =	vst v63  }
0x701: {  	_ =	swait.ge [sflag:s6], $0x1000  }
0x702: {  	[sflag:s6] =	ssyncset.done $0x0  }
0x703: {  	[sflag:s6] =	ssyncadd.s32 $0xFFFFF000  }
0x704: {  	_ =	swait.ge [sflag:s6], $0x1000  }
0x705: {  	[sflag:s6] =	ssyncset.done $0x0  }
0x706: {  	[sflag:s6] =	ssyncadd.s32 $0xFFFFF000  }
0x707: {  	_ =	swait.ge [sflag:s6], $0x1000  }
0x708: {  	[sflag:s6] =	ssyncset.done $0x0  }
0x709: {  	[sflag:s6] =	ssyncadd.s32 $0xFFFFF000  }
0x70a: {  	_ =	swait.ge [sflag:s6], $0x1000  }
0x70b: {  	[sflag:s6] =	ssyncset.done $0x0  }
0x70c: {  	s21 =	rddreg [dreg:$0x11];
	[sflag:s6] =	ssyncadd.s32 $0xFFFFF000  }
0x70d: {  	[hbm4b:s21+s4] =	stream.strided.scatter [tilespmem:s3], [sflag:$0x3], $0x4000, s5, s4, $0x38;
	[tilespmem:$0xB400] =	vst v63  }
0x70e: {  	_ =	swait.ge [sflag:s2], $0x4000  }
0x70f: {  	s22 =	sld [smem:$0x7BA]  }
0x710: {  	s24 =	sld [smem:$0x7F9]  }
0x711: {  	[sflag:s2] =	ssyncset.done $0x0  }
0x712: {  	s23 =	sld [smem:$0x7BB];
	[sflag:s2] =	ssyncadd.s32 $0xFFFFC000  }
0x713: {  	[tilespmem:s3], [sflag:$0x2] =	stream.indirect.gather [hbm4b:s24+s10], $0x20, s22, s10, $0xb8;
	[tilespmem:$0xB400] =	vst v63  }
0x714: {  	s25 =	sld [smem:$0x7BC]  }
0x715: {  	[tilespmem:s13], [sflag:$0x2] =	stream.indirect.gather [hbm4b:s24+s10], $0x20, s23, s10, $0xb8;
	[tilespmem:$0xB400] =	vst v63  }
0x716: {  	s26 =	sld [smem:$0x7BD]  }
0x717: {  	[tilespmem:s11], [sflag:$0x2] =	stream.indirect.gather [hbm4b:s24+s10], $0x20, s25, s10, $0xb8;
	[tilespmem:$0xB400] =	vst v63  }
0x718: {  	_ = 	snop  }
0x719: {  	[tilespmem:s12], [sflag:$0x2] =	stream.indirect.gather [hbm4b:s24+s10], $0x20, s26, s10, $0xb8;
	[tilespmem:$0xB400] =	vst v63  }
0x71a: {  	_ =	swait.ge [sflag:s9], $0x1000  }
0x71b: {  	[sflag:s9] =	ssyncset.done $0x0  }
0x71c: {  	[sflag:s9] =	ssyncadd.s32 $0xFFFFF000  }
0x71d: {  	_ =	swait.ge [sflag:s9], $0x1000  }
0x71e: {  	[sflag:s9] =	ssyncset.done $0x0  }
0x71f: {  	[sflag:s9] =	ssyncadd.s32 $0xFFFFF000  }
0x720: {  	_ =	swait.ge [sflag:s9], $0x1000  }
0x721: {  	[sflag:s9] =	ssyncset.done $0x0  }
0x722: {  	[sflag:s9] =	ssyncadd.s32 $0xFFFFF000  }
0x723: {  	_ =	swait.ge [sflag:s9], $0x1000  }
0x724: {  	[sflag:s9] =	ssyncset.done $0x0  }
0x725: {  	s8 =	rddreg [dreg:$0x12];
	[sflag:s9] =	ssyncadd.s32 $0xFFFFF000  }
0x726: {  	[hbm4b:s8+s4] =	stream.strided.scatter [tilespmem:s7], [sflag:$0x3], $0x4000, s5, s4, $0x38;
	[tilespmem:$0xB400] =	vst v63  }
0x727: {  	_ =	swait.ge [sflag:s2], $0x4000  }
0x728: {  	s14 =	sld [smem:$0x7BE]  }
0x729: {  	s19 =	sld [smem:$0x7F8]  }
0x72a: {  	[sflag:s2] =	ssyncset.done $0x0  }
0x72b: {  	s18 =	sld [smem:$0x7BF];
	[sflag:s2] =	ssyncadd.s32 $0xFFFFC000  }
0x72c: {  	[tilespmem:s7], [sflag:$0x1] =	stream.indirect.gather [hbm4b:s19+s10], $0x20, s14, s10, $0xb8;
	[tilespmem:$0xB400] =	vst v63  }
0x72d: {  	s20 =	sld [smem:$0x7C0]  }
0x72e: {  	[tilespmem:s17], [sflag:$0x1] =	stream.indirect.gather [hbm4b:s19+s10], $0x20, s18, s10, $0xb8;
	[tilespmem:$0xB400] =	vst v63  }
0x72f: {  	s21 =	sld [smem:$0x7C1]  }
0x730: {  	[tilespmem:s15], [sflag:$0x1] =	stream.indirect.gather [hbm4b:s19+s10], $0x20, s20, s10, $0xb8;
	[tilespmem:$0xB400] =	vst v63  }
0x731: {  	_ = 	snop  }
0x732: {  	[tilespmem:s16], [sflag:$0x1] =	stream.indirect.gather [hbm4b:s19+s10], $0x20, s21, s10, $0xb8;
	[tilespmem:$0xB400] =	vst v63  }
0x733: {  	_ =	swait.ge [sflag:s6], $0x1000  }
0x734: {  	[sflag:s6] =	ssyncset.done $0x0  }
0x735: {  	[sflag:s6] =	ssyncadd.s32 $0xFFFFF000  }
0x736: {  	_ =	swait.ge [sflag:s6], $0x1000  }
0x737: {  	[sflag:s6] =	ssyncset.done $0x0  }
0x738: {  	[sflag:s6] =	ssyncadd.s32 $0xFFFFF000  }
0x739: {  	_ =	swait.ge [sflag:s6], $0x1000  }
0x73a: {  	[sflag:s6] =	ssyncset.done $0x0  }
0x73b: {  	[sflag:s6] =	ssyncadd.s32 $0xFFFFF000  }
0x73c: {  	_ =	swait.ge [sflag:s6], $0x1000  }
0x73d: {  	[sflag:s6] =	ssyncset.done $0x0  }
0x73e: {  	s22 =	rddreg [dreg:$0x13];
	[sflag:s6] =	ssyncadd.s32 $0xFFFFF000  }
0x73f: {  	[hbm4b:s22+s4] =	stream.strided.scatter [tilespmem:s3], [sflag:$0x3], $0x4000, s5, s4, $0x38;
	[tilespmem:$0xB400] =	vst v63  }
0x740: {  	_ =	swait.ge [sflag:s2], $0x4000  }
0x741: {  	s23 =	sld [smem:$0x7C2]  }
0x742: {  	s25 =	sld [smem:$0x7F7]  }
0x743: {  	[sflag:s2] =	ssyncset.done $0x0  }
0x744: {  	s24 =	sld [smem:$0x7C3];
	[sflag:s2] =	ssyncadd.s32 $0xFFFFC000  }
0x745: {  	[tilespmem:s3], [sflag:$0x2] =	stream.indirect.gather [hbm4b:s25+s10], $0x20, s23, s10, $0xb8;
	[tilespmem:$0xB400] =	vst v63  }
0x746: {  	s26 =	sld [smem:$0x7C4]  }
0x747: {  	[tilespmem:s13], [sflag:$0x2] =	stream.indirect.gather [hbm4b:s25+s10], $0x20, s24, s10, $0xb8;
	[tilespmem:$0xB400] =	vst v63  }
0x748: {  	s8 =	sld [smem:$0x7C5]  }
0x749: {  	[tilespmem:s11], [sflag:$0x2] =	stream.indirect.gather [hbm4b:s25+s10], $0x20, s26, s10, $0xb8;
	[tilespmem:$0xB400] =	vst v63  }
0x74a: {  	_ = 	snop  }
0x74b: {  	[tilespmem:s12], [sflag:$0x2] =	stream.indirect.gather [hbm4b:s25+s10], $0x20, s8, s10, $0xb8;
	[tilespmem:$0xB400] =	vst v63  }
0x74c: {  	_ =	swait.ge [sflag:s9], $0x1000  }
0x74d: {  	[sflag:s9] =	ssyncset.done $0x0  }
0x74e: {  	[sflag:s9] =	ssyncadd.s32 $0xFFFFF000  }
0x74f: {  	_ =	swait.ge [sflag:s9], $0x1000  }
0x750: {  	[sflag:s9] =	ssyncset.done $0x0  }
0x751: {  	[sflag:s9] =	ssyncadd.s32 $0xFFFFF000  }
0x752: {  	_ =	swait.ge [sflag:s9], $0x1000  }
0x753: {  	[sflag:s9] =	ssyncset.done $0x0  }
0x754: {  	[sflag:s9] =	ssyncadd.s32 $0xFFFFF000  }
0x755: {  	_ =	swait.ge [sflag:s9], $0x1000  }
0x756: {  	[sflag:s9] =	ssyncset.done $0x0  }
0x757: {  	s14 =	rddreg [dreg:$0x14];
	[sflag:s9] =	ssyncadd.s32 $0xFFFFF000  }
0x758: {  	[hbm4b:s14+s4] =	stream.strided.scatter [tilespmem:s7], [sflag:$0x3], $0x4000, s5, s4, $0x38;
	[tilespmem:$0xB400] =	vst v63  }
0x759: {  	_ =	swait.ge [sflag:s2], $0x4000  }
0x75a: {  	s18 =	sld [smem:$0x7C6]  }
0x75b: {  	s20 =	sld [smem:$0x7F6]  }
0x75c: {  	[sflag:s2] =	ssyncset.done $0x0  }
0x75d: {  	s19 =	sld [smem:$0x7C7];
	[sflag:s2] =	ssyncadd.s32 $0xFFFFC000  }
0x75e: {  	[tilespmem:s7], [sflag:$0x1] =	stream.indirect.gather [hbm4b:s20+s10], $0x20, s18, s10, $0xb8;
	[tilespmem:$0xB400] =	vst v63  }
0x75f: {  	s21 =	sld [smem:$0x7C8]  }
0x760: {  	[tilespmem:s17], [sflag:$0x1] =	stream.indirect.gather [hbm4b:s20+s10], $0x20, s19, s10, $0xb8;
	[tilespmem:$0xB400] =	vst v63  }
0x761: {  	s22 =	sld [smem:$0x7C9]  }
0x762: {  	[tilespmem:s15], [sflag:$0x1] =	stream.indirect.gather [hbm4b:s20+s10], $0x20, s21, s10, $0xb8;
	[tilespmem:$0xB400] =	vst v63  }
0x763: {  	_ = 	snop  }
0x764: {  	[tilespmem:s16], [sflag:$0x1] =	stream.indirect.gather [hbm4b:s20+s10], $0x20, s22, s10, $0xb8;
	[tilespmem:$0xB400] =	vst v63  }
0x765: {  	_ =	swait.ge [sflag:s6], $0x1000  }
0x766: {  	[sflag:s6] =	ssyncset.done $0x0  }
0x767: {  	[sflag:s6] =	ssyncadd.s32 $0xFFFFF000  }
0x768: {  	_ =	swait.ge [sflag:s6], $0x1000  }
0x769: {  	[sflag:s6] =	ssyncset.done $0x0  }
0x76a: {  	[sflag:s6] =	ssyncadd.s32 $0xFFFFF000  }
0x76b: {  	_ =	swait.ge [sflag:s6], $0x1000  }
0x76c: {  	[sflag:s6] =	ssyncset.done $0x0  }
0x76d: {  	[sflag:s6] =	ssyncadd.s32 $0xFFFFF000  }
0x76e: {  	_ =	swait.ge [sflag:s6], $0x1000  }
0x76f: {  	[sflag:s6] =	ssyncset.done $0x0  }
0x770: {  	s23 =	rddreg [dreg:$0x15];
	[sflag:s6] =	ssyncadd.s32 $0xFFFFF000  }
0x771: {  	[hbm4b:s23+s4] =	stream.strided.scatter [tilespmem:s3], [sflag:$0x3], $0x4000, s5, s4, $0x38;
	[tilespmem:$0xB400] =	vst v63  }
0x772: {  	_ =	swait.ge [sflag:s2], $0x4000  }
0x773: {  	s24 =	sld [smem:$0x7CA]  }
0x774: {  	s26 =	sld [smem:$0x7F5]  }
0x775: {  	[sflag:s2] =	ssyncset.done $0x0  }
0x776: {  	s25 =	sld [smem:$0x7CB];
	[sflag:s2] =	ssyncadd.s32 $0xFFFFC000  }
0x777: {  	[tilespmem:s3], [sflag:$0x2] =	stream.indirect.gather [hbm4b:s26+s10], $0x20, s24, s10, $0xb8;
	[tilespmem:$0xB400] =	vst v63  }
0x778: {  	s8 =	sld [smem:$0x7CC]  }
0x779: {  	[tilespmem:s13], [sflag:$0x2] =	stream.indirect.gather [hbm4b:s26+s10], $0x20, s25, s10, $0xb8;
	[tilespmem:$0xB400] =	vst v63  }
0x77a: {  	s14 =	sld [smem:$0x7CD]  }
0x77b: {  	[tilespmem:s11], [sflag:$0x2] =	stream.indirect.gather [hbm4b:s26+s10], $0x20, s8, s10, $0xb8;
	[tilespmem:$0xB400] =	vst v63  }
0x77c: {  	_ = 	snop  }
0x77d: {  	[tilespmem:s12], [sflag:$0x2] =	stream.indirect.gather [hbm4b:s26+s10], $0x20, s14, s10, $0xb8;
	[tilespmem:$0xB400] =	vst v63  }
0x77e: {  	_ =	swait.ge [sflag:s9], $0x1000  }
0x77f: {  	[sflag:s9] =	ssyncset.done $0x0  }
0x780: {  	[sflag:s9] =	ssyncadd.s32 $0xFFFFF000  }
0x781: {  	_ =	swait.ge [sflag:s9], $0x1000  }
0x782: {  	[sflag:s9] =	ssyncset.done $0x0  }
0x783: {  	[sflag:s9] =	ssyncadd.s32 $0xFFFFF000  }
0x784: {  	_ =	swait.ge [sflag:s9], $0x1000  }
0x785: {  	[sflag:s9] =	ssyncset.done $0x0  }
0x786: {  	[sflag:s9] =	ssyncadd.s32 $0xFFFFF000  }
0x787: {  	_ =	swait.ge [sflag:s9], $0x1000  }
0x788: {  	[sflag:s9] =	ssyncset.done $0x0  }
0x789: {  	s18 =	rddreg [dreg:$0x16];
	[sflag:s9] =	ssyncadd.s32 $0xFFFFF000  }
0x78a: {  	[hbm4b:s18+s4] =	stream.strided.scatter [tilespmem:s7], [sflag:$0x3], $0x4000, s5, s4, $0x38;
	[tilespmem:$0xB400] =	vst v63  }
0x78b: {  	_ =	swait.ge [sflag:s2], $0x4000  }
0x78c: {  	s19 =	sld [smem:$0x7CF]  }
0x78d: {  	s21 =	sld [smem:$0x7EF]  }
0x78e: {  	[sflag:s2] =	ssyncset.done $0x0  }
0x78f: {  	s20 =	sld [smem:$0x7D1];
	[sflag:s2] =	ssyncadd.s32 $0xFFFFC000  }
0x790: {  	[tilespmem:s7], [sflag:$0x1] =	stream.indirect.gather [hbm4b:s21+s10], $0x20, s19, s10, $0xb8;
	[tilespmem:$0xB400] =	vst v63  }
0x791: {  	s22 =	sld [smem:$0x7D3]  }
0x792: {  	[tilespmem:s17], [sflag:$0x1] =	stream.indirect.gather [hbm4b:s21+s10], $0x20, s20, s10, $0xb8;
	[tilespmem:$0xB400] =	vst v63  }
0x793: {  	s23 =	sld [smem:$0x7D5]  }
0x794: {  	[tilespmem:s15], [sflag:$0x1] =	stream.indirect.gather [hbm4b:s21+s10], $0x20, s22, s10, $0xb8;
	[tilespmem:$0xB400] =	vst v63  }
0x795: {  	_ = 	snop  }
0x796: {  	[tilespmem:s16], [sflag:$0x1] =	stream.indirect.gather [hbm4b:s21+s10], $0x20, s23, s10, $0xb8;
	[tilespmem:$0xB400] =	vst v63  }
0x797: {  	_ =	swait.ge [sflag:s6], $0x1000  }
0x798: {  	[sflag:s6] =	ssyncset.done $0x0  }
0x799: {  	[sflag:s6] =	ssyncadd.s32 $0xFFFFF000  }
0x79a: {  	_ =	swait.ge [sflag:s6], $0x1000  }
0x79b: {  	[sflag:s6] =	ssyncset.done $0x0  }
0x79c: {  	[sflag:s6] =	ssyncadd.s32 $0xFFFFF000  }
0x79d: {  	_ =	swait.ge [sflag:s6], $0x1000  }
0x79e: {  	[sflag:s6] =	ssyncset.done $0x0  }
0x79f: {  	[sflag:s6] =	ssyncadd.s32 $0xFFFFF000  }
0x7a0: {  	_ =	swait.ge [sflag:s6], $0x1000  }
0x7a1: {  	[sflag:s6] =	ssyncset.done $0x0  }
0x7a2: {  	s24 =	rddreg [dreg:$0x17];
	[sflag:s6] =	ssyncadd.s32 $0xFFFFF000  }
0x7a3: {  	[hbm4b:s24+s4] =	stream.strided.scatter [tilespmem:s3], [sflag:$0x3], $0x4000, s5, s4, $0x38;
	[tilespmem:$0xB400] =	vst v63  }
0x7a4: {  	_ =	swait.ge [sflag:s2], $0x4000  }
0x7a5: {  	s25 =	sld [smem:$0x7D7]  }
0x7a6: {  	s28 =	sld [smem:$0x7F2]  }
0x7a7: {  	[sflag:s2] =	ssyncset.done $0x0  }
0x7a8: {  	s26 =	sld [smem:$0x7D9];
	[sflag:s2] =	ssyncadd.s32 $0xFFFFC000  }
0x7a9: {  	[tilespmem:s3], [sflag:$0x2] =	stream.indirect.gather [hbm4b:s28+s10], $0x20, s25, s10, $0xb8;
	[tilespmem:$0xB400] =	vst v63  }
0x7aa: {  	s14 =	sld [smem:$0x7DB]  }
0x7ab: {  	[tilespmem:s13], [sflag:$0x2] =	stream.indirect.gather [hbm4b:s28+s10], $0x20, s26, s10, $0xb8;
	[tilespmem:$0xB400] =	vst v63  }
0x7ac: {  	s18 =	sld [smem:$0x7DD]  }
0x7ad: {  	[tilespmem:s11], [sflag:$0x2] =	stream.indirect.gather [hbm4b:s28+s10], $0x20, s14, s10, $0xb8;
	[tilespmem:$0xB400] =	vst v63  }
0x7ae: {  	_ = 	snop  }
0x7af: {  	[tilespmem:s12], [sflag:$0x2] =	stream.indirect.gather [hbm4b:s28+s10], $0x20, s18, s10, $0xb8;
	[tilespmem:$0xB400] =	vst v63  }
0x7b0: {  	_ =	swait.ge [sflag:s9], $0x1000  }
0x7b1: {  	[sflag:s9] =	ssyncset.done $0x0  }
0x7b2: {  	[sflag:s9] =	ssyncadd.s32 $0xFFFFF000  }
0x7b3: {  	_ =	swait.ge [sflag:s9], $0x1000  }
0x7b4: {  	[sflag:s9] =	ssyncset.done $0x0  }
0x7b5: {  	[sflag:s9] =	ssyncadd.s32 $0xFFFFF000  }
0x7b6: {  	_ =	swait.ge [sflag:s9], $0x1000  }
0x7b7: {  	[sflag:s9] =	ssyncset.done $0x0  }
0x7b8: {  	[sflag:s9] =	ssyncadd.s32 $0xFFFFF000  }
0x7b9: {  	_ =	swait.ge [sflag:s9], $0x1000  }
0x7ba: {  	[sflag:s9] =	ssyncset.done $0x0  }
0x7bb: {  	s19 =	rddreg [dreg:$0x18];
	[sflag:s9] =	ssyncadd.s32 $0xFFFFF000  }
0x7bc: {  	[hbm4b:s19+s4] =	stream.strided.scatter [tilespmem:s7], [sflag:$0x3], $0x4000, s5, s4, $0x38;
	[tilespmem:$0xB400] =	vst v63  }
0x7bd: {  	_ =	swait.ge [sflag:s2], $0x4000  }
0x7be: {  	s20 =	sld [smem:$0x7DF]  }
0x7bf: {  	s22 =	sld [smem:$0x7F3]  }
0x7c0: {  	[sflag:s2] =	ssyncset.done $0x0  }
0x7c1: {  	s21 =	sld [smem:$0x7E1];
	[sflag:s2] =	ssyncadd.s32 $0xFFFFC000  }
0x7c2: {  	[tilespmem:s7], [sflag:$0x1] =	stream.indirect.gather [hbm4b:s22+s10], $0x20, s20, s10, $0xb8;
	[tilespmem:$0xB400] =	vst v63  }
0x7c3: {  	s23 =	sld [smem:$0x7E3]  }
0x7c4: {  	[tilespmem:s17], [sflag:$0x1] =	stream.indirect.gather [hbm4b:s22+s10], $0x20, s21, s10, $0xb8;
	[tilespmem:$0xB400] =	vst v63  }
0x7c5: {  	s24 =	sld [smem:$0x7E4]  }
0x7c6: {  	[tilespmem:s15], [sflag:$0x1] =	stream.indirect.gather [hbm4b:s22+s10], $0x20, s23, s10, $0xb8;
	[tilespmem:$0xB400] =	vst v63  }
0x7c7: {  	_ = 	snop  }
0x7c8: {  	[tilespmem:s16], [sflag:$0x1] =	stream.indirect.gather [hbm4b:s22+s10], $0x20, s24, s10, $0xb8;
	[tilespmem:$0xB400] =	vst v63  }
0x7c9: {  	_ =	swait.ge [sflag:s6], $0x1000  }
0x7ca: {  	[sflag:s6] =	ssyncset.done $0x0  }
0x7cb: {  	[sflag:s6] =	ssyncadd.s32 $0xFFFFF000  }
0x7cc: {  	_ =	swait.ge [sflag:s6], $0x1000  }
0x7cd: {  	[sflag:s6] =	ssyncset.done $0x0  }
0x7ce: {  	[sflag:s6] =	ssyncadd.s32 $0xFFFFF000  }
0x7cf: {  	_ =	swait.ge [sflag:s6], $0x1000  }
0x7d0: {  	[sflag:s6] =	ssyncset.done $0x0  }
0x7d1: {  	[sflag:s6] =	ssyncadd.s32 $0xFFFFF000  }
0x7d2: {  	_ =	swait.ge [sflag:s6], $0x1000  }
0x7d3: {  	[sflag:s6] =	ssyncset.done $0x0  }
0x7d4: {  	s25 =	rddreg [dreg:$0x19];
	[sflag:s6] =	ssyncadd.s32 $0xFFFFF000  }
0x7d5: {  	[hbm4b:s25+s4] =	stream.strided.scatter [tilespmem:s3], [sflag:$0x3], $0x4000, s5, s4, $0x38;
	[tilespmem:$0xB400] =	vst v63  }
0x7d6: {  	_ =	swait.ge [sflag:s2], $0x4000  }
0x7d7: {  	s26 =	sld [smem:$0x7E5]  }
0x7d8: {  	[sflag:s2] =	ssyncset.done $0x0  }
0x7d9: {  	s28 =	sld [smem:$0x7E6];
	[sflag:s2] =	ssyncadd.s32 $0xFFFFC000  }
0x7da: {  	[tilespmem:s3], [sflag:$0x2] =	stream.indirect.gather [hbm4b:s31+s10], $0x20, s26, s10, $0xb8;
	[tilespmem:$0xB400] =	vst v63  }
0x7db: {  	s8 =	sld [smem:$0x7E7]  }
0x7dc: {  	[tilespmem:s13], [sflag:$0x2] =	stream.indirect.gather [hbm4b:s31+s10], $0x20, s28, s10, $0xb8;
	[tilespmem:$0xB400] =	vst v63  }
0x7dd: {  	s14 =	sld [smem:$0x7E8]  }
0x7de: {  	[tilespmem:s11], [sflag:$0x2] =	stream.indirect.gather [hbm4b:s31+s10], $0x20, s8, s10, $0xb8;
	[tilespmem:$0xB400] =	vst v63  }
0x7df: {  	_ = 	snop  }
0x7e0: {  	[tilespmem:s12], [sflag:$0x2] =	stream.indirect.gather [hbm4b:s31+s10], $0x20, s14, s10, $0xb8;
	[tilespmem:$0xB400] =	vst v63  }
0x7e1: {  	_ =	swait.ge [sflag:s9], $0x1000  }
0x7e2: {  	[sflag:s9] =	ssyncset.done $0x0  }
0x7e3: {  	[sflag:s9] =	ssyncadd.s32 $0xFFFFF000  }
0x7e4: {  	_ =	swait.ge [sflag:s9], $0x1000  }
0x7e5: {  	[sflag:s9] =	ssyncset.done $0x0  }
0x7e6: {  	[sflag:s9] =	ssyncadd.s32 $0xFFFFF000  }
0x7e7: {  	_ =	swait.ge [sflag:s9], $0x1000  }
0x7e8: {  	[sflag:s9] =	ssyncset.done $0x0  }
0x7e9: {  	[sflag:s9] =	ssyncadd.s32 $0xFFFFF000  }
0x7ea: {  	_ =	swait.ge [sflag:s9], $0x1000  }
0x7eb: {  	[sflag:s9] =	ssyncset.done $0x0  }
0x7ec: {  	s18 =	rddreg [dreg:$0x1a];
	[sflag:s9] =	ssyncadd.s32 $0xFFFFF000  }
0x7ed: {  	[hbm4b:s18+s4] =	stream.strided.scatter [tilespmem:s7], [sflag:$0x3], $0x4000, s5, s4, $0x38;
	[tilespmem:$0xB400] =	vst v63  }
0x7ee: {  	_ =	swait.ge [sflag:s2], $0x4000  }
0x7ef: {  	s19 =	sld [smem:$0x7E9]  }
0x7f0: {  	[sflag:s2] =	ssyncset.done $0x0  }
0x7f1: {  	s20 =	sld [smem:$0x7EA];
	[sflag:s2] =	ssyncadd.s32 $0xFFFFC000  }
0x7f2: {  	[tilespmem:s7], [sflag:$0x1] =	stream.indirect.gather [hbm4b:s30+s10], $0x20, s19, s10, $0xb8;
	[tilespmem:$0xB400] =	vst v63  }
0x7f3: {  	s21 =	sld [smem:$0x7EB]  }
0x7f4: {  	[tilespmem:s17], [sflag:$0x1] =	stream.indirect.gather [hbm4b:s30+s10], $0x20, s20, s10, $0xb8;
	[tilespmem:$0xB400] =	vst v63  }
0x7f5: {  	s22 =	sld [smem:$0x7EC]  }
0x7f6: {  	[tilespmem:s15], [sflag:$0x1] =	stream.indirect.gather [hbm4b:s30+s10], $0x20, s21, s10, $0xb8;
	[tilespmem:$0xB400] =	vst v63  }
0x7f7: {  	_ = 	snop  }
0x7f8: {  	[tilespmem:s16], [sflag:$0x1] =	stream.indirect.gather [hbm4b:s30+s10], $0x20, s22, s10, $0xb8;
	[tilespmem:$0xB400] =	vst v63  }
0x7f9: {  	_ =	swait.ge [sflag:s6], $0x1000  }
0x7fa: {  	[sflag:s6] =	ssyncset.done $0x0  }
0x7fb: {  	[sflag:s6] =	ssyncadd.s32 $0xFFFFF000  }
0x7fc: {  	_ =	swait.ge [sflag:s6], $0x1000  }
0x7fd: {  	[sflag:s6] =	ssyncset.done $0x0  }
0x7fe: {  	[sflag:s6] =	ssyncadd.s32 $0xFFFFF000  }
0x7ff: {  	_ =	swait.ge [sflag:s6], $0x1000  }
0x800: {  	[sflag:s6] =	ssyncset.done $0x0  }
0x801: {  	[sflag:s6] =	ssyncadd.s32 $0xFFFFF000  }
0x802: {  	_ =	swait.ge [sflag:s6], $0x1000  }
0x803: {  	[sflag:s6] =	ssyncset.done $0x0  }
0x804: {  	s23 =	rddreg [dreg:$0x1b];
	[sflag:s6] =	ssyncadd.s32 $0xFFFFF000  }
0x805: {  	[hbm4b:s23+s4] =	stream.strided.scatter [tilespmem:s3], [sflag:$0x3], $0x4000, s5, s4, $0x38;
	[tilespmem:$0xB400] =	vst v63  }
0x806: {  	_ =	swait.ge [sflag:s2], $0x4000  }
0x807: {  	s24 =	sld [smem:$0x7ED]  }
0x808: {  	[sflag:s2] =	ssyncset.done $0x0  }
0x809: {  	s25 =	sld [smem:$0x7EE];
	[sflag:s2] =	ssyncadd.s32 $0xFFFFC000  }
0x80a: {  	[tilespmem:s3], [sflag:$0x2] =	stream.indirect.gather [hbm4b:s29+s10], $0x20, s24, s10, $0xb8;
	[tilespmem:$0xB400] =	vst v63  }
0x80b: {  	s26 =	sld [smem:$0x7F0]  }
0x80c: {  	[tilespmem:s13], [sflag:$0x2] =	stream.indirect.gather [hbm4b:s29+s10], $0x20, s25, s10, $0xb8;
	[tilespmem:$0xB400] =	vst v63  }
0x80d: {  	s28 =	sld [smem:$0x7F1]  }
0x80e: {  	[tilespmem:s11], [sflag:$0x2] =	stream.indirect.gather [hbm4b:s29+s10], $0x20, s26, s10, $0xb8;
	[tilespmem:$0xB400] =	vst v63  }
0x80f: {  	_ = 	snop  }
0x810: {  	[tilespmem:s12], [sflag:$0x2] =	stream.indirect.gather [hbm4b:s29+s10], $0x20, s28, s10, $0xb8;
	[tilespmem:$0xB400] =	vst v63  }
0x811: {  	_ =	swait.ge [sflag:s9], $0x1000  }
0x812: {  	[sflag:s9] =	ssyncset.done $0x0  }
0x813: {  	[sflag:s9] =	ssyncadd.s32 $0xFFFFF000  }
0x814: {  	_ =	swait.ge [sflag:s9], $0x1000  }
0x815: {  	[sflag:s9] =	ssyncset.done $0x0  }
0x816: {  	[sflag:s9] =	ssyncadd.s32 $0xFFFFF000  }
0x817: {  	_ =	swait.ge [sflag:s9], $0x1000  }
0x818: {  	[sflag:s9] =	ssyncset.done $0x0  }
0x819: {  	[sflag:s9] =	ssyncadd.s32 $0xFFFFF000  }
0x81a: {  	_ =	swait.ge [sflag:s9], $0x1000  }
0x81b: {  	[sflag:s9] =	ssyncset.done $0x0  }
0x81c: {  	s29 =	rddreg [dreg:$0x1c];
	[sflag:s9] =	ssyncadd.s32 $0xFFFFF000  }
0x81d: {  	[hbm4b:s29+s4] =	stream.strided.scatter [tilespmem:s7], [sflag:$0x3], $0x4000, s5, s4, $0x38;
	[tilespmem:$0xB400] =	vst v63  }
0x81e: {  	_ =	swait.ge [sflag:s2], $0x4000  }
0x81f: {  	[sflag:s2] =	ssyncset.done $0x0  }
0x820: {  	[sflag:s2] =	ssyncadd.s32 $0xFFFFC000  }
0x821: {  	_ =	swait.ge [sflag:s6], $0x1000  }
0x822: {  	[sflag:s6] =	ssyncset.done $0x0  }
0x823: {  	[sflag:s6] =	ssyncadd.s32 $0xFFFFF000  }
0x824: {  	_ =	swait.ge [sflag:s6], $0x1000  }
0x825: {  	[sflag:s6] =	ssyncset.done $0x0  }
0x826: {  	[sflag:s6] =	ssyncadd.s32 $0xFFFFF000  }
0x827: {  	_ =	swait.ge [sflag:s6], $0x1000  }
0x828: {  	[sflag:s6] =	ssyncset.done $0x0  }
0x829: {  	[sflag:s6] =	ssyncadd.s32 $0xFFFFF000  }
0x82a: {  	_ =	swait.ge [sflag:s6], $0x1000  }
0x82b: {  	[sflag:s6] =	ssyncset.done $0x0  }
0x82c: {  	s30 =	rddreg [dreg:$0x1d];
	[sflag:s6] =	ssyncadd.s32 $0xFFFFF000  }
0x82d: {  	[hbm4b:s30+s4] =	stream.strided.scatter [tilespmem:s3], [sflag:$0x3], $0x4000, s5, s4, $0x38;
	[tilespmem:$0xB400] =	vst v63  }
0x82e: {  	_ =	swait.ge [sflag:s2], $0x4000  }
0x82f: {  	[sflag:s2] =	ssyncset.done $0x0  }
0x830: {  	[sflag:s2] =	ssyncadd.s32 $0xFFFFC000  }
0x831: {  	_ =	sfence.sel $0x180000  }
0x832: {  	[bflag:$0x0] =	sbarrier.arrive $0xFFFF  }
0x833: {  	_ =	strace $0x90000047  }
0x834: {  	s31 =	stileid.u32;
	[bflag:$0x2] =	sbarrier.arrive $0xFFFF  }
0x835: {  	p0 =	sne.s32 s31, $0x0;
	s0 =	rddreg [dreg:$0x2]  }
0x836: {  	s0 =	sadd.s32 @!p0 $0x100000, s0  }
0x837: {  	[sflag:s0] =	ssyncadd.tile.s32 @!p0 $0x1;
	_ =	shalt  }
.LBB2_1:
.Ltmp3:
0x838: {  	(pc) =	sbr.rel .LBB2_6-.Ltmp3, $3  }
0x839: {  	_ =	sdelay $0x1  }
0x83a: {  	s28 =	sld [smem:$0x7CE]  }
0x83b: {  	s31 =	sld [smem:$0x7F4]  }
.LBB2_7:
.Ltmp4:
0x83c: {  	(pc) =	sbr.rel .LBB2_6-.Ltmp4, $3  }
0x83d: {  	_ =	sdelay $0x1  }
0x83e: {  	s28 =	sld [smem:$0x7CE]  }
0x83f: {  	s31 =	sld [smem:$0x7F4]  }
.Lfunc_end2:
_tile_overlayer_lowered:
.L_overlay_start_2:
0x840: {  	(tag) =	ssettag $0x2  }
0x841: {  	s0 =	rddreg [dreg:$0x0];
	s2 =	stileid.u32  }
0x842: {  	s1 =	rddreg [dreg:$0x1];
	p0 =	sne.s32 s2, $0x0  }
0x843: {  	s3 =	rddreg [dreg:$0x2];
	[bflag:$0x3] =	sbarrier.arrive $0xFFFF;
	s2 =	simm.s32 @!p0 $0x1C03  }
0x844: {  	[timem:s3], [sflag:s2] =	dma.local @!p0 [hbm:s0], s1  }
0x845: {  	s0 =	simm.s32 @!p0 $0x3  }
0x846: {  	_ =	swait.ge @!p0 [sflag:s0], s1  }
0x847: {  	s1 =	ssub.s32 @!p0 $0x0, s1;
	[sflag:s0] =	ssyncset.done @!p0 $0x0  }
0x848: {  	[sflag:s0] =	ssyncadd.s32 @!p0 s1  }
0x849: {  	[bflag:$0x3] =	sbarrier.arrive $0xFFFF  }
0x84a: {  	_ =	shalt  }

</sc_bundles>
